<compile_context>
chip_gen: v7x
topology: tpu7x:2x2x1
jax: 0.10.2.dev20260603
libtpu: 0.0.44.dev20260713+nightly
codegen_flags: <defaults>
</compile_context>

<pallas_src>
import functools

import jax
import jax.numpy as jnp
from jax import lax
from jax.experimental import pallas as pl
from jax.experimental.pallas import tpu as pltpu
from jax.experimental.pallas import tpu_sc as plsc

_NH = 8
_D = 16
_BH = 16
_SCALE = 0.25
_NEG = -1e30



def _tokens_bh(x):
    b, c, hh, ww = x.shape
    x = x.reshape(b, _NH, _D, hh, ww)
    return x.transpose(0, 1, 3, 4, 2).reshape(b * _NH, hh * ww, _D)


def _s2d_rows(x):
    b, c, hh, ww = x.shape
    x = x.reshape(b, _NH, _D, hh // 2, 2, ww // 2, 2)
    x = x.transpose(0, 1, 3, 5, 4, 6, 2)
    return x.reshape(b * _NH * (hh // 2) * (ww // 2), 4 * _D)


def _q_groups(x):
    b, c, hh, ww = x.shape
    x = x.reshape(b, _NH, _D, hh // 2, 2, ww // 2, 2)
    x = x.transpose(0, 1, 3, 5, 4, 6, 2)
    return x.reshape(b * _NH, (hh // 2) * (ww // 2), 4, _D)


def _wsm(w_ref):
    w0 = w_ref[0]
    w1 = w_ref[1]
    w2 = w_ref[2]
    m = jnp.maximum(jnp.maximum(w0, w1), w2)
    e0 = jnp.exp(w0 - m)
    e1 = jnp.exp(w1 - m)
    e2 = jnp.exp(w2 - m)
    s = e0 + e1 + e2
    return e0 / s, e1 / s, e2 / s



def _coarse_body(q_ref, k_ref, v_ref, msg_ref, gidx_ref):
    bh = pl.program_id(0)
    q = q_ref[0]
    k = k_ref[0]
    v = v_ref[0]
    s = lax.dot_general(q, k, (((1,), (1,)), ((), ())),
                        preferred_element_type=jnp.float32) * _SCALE
    m = jnp.max(s, axis=-1, keepdims=True)
    e = jnp.exp(s - m)
    a = e / jnp.sum(e, axis=-1, keepdims=True)
    msg_ref[0] = lax.dot_general(a, v, (((1,), (0,)), ((), ())),
                                 preferred_element_type=jnp.float32)
    kio = lax.broadcasted_iota(jnp.int32, (256, 256), 1)
    work = a
    cols = []
    for _ in range(16):
        mx = jnp.max(work, axis=-1, keepdims=True)
        idx = jnp.min(jnp.where(work == mx, kio, 512), axis=-1)
        cols.append(idx + bh * 256)
        work = jnp.where(kio == idx[:, None], _NEG, work)
    gidx_ref[0] = jnp.stack(cols, axis=-1)


def _coarse(q2, k2, v2):
    spec = pl.BlockSpec((1, 256, _D), lambda i: (i, 0, 0))
    return pl.pallas_call(
        _coarse_body,
        grid=(_BH,),
        in_specs=[spec, spec, spec],
        out_specs=[spec, spec],
        out_shape=[jax.ShapeDtypeStruct((_BH, 256, _D), jnp.float32),
                   jax.ShapeDtypeStruct((_BH, 256, _D), jnp.int32)],
    )(q2, k2, v2)



def _gather_rows(kvtab, idx):
    B = idx.shape[0]
    NW = 32
    CH = 128
    bpw = B // NW
    nch = bpw // CH
    mesh = plsc.VectorSubcoreMesh(core_axis_name="c", subcore_axis_name="s")

    @functools.partial(
        pl.kernel,
        out_type=jax.ShapeDtypeStruct((B, 128), jnp.float32),
        mesh=mesh,
        scratch_types=[
            pltpu.VMEM((CH,), jnp.int32),
            pltpu.VMEM((CH, 128), jnp.float32),
            pltpu.SemaphoreType.DMA,
        ],
    )
    def gk(kv_hbm, idx_hbm, out_hbm, idx_v, rows_v, sem):
        wid = lax.axis_index("s") * 2 + lax.axis_index("c")
        base = wid * bpw

        def body(i, carry):
            off = base + i * CH
            pltpu.sync_copy(idx_hbm.at[pl.ds(off, CH)], idx_v)
            pltpu.async_copy(kv_hbm.at[idx_v], rows_v, sem).wait()
            pltpu.sync_copy(rows_v, out_hbm.at[pl.ds(off, CH)])
            return carry

        lax.fori_loop(0, nch, body, 0)

    return gk(kvtab, idx)



def _fine_attn(q, kv):
    L = q.shape[0]
    k3 = kv[:, :, :64].reshape(L, 16, 4, _D).reshape(L, 64, _D)
    v3 = kv[:, :, 64:].reshape(L, 16, 4, _D).reshape(L, 64, _D)
    qb = q.astype(jnp.bfloat16)
    kb = k3.astype(jnp.bfloat16)
    s = lax.dot_general(qb, kb, (((2,), (2,)), ((0,), (0,))),
                        preferred_element_type=jnp.float32) * _SCALE
    m = jnp.max(s, axis=-1, keepdims=True)
    e = jnp.exp(s - m)
    a = e / jnp.sum(e, axis=-1, keepdims=True)
    msg = lax.dot_general(a.astype(jnp.bfloat16), v3.astype(jnp.bfloat16),
                          (((2,), (1,)), ((0,), (0,))),
                          preferred_element_type=jnp.float32)
    return a, msg


def _fine1_body(q_ref, kv_ref, msg0_ref, gidx0_ref, w_ref,
                car_ref, gidx1_ref, *, Lc):
    bh = pl.program_id(0)
    a, msg1 = _fine_attn(q_ref[0], kv_ref[0])
    ws0, ws1, _ = _wsm(w_ref)
    car_ref[0] = msg0_ref[0][:, None, :] * ws0 + msg1 * ws1

    lidx = gidx0_ref[0] - bh * 256
    kio = lax.broadcasted_iota(jnp.int32, (Lc, 4, 64), 2)
    pio = lax.broadcasted_iota(jnp.int32, (Lc, 4, 16), 2)
    work = a
    cols = []
    for _ in range(16):
        mx = jnp.max(work, axis=-1, keepdims=True)
        j = jnp.min(jnp.where(work == mx, kio, 128), axis=-1)
        prank = j // 4
        slot = j % 4
        onehot = prank[:, :, None] == pio
        parent = jnp.sum(jnp.where(onehot, lidx[:, None, :], 0), axis=-1)
        tid = (2 * (parent // 16) + slot // 2) * 32 + 2 * (parent % 16) + (slot % 2)
        cols.append(tid + bh * 1024)
        work = jnp.where(kio == j[:, :, None], _NEG, work)
    gidx1_ref[0] = jnp.stack(cols, axis=-1)


def _fine1(qg, kvsel, msg0, gidx0, weight):
    Lc = 64
    nchunk = 256 // Lc
    grid = (_BH, nchunk)
    qspec = pl.BlockSpec((1, Lc, 4, _D), lambda i, j: (i, j, 0, 0))
    kspec = pl.BlockSpec((1, Lc, 16, 128), lambda i, j: (i, j, 0, 0))
    mspec = pl.BlockSpec((1, Lc, _D), lambda i, j: (i, j, 0))
    gspec = pl.BlockSpec((1, Lc, 16), lambda i, j: (i, j, 0))
    wspec = pl.BlockSpec(memory_space=pltpu.SMEM)
    kvsel = kvsel.reshape(_BH, 256, 16, 128)
    return pl.pallas_call(
        functools.partial(_fine1_body, Lc=Lc),
        grid=grid,
        in_specs=[qspec, kspec, mspec, gspec, wspec],
        out_specs=[qspec, qspec],
        out_shape=[jax.ShapeDtypeStruct((_BH, 256, 4, _D), jnp.float32),
                   jax.ShapeDtypeStruct((_BH, 256, 4, _D), jnp.int32)],
    )(qg.reshape(_BH, 256, 4, _D), kvsel, msg0, gidx0, weight)


def _fine0_body(q_ref, kv_ref, car_ref, w_ref, out_ref):
    _, msg2 = _fine_attn(q_ref[0], kv_ref[0])
    _, _, ws2 = _wsm(w_ref)
    out_ref[0] = car_ref[0][:, None, :] + msg2 * ws2


def _fine0(qg, kvsel, carried_tok, weight):
    Lc = 128
    nchunk = 1024 // Lc
    grid = (_BH, nchunk)
    qspec = pl.BlockSpec((1, Lc, 4, _D), lambda i, j: (i, j, 0, 0))
    kspec = pl.BlockSpec((1, Lc, 16, 128), lambda i, j: (i, j, 0, 0))
    cspec = pl.BlockSpec((1, Lc, _D), lambda i, j: (i, j, 0))
    wspec = pl.BlockSpec(memory_space=pltpu.SMEM)
    kvsel = kvsel.reshape(_BH, 1024, 16, 128)
    return pl.pallas_call(
        _fine0_body,
        grid=grid,
        in_specs=[qspec, kspec, cspec, wspec],
        out_specs=qspec,
        out_shape=jax.ShapeDtypeStruct((_BH, 1024, 4, _D), jnp.float32),
    )(qg.reshape(_BH, 1024, 4, _D), kvsel, carried_tok, weight)



def kernel(queries_0, queries_1, queries_2, keys_0, keys_1, keys_2,
           values_0, values_1, values_2, weight):
    b = queries_0.shape[0]

    msg0, gidx0 = _coarse(_tokens_bh(queries_2), _tokens_bh(keys_2),
                          _tokens_bh(values_2))

    kv1 = jnp.concatenate([_s2d_rows(keys_1), _s2d_rows(values_1)], axis=1)
    kvsel1 = _gather_rows(kv1, gidx0.reshape(-1))
    carried1, gidx1 = _fine1(_q_groups(queries_1), kvsel1, msg0, gidx0,
                             weight)
    carried_gs = carried1.reshape(_BH, 1024, _D)

    kv0 = jnp.concatenate([_s2d_rows(keys_0), _s2d_rows(values_0)], axis=1)
    kvsel0 = _gather_rows(kv0, gidx1.reshape(-1))
    qg0 = _q_groups(queries_0).reshape(_BH, 16, 2, 16, 2, 4, _D)
    qg0 = qg0.transpose(0, 1, 3, 2, 4, 5, 6).reshape(_BH, 1024, 4, _D)
    out = _fine0(qg0, kvsel0, carried_gs, weight)

    o = out.reshape(b, _NH, 16, 16, 2, 2, 2, 2, _D)
    o = o.transpose(0, 2, 4, 6, 3, 5, 7, 1, 8)
    return o.reshape(b, 4096, _NH, _D)

# --- scband reference (transcript-rebuilt; emitter-appended) ---
"""Pipeline reference for scband-qtatt-b-43739946942756 (READ-ONLY COPY).

The authoritative reference and input builder live on the scoring server;
editing this copy changes nothing except your own understanding.
"""

import jax, jax.numpy as jnp
import numpy as np

NHEAD = 8
TOPKS = [16, 16, 16]


def _gather_bh(table, idx):
    # table: [b, S, h, d]; idx: [b, L, K, h] -> [b, h, L, K, d]
    t = jnp.transpose(table, (0, 2, 1, 3))
    i = jnp.transpose(idx, (0, 3, 1, 2))
    return jax.vmap(jax.vmap(lambda tt, ii: tt[ii]))(t, i)


def _to_tokens(x, nhead):
    b, c, h, w = x.shape
    return jnp.transpose(x, (0, 2, 3, 1)).reshape(b, h * w, nhead, c // nhead)


def _process_coarse(q, k, v, topk, nhead):
    b, c, h, w = k.shape
    d = c // nhead
    kt = _to_tokens(k, nhead)
    vt = _to_tokens(v, nhead)
    qt = _to_tokens(q, nhead)
    QK = jnp.einsum('nlhd,nshd->nlsh', qt, kt)
    A = jax.nn.softmax((1.0 / d ** 0.5) * QK, axis=-2)
    At = jnp.transpose(A, (0, 1, 3, 2))
    ts, ti = jax.lax.top_k(At, topk)
    topk_score = jnp.transpose(ts, (0, 1, 3, 2))
    topk_idx = jnp.transpose(ti, (0, 1, 3, 2))
    message = jnp.einsum('nlsh,nshd->nlhd', A, vt)
    return A, message, topk_score, topk_idx


def _process_fine(q, k, v, topk_pos, topk_prev, topk, nhead):
    b, c, h, w = k.shape
    d = c // nhead
    kt = _to_tokens(k, nhead)
    vt = _to_tokens(v, nhead)
    qr = q.reshape(b, c, h // 2, 2, w // 2, 2)
    qr = jnp.transpose(qr, (0, 2, 4, 3, 5, 1)).reshape(b, (h // 2) * (w // 2), 4, nhead, d)
    tp = topk_pos * 2
    idxs = []
    for x in (0, 1):
        for y in (0, 1):
            idxs.append((tp[0] + x) * w + tp[1] + y)
    idx = jnp.stack(idxs, axis=3).reshape(b, -1, topk_prev * 4, nhead)
    L = idx.shape[1]
    K = topk_prev * 4
    ksel = _gather_bh(kt, idx)  # [b,h,L,K,d]
    QK = jnp.einsum('blthd,bhlkd->bltkh', qr, ksel)
    A = jax.nn.softmax((1.0 / d ** 0.5) * QK, axis=-2)
    idx5 = jnp.broadcast_to(idx[:, :, None, :, :], (b, L, 4, K, nhead))
    At = jnp.transpose(A, (0, 1, 2, 4, 3))
    ts, ti = jax.lax.top_k(At, topk)
    topk_score = jnp.transpose(ts, (0, 1, 2, 4, 3))
    ti = jnp.transpose(ti, (0, 1, 2, 4, 3))
    vsel = _gather_bh(vt, idx)
    message = jnp.einsum('bltkh,bhlkd->blthd', A, vsel)
    topk_idx = jnp.take_along_axis(idx5, ti, axis=3)
    h2, w2 = h // 2, w // 2

    def _rearr(x):
        kk = x.shape[-2]
        x = x.reshape(b, h2, w2, 2, 2, kk, nhead)
        x = jnp.transpose(x, (0, 1, 3, 2, 4, 5, 6))
        return x.reshape(b, h * w, kk, nhead)

    return A, message, _rearr(topk_score), _rearr(topk_idx)


def _forward(queries, keys, values, weight):
    nhead = NHEAD
    bs = queries[0].shape[0]
    messages = []
    topk = TOPKS[0]
    topk_pos = None
    for i, (q, k, v) in enumerate(zip(reversed(queries), reversed(keys), reversed(values))):
        b, c, h, w = k.shape
        if i == 0:
            A, msg, tscore, tidx = _process_coarse(q, k, v, topk, nhead)
        else:
            topk_prev = topk
            topk = TOPKS[i]
            A, msg, tscore, tidx = _process_fine(q, k, v, topk_pos, topk_prev, topk, nhead)
        messages.append(msg)
        topk_pos = jnp.stack([tidx // w, tidx % w])
    wsm = jax.nn.softmax(weight, axis=0)
    final = messages[0] * wsm[0]
    for i in range(1, len(messages)):
        m = messages[i]
        final = final[:, :, None, :, :] + m * wsm[i]
        H = queries[-i].shape[2]
        W = final.shape[1] // H
        d = final.shape[-1]
        final = final.reshape(bs, H, W, 2, 2, NHEAD, d)
        final = jnp.transpose(final, (0, 1, 3, 2, 4, 5, 6)).reshape(bs, H * 2 * W * 2, NHEAD, d)
    return final


def setup_inputs(seed: int = 0):
    key = jax.random.key(seed)
    ks = jax.random.split(key, 10)
    bs, C = 2, 128
    shapes = [(bs, C, 64, 64), (bs, C, 32, 32), (bs, C, 16, 16)]
    names = ['queries_0', 'queries_1', 'queries_2', 'keys_0', 'keys_1', 'keys_2', 'values_0', 'values_1', 'values_2']
    inp = {}
    for j, n in enumerate(names):
        inp[n] = jax.random.normal(ks[j], shapes[j % 3], dtype=jnp.float32)
    inp['weight'] = jax.random.normal(ks[9], (3,), dtype=jnp.float32)
    return inp


def reference(queries_0, queries_1, queries_2, keys_0, keys_1, keys_2, values_0, values_1, values_2, weight):
    return _forward([queries_0, queries_1, queries_2],
                    [keys_0, keys_1, keys_2],
                    [values_0, values_1, values_2], weight)

if __name__ == "__main__":
    import jax
    _d = setup_inputs()
    print(jax.jit(kernel)(*tuple(_d.values())))

</pallas_src>

<mosaic_0001>
#map = affine_map<(d0, d1) -> (0, 0)>
#map1 = affine_map<(d0, d1) -> (0)>
module attributes {stable_mosaic.version = 14 : i64} {
  func.func @gk(%arg0: i32, %arg1: i32, %arg2: memref<16384x128xf32, #tpu.memory_space<hbm>>, %arg3: memref<262144xi32, #tpu.memory_space<hbm>>, %arg4: memref<262144x128xf32, #tpu.memory_space<hbm>>, %arg5: memref<128xi32, #tpu.memory_space<vmem>>, %arg6: memref<128x128xf32, #tpu.memory_space<vmem>>, %arg7: memref<!tpu.dma_semaphore, #tpu.memory_space<semaphore_mem>>) attributes {dimension_semantics = [#tpu.dimension_semantics<core_parallel>, #tpu.dimension_semantics<subcore_parallel>], iteration_bounds = array<i64: 2, 16>, scalar_prefetch = 0 : i64, scratch_operands = 3 : i64, tpu.core_type = #tpu.core_type<sc_vector_subcore>, window_params = [{transform_indices = #map}, {transform_indices = #map1}, {transform_indices = #map}]} {
    %mul3A = arith.constant 2 : i32
    %mul3A_0 = arith.muli %arg1, %mul3A : i32
    %add3A = arith.addi %mul3A_0, %arg0 : i32
    %mul3A_1 = arith.constant 8192 : i32
    %mul3A_2 = arith.muli %add3A, %mul3A_1 : i32
    %scan3A = arith.constant 0 : i32
    %scan3A_3 = arith.constant 0 : i32
    %scan3A_4 = arith.constant 64 : i32
    %scan3A_5 = arith.addi %scan3A_3, %scan3A_4 : i32
    %scan3A_6 = arith.constant 1 : i32
    scf.for %scan3A_8 = %scan3A_3 to %scan3A_5 step %scan3A_6  : i32 {
      %mul3A_9 = arith.constant 128 : i32
      %mul3A_10 = arith.muli %scan3A_8, %mul3A_9 : i32
      %add3A_11 = arith.addi %mul3A_2, %mul3A_10 : i32
      "tpu.region"() ({
        %run_scoped3A = tpu.sem_alloc : memref<!tpu.dma_semaphore, #tpu.memory_space<semaphore_mem>>
        %dma_start3A_16 = tpu.memref_slice %arg3[%add3A_11] : memref<262144xi32, #tpu.memory_space<hbm>> -> memref<128xi32, #tpu.memory_space<hbm>>
        %dma_start3A_17 = tpu.memref_slice %arg3[%add3A_11] : memref<262144xi32, #tpu.memory_space<hbm>> -> memref<128xi32, #tpu.memory_space<hbm>>
        tpu.enqueue_dma source(%dma_start3A_17 : memref<128xi32, #tpu.memory_space<hbm>>) target(%arg5 : memref<128xi32, #tpu.memory_space<vmem>>) target_semaphore(%run_scoped3A : memref<!tpu.dma_semaphore, #tpu.memory_space<semaphore_mem>>)
        %dma_wait3A_18 = tpu.memref_slice %arg3[%add3A_11] : memref<262144xi32, #tpu.memory_space<hbm>> -> memref<128xi32, #tpu.memory_space<hbm>>
        %dma_wait3A_19 = tpu.memref_slice %arg3[%add3A_11] : memref<262144xi32, #tpu.memory_space<hbm>> -> memref<128xi32, #tpu.memory_space<hbm>>
        tpu.wait_dma2 semaphore(%run_scoped3A : memref<!tpu.dma_semaphore, #tpu.memory_space<semaphore_mem>>) src(%dma_wait3A_19 : memref<128xi32, #tpu.memory_space<hbm>>) dst(%arg5 : memref<128xi32, #tpu.memory_space<vmem>>)
        tpu.yield
      }) : () -> ()
      %dma_start3A = arith.constant 0 : i32
      %dma_start3A_12 = arith.constant 0 : i32
      %dma_start3A_13 = tpu.memref_slice %arg2[%dma_start3A, %dma_start3A_12] : memref<16384x128xf32, #tpu.memory_space<hbm>> -> memref<16384x128xf32, #tpu.memory_space<hbm>>
      tpu.enqueue_indirect_dma source(%dma_start3A_13 : memref<16384x128xf32, #tpu.memory_space<hbm>>) target(%arg6 : memref<128x128xf32, #tpu.memory_space<vmem>>) offsets(%arg5 : memref<128xi32, #tpu.memory_space<vmem>>) semaphore(%arg7 : memref<!tpu.dma_semaphore, #tpu.memory_space<semaphore_mem>>)
      %dma_wait3A = arith.constant 0 : i32
      %dma_wait3A_14 = arith.constant 0 : i32
      %dma_wait3A_15 = tpu.memref_slice %arg2[%dma_wait3A, %dma_wait3A_14] : memref<16384x128xf32, #tpu.memory_space<hbm>> -> memref<16384x128xf32, #tpu.memory_space<hbm>>
      tpu.wait_indirect_dma semaphore(%arg7 : memref<!tpu.dma_semaphore, #tpu.memory_space<semaphore_mem>>) src(%dma_wait3A_15 : memref<16384x128xf32, #tpu.memory_space<hbm>>) dst(%arg6 : memref<128x128xf32, #tpu.memory_space<vmem>>)
      "tpu.region"() ({
        %run_scoped3A = tpu.sem_alloc : memref<!tpu.dma_semaphore, #tpu.memory_space<semaphore_mem>>
        %dma_start3A_16 = arith.constant 0 : i32
        %dma_start3A_17 = tpu.memref_slice %arg4[%add3A_11, %dma_start3A_16] : memref<262144x128xf32, #tpu.memory_space<hbm>> -> memref<128x128xf32, #tpu.memory_space<hbm>>
        %dma_start3A_18 = arith.constant 0 : i32
        %dma_start3A_19 = tpu.memref_slice %arg4[%add3A_11, %dma_start3A_18] : memref<262144x128xf32, #tpu.memory_space<hbm>> -> memref<128x128xf32, #tpu.memory_space<hbm>>
        tpu.enqueue_dma source(%arg6 : memref<128x128xf32, #tpu.memory_space<vmem>>) target(%dma_start3A_19 : memref<128x128xf32, #tpu.memory_space<hbm>>) target_semaphore(%run_scoped3A : memref<!tpu.dma_semaphore, #tpu.memory_space<semaphore_mem>>)
        %dma_wait3A_20 = arith.constant 0 : i32
        %dma_wait3A_21 = tpu.memref_slice %arg4[%add3A_11, %dma_wait3A_20] : memref<262144x128xf32, #tpu.memory_space<hbm>> -> memref<128x128xf32, #tpu.memory_space<hbm>>
        %dma_wait3A_22 = arith.constant 0 : i32
        %dma_wait3A_23 = tpu.memref_slice %arg4[%add3A_11, %dma_wait3A_22] : memref<262144x128xf32, #tpu.memory_space<hbm>> -> memref<128x128xf32, #tpu.memory_space<hbm>>
        tpu.wait_dma2 semaphore(%run_scoped3A : memref<!tpu.dma_semaphore, #tpu.memory_space<semaphore_mem>>) src(%arg6 : memref<128x128xf32, #tpu.memory_space<vmem>>) dst(%dma_wait3A_23 : memref<128x128xf32, #tpu.memory_space<hbm>>)
        tpu.yield
      }) : () -> ()
    }
    %scan3A_7 = arith.constant 64 : i32
    return
  }
}

#map = affine_map<(d0, d1) -> (0, 0)>
#map1 = affine_map<(d0, d1) -> (0)>
module attributes {stable_mosaic.version = 14 : i64} {
  func.func @gk(%arg0: i32, %arg1: i32, %arg2: memref<4096x128xf32, #tpu.memory_space<hbm>>, %arg3: memref<65536xi32, #tpu.memory_space<hbm>>, %arg4: memref<65536x128xf32, #tpu.memory_space<hbm>>, %arg5: memref<128xi32, #tpu.memory_space<vmem>>, %arg6: memref<128x128xf32, #tpu.memory_space<vmem>>, %arg7: memref<!tpu.dma_semaphore, #tpu.memory_space<semaphore_mem>>) attributes {dimension_semantics = [#tpu.dimension_semantics<core_parallel>, #tpu.dimension_semantics<subcore_parallel>], iteration_bounds = array<i64: 2, 16>, scalar_prefetch = 0 : i64, scratch_operands = 3 : i64, tpu.core_type = #tpu.core_type<sc_vector_subcore>, window_params = [{transform_indices = #map}, {transform_indices = #map1}, {transform_indices = #map}]} {
    %mul3A = arith.constant 2 : i32
    %mul3A_0 = arith.muli %arg1, %mul3A : i32
    %add3A = arith.addi %mul3A_0, %arg0 : i32
    %mul3A_1 = arith.constant 2048 : i32
    %mul3A_2 = arith.muli %add3A, %mul3A_1 : i32
    %scan3A = arith.constant 0 : i32
    %scan3A_3 = arith.constant 0 : i32
    %scan3A_4 = arith.constant 16 : i32
    %scan3A_5 = arith.addi %scan3A_3, %scan3A_4 : i32
    %scan3A_6 = arith.constant 1 : i32
    scf.for %scan3A_8 = %scan3A_3 to %scan3A_5 step %scan3A_6  : i32 {
      %mul3A_9 = arith.constant 128 : i32
      %mul3A_10 = arith.muli %scan3A_8, %mul3A_9 : i32
      %add3A_11 = arith.addi %mul3A_2, %mul3A_10 : i32
      "tpu.region"() ({
        %run_scoped3A = tpu.sem_alloc : memref<!tpu.dma_semaphore, #tpu.memory_space<semaphore_mem>>
        %dma_start3A_16 = tpu.memref_slice %arg3[%add3A_11] : memref<65536xi32, #tpu.memory_space<hbm>> -> memref<128xi32, #tpu.memory_space<hbm>>
        %dma_start3A_17 = tpu.memref_slice %arg3[%add3A_11] : memref<65536xi32, #tpu.memory_space<hbm>> -> memref<128xi32, #tpu.memory_space<hbm>>
        tpu.enqueue_dma source(%dma_start3A_17 : memref<128xi32, #tpu.memory_space<hbm>>) target(%arg5 : memref<128xi32, #tpu.memory_space<vmem>>) target_semaphore(%run_scoped3A : memref<!tpu.dma_semaphore, #tpu.memory_space<semaphore_mem>>)
        %dma_wait3A_18 = tpu.memref_slice %arg3[%add3A_11] : memref<65536xi32, #tpu.memory_space<hbm>> -> memref<128xi32, #tpu.memory_space<hbm>>
        %dma_wait3A_19 = tpu.memref_slice %arg3[%add3A_11] : memref<65536xi32, #tpu.memory_space<hbm>> -> memref<128xi32, #tpu.memory_space<hbm>>
        tpu.wait_dma2 semaphore(%run_scoped3A : memref<!tpu.dma_semaphore, #tpu.memory_space<semaphore_mem>>) src(%dma_wait3A_19 : memref<128xi32, #tpu.memory_space<hbm>>) dst(%arg5 : memref<128xi32, #tpu.memory_space<vmem>>)
        tpu.yield
      }) : () -> ()
      %dma_start3A = arith.constant 0 : i32
      %dma_start3A_12 = arith.constant 0 : i32
      %dma_start3A_13 = tpu.memref_slice %arg2[%dma_start3A, %dma_start3A_12] : memref<4096x128xf32, #tpu.memory_space<hbm>> -> memref<4096x128xf32, #tpu.memory_space<hbm>>
      tpu.enqueue_indirect_dma source(%dma_start3A_13 : memref<4096x128xf32, #tpu.memory_space<hbm>>) target(%arg6 : memref<128x128xf32, #tpu.memory_space<vmem>>) offsets(%arg5 : memref<128xi32, #tpu.memory_space<vmem>>) semaphore(%arg7 : memref<!tpu.dma_semaphore, #tpu.memory_space<semaphore_mem>>)
      %dma_wait3A = arith.constant 0 : i32
      %dma_wait3A_14 = arith.constant 0 : i32
      %dma_wait3A_15 = tpu.memref_slice %arg2[%dma_wait3A, %dma_wait3A_14] : memref<4096x128xf32, #tpu.memory_space<hbm>> -> memref<4096x128xf32, #tpu.memory_space<hbm>>
      tpu.wait_indirect_dma semaphore(%arg7 : memref<!tpu.dma_semaphore, #tpu.memory_space<semaphore_mem>>) src(%dma_wait3A_15 : memref<4096x128xf32, #tpu.memory_space<hbm>>) dst(%arg6 : memref<128x128xf32, #tpu.memory_space<vmem>>)
      "tpu.region"() ({
        %run_scoped3A = tpu.sem_alloc : memref<!tpu.dma_semaphore, #tpu.memory_space<semaphore_mem>>
        %dma_start3A_16 = arith.constant 0 : i32
        %dma_start3A_17 = tpu.memref_slice %arg4[%add3A_11, %dma_start3A_16] : memref<65536x128xf32, #tpu.memory_space<hbm>> -> memref<128x128xf32, #tpu.memory_space<hbm>>
        %dma_start3A_18 = arith.constant 0 : i32
        %dma_start3A_19 = tpu.memref_slice %arg4[%add3A_11, %dma_start3A_18] : memref<65536x128xf32, #tpu.memory_space<hbm>> -> memref<128x128xf32, #tpu.memory_space<hbm>>
        tpu.enqueue_dma source(%arg6 : memref<128x128xf32, #tpu.memory_space<vmem>>) target(%dma_start3A_19 : memref<128x128xf32, #tpu.memory_space<hbm>>) target_semaphore(%run_scoped3A : memref<!tpu.dma_semaphore, #tpu.memory_space<semaphore_mem>>)
        %dma_wait3A_20 = arith.constant 0 : i32
        %dma_wait3A_21 = tpu.memref_slice %arg4[%add3A_11, %dma_wait3A_20] : memref<65536x128xf32, #tpu.memory_space<hbm>> -> memref<128x128xf32, #tpu.memory_space<hbm>>
        %dma_wait3A_22 = arith.constant 0 : i32
        %dma_wait3A_23 = tpu.memref_slice %arg4[%add3A_11, %dma_wait3A_22] : memref<65536x128xf32, #tpu.memory_space<hbm>> -> memref<128x128xf32, #tpu.memory_space<hbm>>
        tpu.wait_dma2 semaphore(%run_scoped3A : memref<!tpu.dma_semaphore, #tpu.memory_space<semaphore_mem>>) src(%arg6 : memref<128x128xf32, #tpu.memory_space<vmem>>) dst(%dma_wait3A_23 : memref<128x128xf32, #tpu.memory_space<hbm>>)
        tpu.yield
      }) : () -> ()
    }
    %scan3A_7 = arith.constant 16 : i32
    return
  }
}

module attributes {stable_mosaic.version = 14 : i64} {
  func.func @_coarse_body(%arg0: i32, %arg1: memref<1x256x16xf32, #tpu.memory_space<vmem>>, %arg2: memref<1x256x16xf32, #tpu.memory_space<vmem>>, %arg3: memref<1x256x16xf32, #tpu.memory_space<vmem>>, %arg4: memref<1x256x16xf32, #tpu.memory_space<vmem>>, %arg5: memref<1x256x16xi32, #tpu.memory_space<vmem>>) attributes {dimension_semantics = [#tpu.dimension_semantics<arbitrary>], iteration_bounds = array<i64: 16>, scalar_prefetch = 0 : i64, scratch_operands = 0 : i64, tpu.core_type = #tpu.core_type<tc>, window_params = [{transform_indices = @transform_0, window_bounds = array<i64: 1, 256, 16>}, {transform_indices = @transform_1, window_bounds = array<i64: 1, 256, 16>}, {transform_indices = @transform_2, window_bounds = array<i64: 1, 256, 16>}, {transform_indices = @transform_3, window_bounds = array<i64: 1, 256, 16>}, {transform_indices = @transform_4, window_bounds = array<i64: 1, 256, 16>}]} {
    %get3A = arith.constant 0 : index
    %get3A_0 = arith.constant 0 : index
    %get3A_1 = arith.constant 0 : index
    %get3A_2 = vector.load %arg1[%get3A, %get3A_0, %get3A_1] : memref<1x256x16xf32, #tpu.memory_space<vmem>>, vector<1x256x16xf32>
    %get3A_3 = vector.shape_cast %get3A_2 : vector<1x256x16xf32> to vector<256x16xf32>
    %get3A_4 = arith.constant 0 : index
    %get3A_5 = arith.constant 0 : index
    %get3A_6 = arith.constant 0 : index
    %get3A_7 = vector.load %arg2[%get3A_4, %get3A_5, %get3A_6] : memref<1x256x16xf32, #tpu.memory_space<vmem>>, vector<1x256x16xf32>
    %get3A_8 = vector.shape_cast %get3A_7 : vector<1x256x16xf32> to vector<256x16xf32>
    %get3A_9 = arith.constant 0 : index
    %get3A_10 = arith.constant 0 : index
    %get3A_11 = arith.constant 0 : index
    %get3A_12 = vector.load %arg3[%get3A_9, %get3A_10, %get3A_11] : memref<1x256x16xf32, #tpu.memory_space<vmem>>, vector<1x256x16xf32>
    %get3A_13 = vector.shape_cast %get3A_12 : vector<1x256x16xf32> to vector<256x16xf32>
    %dot_general3A = arith.constant dense<0.000000e+00> : vector<256x256xf32>
    %dot_general3A_14 = tpu.matmul %get3A_3, %get3A_8, %dot_general3A {dimension_numbers = #tpu.dot_dimension_numbers<[1], [1], [0], [0], [0, 0, 1, 0], [], []>, transpose_lhs_hint = false} : vector<256x16xf32>, vector<256x16xf32>, vector<256x256xf32> -> vector<256x256xf32>
    %mul3A = arith.constant 2.500000e-01 : f32
    %mul3A_15 = vector.broadcast %mul3A : f32 to vector<256x256xf32>
    %mul3A_16 = arith.mulf %dot_general3A_14, %mul3A_15 : vector<256x256xf32>
    %reduce_max3A = arith.constant dense<0xFF800000> : vector<256xf32>
    %reduce_max3A_17 = vector.multi_reduction <maximumf>, %mul3A_16, %reduce_max3A [1] : vector<256x256xf32> to vector<256xf32>
    %broadcast_in_dim3A = vector.shape_cast %reduce_max3A_17 : vector<256xf32> to vector<256x1xf32>
    %sub3A = vector.broadcast %broadcast_in_dim3A : vector<256x1xf32> to vector<256x256xf32>
    %sub3A_18 = arith.subf %mul3A_16, %sub3A : vector<256x256xf32>
    %exp3A = math.exp %sub3A_18 : vector<256x256xf32>
    %reduce_sum3A = arith.constant dense<0.000000e+00> : vector<256xf32>
    %reduce_sum3A_19 = vector.multi_reduction <add>, %exp3A, %reduce_sum3A [1] : vector<256x256xf32> to vector<256xf32>
    %broadcast_in_dim3A_20 = vector.shape_cast %reduce_sum3A_19 : vector<256xf32> to vector<256x1xf32>
    %div3A = vector.broadcast %broadcast_in_dim3A_20 : vector<256x1xf32> to vector<256x256xf32>
    %div3A_21 = arith.divf %exp3A, %div3A : vector<256x256xf32>
    %dot_general3A_22 = arith.constant dense<0.000000e+00> : vector<256x16xf32>
    %dot_general3A_23 = tpu.matmul %div3A_21, %get3A_13, %dot_general3A_22 {dimension_numbers = #tpu.dot_dimension_numbers<[1], [0], [0], [1], [0, 0, 1, 1], [], []>, transpose_lhs_hint = false} : vector<256x256xf32>, vector<256x16xf32>, vector<256x16xf32> -> vector<256x16xf32>
    %swap3A = arith.constant 0 : index
    %swap3A_24 = arith.constant 0 : index
    %swap3A_25 = arith.constant 0 : index
    %swap3A_26 = vector.load %arg4[%swap3A, %swap3A_24, %swap3A_25] : memref<1x256x16xf32, #tpu.memory_space<vmem>>, vector<1x256x16xf32>
    %swap3A_27 = vector.shape_cast %swap3A_26 : vector<1x256x16xf32> to vector<256x16xf32>
    %swap3A_28 = vector.shape_cast %dot_general3A_23 : vector<256x16xf32> to vector<1x256x16xf32>
    tpu.vector_store %arg4[%swap3A, %swap3A_24, %swap3A_25], %swap3A_28 {strides = array<i32>} : memref<1x256x16xf32, #tpu.memory_space<vmem>>, vector<1x256x16xf32>,
    %iota3A = tpu.iota {dimensions = array<i32: 1>} : vector<256x256xi32>
    %reduce_max3A_29 = arith.constant dense<0xFF800000> : vector<256xf32>
    %reduce_max3A_30 = vector.multi_reduction <maximumf>, %div3A_21, %reduce_max3A_29 [1] : vector<256x256xf32> to vector<256xf32>
    %broadcast_in_dim3A_31 = vector.shape_cast %reduce_max3A_30 : vector<256xf32> to vector<256x1xf32>
    %eq3A = vector.broadcast %broadcast_in_dim3A_31 : vector<256x1xf32> to vector<256x256xf32>
    %eq3A_32 = arith.cmpf oeq, %div3A_21, %eq3A : vector<256x256xf32>
    %jit3A = arith.constant 512 : i32
    %broadcast_in_dim3A_33 = vector.broadcast %jit3A : i32 to vector<256x256xi32>
    %select_n3A = arith.select %eq3A_32, %iota3A, %broadcast_in_dim3A_33 : vector<256x256xi1>, vector<256x256xi32>
    %reduce_min3A = arith.constant dense<2147483647> : vector<256xi32>
    %reduce_min3A_34 = vector.multi_reduction <minsi>, %select_n3A, %reduce_min3A [1] : vector<256x256xi32> to vector<256xi32>
    %mul3A_35 = arith.constant 256 : i32
    %mul3A_36 = arith.muli %arg0, %mul3A_35 : i32
    %add3A = vector.broadcast %mul3A_36 : i32 to vector<256xi32>
    %add3A_37 = arith.addi %reduce_min3A_34, %add3A : vector<256xi32>
    %broadcast_in_dim3A_38 = vector.shape_cast %reduce_min3A_34 : vector<256xi32> to vector<256x1xi32>
    %eq3A_39 = vector.broadcast %broadcast_in_dim3A_38 : vector<256x1xi32> to vector<256x256xi32>
    %eq3A_40 = arith.cmpi eq, %iota3A, %eq3A_39 : vector<256x256xi32>
    %jit3A_41 = arith.constant -1.000000e+30 : f32
    %broadcast_in_dim3A_42 = vector.broadcast %jit3A_41 : f32 to vector<256x256xf32>
    %select_n3A_43 = arith.select %eq3A_40, %broadcast_in_dim3A_42, %div3A_21 : vector<256x256xi1>, vector<256x256xf32>
    %reduce_max3A_44 = arith.constant dense<0xFF800000> : vector<256xf32>
    %reduce_max3A_45 = vector.multi_reduction <maximumf>, %select_n3A_43, %reduce_max3A_44 [1] : vector<256x256xf32> to vector<256xf32>
    %broadcast_in_dim3A_46 = vector.shape_cast %reduce_max3A_45 : vector<256xf32> to vector<256x1xf32>
    %eq3A_47 = vector.broadcast %broadcast_in_dim3A_46 : vector<256x1xf32> to vector<256x256xf32>
    %eq3A_48 = arith.cmpf oeq, %select_n3A_43, %eq3A_47 : vector<256x256xf32>
    %jit3A_49 = arith.constant 512 : i32
    %broadcast_in_dim3A_50 = vector.broadcast %jit3A_49 : i32 to vector<256x256xi32>
    %select_n3A_51 = arith.select %eq3A_48, %iota3A, %broadcast_in_dim3A_50 : vector<256x256xi1>, vector<256x256xi32>
    %reduce_min3A_52 = arith.constant dense<2147483647> : vector<256xi32>
    %reduce_min3A_53 = vector.multi_reduction <minsi>, %select_n3A_51, %reduce_min3A_52 [1] : vector<256x256xi32> to vector<256xi32>
    %mul3A_54 = arith.constant 256 : i32
    %mul3A_55 = arith.muli %arg0, %mul3A_54 : i32
    %add3A_56 = vector.broadcast %mul3A_55 : i32 to vector<256xi32>
    %add3A_57 = arith.addi %reduce_min3A_53, %add3A_56 : vector<256xi32>
    %broadcast_in_dim3A_58 = vector.shape_cast %reduce_min3A_53 : vector<256xi32> to vector<256x1xi32>
    %eq3A_59 = vector.broadcast %broadcast_in_dim3A_58 : vector<256x1xi32> to vector<256x256xi32>
    %eq3A_60 = arith.cmpi eq, %iota3A, %eq3A_59 : vector<256x256xi32>
    %jit3A_61 = arith.constant -1.000000e+30 : f32
    %broadcast_in_dim3A_62 = vector.broadcast %jit3A_61 : f32 to vector<256x256xf32>
    %select_n3A_63 = arith.select %eq3A_60, %broadcast_in_dim3A_62, %select_n3A_43 : vector<256x256xi1>, vector<256x256xf32>
    %reduce_max3A_64 = arith.constant dense<0xFF800000> : vector<256xf32>
    %reduce_max3A_65 = vector.multi_reduction <maximumf>, %select_n3A_63, %reduce_max3A_64 [1] : vector<256x256xf32> to vector<256xf32>
    %broadcast_in_dim3A_66 = vector.shape_cast %reduce_max3A_65 : vector<256xf32> to vector<256x1xf32>
    %eq3A_67 = vector.broadcast %broadcast_in_dim3A_66 : vector<256x1xf32> to vector<256x256xf32>
    %eq3A_68 = arith.cmpf oeq, %select_n3A_63, %eq3A_67 : vector<256x256xf32>
    %jit3A_69 = arith.constant 512 : i32
    %broadcast_in_dim3A_70 = vector.broadcast %jit3A_69 : i32 to vector<256x256xi32>
    %select_n3A_71 = arith.select %eq3A_68, %iota3A, %broadcast_in_dim3A_70 : vector<256x256xi1>, vector<256x256xi32>
    %reduce_min3A_72 = arith.constant dense<2147483647> : vector<256xi32>
    %reduce_min3A_73 = vector.multi_reduction <minsi>, %select_n3A_71, %reduce_min3A_72 [1] : vector<256x256xi32> to vector<256xi32>
    %mul3A_74 = arith.constant 256 : i32
    %mul3A_75 = arith.muli %arg0, %mul3A_74 : i32
    %add3A_76 = vector.broadcast %mul3A_75 : i32 to vector<256xi32>
    %add3A_77 = arith.addi %reduce_min3A_73, %add3A_76 : vector<256xi32>
    %broadcast_in_dim3A_78 = vector.shape_cast %reduce_min3A_73 : vector<256xi32> to vector<256x1xi32>
    %eq3A_79 = vector.broadcast %broadcast_in_dim3A_78 : vector<256x1xi32> to vector<256x256xi32>
    %eq3A_80 = arith.cmpi eq, %iota3A, %eq3A_79 : vector<256x256xi32>
    %jit3A_81 = arith.constant -1.000000e+30 : f32
    %broadcast_in_dim3A_82 = vector.broadcast %jit3A_81 : f32 to vector<256x256xf32>
    %select_n3A_83 = arith.select %eq3A_80, %broadcast_in_dim3A_82, %select_n3A_63 : vector<256x256xi1>, vector<256x256xf32>
    %reduce_max3A_84 = arith.constant dense<0xFF800000> : vector<256xf32>
    %reduce_max3A_85 = vector.multi_reduction <maximumf>, %select_n3A_83, %reduce_max3A_84 [1] : vector<256x256xf32> to vector<256xf32>
    %broadcast_in_dim3A_86 = vector.shape_cast %reduce_max3A_85 : vector<256xf32> to vector<256x1xf32>
    %eq3A_87 = vector.broadcast %broadcast_in_dim3A_86 : vector<256x1xf32> to vector<256x256xf32>
    %eq3A_88 = arith.cmpf oeq, %select_n3A_83, %eq3A_87 : vector<256x256xf32>
    %jit3A_89 = arith.constant 512 : i32
    %broadcast_in_dim3A_90 = vector.broadcast %jit3A_89 : i32 to vector<256x256xi32>
    %select_n3A_91 = arith.select %eq3A_88, %iota3A, %broadcast_in_dim3A_90 : vector<256x256xi1>, vector<256x256xi32>
    %reduce_min3A_92 = arith.constant dense<2147483647> : vector<256xi32>
    %reduce_min3A_93 = vector.multi_reduction <minsi>, %select_n3A_91, %reduce_min3A_92 [1] : vector<256x256xi32> to vector<256xi32>
    %mul3A_94 = arith.constant 256 : i32
    %mul3A_95 = arith.muli %arg0, %mul3A_94 : i32
    %add3A_96 = vector.broadcast %mul3A_95 : i32 to vector<256xi32>
    %add3A_97 = arith.addi %reduce_min3A_93, %add3A_96 : vector<256xi32>
    %broadcast_in_dim3A_98 = vector.shape_cast %reduce_min3A_93 : vector<256xi32> to vector<256x1xi32>
    %eq3A_99 = vector.broadcast %broadcast_in_dim3A_98 : vector<256x1xi32> to vector<256x256xi32>
    %eq3A_100 = arith.cmpi eq, %iota3A, %eq3A_99 : vector<256x256xi32>
    %jit3A_101 = arith.constant -1.000000e+30 : f32
    %broadcast_in_dim3A_102 = vector.broadcast %jit3A_101 : f32 to vector<256x256xf32>
    %select_n3A_103 = arith.select %eq3A_100, %broadcast_in_dim3A_102, %select_n3A_83 : vector<256x256xi1>, vector<256x256xf32>
    %reduce_max3A_104 = arith.constant dense<0xFF800000> : vector<256xf32>
    %reduce_max3A_105 = vector.multi_reduction <maximumf>, %select_n3A_103, %reduce_max3A_104 [1] : vector<256x256xf32> to vector<256xf32>
    %broadcast_in_dim3A_106 = vector.shape_cast %reduce_max3A_105 : vector<256xf32> to vector<256x1xf32>
    %eq3A_107 = vector.broadcast %broadcast_in_dim3A_106 : vector<256x1xf32> to vector<256x256xf32>
    %eq3A_108 = arith.cmpf oeq, %select_n3A_103, %eq3A_107 : vector<256x256xf32>
    %jit3A_109 = arith.constant 512 : i32
    %broadcast_in_dim3A_110 = vector.broadcast %jit3A_109 : i32 to vector<256x256xi32>
    %select_n3A_111 = arith.select %eq3A_108, %iota3A, %broadcast_in_dim3A_110 : vector<256x256xi1>, vector<256x256xi32>
    %reduce_min3A_112 = arith.constant dense<2147483647> : vector<256xi32>
    %reduce_min3A_113 = vector.multi_reduction <minsi>, %select_n3A_111, %reduce_min3A_112 [1] : vector<256x256xi32> to vector<256xi32>
    %mul3A_114 = arith.constant 256 : i32
    %mul3A_115 = arith.muli %arg0, %mul3A_114 : i32
    %add3A_116 = vector.broadcast %mul3A_115 : i32 to vector<256xi32>
    %add3A_117 = arith.addi %reduce_min3A_113, %add3A_116 : vector<256xi32>
    %broadcast_in_dim3A_118 = vector.shape_cast %reduce_min3A_113 : vector<256xi32> to vector<256x1xi32>
    %eq3A_119 = vector.broadcast %broadcast_in_dim3A_118 : vector<256x1xi32> to vector<256x256xi32>
    %eq3A_120 = arith.cmpi eq, %iota3A, %eq3A_119 : vector<256x256xi32>
    %jit3A_121 = arith.constant -1.000000e+30 : f32
    %broadcast_in_dim3A_122 = vector.broadcast %jit3A_121 : f32 to vector<256x256xf32>
    %select_n3A_123 = arith.select %eq3A_120, %broadcast_in_dim3A_122, %select_n3A_103 : vector<256x256xi1>, vector<256x256xf32>
    %reduce_max3A_124 = arith.constant dense<0xFF800000> : vector<256xf32>
    %reduce_max3A_125 = vector.multi_reduction <maximumf>, %select_n3A_123, %reduce_max3A_124 [1] : vector<256x256xf32> to vector<256xf32>
    %broadcast_in_dim3A_126 = vector.shape_cast %reduce_max3A_125 : vector<256xf32> to vector<256x1xf32>
    %eq3A_127 = vector.broadcast %broadcast_in_dim3A_126 : vector<256x1xf32> to vector<256x256xf32>
    %eq3A_128 = arith.cmpf oeq, %select_n3A_123, %eq3A_127 : vector<256x256xf32>
    %jit3A_129 = arith.constant 512 : i32
    %broadcast_in_dim3A_130 = vector.broadcast %jit3A_129 : i32 to vector<256x256xi32>
    %select_n3A_131 = arith.select %eq3A_128, %iota3A, %broadcast_in_dim3A_130 : vector<256x256xi1>, vector<256x256xi32>
    %reduce_min3A_132 = arith.constant dense<2147483647> : vector<256xi32>
    %reduce_min3A_133 = vector.multi_reduction <minsi>, %select_n3A_131, %reduce_min3A_132 [1] : vector<256x256xi32> to vector<256xi32>
    %mul3A_134 = arith.constant 256 : i32
    %mul3A_135 = arith.muli %arg0, %mul3A_134 : i32
    %add3A_136 = vector.broadcast %mul3A_135 : i32 to vector<256xi32>
    %add3A_137 = arith.addi %reduce_min3A_133, %add3A_136 : vector<256xi32>
    %broadcast_in_dim3A_138 = vector.shape_cast %reduce_min3A_133 : vector<256xi32> to vector<256x1xi32>
    %eq3A_139 = vector.broadcast %broadcast_in_dim3A_138 : vector<256x1xi32> to vector<256x256xi32>
    %eq3A_140 = arith.cmpi eq, %iota3A, %eq3A_139 : vector<256x256xi32>
    %jit3A_141 = arith.constant -1.000000e+30 : f32
    %broadcast_in_dim3A_142 = vector.broadcast %jit3A_141 : f32 to vector<256x256xf32>
    %select_n3A_143 = arith.select %eq3A_140, %broadcast_in_dim3A_142, %select_n3A_123 : vector<256x256xi1>, vector<256x256xf32>
    %reduce_max3A_144 = arith.constant dense<0xFF800000> : vector<256xf32>
    %reduce_max3A_145 = vector.multi_reduction <maximumf>, %select_n3A_143, %reduce_max3A_144 [1] : vector<256x256xf32> to vector<256xf32>
    %broadcast_in_dim3A_146 = vector.shape_cast %reduce_max3A_145 : vector<256xf32> to vector<256x1xf32>
    %eq3A_147 = vector.broadcast %broadcast_in_dim3A_146 : vector<256x1xf32> to vector<256x256xf32>
    %eq3A_148 = arith.cmpf oeq, %select_n3A_143, %eq3A_147 : vector<256x256xf32>
    %jit3A_149 = arith.constant 512 : i32
    %broadcast_in_dim3A_150 = vector.broadcast %jit3A_149 : i32 to vector<256x256xi32>
    %select_n3A_151 = arith.select %eq3A_148, %iota3A, %broadcast_in_dim3A_150 : vector<256x256xi1>, vector<256x256xi32>
    %reduce_min3A_152 = arith.constant dense<2147483647> : vector<256xi32>
    %reduce_min3A_153 = vector.multi_reduction <minsi>, %select_n3A_151, %reduce_min3A_152 [1] : vector<256x256xi32> to vector<256xi32>
    %mul3A_154 = arith.constant 256 : i32
    %mul3A_155 = arith.muli %arg0, %mul3A_154 : i32
    %add3A_156 = vector.broadcast %mul3A_155 : i32 to vector<256xi32>
    %add3A_157 = arith.addi %reduce_min3A_153, %add3A_156 : vector<256xi32>
    %broadcast_in_dim3A_158 = vector.shape_cast %reduce_min3A_153 : vector<256xi32> to vector<256x1xi32>
    %eq3A_159 = vector.broadcast %broadcast_in_dim3A_158 : vector<256x1xi32> to vector<256x256xi32>
    %eq3A_160 = arith.cmpi eq, %iota3A, %eq3A_159 : vector<256x256xi32>
    %jit3A_161 = arith.constant -1.000000e+30 : f32
    %broadcast_in_dim3A_162 = vector.broadcast %jit3A_161 : f32 to vector<256x256xf32>
    %select_n3A_163 = arith.select %eq3A_160, %broadcast_in_dim3A_162, %select_n3A_143 : vector<256x256xi1>, vector<256x256xf32>
    %reduce_max3A_164 = arith.constant dense<0xFF800000> : vector<256xf32>
    %reduce_max3A_165 = vector.multi_reduction <maximumf>, %select_n3A_163, %reduce_max3A_164 [1] : vector<256x256xf32> to vector<256xf32>
    %broadcast_in_dim3A_166 = vector.shape_cast %reduce_max3A_165 : vector<256xf32> to vector<256x1xf32>
    %eq3A_167 = vector.broadcast %broadcast_in_dim3A_166 : vector<256x1xf32> to vector<256x256xf32>
    %eq3A_168 = arith.cmpf oeq, %select_n3A_163, %eq3A_167 : vector<256x256xf32>
    %jit3A_169 = arith.constant 512 : i32
    %broadcast_in_dim3A_170 = vector.broadcast %jit3A_169 : i32 to vector<256x256xi32>
    %select_n3A_171 = arith.select %eq3A_168, %iota3A, %broadcast_in_dim3A_170 : vector<256x256xi1>, vector<256x256xi32>
    %reduce_min3A_172 = arith.constant dense<2147483647> : vector<256xi32>
    %reduce_min3A_173 = vector.multi_reduction <minsi>, %select_n3A_171, %reduce_min3A_172 [1] : vector<256x256xi32> to vector<256xi32>
    %mul3A_174 = arith.constant 256 : i32
    %mul3A_175 = arith.muli %arg0, %mul3A_174 : i32
    %add3A_176 = vector.broadcast %mul3A_175 : i32 to vector<256xi32>
    %add3A_177 = arith.addi %reduce_min3A_173, %add3A_176 : vector<256xi32>
    %broadcast_in_dim3A_178 = vector.shape_cast %reduce_min3A_173 : vector<256xi32> to vector<256x1xi32>
    %eq3A_179 = vector.broadcast %broadcast_in_dim3A_178 : vector<256x1xi32> to vector<256x256xi32>
    %eq3A_180 = arith.cmpi eq, %iota3A, %eq3A_179 : vector<256x256xi32>
    %jit3A_181 = arith.constant -1.000000e+30 : f32
    %broadcast_in_dim3A_182 = vector.broadcast %jit3A_181 : f32 to vector<256x256xf32>
    %select_n3A_183 = arith.select %eq3A_180, %broadcast_in_dim3A_182, %select_n3A_163 : vector<256x256xi1>, vector<256x256xf32>
    %reduce_max3A_184 = arith.constant dense<0xFF800000> : vector<256xf32>
    %reduce_max3A_185 = vector.multi_reduction <maximumf>, %select_n3A_183, %reduce_max3A_184 [1] : vector<256x256xf32> to vector<256xf32>
    %broadcast_in_dim3A_186 = vector.shape_cast %reduce_max3A_185 : vector<256xf32> to vector<256x1xf32>
    %eq3A_187 = vector.broadcast %broadcast_in_dim3A_186 : vector<256x1xf32> to vector<256x256xf32>
    %eq3A_188 = arith.cmpf oeq, %select_n3A_183, %eq3A_187 : vector<256x256xf32>
    %jit3A_189 = arith.constant 512 : i32
    %broadcast_in_dim3A_190 = vector.broadcast %jit3A_189 : i32 to vector<256x256xi32>
    %select_n3A_191 = arith.select %eq3A_188, %iota3A, %broadcast_in_dim3A_190 : vector<256x256xi1>, vector<256x256xi32>
    %reduce_min3A_192 = arith.constant dense<2147483647> : vector<256xi32>
    %reduce_min3A_193 = vector.multi_reduction <minsi>, %select_n3A_191, %reduce_min3A_192 [1] : vector<256x256xi32> to vector<256xi32>
    %mul3A_194 = arith.constant 256 : i32
    %mul3A_195 = arith.muli %arg0, %mul3A_194 : i32
    %add3A_196 = vector.broadcast %mul3A_195 : i32 to vector<256xi32>
    %add3A_197 = arith.addi %reduce_min3A_193, %add3A_196 : vector<256xi32>
    %broadcast_in_dim3A_198 = vector.shape_cast %reduce_min3A_193 : vector<256xi32> to vector<256x1xi32>
    %eq3A_199 = vector.broadcast %broadcast_in_dim3A_198 : vector<256x1xi32> to vector<256x256xi32>
    %eq3A_200 = arith.cmpi eq, %iota3A, %eq3A_199 : vector<256x256xi32>
    %jit3A_201 = arith.constant -1.000000e+30 : f32
    %broadcast_in_dim3A_202 = vector.broadcast %jit3A_201 : f32 to vector<256x256xf32>
    %select_n3A_203 = arith.select %eq3A_200, %broadcast_in_dim3A_202, %select_n3A_183 : vector<256x256xi1>, vector<256x256xf32>
    %reduce_max3A_204 = arith.constant dense<0xFF800000> : vector<256xf32>
    %reduce_max3A_205 = vector.multi_reduction <maximumf>, %select_n3A_203, %reduce_max3A_204 [1] : vector<256x256xf32> to vector<256xf32>
    %broadcast_in_dim3A_206 = vector.shape_cast %reduce_max3A_205 : vector<256xf32> to vector<256x1xf32>
    %eq3A_207 = vector.broadcast %broadcast_in_dim3A_206 : vector<256x1xf32> to vector<256x256xf32>
    %eq3A_208 = arith.cmpf oeq, %select_n3A_203, %eq3A_207 : vector<256x256xf32>
    %jit3A_209 = arith.constant 512 : i32
    %broadcast_in_dim3A_210 = vector.broadcast %jit3A_209 : i32 to vector<256x256xi32>
    %select_n3A_211 = arith.select %eq3A_208, %iota3A, %broadcast_in_dim3A_210 : vector<256x256xi1>, vector<256x256xi32>
    %reduce_min3A_212 = arith.constant dense<2147483647> : vector<256xi32>
    %reduce_min3A_213 = vector.multi_reduction <minsi>, %select_n3A_211, %reduce_min3A_212 [1] : vector<256x256xi32> to vector<256xi32>
    %mul3A_214 = arith.constant 256 : i32
    %mul3A_215 = arith.muli %arg0, %mul3A_214 : i32
    %add3A_216 = vector.broadcast %mul3A_215 : i32 to vector<256xi32>
    %add3A_217 = arith.addi %reduce_min3A_213, %add3A_216 : vector<256xi32>
    %broadcast_in_dim3A_218 = vector.shape_cast %reduce_min3A_213 : vector<256xi32> to vector<256x1xi32>
    %eq3A_219 = vector.broadcast %broadcast_in_dim3A_218 : vector<256x1xi32> to vector<256x256xi32>
    %eq3A_220 = arith.cmpi eq, %iota3A, %eq3A_219 : vector<256x256xi32>
    %jit3A_221 = arith.constant -1.000000e+30 : f32
    %broadcast_in_dim3A_222 = vector.broadcast %jit3A_221 : f32 to vector<256x256xf32>
    %select_n3A_223 = arith.select %eq3A_220, %broadcast_in_dim3A_222, %select_n3A_203 : vector<256x256xi1>, vector<256x256xf32>
    %reduce_max3A_224 = arith.constant dense<0xFF800000> : vector<256xf32>
    %reduce_max3A_225 = vector.multi_reduction <maximumf>, %select_n3A_223, %reduce_max3A_224 [1] : vector<256x256xf32> to vector<256xf32>
    %broadcast_in_dim3A_226 = vector.shape_cast %reduce_max3A_225 : vector<256xf32> to vector<256x1xf32>
    %eq3A_227 = vector.broadcast %broadcast_in_dim3A_226 : vector<256x1xf32> to vector<256x256xf32>
    %eq3A_228 = arith.cmpf oeq, %select_n3A_223, %eq3A_227 : vector<256x256xf32>
    %jit3A_229 = arith.constant 512 : i32
    %broadcast_in_dim3A_230 = vector.broadcast %jit3A_229 : i32 to vector<256x256xi32>
    %select_n3A_231 = arith.select %eq3A_228, %iota3A, %broadcast_in_dim3A_230 : vector<256x256xi1>, vector<256x256xi32>
    %reduce_min3A_232 = arith.constant dense<2147483647> : vector<256xi32>
    %reduce_min3A_233 = vector.multi_reduction <minsi>, %select_n3A_231, %reduce_min3A_232 [1] : vector<256x256xi32> to vector<256xi32>
    %mul3A_234 = arith.constant 256 : i32
    %mul3A_235 = arith.muli %arg0, %mul3A_234 : i32
    %add3A_236 = vector.broadcast %mul3A_235 : i32 to vector<256xi32>
    %add3A_237 = arith.addi %reduce_min3A_233, %add3A_236 : vector<256xi32>
    %broadcast_in_dim3A_238 = vector.shape_cast %reduce_min3A_233 : vector<256xi32> to vector<256x1xi32>
    %eq3A_239 = vector.broadcast %broadcast_in_dim3A_238 : vector<256x1xi32> to vector<256x256xi32>
    %eq3A_240 = arith.cmpi eq, %iota3A, %eq3A_239 : vector<256x256xi32>
    %jit3A_241 = arith.constant -1.000000e+30 : f32
    %broadcast_in_dim3A_242 = vector.broadcast %jit3A_241 : f32 to vector<256x256xf32>
    %select_n3A_243 = arith.select %eq3A_240, %broadcast_in_dim3A_242, %select_n3A_223 : vector<256x256xi1>, vector<256x256xf32>
    %reduce_max3A_244 = arith.constant dense<0xFF800000> : vector<256xf32>
    %reduce_max3A_245 = vector.multi_reduction <maximumf>, %select_n3A_243, %reduce_max3A_244 [1] : vector<256x256xf32> to vector<256xf32>
    %broadcast_in_dim3A_246 = vector.shape_cast %reduce_max3A_245 : vector<256xf32> to vector<256x1xf32>
    %eq3A_247 = vector.broadcast %broadcast_in_dim3A_246 : vector<256x1xf32> to vector<256x256xf32>
    %eq3A_248 = arith.cmpf oeq, %select_n3A_243, %eq3A_247 : vector<256x256xf32>
    %jit3A_249 = arith.constant 512 : i32
    %broadcast_in_dim3A_250 = vector.broadcast %jit3A_249 : i32 to vector<256x256xi32>
    %select_n3A_251 = arith.select %eq3A_248, %iota3A, %broadcast_in_dim3A_250 : vector<256x256xi1>, vector<256x256xi32>
    %reduce_min3A_252 = arith.constant dense<2147483647> : vector<256xi32>
    %reduce_min3A_253 = vector.multi_reduction <minsi>, %select_n3A_251, %reduce_min3A_252 [1] : vector<256x256xi32> to vector<256xi32>
    %mul3A_254 = arith.constant 256 : i32
    %mul3A_255 = arith.muli %arg0, %mul3A_254 : i32
    %add3A_256 = vector.broadcast %mul3A_255 : i32 to vector<256xi32>
    %add3A_257 = arith.addi %reduce_min3A_253, %add3A_256 : vector<256xi32>
    %broadcast_in_dim3A_258 = vector.shape_cast %reduce_min3A_253 : vector<256xi32> to vector<256x1xi32>
    %eq3A_259 = vector.broadcast %broadcast_in_dim3A_258 : vector<256x1xi32> to vector<256x256xi32>
    %eq3A_260 = arith.cmpi eq, %iota3A, %eq3A_259 : vector<256x256xi32>
    %jit3A_261 = arith.constant -1.000000e+30 : f32
    %broadcast_in_dim3A_262 = vector.broadcast %jit3A_261 : f32 to vector<256x256xf32>
    %select_n3A_263 = arith.select %eq3A_260, %broadcast_in_dim3A_262, %select_n3A_243 : vector<256x256xi1>, vector<256x256xf32>
    %reduce_max3A_264 = arith.constant dense<0xFF800000> : vector<256xf32>
    %reduce_max3A_265 = vector.multi_reduction <maximumf>, %select_n3A_263, %reduce_max3A_264 [1] : vector<256x256xf32> to vector<256xf32>
    %broadcast_in_dim3A_266 = vector.shape_cast %reduce_max3A_265 : vector<256xf32> to vector<256x1xf32>
    %eq3A_267 = vector.broadcast %broadcast_in_dim3A_266 : vector<256x1xf32> to vector<256x256xf32>
    %eq3A_268 = arith.cmpf oeq, %select_n3A_263, %eq3A_267 : vector<256x256xf32>
    %jit3A_269 = arith.constant 512 : i32
    %broadcast_in_dim3A_270 = vector.broadcast %jit3A_269 : i32 to vector<256x256xi32>
    %select_n3A_271 = arith.select %eq3A_268, %iota3A, %broadcast_in_dim3A_270 : vector<256x256xi1>, vector<256x256xi32>
    %reduce_min3A_272 = arith.constant dense<2147483647> : vector<256xi32>
    %reduce_min3A_273 = vector.multi_reduction <minsi>, %select_n3A_271, %reduce_min3A_272 [1] : vector<256x256xi32> to vector<256xi32>
    %mul3A_274 = arith.constant 256 : i32
    %mul3A_275 = arith.muli %arg0, %mul3A_274 : i32
    %add3A_276 = vector.broadcast %mul3A_275 : i32 to vector<256xi32>
    %add3A_277 = arith.addi %reduce_min3A_273, %add3A_276 : vector<256xi32>
    %broadcast_in_dim3A_278 = vector.shape_cast %reduce_min3A_273 : vector<256xi32> to vector<256x1xi32>
    %eq3A_279 = vector.broadcast %broadcast_in_dim3A_278 : vector<256x1xi32> to vector<256x256xi32>
    %eq3A_280 = arith.cmpi eq, %iota3A, %eq3A_279 : vector<256x256xi32>
    %jit3A_281 = arith.constant -1.000000e+30 : f32
    %broadcast_in_dim3A_282 = vector.broadcast %jit3A_281 : f32 to vector<256x256xf32>
    %select_n3A_283 = arith.select %eq3A_280, %broadcast_in_dim3A_282, %select_n3A_263 : vector<256x256xi1>, vector<256x256xf32>
    %reduce_max3A_284 = arith.constant dense<0xFF800000> : vector<256xf32>
    %reduce_max3A_285 = vector.multi_reduction <maximumf>, %select_n3A_283, %reduce_max3A_284 [1] : vector<256x256xf32> to vector<256xf32>
    %broadcast_in_dim3A_286 = vector.shape_cast %reduce_max3A_285 : vector<256xf32> to vector<256x1xf32>
    %eq3A_287 = vector.broadcast %broadcast_in_dim3A_286 : vector<256x1xf32> to vector<256x256xf32>
    %eq3A_288 = arith.cmpf oeq, %select_n3A_283, %eq3A_287 : vector<256x256xf32>
    %jit3A_289 = arith.constant 512 : i32
    %broadcast_in_dim3A_290 = vector.broadcast %jit3A_289 : i32 to vector<256x256xi32>
    %select_n3A_291 = arith.select %eq3A_288, %iota3A, %broadcast_in_dim3A_290 : vector<256x256xi1>, vector<256x256xi32>
    %reduce_min3A_292 = arith.constant dense<2147483647> : vector<256xi32>
    %reduce_min3A_293 = vector.multi_reduction <minsi>, %select_n3A_291, %reduce_min3A_292 [1] : vector<256x256xi32> to vector<256xi32>
    %mul3A_294 = arith.constant 256 : i32
    %mul3A_295 = arith.muli %arg0, %mul3A_294 : i32
    %add3A_296 = vector.broadcast %mul3A_295 : i32 to vector<256xi32>
    %add3A_297 = arith.addi %reduce_min3A_293, %add3A_296 : vector<256xi32>
    %broadcast_in_dim3A_298 = vector.shape_cast %reduce_min3A_293 : vector<256xi32> to vector<256x1xi32>
    %eq3A_299 = vector.broadcast %broadcast_in_dim3A_298 : vector<256x1xi32> to vector<256x256xi32>
    %eq3A_300 = arith.cmpi eq, %iota3A, %eq3A_299 : vector<256x256xi32>
    %jit3A_301 = arith.constant -1.000000e+30 : f32
    %broadcast_in_dim3A_302 = vector.broadcast %jit3A_301 : f32 to vector<256x256xf32>
    %select_n3A_303 = arith.select %eq3A_300, %broadcast_in_dim3A_302, %select_n3A_283 : vector<256x256xi1>, vector<256x256xf32>
    %reduce_max3A_304 = arith.constant dense<0xFF800000> : vector<256xf32>
    %reduce_max3A_305 = vector.multi_reduction <maximumf>, %select_n3A_303, %reduce_max3A_304 [1] : vector<256x256xf32> to vector<256xf32>
    %broadcast_in_dim3A_306 = vector.shape_cast %reduce_max3A_305 : vector<256xf32> to vector<256x1xf32>
    %eq3A_307 = vector.broadcast %broadcast_in_dim3A_306 : vector<256x1xf32> to vector<256x256xf32>
    %eq3A_308 = arith.cmpf oeq, %select_n3A_303, %eq3A_307 : vector<256x256xf32>
    %jit3A_309 = arith.constant 512 : i32
    %broadcast_in_dim3A_310 = vector.broadcast %jit3A_309 : i32 to vector<256x256xi32>
    %select_n3A_311 = arith.select %eq3A_308, %iota3A, %broadcast_in_dim3A_310 : vector<256x256xi1>, vector<256x256xi32>
    %reduce_min3A_312 = arith.constant dense<2147483647> : vector<256xi32>
    %reduce_min3A_313 = vector.multi_reduction <minsi>, %select_n3A_311, %reduce_min3A_312 [1] : vector<256x256xi32> to vector<256xi32>
    %mul3A_314 = arith.constant 256 : i32
    %mul3A_315 = arith.muli %arg0, %mul3A_314 : i32
    %add3A_316 = vector.broadcast %mul3A_315 : i32 to vector<256xi32>
    %add3A_317 = arith.addi %reduce_min3A_313, %add3A_316 : vector<256xi32>
    %broadcast_in_dim3A_318 = vector.shape_cast %reduce_min3A_313 : vector<256xi32> to vector<256x1xi32>
    %eq3A_319 = vector.broadcast %broadcast_in_dim3A_318 : vector<256x1xi32> to vector<256x256xi32>
    %eq3A_320 = arith.cmpi eq, %iota3A, %eq3A_319 : vector<256x256xi32>
    %jit3A_321 = arith.constant -1.000000e+30 : f32
    %broadcast_in_dim3A_322 = vector.broadcast %jit3A_321 : f32 to vector<256x256xf32>
    %select_n3A_323 = arith.select %eq3A_320, %broadcast_in_dim3A_322, %select_n3A_303 : vector<256x256xi1>, vector<256x256xf32>
    %reduce_max3A_324 = arith.constant dense<0xFF800000> : vector<256xf32>
    %reduce_max3A_325 = vector.multi_reduction <maximumf>, %select_n3A_323, %reduce_max3A_324 [1] : vector<256x256xf32> to vector<256xf32>
    %broadcast_in_dim3A_326 = vector.shape_cast %reduce_max3A_325 : vector<256xf32> to vector<256x1xf32>
    %eq3A_327 = vector.broadcast %broadcast_in_dim3A_326 : vector<256x1xf32> to vector<256x256xf32>
    %eq3A_328 = arith.cmpf oeq, %select_n3A_323, %eq3A_327 : vector<256x256xf32>
    %jit3A_329 = arith.constant 512 : i32
    %broadcast_in_dim3A_330 = vector.broadcast %jit3A_329 : i32 to vector<256x256xi32>
    %select_n3A_331 = arith.select %eq3A_328, %iota3A, %broadcast_in_dim3A_330 : vector<256x256xi1>, vector<256x256xi32>
    %reduce_min3A_332 = arith.constant dense<2147483647> : vector<256xi32>
    %reduce_min3A_333 = vector.multi_reduction <minsi>, %select_n3A_331, %reduce_min3A_332 [1] : vector<256x256xi32> to vector<256xi32>
    %mul3A_334 = arith.constant 256 : i32
    %mul3A_335 = arith.muli %arg0, %mul3A_334 : i32
    %add3A_336 = vector.broadcast %mul3A_335 : i32 to vector<256xi32>
    %add3A_337 = arith.addi %reduce_min3A_333, %add3A_336 : vector<256xi32>
    %stack3A = vector.shape_cast %add3A_37 : vector<256xi32> to vector<256x1xi32>
    %stack3A_338 = vector.shape_cast %add3A_57 : vector<256xi32> to vector<256x1xi32>
    %stack3A_339 = vector.shape_cast %add3A_77 : vector<256xi32> to vector<256x1xi32>
    %stack3A_340 = vector.shape_cast %add3A_97 : vector<256xi32> to vector<256x1xi32>
    %stack3A_341 = vector.shape_cast %add3A_117 : vector<256xi32> to vector<256x1xi32>
    %stack3A_342 = vector.shape_cast %add3A_137 : vector<256xi32> to vector<256x1xi32>
    %stack3A_343 = vector.shape_cast %add3A_157 : vector<256xi32> to vector<256x1xi32>
    %stack3A_344 = vector.shape_cast %add3A_177 : vector<256xi32> to vector<256x1xi32>
    %stack3A_345 = vector.shape_cast %add3A_197 : vector<256xi32> to vector<256x1xi32>
    %stack3A_346 = vector.shape_cast %add3A_217 : vector<256xi32> to vector<256x1xi32>
    %stack3A_347 = vector.shape_cast %add3A_237 : vector<256xi32> to vector<256x1xi32>
    %stack3A_348 = vector.shape_cast %add3A_257 : vector<256xi32> to vector<256x1xi32>
    %stack3A_349 = vector.shape_cast %add3A_277 : vector<256xi32> to vector<256x1xi32>
    %stack3A_350 = vector.shape_cast %add3A_297 : vector<256xi32> to vector<256x1xi32>
    %stack3A_351 = vector.shape_cast %add3A_317 : vector<256xi32> to vector<256x1xi32>
    %stack3A_352 = vector.shape_cast %add3A_337 : vector<256xi32> to vector<256x1xi32>
    %stack3A_353 = tpu.concatenate %stack3A, %stack3A_338, %stack3A_339, %stack3A_340, %stack3A_341, %stack3A_342, %stack3A_343, %stack3A_344, %stack3A_345, %stack3A_346, %stack3A_347, %stack3A_348, %stack3A_349, %stack3A_350, %stack3A_351, %stack3A_352 in 1 : vector<256x1xi32>, vector<256x1xi32>, vector<256x1xi32>, vector<256x1xi32>, vector<256x1xi32>, vector<256x1xi32>, vector<256x1xi32>, vector<256x1xi32>, vector<256x1xi32>, vector<256x1xi32>, vector<256x1xi32>, vector<256x1xi32>, vector<256x1xi32>, vector<256x1xi32>, vector<256x1xi32>, vector<256x1xi32> -> vector<256x16xi32>
    %swap3A_354 = arith.constant 0 : index
    %swap3A_355 = arith.constant 0 : index
    %swap3A_356 = arith.constant 0 : index
    %swap3A_357 = vector.load %arg5[%swap3A_354, %swap3A_355, %swap3A_356] : memref<1x256x16xi32, #tpu.memory_space<vmem>>, vector<1x256x16xi32>
    %swap3A_358 = vector.shape_cast %swap3A_357 : vector<1x256x16xi32> to vector<256x16xi32>
    %swap3A_359 = vector.shape_cast %stack3A_353 : vector<256x16xi32> to vector<1x256x16xi32>
    tpu.vector_store %arg5[%swap3A_354, %swap3A_355, %swap3A_356], %swap3A_359 {strides = array<i32>} : memref<1x256x16xi32, #tpu.memory_space<vmem>>, vector<1x256x16xi32>,
    return
  }
  func.func @transform_0(%arg0: i32) -> (i32, i32, i32) {
    %c0_i32 = arith.constant 0 : i32
    %c0_i32_0 = arith.constant 0 : i32
    %c0_i32_1 = arith.constant 0 : i32
    return %arg0, %c0_i32, %c0_i32_0 : i32, i32, i32
  }
  func.func @transform_1(%arg0: i32) -> (i32, i32, i32) {
    %c0_i32 = arith.constant 0 : i32
    %c0_i32_0 = arith.constant 0 : i32
    %c0_i32_1 = arith.constant 0 : i32
    return %arg0, %c0_i32, %c0_i32_0 : i32, i32, i32
  }
  func.func @transform_2(%arg0: i32) -> (i32, i32, i32) {
    %c0_i32 = arith.constant 0 : i32
    %c0_i32_0 = arith.constant 0 : i32
    %c0_i32_1 = arith.constant 0 : i32
    return %arg0, %c0_i32, %c0_i32_0 : i32, i32, i32
  }
  func.func @transform_3(%arg0: i32) -> (i32, i32, i32) {
    %c0_i32 = arith.constant 0 : i32
    %c0_i32_0 = arith.constant 0 : i32
    %c0_i32_1 = arith.constant 0 : i32
    return %arg0, %c0_i32, %c0_i32_0 : i32, i32, i32
  }
  func.func @transform_4(%arg0: i32) -> (i32, i32, i32) {
    %c0_i32 = arith.constant 0 : i32
    %c0_i32_0 = arith.constant 0 : i32
    %c0_i32_1 = arith.constant 0 : i32
    return %arg0, %c0_i32, %c0_i32_0 : i32, i32, i32
  }
}

module attributes {stable_mosaic.version = 14 : i64} {
  func.func @_fine1_body(%arg0: i32, %arg1: i32, %arg2: memref<1x64x4x16xf32, #tpu.memory_space<vmem>>, %arg3: memref<1x64x16x128xf32, #tpu.memory_space<vmem>>, %arg4: memref<1x64x16xf32, #tpu.memory_space<vmem>>, %arg5: memref<1x64x16xi32, #tpu.memory_space<vmem>>, %arg6: memref<3xf32, #tpu.memory_space<smem>>, %arg7: memref<1x64x4x16xf32, #tpu.memory_space<vmem>>, %arg8: memref<1x64x4x16xi32, #tpu.memory_space<vmem>>) attributes {dimension_semantics = [#tpu.dimension_semantics<arbitrary>, #tpu.dimension_semantics<arbitrary>], iteration_bounds = array<i64: 16, 4>, scalar_prefetch = 0 : i64, scratch_operands = 0 : i64, tpu.core_type = #tpu.core_type<tc>, window_params = [{transform_indices = @transform_0, window_bounds = array<i64: 1, 64, 4, 16>}, {transform_indices = @transform_1, window_bounds = array<i64: 1, 64, 16, 128>}, {transform_indices = @transform_2, window_bounds = array<i64: 1, 64, 16>}, {transform_indices = @transform_3, window_bounds = array<i64: 1, 64, 16>}, {transform_indices = @transform_4, window_bounds = array<i64: 3>}, {transform_indices = @transform_5, window_bounds = array<i64: 1, 64, 4, 16>}, {transform_indices = @transform_6, window_bounds = array<i64: 1, 64, 4, 16>}]} {
    %get3A = arith.constant 0 : index
    %get3A_0 = arith.constant 0 : index
    %get3A_1 = arith.constant 0 : index
    %get3A_2 = arith.constant 0 : index
    %get3A_3 = vector.load %arg2[%get3A, %get3A_0, %get3A_1, %get3A_2] : memref<1x64x4x16xf32, #tpu.memory_space<vmem>>, vector<1x64x4x16xf32>
    %get3A_4 = vector.shape_cast %get3A_3 : vector<1x64x4x16xf32> to vector<64x4x16xf32>
    %get3A_5 = arith.constant 0 : index
    %get3A_6 = arith.constant 0 : index
    %get3A_7 = arith.constant 0 : index
    %get3A_8 = arith.constant 0 : index
    %get3A_9 = vector.load %arg3[%get3A_5, %get3A_6, %get3A_7, %get3A_8] : memref<1x64x16x128xf32, #tpu.memory_space<vmem>>, vector<1x64x16x128xf32>
    %get3A_10 = vector.shape_cast %get3A_9 : vector<1x64x16x128xf32> to vector<64x16x128xf32>
    %slice3A = vector.extract_strided_slice %get3A_10 {offsets = [0, 0, 0], sizes = [64, 16, 64], strides = [1, 1, 1]} : vector<64x16x128xf32> to vector<64x16x64xf32>
    %reshape3A = vector.shape_cast %slice3A : vector<64x16x64xf32> to vector<64x16x4x16xf32>
    %reshape3A_11 = vector.shape_cast %reshape3A : vector<64x16x4x16xf32> to vector<64x64x16xf32>
    %slice3A_12 = vector.extract_strided_slice %get3A_10 {offsets = [0, 0, 64], sizes = [64, 16, 64], strides = [1, 1, 1]} : vector<64x16x128xf32> to vector<64x16x64xf32>
    %reshape3A_13 = vector.shape_cast %slice3A_12 : vector<64x16x64xf32> to vector<64x16x4x16xf32>
    %reshape3A_14 = vector.shape_cast %reshape3A_13 : vector<64x16x4x16xf32> to vector<64x64x16xf32>
    %convert_element_type3A = arith.truncf %get3A_4 : vector<64x4x16xf32> to vector<64x4x16xbf16>
    %convert_element_type3A_15 = arith.truncf %reshape3A_11 : vector<64x64x16xf32> to vector<64x64x16xbf16>
    %dot_general3A = arith.constant dense<0.000000e+00> : vector<64x4x64xf32>
    %dot_general3A_16 = tpu.matmul %convert_element_type3A, %convert_element_type3A_15, %dot_general3A {dimension_numbers = #tpu.dot_dimension_numbers<[2], [2], [1], [1], [0, 0, 0, 1, 1, 1], [0], [0]>, transpose_lhs_hint = false} : vector<64x4x16xbf16>, vector<64x64x16xbf16>, vector<64x4x64xf32> -> vector<64x4x64xf32>
    %mul3A = arith.constant 2.500000e-01 : f32
    %mul3A_17 = vector.broadcast %mul3A : f32 to vector<64x4x64xf32>
    %mul3A_18 = arith.mulf %dot_general3A_16, %mul3A_17 : vector<64x4x64xf32>
    %reduce_max3A = arith.constant dense<0xFF800000> : vector<64x4xf32>
    %reduce_max3A_19 = vector.multi_reduction <maximumf>, %mul3A_18, %reduce_max3A [2] : vector<64x4x64xf32> to vector<64x4xf32>
    %broadcast_in_dim3A = vector.shape_cast %reduce_max3A_19 : vector<64x4xf32> to vector<64x4x1xf32>
    %sub3A = vector.broadcast %broadcast_in_dim3A : vector<64x4x1xf32> to vector<64x4x64xf32>
    %sub3A_20 = arith.subf %mul3A_18, %sub3A : vector<64x4x64xf32>
    %exp3A = math.exp %sub3A_20 : vector<64x4x64xf32>
    %reduce_sum3A = arith.constant dense<0.000000e+00> : vector<64x4xf32>
    %reduce_sum3A_21 = vector.multi_reduction <add>, %exp3A, %reduce_sum3A [2] : vector<64x4x64xf32> to vector<64x4xf32>
    %broadcast_in_dim3A_22 = vector.shape_cast %reduce_sum3A_21 : vector<64x4xf32> to vector<64x4x1xf32>
    %div3A = vector.broadcast %broadcast_in_dim3A_22 : vector<64x4x1xf32> to vector<64x4x64xf32>
    %div3A_23 = arith.divf %exp3A, %div3A : vector<64x4x64xf32>
    %convert_element_type3A_24 = arith.truncf %div3A_23 : vector<64x4x64xf32> to vector<64x4x64xbf16>
    %convert_element_type3A_25 = arith.truncf %reshape3A_14 : vector<64x64x16xf32> to vector<64x64x16xbf16>
    %dot_general3A_26 = arith.constant dense<0.000000e+00> : vector<64x4x16xf32>
    %dot_general3A_27 = tpu.matmul %convert_element_type3A_24, %convert_element_type3A_25, %dot_general3A_26 {dimension_numbers = #tpu.dot_dimension_numbers<[2], [1], [1], [2], [0, 0, 0, 1, 1, 2], [0], [0]>, transpose_lhs_hint = false} : vector<64x4x64xbf16>, vector<64x64x16xbf16>, vector<64x4x16xf32> -> vector<64x4x16xf32>
    %get3A_28 = arith.constant 0 : index
    %get3A_29 = memref.load %arg6[%get3A_28] : memref<3xf32, #tpu.memory_space<smem>>
    %get3A_30 = arith.constant 1 : index
    %get3A_31 = memref.load %arg6[%get3A_30] : memref<3xf32, #tpu.memory_space<smem>>
    %get3A_32 = arith.constant 2 : index
    %get3A_33 = memref.load %arg6[%get3A_32] : memref<3xf32, #tpu.memory_space<smem>>
    %max3A = arith.maximumf %get3A_29, %get3A_31 : f32
    %max3A_34 = arith.maximumf %max3A, %get3A_33 : f32
    %sub3A_35 = arith.subf %get3A_29, %max3A_34 : f32
    %exp3A_36 = math.exp %sub3A_35 : f32
    %sub3A_37 = arith.subf %get3A_31, %max3A_34 : f32
    %exp3A_38 = math.exp %sub3A_37 : f32
    %sub3A_39 = arith.subf %get3A_33, %max3A_34 : f32
    %exp3A_40 = math.exp %sub3A_39 : f32
    %add3A = arith.addf %exp3A_36, %exp3A_38 : f32
    %add3A_41 = arith.addf %add3A, %exp3A_40 : f32
    %div3A_42 = arith.divf %exp3A_36, %add3A_41 : f32
    %div3A_43 = arith.divf %exp3A_38, %add3A_41 : f32
    %get3A_44 = arith.constant 0 : index
    %get3A_45 = arith.constant 0 : index
    %get3A_46 = arith.constant 0 : index
    %get3A_47 = vector.load %arg4[%get3A_44, %get3A_45, %get3A_46] : memref<1x64x16xf32, #tpu.memory_space<vmem>>, vector<1x64x16xf32>
    %get3A_48 = vector.shape_cast %get3A_47 : vector<1x64x16xf32> to vector<64x16xf32>
    %broadcast_in_dim3A_49 = vector.shape_cast %get3A_48 : vector<64x16xf32> to vector<64x1x16xf32>
    %mul3A_50 = vector.broadcast %div3A_42 : f32 to vector<64x1x16xf32>
    %mul3A_51 = arith.mulf %broadcast_in_dim3A_49, %mul3A_50 : vector<64x1x16xf32>
    %mul3A_52 = vector.broadcast %div3A_43 : f32 to vector<64x4x16xf32>
    %mul3A_53 = arith.mulf %dot_general3A_27, %mul3A_52 : vector<64x4x16xf32>
    %add3A_54 = vector.broadcast %mul3A_51 : vector<64x1x16xf32> to vector<64x4x16xf32>
    %add3A_55 = arith.addf %add3A_54, %mul3A_53 : vector<64x4x16xf32>
    %swap3A = arith.constant 0 : index
    %swap3A_56 = arith.constant 0 : index
    %swap3A_57 = arith.constant 0 : index
    %swap3A_58 = arith.constant 0 : index
    %swap3A_59 = vector.load %arg7[%swap3A, %swap3A_56, %swap3A_57, %swap3A_58] : memref<1x64x4x16xf32, #tpu.memory_space<vmem>>, vector<1x64x4x16xf32>
    %swap3A_60 = vector.shape_cast %swap3A_59 : vector<1x64x4x16xf32> to vector<64x4x16xf32>
    %swap3A_61 = vector.shape_cast %add3A_55 : vector<64x4x16xf32> to vector<1x64x4x16xf32>
    tpu.vector_store %arg7[%swap3A, %swap3A_56, %swap3A_57, %swap3A_58], %swap3A_61 {strides = array<i32>} : memref<1x64x4x16xf32, #tpu.memory_space<vmem>>, vector<1x64x4x16xf32>,
    %get3A_62 = arith.constant 0 : index
    %get3A_63 = arith.constant 0 : index
    %get3A_64 = arith.constant 0 : index
    %get3A_65 = vector.load %arg5[%get3A_62, %get3A_63, %get3A_64] : memref<1x64x16xi32, #tpu.memory_space<vmem>>, vector<1x64x16xi32>
    %get3A_66 = vector.shape_cast %get3A_65 : vector<1x64x16xi32> to vector<64x16xi32>
    %mul3A_67 = arith.constant 256 : i32
    %mul3A_68 = arith.muli %arg0, %mul3A_67 : i32
    %sub3A_69 = vector.broadcast %mul3A_68 : i32 to vector<64x16xi32>
    %sub3A_70 = arith.subi %get3A_66, %sub3A_69 : vector<64x16xi32>
    %iota3A = tpu.iota {dimensions = array<i32: 2>} : vector<64x4x64xi32>
    %iota3A_71 = tpu.iota {dimensions = array<i32: 2>} : vector<64x4x16xi32>
    %reduce_max3A_72 = arith.constant dense<0xFF800000> : vector<64x4xf32>
    %reduce_max3A_73 = vector.multi_reduction <maximumf>, %div3A_23, %reduce_max3A_72 [2] : vector<64x4x64xf32> to vector<64x4xf32>
    %broadcast_in_dim3A_74 = vector.shape_cast %reduce_max3A_73 : vector<64x4xf32> to vector<64x4x1xf32>
    %eq3A = vector.broadcast %broadcast_in_dim3A_74 : vector<64x4x1xf32> to vector<64x4x64xf32>
    %eq3A_75 = arith.cmpf oeq, %div3A_23, %eq3A : vector<64x4x64xf32>
    %jit3A = arith.constant 128 : i32
    %broadcast_in_dim3A_76 = vector.broadcast %jit3A : i32 to vector<64x4x64xi32>
    %select_n3A = arith.select %eq3A_75, %iota3A, %broadcast_in_dim3A_76 : vector<64x4x64xi1>, vector<64x4x64xi32>
    %reduce_min3A = arith.constant dense<2147483647> : vector<64x4xi32>
    %reduce_min3A_77 = vector.multi_reduction <minsi>, %select_n3A, %reduce_min3A [2] : vector<64x4x64xi32> to vector<64x4xi32>
    %jit3A_78 = arith.constant 4 : i32
    %div3A_79 = vector.broadcast %jit3A_78 : i32 to vector<64x4xi32>
    %div3A_80 = arith.divsi %reduce_min3A_77, %div3A_79 : vector<64x4xi32>
    %sign3A = arith.constant 0 : i32
    %sign3A_81 = vector.broadcast %sign3A : i32 to vector<64x4xi32>
    %sign3A_82 = arith.cmpi sgt, %reduce_min3A_77, %sign3A_81 : vector<64x4xi32>
    %sign3A_83 = arith.extui %sign3A_82 : vector<64x4xi1> to vector<64x4xi32>
    %sign3A_84 = arith.constant 0 : i32
    %sign3A_85 = vector.broadcast %sign3A_84 : i32 to vector<64x4xi32>
    %sign3A_86 = arith.cmpi slt, %reduce_min3A_77, %sign3A_85 : vector<64x4xi32>
    %sign3A_87 = arith.extui %sign3A_86 : vector<64x4xi1> to vector<64x4xi32>
    %sign3A_88 = arith.subi %sign3A_83, %sign3A_87 : vector<64x4xi32>
    %sign3A_89 = arith.constant 0 : i32
    %sign3A_90 = arith.cmpi sgt, %jit3A_78, %sign3A_89 : i32
    %sign3A_91 = arith.extui %sign3A_90 : i1 to i32
    %sign3A_92 = arith.constant 0 : i32
    %sign3A_93 = arith.cmpi slt, %jit3A_78, %sign3A_92 : i32
    %sign3A_94 = arith.extui %sign3A_93 : i1 to i32
    %sign3A_95 = arith.subi %sign3A_91, %sign3A_94 : i32
    %ne3A = vector.broadcast %sign3A_95 : i32 to vector<64x4xi32>
    %ne3A_96 = arith.cmpi ne, %sign3A_88, %ne3A : vector<64x4xi32>
    %rem3A = vector.broadcast %jit3A_78 : i32 to vector<64x4xi32>
    %rem3A_97 = arith.remsi %reduce_min3A_77, %rem3A : vector<64x4xi32>
    %ne3A_98 = arith.constant 0 : i32
    %ne3A_99 = vector.broadcast %ne3A_98 : i32 to vector<64x4xi32>
    %ne3A_100 = arith.cmpi ne, %rem3A_97, %ne3A_99 : vector<64x4xi32>
    %and3A = arith.andi %ne3A_96, %ne3A_100 : vector<64x4xi1>
    %sub3A_101 = arith.constant 1 : i32
    %sub3A_102 = vector.broadcast %sub3A_101 : i32 to vector<64x4xi32>
    %sub3A_103 = arith.subi %div3A_80, %sub3A_102 : vector<64x4xi32>
    %select_n3A_104 = arith.select %and3A, %sub3A_103, %div3A_80 : vector<64x4xi1>, vector<64x4xi32>
    %jit3A_105 = arith.constant 4 : i32
    %eq3A_106 = arith.constant 0 : i32
    %eq3A_107 = arith.cmpi eq, %jit3A_105, %eq3A_106 : i32
    %jit3A_108 = arith.constant 1 : i32
    %select_n3A_109 = arith.select %eq3A_107, %jit3A_108, %jit3A_105 : i32
    %rem3A_110 = vector.broadcast %select_n3A_109 : i32 to vector<64x4xi32>
    %rem3A_111 = arith.remsi %reduce_min3A_77, %rem3A_110 : vector<64x4xi32>
    %ne3A_112 = arith.constant 0 : i32
    %ne3A_113 = vector.broadcast %ne3A_112 : i32 to vector<64x4xi32>
    %ne3A_114 = arith.cmpi ne, %rem3A_111, %ne3A_113 : vector<64x4xi32>
    %lt3A = arith.constant 0 : i32
    %lt3A_115 = vector.broadcast %lt3A : i32 to vector<64x4xi32>
    %lt3A_116 = arith.cmpi slt, %rem3A_111, %lt3A_115 : vector<64x4xi32>
    %lt3A_117 = arith.constant 0 : i32
    %lt3A_118 = arith.cmpi slt, %select_n3A_109, %lt3A_117 : i32
    %ne3A_119 = vector.broadcast %lt3A_118 : i1 to vector<64x4xi1>
    %ne3A_120 = vector.broadcast %ne3A_119 : vector<64x4xi1> to vector<64x4xi1>
    %ne3A_121 = arith.xori %lt3A_116, %ne3A_120 : vector<64x4xi1>
    %and3A_122 = arith.andi %ne3A_121, %ne3A_114 : vector<64x4xi1>
    %add3A_123 = vector.broadcast %select_n3A_109 : i32 to vector<64x4xi32>
    %add3A_124 = arith.addi %rem3A_111, %add3A_123 : vector<64x4xi32>
    %select_n3A_125 = arith.select %and3A_122, %add3A_124, %rem3A_111 : vector<64x4xi1>, vector<64x4xi32>
    %broadcast_in_dim3A_126 = vector.shape_cast %select_n3A_104 : vector<64x4xi32> to vector<64x4x1xi32>
    %eq3A_127 = vector.broadcast %broadcast_in_dim3A_126 : vector<64x4x1xi32> to vector<64x4x16xi32>
    %eq3A_128 = arith.cmpi eq, %eq3A_127, %iota3A_71 : vector<64x4x16xi32>
    %broadcast_in_dim3A_129 = vector.shape_cast %sub3A_70 : vector<64x16xi32> to vector<64x1x16xi32>
    %jit3A_130 = arith.constant 0 : i32
    %broadcast_in_dim3A_131 = vector.shape_cast %broadcast_in_dim3A_129 : vector<64x1x16xi32> to vector<64x1x16xi32>
    %broadcast_in_dim3A_132 = vector.broadcast %broadcast_in_dim3A_131 : vector<64x1x16xi32> to vector<64x4x16xi32>
    %broadcast_in_dim3A_133 = vector.broadcast %jit3A_130 : i32 to vector<64x4x16xi32>
    %select_n3A_134 = arith.select %eq3A_128, %broadcast_in_dim3A_132, %broadcast_in_dim3A_133 : vector<64x4x16xi1>, vector<64x4x16xi32>
    %reduce_sum3A_135 = arith.constant dense<0> : vector<64x4xi32>
    %reduce_sum3A_136 = vector.multi_reduction <add>, %select_n3A_134, %reduce_sum3A_135 [2] : vector<64x4x16xi32> to vector<64x4xi32>
    %jit3A_137 = arith.constant 16 : i32
    %div3A_138 = vector.broadcast %jit3A_137 : i32 to vector<64x4xi32>
    %div3A_139 = arith.divsi %reduce_sum3A_136, %div3A_138 : vector<64x4xi32>
    %sign3A_140 = arith.constant 0 : i32
    %sign3A_141 = vector.broadcast %sign3A_140 : i32 to vector<64x4xi32>
    %sign3A_142 = arith.cmpi sgt, %reduce_sum3A_136, %sign3A_141 : vector<64x4xi32>
    %sign3A_143 = arith.extui %sign3A_142 : vector<64x4xi1> to vector<64x4xi32>
    %sign3A_144 = arith.constant 0 : i32
    %sign3A_145 = vector.broadcast %sign3A_144 : i32 to vector<64x4xi32>
    %sign3A_146 = arith.cmpi slt, %reduce_sum3A_136, %sign3A_145 : vector<64x4xi32>
    %sign3A_147 = arith.extui %sign3A_146 : vector<64x4xi1> to vector<64x4xi32>
    %sign3A_148 = arith.subi %sign3A_143, %sign3A_147 : vector<64x4xi32>
    %sign3A_149 = arith.constant 0 : i32
    %sign3A_150 = arith.cmpi sgt, %jit3A_137, %sign3A_149 : i32
    %sign3A_151 = arith.extui %sign3A_150 : i1 to i32
    %sign3A_152 = arith.constant 0 : i32
    %sign3A_153 = arith.cmpi slt, %jit3A_137, %sign3A_152 : i32
    %sign3A_154 = arith.extui %sign3A_153 : i1 to i32
    %sign3A_155 = arith.subi %sign3A_151, %sign3A_154 : i32
    %ne3A_156 = vector.broadcast %sign3A_155 : i32 to vector<64x4xi32>
    %ne3A_157 = arith.cmpi ne, %sign3A_148, %ne3A_156 : vector<64x4xi32>
    %rem3A_158 = vector.broadcast %jit3A_137 : i32 to vector<64x4xi32>
    %rem3A_159 = arith.remsi %reduce_sum3A_136, %rem3A_158 : vector<64x4xi32>
    %ne3A_160 = arith.constant 0 : i32
    %ne3A_161 = vector.broadcast %ne3A_160 : i32 to vector<64x4xi32>
    %ne3A_162 = arith.cmpi ne, %rem3A_159, %ne3A_161 : vector<64x4xi32>
    %and3A_163 = arith.andi %ne3A_157, %ne3A_162 : vector<64x4xi1>
    %sub3A_164 = arith.constant 1 : i32
    %sub3A_165 = vector.broadcast %sub3A_164 : i32 to vector<64x4xi32>
    %sub3A_166 = arith.subi %div3A_139, %sub3A_165 : vector<64x4xi32>
    %select_n3A_167 = arith.select %and3A_163, %sub3A_166, %div3A_139 : vector<64x4xi1>, vector<64x4xi32>
    %mul3A_168 = arith.constant 2 : i32
    %mul3A_169 = vector.broadcast %mul3A_168 : i32 to vector<64x4xi32>
    %mul3A_170 = arith.muli %mul3A_169, %select_n3A_167 : vector<64x4xi32>
    %jit3A_171 = arith.constant 2 : i32
    %div3A_172 = vector.broadcast %jit3A_171 : i32 to vector<64x4xi32>
    %div3A_173 = arith.divsi %select_n3A_125, %div3A_172 : vector<64x4xi32>
    %sign3A_174 = arith.constant 0 : i32
    %sign3A_175 = vector.broadcast %sign3A_174 : i32 to vector<64x4xi32>
    %sign3A_176 = arith.cmpi sgt, %select_n3A_125, %sign3A_175 : vector<64x4xi32>
    %sign3A_177 = arith.extui %sign3A_176 : vector<64x4xi1> to vector<64x4xi32>
    %sign3A_178 = arith.constant 0 : i32
    %sign3A_179 = vector.broadcast %sign3A_178 : i32 to vector<64x4xi32>
    %sign3A_180 = arith.cmpi slt, %select_n3A_125, %sign3A_179 : vector<64x4xi32>
    %sign3A_181 = arith.extui %sign3A_180 : vector<64x4xi1> to vector<64x4xi32>
    %sign3A_182 = arith.subi %sign3A_177, %sign3A_181 : vector<64x4xi32>
    %sign3A_183 = arith.constant 0 : i32
    %sign3A_184 = arith.cmpi sgt, %jit3A_171, %sign3A_183 : i32
    %sign3A_185 = arith.extui %sign3A_184 : i1 to i32
    %sign3A_186 = arith.constant 0 : i32
    %sign3A_187 = arith.cmpi slt, %jit3A_171, %sign3A_186 : i32
    %sign3A_188 = arith.extui %sign3A_187 : i1 to i32
    %sign3A_189 = arith.subi %sign3A_185, %sign3A_188 : i32
    %ne3A_190 = vector.broadcast %sign3A_189 : i32 to vector<64x4xi32>
    %ne3A_191 = arith.cmpi ne, %sign3A_182, %ne3A_190 : vector<64x4xi32>
    %rem3A_192 = vector.broadcast %jit3A_171 : i32 to vector<64x4xi32>
    %rem3A_193 = arith.remsi %select_n3A_125, %rem3A_192 : vector<64x4xi32>
    %ne3A_194 = arith.constant 0 : i32
    %ne3A_195 = vector.broadcast %ne3A_194 : i32 to vector<64x4xi32>
    %ne3A_196 = arith.cmpi ne, %rem3A_193, %ne3A_195 : vector<64x4xi32>
    %and3A_197 = arith.andi %ne3A_191, %ne3A_196 : vector<64x4xi1>
    %sub3A_198 = arith.constant 1 : i32
    %sub3A_199 = vector.broadcast %sub3A_198 : i32 to vector<64x4xi32>
    %sub3A_200 = arith.subi %div3A_173, %sub3A_199 : vector<64x4xi32>
    %select_n3A_201 = arith.select %and3A_197, %sub3A_200, %div3A_173 : vector<64x4xi1>, vector<64x4xi32>
    %add3A_202 = arith.addi %mul3A_170, %select_n3A_201 : vector<64x4xi32>
    %mul3A_203 = arith.constant 32 : i32
    %mul3A_204 = vector.broadcast %mul3A_203 : i32 to vector<64x4xi32>
    %mul3A_205 = arith.muli %add3A_202, %mul3A_204 : vector<64x4xi32>
    %jit3A_206 = arith.constant 16 : i32
    %eq3A_207 = arith.constant 0 : i32
    %eq3A_208 = arith.cmpi eq, %jit3A_206, %eq3A_207 : i32
    %jit3A_209 = arith.constant 1 : i32
    %select_n3A_210 = arith.select %eq3A_208, %jit3A_209, %jit3A_206 : i32
    %rem3A_211 = vector.broadcast %select_n3A_210 : i32 to vector<64x4xi32>
    %rem3A_212 = arith.remsi %reduce_sum3A_136, %rem3A_211 : vector<64x4xi32>
    %ne3A_213 = arith.constant 0 : i32
    %ne3A_214 = vector.broadcast %ne3A_213 : i32 to vector<64x4xi32>
    %ne3A_215 = arith.cmpi ne, %rem3A_212, %ne3A_214 : vector<64x4xi32>
    %lt3A_216 = arith.constant 0 : i32
    %lt3A_217 = vector.broadcast %lt3A_216 : i32 to vector<64x4xi32>
    %lt3A_218 = arith.cmpi slt, %rem3A_212, %lt3A_217 : vector<64x4xi32>
    %lt3A_219 = arith.constant 0 : i32
    %lt3A_220 = arith.cmpi slt, %select_n3A_210, %lt3A_219 : i32
    %ne3A_221 = vector.broadcast %lt3A_220 : i1 to vector<64x4xi1>
    %ne3A_222 = vector.broadcast %ne3A_221 : vector<64x4xi1> to vector<64x4xi1>
    %ne3A_223 = arith.xori %lt3A_218, %ne3A_222 : vector<64x4xi1>
    %and3A_224 = arith.andi %ne3A_223, %ne3A_215 : vector<64x4xi1>
    %add3A_225 = vector.broadcast %select_n3A_210 : i32 to vector<64x4xi32>
    %add3A_226 = arith.addi %rem3A_212, %add3A_225 : vector<64x4xi32>
    %select_n3A_227 = arith.select %and3A_224, %add3A_226, %rem3A_212 : vector<64x4xi1>, vector<64x4xi32>
    %mul3A_228 = arith.constant 2 : i32
    %mul3A_229 = vector.broadcast %mul3A_228 : i32 to vector<64x4xi32>
    %mul3A_230 = arith.muli %mul3A_229, %select_n3A_227 : vector<64x4xi32>
    %add3A_231 = arith.addi %mul3A_205, %mul3A_230 : vector<64x4xi32>
    %jit3A_232 = arith.constant 2 : i32
    %eq3A_233 = arith.constant 0 : i32
    %eq3A_234 = arith.cmpi eq, %jit3A_232, %eq3A_233 : i32
    %jit3A_235 = arith.constant 1 : i32
    %select_n3A_236 = arith.select %eq3A_234, %jit3A_235, %jit3A_232 : i32
    %rem3A_237 = vector.broadcast %select_n3A_236 : i32 to vector<64x4xi32>
    %rem3A_238 = arith.remsi %select_n3A_125, %rem3A_237 : vector<64x4xi32>
    %ne3A_239 = arith.constant 0 : i32
    %ne3A_240 = vector.broadcast %ne3A_239 : i32 to vector<64x4xi32>
    %ne3A_241 = arith.cmpi ne, %rem3A_238, %ne3A_240 : vector<64x4xi32>
    %lt3A_242 = arith.constant 0 : i32
    %lt3A_243 = vector.broadcast %lt3A_242 : i32 to vector<64x4xi32>
    %lt3A_244 = arith.cmpi slt, %rem3A_238, %lt3A_243 : vector<64x4xi32>
    %lt3A_245 = arith.constant 0 : i32
    %lt3A_246 = arith.cmpi slt, %select_n3A_236, %lt3A_245 : i32
    %ne3A_247 = vector.broadcast %lt3A_246 : i1 to vector<64x4xi1>
    %ne3A_248 = vector.broadcast %ne3A_247 : vector<64x4xi1> to vector<64x4xi1>
    %ne3A_249 = arith.xori %lt3A_244, %ne3A_248 : vector<64x4xi1>
    %and3A_250 = arith.andi %ne3A_249, %ne3A_241 : vector<64x4xi1>
    %add3A_251 = vector.broadcast %select_n3A_236 : i32 to vector<64x4xi32>
    %add3A_252 = arith.addi %rem3A_238, %add3A_251 : vector<64x4xi32>
    %select_n3A_253 = arith.select %and3A_250, %add3A_252, %rem3A_238 : vector<64x4xi1>, vector<64x4xi32>
    %add3A_254 = arith.addi %add3A_231, %select_n3A_253 : vector<64x4xi32>
    %mul3A_255 = arith.constant 1024 : i32
    %mul3A_256 = arith.muli %arg0, %mul3A_255 : i32
    %add3A_257 = vector.broadcast %mul3A_256 : i32 to vector<64x4xi32>
    %add3A_258 = arith.addi %add3A_254, %add3A_257 : vector<64x4xi32>
    %broadcast_in_dim3A_259 = vector.shape_cast %reduce_min3A_77 : vector<64x4xi32> to vector<64x4x1xi32>
    %eq3A_260 = vector.broadcast %broadcast_in_dim3A_259 : vector<64x4x1xi32> to vector<64x4x64xi32>
    %eq3A_261 = arith.cmpi eq, %iota3A, %eq3A_260 : vector<64x4x64xi32>
    %jit3A_262 = arith.constant -1.000000e+30 : f32
    %broadcast_in_dim3A_263 = vector.broadcast %jit3A_262 : f32 to vector<64x4x64xf32>
    %select_n3A_264 = arith.select %eq3A_261, %broadcast_in_dim3A_263, %div3A_23 : vector<64x4x64xi1>, vector<64x4x64xf32>
    %reduce_max3A_265 = arith.constant dense<0xFF800000> : vector<64x4xf32>
    %reduce_max3A_266 = vector.multi_reduction <maximumf>, %select_n3A_264, %reduce_max3A_265 [2] : vector<64x4x64xf32> to vector<64x4xf32>
    %broadcast_in_dim3A_267 = vector.shape_cast %reduce_max3A_266 : vector<64x4xf32> to vector<64x4x1xf32>
    %eq3A_268 = vector.broadcast %broadcast_in_dim3A_267 : vector<64x4x1xf32> to vector<64x4x64xf32>
    %eq3A_269 = arith.cmpf oeq, %select_n3A_264, %eq3A_268 : vector<64x4x64xf32>
    %jit3A_270 = arith.constant 128 : i32
    %broadcast_in_dim3A_271 = vector.broadcast %jit3A_270 : i32 to vector<64x4x64xi32>
    %select_n3A_272 = arith.select %eq3A_269, %iota3A, %broadcast_in_dim3A_271 : vector<64x4x64xi1>, vector<64x4x64xi32>
    %reduce_min3A_273 = arith.constant dense<2147483647> : vector<64x4xi32>
    %reduce_min3A_274 = vector.multi_reduction <minsi>, %select_n3A_272, %reduce_min3A_273 [2] : vector<64x4x64xi32> to vector<64x4xi32>
    %jit3A_275 = arith.constant 4 : i32
    %div3A_276 = vector.broadcast %jit3A_275 : i32 to vector<64x4xi32>
    %div3A_277 = arith.divsi %reduce_min3A_274, %div3A_276 : vector<64x4xi32>
    %sign3A_278 = arith.constant 0 : i32
    %sign3A_279 = vector.broadcast %sign3A_278 : i32 to vector<64x4xi32>
    %sign3A_280 = arith.cmpi sgt, %reduce_min3A_274, %sign3A_279 : vector<64x4xi32>
    %sign3A_281 = arith.extui %sign3A_280 : vector<64x4xi1> to vector<64x4xi32>
    %sign3A_282 = arith.constant 0 : i32
    %sign3A_283 = vector.broadcast %sign3A_282 : i32 to vector<64x4xi32>
    %sign3A_284 = arith.cmpi slt, %reduce_min3A_274, %sign3A_283 : vector<64x4xi32>
    %sign3A_285 = arith.extui %sign3A_284 : vector<64x4xi1> to vector<64x4xi32>
    %sign3A_286 = arith.subi %sign3A_281, %sign3A_285 : vector<64x4xi32>
    %sign3A_287 = arith.constant 0 : i32
    %sign3A_288 = arith.cmpi sgt, %jit3A_275, %sign3A_287 : i32
    %sign3A_289 = arith.extui %sign3A_288 : i1 to i32
    %sign3A_290 = arith.constant 0 : i32
    %sign3A_291 = arith.cmpi slt, %jit3A_275, %sign3A_290 : i32
    %sign3A_292 = arith.extui %sign3A_291 : i1 to i32
    %sign3A_293 = arith.subi %sign3A_289, %sign3A_292 : i32
    %ne3A_294 = vector.broadcast %sign3A_293 : i32 to vector<64x4xi32>
    %ne3A_295 = arith.cmpi ne, %sign3A_286, %ne3A_294 : vector<64x4xi32>
    %rem3A_296 = vector.broadcast %jit3A_275 : i32 to vector<64x4xi32>
    %rem3A_297 = arith.remsi %reduce_min3A_274, %rem3A_296 : vector<64x4xi32>
    %ne3A_298 = arith.constant 0 : i32
    %ne3A_299 = vector.broadcast %ne3A_298 : i32 to vector<64x4xi32>
    %ne3A_300 = arith.cmpi ne, %rem3A_297, %ne3A_299 : vector<64x4xi32>
    %and3A_301 = arith.andi %ne3A_295, %ne3A_300 : vector<64x4xi1>
    %sub3A_302 = arith.constant 1 : i32
    %sub3A_303 = vector.broadcast %sub3A_302 : i32 to vector<64x4xi32>
    %sub3A_304 = arith.subi %div3A_277, %sub3A_303 : vector<64x4xi32>
    %select_n3A_305 = arith.select %and3A_301, %sub3A_304, %div3A_277 : vector<64x4xi1>, vector<64x4xi32>
    %jit3A_306 = arith.constant 4 : i32
    %eq3A_307 = arith.constant 0 : i32
    %eq3A_308 = arith.cmpi eq, %jit3A_306, %eq3A_307 : i32
    %jit3A_309 = arith.constant 1 : i32
    %select_n3A_310 = arith.select %eq3A_308, %jit3A_309, %jit3A_306 : i32
    %rem3A_311 = vector.broadcast %select_n3A_310 : i32 to vector<64x4xi32>
    %rem3A_312 = arith.remsi %reduce_min3A_274, %rem3A_311 : vector<64x4xi32>
    %ne3A_313 = arith.constant 0 : i32
    %ne3A_314 = vector.broadcast %ne3A_313 : i32 to vector<64x4xi32>
    %ne3A_315 = arith.cmpi ne, %rem3A_312, %ne3A_314 : vector<64x4xi32>
    %lt3A_316 = arith.constant 0 : i32
    %lt3A_317 = vector.broadcast %lt3A_316 : i32 to vector<64x4xi32>
    %lt3A_318 = arith.cmpi slt, %rem3A_312, %lt3A_317 : vector<64x4xi32>
    %lt3A_319 = arith.constant 0 : i32
    %lt3A_320 = arith.cmpi slt, %select_n3A_310, %lt3A_319 : i32
    %ne3A_321 = vector.broadcast %lt3A_320 : i1 to vector<64x4xi1>
    %ne3A_322 = vector.broadcast %ne3A_321 : vector<64x4xi1> to vector<64x4xi1>
    %ne3A_323 = arith.xori %lt3A_318, %ne3A_322 : vector<64x4xi1>
    %and3A_324 = arith.andi %ne3A_323, %ne3A_315 : vector<64x4xi1>
    %add3A_325 = vector.broadcast %select_n3A_310 : i32 to vector<64x4xi32>
    %add3A_326 = arith.addi %rem3A_312, %add3A_325 : vector<64x4xi32>
    %select_n3A_327 = arith.select %and3A_324, %add3A_326, %rem3A_312 : vector<64x4xi1>, vector<64x4xi32>
    %broadcast_in_dim3A_328 = vector.shape_cast %select_n3A_305 : vector<64x4xi32> to vector<64x4x1xi32>
    %eq3A_329 = vector.broadcast %broadcast_in_dim3A_328 : vector<64x4x1xi32> to vector<64x4x16xi32>
    %eq3A_330 = arith.cmpi eq, %eq3A_329, %iota3A_71 : vector<64x4x16xi32>
    %broadcast_in_dim3A_331 = vector.shape_cast %sub3A_70 : vector<64x16xi32> to vector<64x1x16xi32>
    %jit3A_332 = arith.constant 0 : i32
    %broadcast_in_dim3A_333 = vector.shape_cast %broadcast_in_dim3A_331 : vector<64x1x16xi32> to vector<64x1x16xi32>
    %broadcast_in_dim3A_334 = vector.broadcast %broadcast_in_dim3A_333 : vector<64x1x16xi32> to vector<64x4x16xi32>
    %broadcast_in_dim3A_335 = vector.broadcast %jit3A_332 : i32 to vector<64x4x16xi32>
    %select_n3A_336 = arith.select %eq3A_330, %broadcast_in_dim3A_334, %broadcast_in_dim3A_335 : vector<64x4x16xi1>, vector<64x4x16xi32>
    %reduce_sum3A_337 = arith.constant dense<0> : vector<64x4xi32>
    %reduce_sum3A_338 = vector.multi_reduction <add>, %select_n3A_336, %reduce_sum3A_337 [2] : vector<64x4x16xi32> to vector<64x4xi32>
    %jit3A_339 = arith.constant 16 : i32
    %div3A_340 = vector.broadcast %jit3A_339 : i32 to vector<64x4xi32>
    %div3A_341 = arith.divsi %reduce_sum3A_338, %div3A_340 : vector<64x4xi32>
    %sign3A_342 = arith.constant 0 : i32
    %sign3A_343 = vector.broadcast %sign3A_342 : i32 to vector<64x4xi32>
    %sign3A_344 = arith.cmpi sgt, %reduce_sum3A_338, %sign3A_343 : vector<64x4xi32>
    %sign3A_345 = arith.extui %sign3A_344 : vector<64x4xi1> to vector<64x4xi32>
    %sign3A_346 = arith.constant 0 : i32
    %sign3A_347 = vector.broadcast %sign3A_346 : i32 to vector<64x4xi32>
    %sign3A_348 = arith.cmpi slt, %reduce_sum3A_338, %sign3A_347 : vector<64x4xi32>
    %sign3A_349 = arith.extui %sign3A_348 : vector<64x4xi1> to vector<64x4xi32>
    %sign3A_350 = arith.subi %sign3A_345, %sign3A_349 : vector<64x4xi32>
    %sign3A_351 = arith.constant 0 : i32
    %sign3A_352 = arith.cmpi sgt, %jit3A_339, %sign3A_351 : i32
    %sign3A_353 = arith.extui %sign3A_352 : i1 to i32
    %sign3A_354 = arith.constant 0 : i32
    %sign3A_355 = arith.cmpi slt, %jit3A_339, %sign3A_354 : i32
    %sign3A_356 = arith.extui %sign3A_355 : i1 to i32
    %sign3A_357 = arith.subi %sign3A_353, %sign3A_356 : i32
    %ne3A_358 = vector.broadcast %sign3A_357 : i32 to vector<64x4xi32>
    %ne3A_359 = arith.cmpi ne, %sign3A_350, %ne3A_358 : vector<64x4xi32>
    %rem3A_360 = vector.broadcast %jit3A_339 : i32 to vector<64x4xi32>
    %rem3A_361 = arith.remsi %reduce_sum3A_338, %rem3A_360 : vector<64x4xi32>
    %ne3A_362 = arith.constant 0 : i32
    %ne3A_363 = vector.broadcast %ne3A_362 : i32 to vector<64x4xi32>
    %ne3A_364 = arith.cmpi ne, %rem3A_361, %ne3A_363 : vector<64x4xi32>
    %and3A_365 = arith.andi %ne3A_359, %ne3A_364 : vector<64x4xi1>
    %sub3A_366 = arith.constant 1 : i32
    %sub3A_367 = vector.broadcast %sub3A_366 : i32 to vector<64x4xi32>
    %sub3A_368 = arith.subi %div3A_341, %sub3A_367 : vector<64x4xi32>
    %select_n3A_369 = arith.select %and3A_365, %sub3A_368, %div3A_341 : vector<64x4xi1>, vector<64x4xi32>
    %mul3A_370 = arith.constant 2 : i32
    %mul3A_371 = vector.broadcast %mul3A_370 : i32 to vector<64x4xi32>
    %mul3A_372 = arith.muli %mul3A_371, %select_n3A_369 : vector<64x4xi32>
    %jit3A_373 = arith.constant 2 : i32
    %div3A_374 = vector.broadcast %jit3A_373 : i32 to vector<64x4xi32>
    %div3A_375 = arith.divsi %select_n3A_327, %div3A_374 : vector<64x4xi32>
    %sign3A_376 = arith.constant 0 : i32
    %sign3A_377 = vector.broadcast %sign3A_376 : i32 to vector<64x4xi32>
    %sign3A_378 = arith.cmpi sgt, %select_n3A_327, %sign3A_377 : vector<64x4xi32>
    %sign3A_379 = arith.extui %sign3A_378 : vector<64x4xi1> to vector<64x4xi32>
    %sign3A_380 = arith.constant 0 : i32
    %sign3A_381 = vector.broadcast %sign3A_380 : i32 to vector<64x4xi32>
    %sign3A_382 = arith.cmpi slt, %select_n3A_327, %sign3A_381 : vector<64x4xi32>
    %sign3A_383 = arith.extui %sign3A_382 : vector<64x4xi1> to vector<64x4xi32>
    %sign3A_384 = arith.subi %sign3A_379, %sign3A_383 : vector<64x4xi32>
    %sign3A_385 = arith.constant 0 : i32
    %sign3A_386 = arith.cmpi sgt, %jit3A_373, %sign3A_385 : i32
    %sign3A_387 = arith.extui %sign3A_386 : i1 to i32
    %sign3A_388 = arith.constant 0 : i32
    %sign3A_389 = arith.cmpi slt, %jit3A_373, %sign3A_388 : i32
    %sign3A_390 = arith.extui %sign3A_389 : i1 to i32
    %sign3A_391 = arith.subi %sign3A_387, %sign3A_390 : i32
    %ne3A_392 = vector.broadcast %sign3A_391 : i32 to vector<64x4xi32>
    %ne3A_393 = arith.cmpi ne, %sign3A_384, %ne3A_392 : vector<64x4xi32>
    %rem3A_394 = vector.broadcast %jit3A_373 : i32 to vector<64x4xi32>
    %rem3A_395 = arith.remsi %select_n3A_327, %rem3A_394 : vector<64x4xi32>
    %ne3A_396 = arith.constant 0 : i32
    %ne3A_397 = vector.broadcast %ne3A_396 : i32 to vector<64x4xi32>
    %ne3A_398 = arith.cmpi ne, %rem3A_395, %ne3A_397 : vector<64x4xi32>
    %and3A_399 = arith.andi %ne3A_393, %ne3A_398 : vector<64x4xi1>
    %sub3A_400 = arith.constant 1 : i32
    %sub3A_401 = vector.broadcast %sub3A_400 : i32 to vector<64x4xi32>
    %sub3A_402 = arith.subi %div3A_375, %sub3A_401 : vector<64x4xi32>
    %select_n3A_403 = arith.select %and3A_399, %sub3A_402, %div3A_375 : vector<64x4xi1>, vector<64x4xi32>
    %add3A_404 = arith.addi %mul3A_372, %select_n3A_403 : vector<64x4xi32>
    %mul3A_405 = arith.constant 32 : i32
    %mul3A_406 = vector.broadcast %mul3A_405 : i32 to vector<64x4xi32>
    %mul3A_407 = arith.muli %add3A_404, %mul3A_406 : vector<64x4xi32>
    %jit3A_408 = arith.constant 16 : i32
    %eq3A_409 = arith.constant 0 : i32
    %eq3A_410 = arith.cmpi eq, %jit3A_408, %eq3A_409 : i32
    %jit3A_411 = arith.constant 1 : i32
    %select_n3A_412 = arith.select %eq3A_410, %jit3A_411, %jit3A_408 : i32
    %rem3A_413 = vector.broadcast %select_n3A_412 : i32 to vector<64x4xi32>
    %rem3A_414 = arith.remsi %reduce_sum3A_338, %rem3A_413 : vector<64x4xi32>
    %ne3A_415 = arith.constant 0 : i32
    %ne3A_416 = vector.broadcast %ne3A_415 : i32 to vector<64x4xi32>
    %ne3A_417 = arith.cmpi ne, %rem3A_414, %ne3A_416 : vector<64x4xi32>
    %lt3A_418 = arith.constant 0 : i32
    %lt3A_419 = vector.broadcast %lt3A_418 : i32 to vector<64x4xi32>
    %lt3A_420 = arith.cmpi slt, %rem3A_414, %lt3A_419 : vector<64x4xi32>
    %lt3A_421 = arith.constant 0 : i32
    %lt3A_422 = arith.cmpi slt, %select_n3A_412, %lt3A_421 : i32
    %ne3A_423 = vector.broadcast %lt3A_422 : i1 to vector<64x4xi1>
    %ne3A_424 = vector.broadcast %ne3A_423 : vector<64x4xi1> to vector<64x4xi1>
    %ne3A_425 = arith.xori %lt3A_420, %ne3A_424 : vector<64x4xi1>
    %and3A_426 = arith.andi %ne3A_425, %ne3A_417 : vector<64x4xi1>
    %add3A_427 = vector.broadcast %select_n3A_412 : i32 to vector<64x4xi32>
    %add3A_428 = arith.addi %rem3A_414, %add3A_427 : vector<64x4xi32>
    %select_n3A_429 = arith.select %and3A_426, %add3A_428, %rem3A_414 : vector<64x4xi1>, vector<64x4xi32>
    %mul3A_430 = arith.constant 2 : i32
    %mul3A_431 = vector.broadcast %mul3A_430 : i32 to vector<64x4xi32>
    %mul3A_432 = arith.muli %mul3A_431, %select_n3A_429 : vector<64x4xi32>
    %add3A_433 = arith.addi %mul3A_407, %mul3A_432 : vector<64x4xi32>
    %jit3A_434 = arith.constant 2 : i32
    %eq3A_435 = arith.constant 0 : i32
    %eq3A_436 = arith.cmpi eq, %jit3A_434, %eq3A_435 : i32
    %jit3A_437 = arith.constant 1 : i32
    %select_n3A_438 = arith.select %eq3A_436, %jit3A_437, %jit3A_434 : i32
    %rem3A_439 = vector.broadcast %select_n3A_438 : i32 to vector<64x4xi32>
    %rem3A_440 = arith.remsi %select_n3A_327, %rem3A_439 : vector<64x4xi32>
    %ne3A_441 = arith.constant 0 : i32
    %ne3A_442 = vector.broadcast %ne3A_441 : i32 to vector<64x4xi32>
    %ne3A_443 = arith.cmpi ne, %rem3A_440, %ne3A_442 : vector<64x4xi32>
    %lt3A_444 = arith.constant 0 : i32
    %lt3A_445 = vector.broadcast %lt3A_444 : i32 to vector<64x4xi32>
    %lt3A_446 = arith.cmpi slt, %rem3A_440, %lt3A_445 : vector<64x4xi32>
    %lt3A_447 = arith.constant 0 : i32
    %lt3A_448 = arith.cmpi slt, %select_n3A_438, %lt3A_447 : i32
    %ne3A_449 = vector.broadcast %lt3A_448 : i1 to vector<64x4xi1>
    %ne3A_450 = vector.broadcast %ne3A_449 : vector<64x4xi1> to vector<64x4xi1>
    %ne3A_451 = arith.xori %lt3A_446, %ne3A_450 : vector<64x4xi1>
    %and3A_452 = arith.andi %ne3A_451, %ne3A_443 : vector<64x4xi1>
    %add3A_453 = vector.broadcast %select_n3A_438 : i32 to vector<64x4xi32>
    %add3A_454 = arith.addi %rem3A_440, %add3A_453 : vector<64x4xi32>
    %select_n3A_455 = arith.select %and3A_452, %add3A_454, %rem3A_440 : vector<64x4xi1>, vector<64x4xi32>
    %add3A_456 = arith.addi %add3A_433, %select_n3A_455 : vector<64x4xi32>
    %mul3A_457 = arith.constant 1024 : i32
    %mul3A_458 = arith.muli %arg0, %mul3A_457 : i32
    %add3A_459 = vector.broadcast %mul3A_458 : i32 to vector<64x4xi32>
    %add3A_460 = arith.addi %add3A_456, %add3A_459 : vector<64x4xi32>
    %broadcast_in_dim3A_461 = vector.shape_cast %reduce_min3A_274 : vector<64x4xi32> to vector<64x4x1xi32>
    %eq3A_462 = vector.broadcast %broadcast_in_dim3A_461 : vector<64x4x1xi32> to vector<64x4x64xi32>
    %eq3A_463 = arith.cmpi eq, %iota3A, %eq3A_462 : vector<64x4x64xi32>
    %jit3A_464 = arith.constant -1.000000e+30 : f32
    %broadcast_in_dim3A_465 = vector.broadcast %jit3A_464 : f32 to vector<64x4x64xf32>
    %select_n3A_466 = arith.select %eq3A_463, %broadcast_in_dim3A_465, %select_n3A_264 : vector<64x4x64xi1>, vector<64x4x64xf32>
    %reduce_max3A_467 = arith.constant dense<0xFF800000> : vector<64x4xf32>
    %reduce_max3A_468 = vector.multi_reduction <maximumf>, %select_n3A_466, %reduce_max3A_467 [2] : vector<64x4x64xf32> to vector<64x4xf32>
    %broadcast_in_dim3A_469 = vector.shape_cast %reduce_max3A_468 : vector<64x4xf32> to vector<64x4x1xf32>
    %eq3A_470 = vector.broadcast %broadcast_in_dim3A_469 : vector<64x4x1xf32> to vector<64x4x64xf32>
    %eq3A_471 = arith.cmpf oeq, %select_n3A_466, %eq3A_470 : vector<64x4x64xf32>
    %jit3A_472 = arith.constant 128 : i32
    %broadcast_in_dim3A_473 = vector.broadcast %jit3A_472 : i32 to vector<64x4x64xi32>
    %select_n3A_474 = arith.select %eq3A_471, %iota3A, %broadcast_in_dim3A_473 : vector<64x4x64xi1>, vector<64x4x64xi32>
    %reduce_min3A_475 = arith.constant dense<2147483647> : vector<64x4xi32>
    %reduce_min3A_476 = vector.multi_reduction <minsi>, %select_n3A_474, %reduce_min3A_475 [2] : vector<64x4x64xi32> to vector<64x4xi32>
    %jit3A_477 = arith.constant 4 : i32
    %div3A_478 = vector.broadcast %jit3A_477 : i32 to vector<64x4xi32>
    %div3A_479 = arith.divsi %reduce_min3A_476, %div3A_478 : vector<64x4xi32>
    %sign3A_480 = arith.constant 0 : i32
    %sign3A_481 = vector.broadcast %sign3A_480 : i32 to vector<64x4xi32>
    %sign3A_482 = arith.cmpi sgt, %reduce_min3A_476, %sign3A_481 : vector<64x4xi32>
    %sign3A_483 = arith.extui %sign3A_482 : vector<64x4xi1> to vector<64x4xi32>
    %sign3A_484 = arith.constant 0 : i32
    %sign3A_485 = vector.broadcast %sign3A_484 : i32 to vector<64x4xi32>
    %sign3A_486 = arith.cmpi slt, %reduce_min3A_476, %sign3A_485 : vector<64x4xi32>
    %sign3A_487 = arith.extui %sign3A_486 : vector<64x4xi1> to vector<64x4xi32>
    %sign3A_488 = arith.subi %sign3A_483, %sign3A_487 : vector<64x4xi32>
    %sign3A_489 = arith.constant 0 : i32
    %sign3A_490 = arith.cmpi sgt, %jit3A_477, %sign3A_489 : i32
    %sign3A_491 = arith.extui %sign3A_490 : i1 to i32
    %sign3A_492 = arith.constant 0 : i32
    %sign3A_493 = arith.cmpi slt, %jit3A_477, %sign3A_492 : i32
    %sign3A_494 = arith.extui %sign3A_493 : i1 to i32
    %sign3A_495 = arith.subi %sign3A_491, %sign3A_494 : i32
    %ne3A_496 = vector.broadcast %sign3A_495 : i32 to vector<64x4xi32>
    %ne3A_497 = arith.cmpi ne, %sign3A_488, %ne3A_496 : vector<64x4xi32>
    %rem3A_498 = vector.broadcast %jit3A_477 : i32 to vector<64x4xi32>
    %rem3A_499 = arith.remsi %reduce_min3A_476, %rem3A_498 : vector<64x4xi32>
    %ne3A_500 = arith.constant 0 : i32
    %ne3A_501 = vector.broadcast %ne3A_500 : i32 to vector<64x4xi32>
    %ne3A_502 = arith.cmpi ne, %rem3A_499, %ne3A_501 : vector<64x4xi32>
    %and3A_503 = arith.andi %ne3A_497, %ne3A_502 : vector<64x4xi1>
    %sub3A_504 = arith.constant 1 : i32
    %sub3A_505 = vector.broadcast %sub3A_504 : i32 to vector<64x4xi32>
    %sub3A_506 = arith.subi %div3A_479, %sub3A_505 : vector<64x4xi32>
    %select_n3A_507 = arith.select %and3A_503, %sub3A_506, %div3A_479 : vector<64x4xi1>, vector<64x4xi32>
    %jit3A_508 = arith.constant 4 : i32
    %eq3A_509 = arith.constant 0 : i32
    %eq3A_510 = arith.cmpi eq, %jit3A_508, %eq3A_509 : i32
    %jit3A_511 = arith.constant 1 : i32
    %select_n3A_512 = arith.select %eq3A_510, %jit3A_511, %jit3A_508 : i32
    %rem3A_513 = vector.broadcast %select_n3A_512 : i32 to vector<64x4xi32>
    %rem3A_514 = arith.remsi %reduce_min3A_476, %rem3A_513 : vector<64x4xi32>
    %ne3A_515 = arith.constant 0 : i32
    %ne3A_516 = vector.broadcast %ne3A_515 : i32 to vector<64x4xi32>
    %ne3A_517 = arith.cmpi ne, %rem3A_514, %ne3A_516 : vector<64x4xi32>
    %lt3A_518 = arith.constant 0 : i32
    %lt3A_519 = vector.broadcast %lt3A_518 : i32 to vector<64x4xi32>
    %lt3A_520 = arith.cmpi slt, %rem3A_514, %lt3A_519 : vector<64x4xi32>
    %lt3A_521 = arith.constant 0 : i32
    %lt3A_522 = arith.cmpi slt, %select_n3A_512, %lt3A_521 : i32
    %ne3A_523 = vector.broadcast %lt3A_522 : i1 to vector<64x4xi1>
    %ne3A_524 = vector.broadcast %ne3A_523 : vector<64x4xi1> to vector<64x4xi1>
    %ne3A_525 = arith.xori %lt3A_520, %ne3A_524 : vector<64x4xi1>
    %and3A_526 = arith.andi %ne3A_525, %ne3A_517 : vector<64x4xi1>
    %add3A_527 = vector.broadcast %select_n3A_512 : i32 to vector<64x4xi32>
    %add3A_528 = arith.addi %rem3A_514, %add3A_527 : vector<64x4xi32>
    %select_n3A_529 = arith.select %and3A_526, %add3A_528, %rem3A_514 : vector<64x4xi1>, vector<64x4xi32>
    %broadcast_in_dim3A_530 = vector.shape_cast %select_n3A_507 : vector<64x4xi32> to vector<64x4x1xi32>
    %eq3A_531 = vector.broadcast %broadcast_in_dim3A_530 : vector<64x4x1xi32> to vector<64x4x16xi32>
    %eq3A_532 = arith.cmpi eq, %eq3A_531, %iota3A_71 : vector<64x4x16xi32>
    %broadcast_in_dim3A_533 = vector.shape_cast %sub3A_70 : vector<64x16xi32> to vector<64x1x16xi32>
    %jit3A_534 = arith.constant 0 : i32
    %broadcast_in_dim3A_535 = vector.shape_cast %broadcast_in_dim3A_533 : vector<64x1x16xi32> to vector<64x1x16xi32>
    %broadcast_in_dim3A_536 = vector.broadcast %broadcast_in_dim3A_535 : vector<64x1x16xi32> to vector<64x4x16xi32>
    %broadcast_in_dim3A_537 = vector.broadcast %jit3A_534 : i32 to vector<64x4x16xi32>
    %select_n3A_538 = arith.select %eq3A_532, %broadcast_in_dim3A_536, %broadcast_in_dim3A_537 : vector<64x4x16xi1>, vector<64x4x16xi32>
    %reduce_sum3A_539 = arith.constant dense<0> : vector<64x4xi32>
    %reduce_sum3A_540 = vector.multi_reduction <add>, %select_n3A_538, %reduce_sum3A_539 [2] : vector<64x4x16xi32> to vector<64x4xi32>
    %jit3A_541 = arith.constant 16 : i32
    %div3A_542 = vector.broadcast %jit3A_541 : i32 to vector<64x4xi32>
    %div3A_543 = arith.divsi %reduce_sum3A_540, %div3A_542 : vector<64x4xi32>
    %sign3A_544 = arith.constant 0 : i32
    %sign3A_545 = vector.broadcast %sign3A_544 : i32 to vector<64x4xi32>
    %sign3A_546 = arith.cmpi sgt, %reduce_sum3A_540, %sign3A_545 : vector<64x4xi32>
    %sign3A_547 = arith.extui %sign3A_546 : vector<64x4xi1> to vector<64x4xi32>
    %sign3A_548 = arith.constant 0 : i32
    %sign3A_549 = vector.broadcast %sign3A_548 : i32 to vector<64x4xi32>
    %sign3A_550 = arith.cmpi slt, %reduce_sum3A_540, %sign3A_549 : vector<64x4xi32>
    %sign3A_551 = arith.extui %sign3A_550 : vector<64x4xi1> to vector<64x4xi32>
    %sign3A_552 = arith.subi %sign3A_547, %sign3A_551 : vector<64x4xi32>
    %sign3A_553 = arith.constant 0 : i32
    %sign3A_554 = arith.cmpi sgt, %jit3A_541, %sign3A_553 : i32
    %sign3A_555 = arith.extui %sign3A_554 : i1 to i32
    %sign3A_556 = arith.constant 0 : i32
    %sign3A_557 = arith.cmpi slt, %jit3A_541, %sign3A_556 : i32
    %sign3A_558 = arith.extui %sign3A_557 : i1 to i32
    %sign3A_559 = arith.subi %sign3A_555, %sign3A_558 : i32
    %ne3A_560 = vector.broadcast %sign3A_559 : i32 to vector<64x4xi32>
    %ne3A_561 = arith.cmpi ne, %sign3A_552, %ne3A_560 : vector<64x4xi32>
    %rem3A_562 = vector.broadcast %jit3A_541 : i32 to vector<64x4xi32>
    %rem3A_563 = arith.remsi %reduce_sum3A_540, %rem3A_562 : vector<64x4xi32>
    %ne3A_564 = arith.constant 0 : i32
    %ne3A_565 = vector.broadcast %ne3A_564 : i32 to vector<64x4xi32>
    %ne3A_566 = arith.cmpi ne, %rem3A_563, %ne3A_565 : vector<64x4xi32>
    %and3A_567 = arith.andi %ne3A_561, %ne3A_566 : vector<64x4xi1>
    %sub3A_568 = arith.constant 1 : i32
    %sub3A_569 = vector.broadcast %sub3A_568 : i32 to vector<64x4xi32>
    %sub3A_570 = arith.subi %div3A_543, %sub3A_569 : vector<64x4xi32>
    %select_n3A_571 = arith.select %and3A_567, %sub3A_570, %div3A_543 : vector<64x4xi1>, vector<64x4xi32>
    %mul3A_572 = arith.constant 2 : i32
    %mul3A_573 = vector.broadcast %mul3A_572 : i32 to vector<64x4xi32>
    %mul3A_574 = arith.muli %mul3A_573, %select_n3A_571 : vector<64x4xi32>
    %jit3A_575 = arith.constant 2 : i32
    %div3A_576 = vector.broadcast %jit3A_575 : i32 to vector<64x4xi32>
    %div3A_577 = arith.divsi %select_n3A_529, %div3A_576 : vector<64x4xi32>
    %sign3A_578 = arith.constant 0 : i32
    %sign3A_579 = vector.broadcast %sign3A_578 : i32 to vector<64x4xi32>
    %sign3A_580 = arith.cmpi sgt, %select_n3A_529, %sign3A_579 : vector<64x4xi32>
    %sign3A_581 = arith.extui %sign3A_580 : vector<64x4xi1> to vector<64x4xi32>
    %sign3A_582 = arith.constant 0 : i32
    %sign3A_583 = vector.broadcast %sign3A_582 : i32 to vector<64x4xi32>
    %sign3A_584 = arith.cmpi slt, %select_n3A_529, %sign3A_583 : vector<64x4xi32>
    %sign3A_585 = arith.extui %sign3A_584 : vector<64x4xi1> to vector<64x4xi32>
    %sign3A_586 = arith.subi %sign3A_581, %sign3A_585 : vector<64x4xi32>
    %sign3A_587 = arith.constant 0 : i32
    %sign3A_588 = arith.cmpi sgt, %jit3A_575, %sign3A_587 : i32
    %sign3A_589 = arith.extui %sign3A_588 : i1 to i32
    %sign3A_590 = arith.constant 0 : i32
    %sign3A_591 = arith.cmpi slt, %jit3A_575, %sign3A_590 : i32
    %sign3A_592 = arith.extui %sign3A_591 : i1 to i32
    %sign3A_593 = arith.subi %sign3A_589, %sign3A_592 : i32
    %ne3A_594 = vector.broadcast %sign3A_593 : i32 to vector<64x4xi32>
    %ne3A_595 = arith.cmpi ne, %sign3A_586, %ne3A_594 : vector<64x4xi32>
    %rem3A_596 = vector.broadcast %jit3A_575 : i32 to vector<64x4xi32>
    %rem3A_597 = arith.remsi %select_n3A_529, %rem3A_596 : vector<64x4xi32>
    %ne3A_598 = arith.constant 0 : i32
    %ne3A_599 = vector.broadcast %ne3A_598 : i32 to vector<64x4xi32>
    %ne3A_600 = arith.cmpi ne, %rem3A_597, %ne3A_599 : vector<64x4xi32>
    %and3A_601 = arith.andi %ne3A_595, %ne3A_600 : vector<64x4xi1>
    %sub3A_602 = arith.constant 1 : i32
    %sub3A_603 = vector.broadcast %sub3A_602 : i32 to vector<64x4xi32>
    %sub3A_604 = arith.subi %div3A_577, %sub3A_603 : vector<64x4xi32>
    %select_n3A_605 = arith.select %and3A_601, %sub3A_604, %div3A_577 : vector<64x4xi1>, vector<64x4xi32>
    %add3A_606 = arith.addi %mul3A_574, %select_n3A_605 : vector<64x4xi32>
    %mul3A_607 = arith.constant 32 : i32
    %mul3A_608 = vector.broadcast %mul3A_607 : i32 to vector<64x4xi32>
    %mul3A_609 = arith.muli %add3A_606, %mul3A_608 : vector<64x4xi32>
    %jit3A_610 = arith.constant 16 : i32
    %eq3A_611 = arith.constant 0 : i32
    %eq3A_612 = arith.cmpi eq, %jit3A_610, %eq3A_611 : i32
    %jit3A_613 = arith.constant 1 : i32
    %select_n3A_614 = arith.select %eq3A_612, %jit3A_613, %jit3A_610 : i32
    %rem3A_615 = vector.broadcast %select_n3A_614 : i32 to vector<64x4xi32>
    %rem3A_616 = arith.remsi %reduce_sum3A_540, %rem3A_615 : vector<64x4xi32>
    %ne3A_617 = arith.constant 0 : i32
    %ne3A_618 = vector.broadcast %ne3A_617 : i32 to vector<64x4xi32>
    %ne3A_619 = arith.cmpi ne, %rem3A_616, %ne3A_618 : vector<64x4xi32>
    %lt3A_620 = arith.constant 0 : i32
    %lt3A_621 = vector.broadcast %lt3A_620 : i32 to vector<64x4xi32>
    %lt3A_622 = arith.cmpi slt, %rem3A_616, %lt3A_621 : vector<64x4xi32>
    %lt3A_623 = arith.constant 0 : i32
    %lt3A_624 = arith.cmpi slt, %select_n3A_614, %lt3A_623 : i32
    %ne3A_625 = vector.broadcast %lt3A_624 : i1 to vector<64x4xi1>
    %ne3A_626 = vector.broadcast %ne3A_625 : vector<64x4xi1> to vector<64x4xi1>
    %ne3A_627 = arith.xori %lt3A_622, %ne3A_626 : vector<64x4xi1>
    %and3A_628 = arith.andi %ne3A_627, %ne3A_619 : vector<64x4xi1>
    %add3A_629 = vector.broadcast %select_n3A_614 : i32 to vector<64x4xi32>
    %add3A_630 = arith.addi %rem3A_616, %add3A_629 : vector<64x4xi32>
    %select_n3A_631 = arith.select %and3A_628, %add3A_630, %rem3A_616 : vector<64x4xi1>, vector<64x4xi32>
    %mul3A_632 = arith.constant 2 : i32
    %mul3A_633 = vector.broadcast %mul3A_632 : i32 to vector<64x4xi32>
    %mul3A_634 = arith.muli %mul3A_633, %select_n3A_631 : vector<64x4xi32>
    %add3A_635 = arith.addi %mul3A_609, %mul3A_634 : vector<64x4xi32>
    %jit3A_636 = arith.constant 2 : i32
    %eq3A_637 = arith.constant 0 : i32
    %eq3A_638 = arith.cmpi eq, %jit3A_636, %eq3A_637 : i32
    %jit3A_639 = arith.constant 1 : i32
    %select_n3A_640 = arith.select %eq3A_638, %jit3A_639, %jit3A_636 : i32
    %rem3A_641 = vector.broadcast %select_n3A_640 : i32 to vector<64x4xi32>
    %rem3A_642 = arith.remsi %select_n3A_529, %rem3A_641 : vector<64x4xi32>
    %ne3A_643 = arith.constant 0 : i32
    %ne3A_644 = vector.broadcast %ne3A_643 : i32 to vector<64x4xi32>
    %ne3A_645 = arith.cmpi ne, %rem3A_642, %ne3A_644 : vector<64x4xi32>
    %lt3A_646 = arith.constant 0 : i32
    %lt3A_647 = vector.broadcast %lt3A_646 : i32 to vector<64x4xi32>
    %lt3A_648 = arith.cmpi slt, %rem3A_642, %lt3A_647 : vector<64x4xi32>
    %lt3A_649 = arith.constant 0 : i32
    %lt3A_650 = arith.cmpi slt, %select_n3A_640, %lt3A_649 : i32
    %ne3A_651 = vector.broadcast %lt3A_650 : i1 to vector<64x4xi1>
    %ne3A_652 = vector.broadcast %ne3A_651 : vector<64x4xi1> to vector<64x4xi1>
    %ne3A_653 = arith.xori %lt3A_648, %ne3A_652 : vector<64x4xi1>
    %and3A_654 = arith.andi %ne3A_653, %ne3A_645 : vector<64x4xi1>
    %add3A_655 = vector.broadcast %select_n3A_640 : i32 to vector<64x4xi32>
    %add3A_656 = arith.addi %rem3A_642, %add3A_655 : vector<64x4xi32>
    %select_n3A_657 = arith.select %and3A_654, %add3A_656, %rem3A_642 : vector<64x4xi1>, vector<64x4xi32>
    %add3A_658 = arith.addi %add3A_635, %select_n3A_657 : vector<64x4xi32>
    %mul3A_659 = arith.constant 1024 : i32
    %mul3A_660 = arith.muli %arg0, %mul3A_659 : i32
    %add3A_661 = vector.broadcast %mul3A_660 : i32 to vector<64x4xi32>
    %add3A_662 = arith.addi %add3A_658, %add3A_661 : vector<64x4xi32>
    %broadcast_in_dim3A_663 = vector.shape_cast %reduce_min3A_476 : vector<64x4xi32> to vector<64x4x1xi32>
    %eq3A_664 = vector.broadcast %broadcast_in_dim3A_663 : vector<64x4x1xi32> to vector<64x4x64xi32>
    %eq3A_665 = arith.cmpi eq, %iota3A, %eq3A_664 : vector<64x4x64xi32>
    %jit3A_666 = arith.constant -1.000000e+30 : f32
    %broadcast_in_dim3A_667 = vector.broadcast %jit3A_666 : f32 to vector<64x4x64xf32>
    %select_n3A_668 = arith.select %eq3A_665, %broadcast_in_dim3A_667, %select_n3A_466 : vector<64x4x64xi1>, vector<64x4x64xf32>
    %reduce_max3A_669 = arith.constant dense<0xFF800000> : vector<64x4xf32>
    %reduce_max3A_670 = vector.multi_reduction <maximumf>, %select_n3A_668, %reduce_max3A_669 [2] : vector<64x4x64xf32> to vector<64x4xf32>
    %broadcast_in_dim3A_671 = vector.shape_cast %reduce_max3A_670 : vector<64x4xf32> to vector<64x4x1xf32>
    %eq3A_672 = vector.broadcast %broadcast_in_dim3A_671 : vector<64x4x1xf32> to vector<64x4x64xf32>
    %eq3A_673 = arith.cmpf oeq, %select_n3A_668, %eq3A_672 : vector<64x4x64xf32>
    %jit3A_674 = arith.constant 128 : i32
    %broadcast_in_dim3A_675 = vector.broadcast %jit3A_674 : i32 to vector<64x4x64xi32>
    %select_n3A_676 = arith.select %eq3A_673, %iota3A, %broadcast_in_dim3A_675 : vector<64x4x64xi1>, vector<64x4x64xi32>
    %reduce_min3A_677 = arith.constant dense<2147483647> : vector<64x4xi32>
    %reduce_min3A_678 = vector.multi_reduction <minsi>, %select_n3A_676, %reduce_min3A_677 [2] : vector<64x4x64xi32> to vector<64x4xi32>
    %jit3A_679 = arith.constant 4 : i32
    %div3A_680 = vector.broadcast %jit3A_679 : i32 to vector<64x4xi32>
    %div3A_681 = arith.divsi %reduce_min3A_678, %div3A_680 : vector<64x4xi32>
    %sign3A_682 = arith.constant 0 : i32
    %sign3A_683 = vector.broadcast %sign3A_682 : i32 to vector<64x4xi32>
    %sign3A_684 = arith.cmpi sgt, %reduce_min3A_678, %sign3A_683 : vector<64x4xi32>
    %sign3A_685 = arith.extui %sign3A_684 : vector<64x4xi1> to vector<64x4xi32>
    %sign3A_686 = arith.constant 0 : i32
    %sign3A_687 = vector.broadcast %sign3A_686 : i32 to vector<64x4xi32>
    %sign3A_688 = arith.cmpi slt, %reduce_min3A_678, %sign3A_687 : vector<64x4xi32>
    %sign3A_689 = arith.extui %sign3A_688 : vector<64x4xi1> to vector<64x4xi32>
    %sign3A_690 = arith.subi %sign3A_685, %sign3A_689 : vector<64x4xi32>
    %sign3A_691 = arith.constant 0 : i32
    %sign3A_692 = arith.cmpi sgt, %jit3A_679, %sign3A_691 : i32
    %sign3A_693 = arith.extui %sign3A_692 : i1 to i32
    %sign3A_694 = arith.constant 0 : i32
    %sign3A_695 = arith.cmpi slt, %jit3A_679, %sign3A_694 : i32
    %sign3A_696 = arith.extui %sign3A_695 : i1 to i32
    %sign3A_697 = arith.subi %sign3A_693, %sign3A_696 : i32
    %ne3A_698 = vector.broadcast %sign3A_697 : i32 to vector<64x4xi32>
    %ne3A_699 = arith.cmpi ne, %sign3A_690, %ne3A_698 : vector<64x4xi32>
    %rem3A_700 = vector.broadcast %jit3A_679 : i32 to vector<64x4xi32>
    %rem3A_701 = arith.remsi %reduce_min3A_678, %rem3A_700 : vector<64x4xi32>
    %ne3A_702 = arith.constant 0 : i32
    %ne3A_703 = vector.broadcast %ne3A_702 : i32 to vector<64x4xi32>
    %ne3A_704 = arith.cmpi ne, %rem3A_701, %ne3A_703 : vector<64x4xi32>
    %and3A_705 = arith.andi %ne3A_699, %ne3A_704 : vector<64x4xi1>
    %sub3A_706 = arith.constant 1 : i32
    %sub3A_707 = vector.broadcast %sub3A_706 : i32 to vector<64x4xi32>
    %sub3A_708 = arith.subi %div3A_681, %sub3A_707 : vector<64x4xi32>
    %select_n3A_709 = arith.select %and3A_705, %sub3A_708, %div3A_681 : vector<64x4xi1>, vector<64x4xi32>
    %jit3A_710 = arith.constant 4 : i32
    %eq3A_711 = arith.constant 0 : i32
    %eq3A_712 = arith.cmpi eq, %jit3A_710, %eq3A_711 : i32
    %jit3A_713 = arith.constant 1 : i32
    %select_n3A_714 = arith.select %eq3A_712, %jit3A_713, %jit3A_710 : i32
    %rem3A_715 = vector.broadcast %select_n3A_714 : i32 to vector<64x4xi32>
    %rem3A_716 = arith.remsi %reduce_min3A_678, %rem3A_715 : vector<64x4xi32>
    %ne3A_717 = arith.constant 0 : i32
    %ne3A_718 = vector.broadcast %ne3A_717 : i32 to vector<64x4xi32>
    %ne3A_719 = arith.cmpi ne, %rem3A_716, %ne3A_718 : vector<64x4xi32>
    %lt3A_720 = arith.constant 0 : i32
    %lt3A_721 = vector.broadcast %lt3A_720 : i32 to vector<64x4xi32>
    %lt3A_722 = arith.cmpi slt, %rem3A_716, %lt3A_721 : vector<64x4xi32>
    %lt3A_723 = arith.constant 0 : i32
    %lt3A_724 = arith.cmpi slt, %select_n3A_714, %lt3A_723 : i32
    %ne3A_725 = vector.broadcast %lt3A_724 : i1 to vector<64x4xi1>
    %ne3A_726 = vector.broadcast %ne3A_725 : vector<64x4xi1> to vector<64x4xi1>
    %ne3A_727 = arith.xori %lt3A_722, %ne3A_726 : vector<64x4xi1>
    %and3A_728 = arith.andi %ne3A_727, %ne3A_719 : vector<64x4xi1>
    %add3A_729 = vector.broadcast %select_n3A_714 : i32 to vector<64x4xi32>
    %add3A_730 = arith.addi %rem3A_716, %add3A_729 : vector<64x4xi32>
    %select_n3A_731 = arith.select %and3A_728, %add3A_730, %rem3A_716 : vector<64x4xi1>, vector<64x4xi32>
    %broadcast_in_dim3A_732 = vector.shape_cast %select_n3A_709 : vector<64x4xi32> to vector<64x4x1xi32>
    %eq3A_733 = vector.broadcast %broadcast_in_dim3A_732 : vector<64x4x1xi32> to vector<64x4x16xi32>
    %eq3A_734 = arith.cmpi eq, %eq3A_733, %iota3A_71 : vector<64x4x16xi32>
    %broadcast_in_dim3A_735 = vector.shape_cast %sub3A_70 : vector<64x16xi32> to vector<64x1x16xi32>
    %jit3A_736 = arith.constant 0 : i32
    %broadcast_in_dim3A_737 = vector.shape_cast %broadcast_in_dim3A_735 : vector<64x1x16xi32> to vector<64x1x16xi32>
    %broadcast_in_dim3A_738 = vector.broadcast %broadcast_in_dim3A_737 : vector<64x1x16xi32> to vector<64x4x16xi32>
    %broadcast_in_dim3A_739 = vector.broadcast %jit3A_736 : i32 to vector<64x4x16xi32>
    %select_n3A_740 = arith.select %eq3A_734, %broadcast_in_dim3A_738, %broadcast_in_dim3A_739 : vector<64x4x16xi1>, vector<64x4x16xi32>
    %reduce_sum3A_741 = arith.constant dense<0> : vector<64x4xi32>
    %reduce_sum3A_742 = vector.multi_reduction <add>, %select_n3A_740, %reduce_sum3A_741 [2] : vector<64x4x16xi32> to vector<64x4xi32>
    %jit3A_743 = arith.constant 16 : i32
    %div3A_744 = vector.broadcast %jit3A_743 : i32 to vector<64x4xi32>
    %div3A_745 = arith.divsi %reduce_sum3A_742, %div3A_744 : vector<64x4xi32>
    %sign3A_746 = arith.constant 0 : i32
    %sign3A_747 = vector.broadcast %sign3A_746 : i32 to vector<64x4xi32>
    %sign3A_748 = arith.cmpi sgt, %reduce_sum3A_742, %sign3A_747 : vector<64x4xi32>
    %sign3A_749 = arith.extui %sign3A_748 : vector<64x4xi1> to vector<64x4xi32>
    %sign3A_750 = arith.constant 0 : i32
    %sign3A_751 = vector.broadcast %sign3A_750 : i32 to vector<64x4xi32>
    %sign3A_752 = arith.cmpi slt, %reduce_sum3A_742, %sign3A_751 : vector<64x4xi32>
    %sign3A_753 = arith.extui %sign3A_752 : vector<64x4xi1> to vector<64x4xi32>
    %sign3A_754 = arith.subi %sign3A_749, %sign3A_753 : vector<64x4xi32>
    %sign3A_755 = arith.constant 0 : i32
    %sign3A_756 = arith.cmpi sgt, %jit3A_743, %sign3A_755 : i32
    %sign3A_757 = arith.extui %sign3A_756 : i1 to i32
    %sign3A_758 = arith.constant 0 : i32
    %sign3A_759 = arith.cmpi slt, %jit3A_743, %sign3A_758 : i32
    %sign3A_760 = arith.extui %sign3A_759 : i1 to i32
    %sign3A_761 = arith.subi %sign3A_757, %sign3A_760 : i32
    %ne3A_762 = vector.broadcast %sign3A_761 : i32 to vector<64x4xi32>
    %ne3A_763 = arith.cmpi ne, %sign3A_754, %ne3A_762 : vector<64x4xi32>
    %rem3A_764 = vector.broadcast %jit3A_743 : i32 to vector<64x4xi32>
    %rem3A_765 = arith.remsi %reduce_sum3A_742, %rem3A_764 : vector<64x4xi32>
    %ne3A_766 = arith.constant 0 : i32
    %ne3A_767 = vector.broadcast %ne3A_766 : i32 to vector<64x4xi32>
    %ne3A_768 = arith.cmpi ne, %rem3A_765, %ne3A_767 : vector<64x4xi32>
    %and3A_769 = arith.andi %ne3A_763, %ne3A_768 : vector<64x4xi1>
    %sub3A_770 = arith.constant 1 : i32
    %sub3A_771 = vector.broadcast %sub3A_770 : i32 to vector<64x4xi32>
    %sub3A_772 = arith.subi %div3A_745, %sub3A_771 : vector<64x4xi32>
    %select_n3A_773 = arith.select %and3A_769, %sub3A_772, %div3A_745 : vector<64x4xi1>, vector<64x4xi32>
    %mul3A_774 = arith.constant 2 : i32
    %mul3A_775 = vector.broadcast %mul3A_774 : i32 to vector<64x4xi32>
    %mul3A_776 = arith.muli %mul3A_775, %select_n3A_773 : vector<64x4xi32>
    %jit3A_777 = arith.constant 2 : i32
    %div3A_778 = vector.broadcast %jit3A_777 : i32 to vector<64x4xi32>
    %div3A_779 = arith.divsi %select_n3A_731, %div3A_778 : vector<64x4xi32>
    %sign3A_780 = arith.constant 0 : i32
    %sign3A_781 = vector.broadcast %sign3A_780 : i32 to vector<64x4xi32>
    %sign3A_782 = arith.cmpi sgt, %select_n3A_731, %sign3A_781 : vector<64x4xi32>
    %sign3A_783 = arith.extui %sign3A_782 : vector<64x4xi1> to vector<64x4xi32>
    %sign3A_784 = arith.constant 0 : i32
    %sign3A_785 = vector.broadcast %sign3A_784 : i32 to vector<64x4xi32>
    %sign3A_786 = arith.cmpi slt, %select_n3A_731, %sign3A_785 : vector<64x4xi32>
    %sign3A_787 = arith.extui %sign3A_786 : vector<64x4xi1> to vector<64x4xi32>
    %sign3A_788 = arith.subi %sign3A_783, %sign3A_787 : vector<64x4xi32>
    %sign3A_789 = arith.constant 0 : i32
    %sign3A_790 = arith.cmpi sgt, %jit3A_777, %sign3A_789 : i32
    %sign3A_791 = arith.extui %sign3A_790 : i1 to i32
    %sign3A_792 = arith.constant 0 : i32
    %sign3A_793 = arith.cmpi slt, %jit3A_777, %sign3A_792 : i32
    %sign3A_794 = arith.extui %sign3A_793 : i1 to i32
    %sign3A_795 = arith.subi %sign3A_791, %sign3A_794 : i32
    %ne3A_796 = vector.broadcast %sign3A_795 : i32 to vector<64x4xi32>
    %ne3A_797 = arith.cmpi ne, %sign3A_788, %ne3A_796 : vector<64x4xi32>
    %rem3A_798 = vector.broadcast %jit3A_777 : i32 to vector<64x4xi32>
    %rem3A_799 = arith.remsi %select_n3A_731, %rem3A_798 : vector<64x4xi32>
    %ne3A_800 = arith.constant 0 : i32
    %ne3A_801 = vector.broadcast %ne3A_800 : i32 to vector<64x4xi32>
    %ne3A_802 = arith.cmpi ne, %rem3A_799, %ne3A_801 : vector<64x4xi32>
    %and3A_803 = arith.andi %ne3A_797, %ne3A_802 : vector<64x4xi1>
    %sub3A_804 = arith.constant 1 : i32
    %sub3A_805 = vector.broadcast %sub3A_804 : i32 to vector<64x4xi32>
    %sub3A_806 = arith.subi %div3A_779, %sub3A_805 : vector<64x4xi32>
    %select_n3A_807 = arith.select %and3A_803, %sub3A_806, %div3A_779 : vector<64x4xi1>, vector<64x4xi32>
    %add3A_808 = arith.addi %mul3A_776, %select_n3A_807 : vector<64x4xi32>
    %mul3A_809 = arith.constant 32 : i32
    %mul3A_810 = vector.broadcast %mul3A_809 : i32 to vector<64x4xi32>
    %mul3A_811 = arith.muli %add3A_808, %mul3A_810 : vector<64x4xi32>
    %jit3A_812 = arith.constant 16 : i32
    %eq3A_813 = arith.constant 0 : i32
    %eq3A_814 = arith.cmpi eq, %jit3A_812, %eq3A_813 : i32
    %jit3A_815 = arith.constant 1 : i32
    %select_n3A_816 = arith.select %eq3A_814, %jit3A_815, %jit3A_812 : i32
    %rem3A_817 = vector.broadcast %select_n3A_816 : i32 to vector<64x4xi32>
    %rem3A_818 = arith.remsi %reduce_sum3A_742, %rem3A_817 : vector<64x4xi32>
    %ne3A_819 = arith.constant 0 : i32
    %ne3A_820 = vector.broadcast %ne3A_819 : i32 to vector<64x4xi32>
    %ne3A_821 = arith.cmpi ne, %rem3A_818, %ne3A_820 : vector<64x4xi32>
    %lt3A_822 = arith.constant 0 : i32
    %lt3A_823 = vector.broadcast %lt3A_822 : i32 to vector<64x4xi32>
    %lt3A_824 = arith.cmpi slt, %rem3A_818, %lt3A_823 : vector<64x4xi32>
    %lt3A_825 = arith.constant 0 : i32
    %lt3A_826 = arith.cmpi slt, %select_n3A_816, %lt3A_825 : i32
    %ne3A_827 = vector.broadcast %lt3A_826 : i1 to vector<64x4xi1>
    %ne3A_828 = vector.broadcast %ne3A_827 : vector<64x4xi1> to vector<64x4xi1>
    %ne3A_829 = arith.xori %lt3A_824, %ne3A_828 : vector<64x4xi1>
    %and3A_830 = arith.andi %ne3A_829, %ne3A_821 : vector<64x4xi1>
    %add3A_831 = vector.broadcast %select_n3A_816 : i32 to vector<64x4xi32>
    %add3A_832 = arith.addi %rem3A_818, %add3A_831 : vector<64x4xi32>
    %select_n3A_833 = arith.select %and3A_830, %add3A_832, %rem3A_818 : vector<64x4xi1>, vector<64x4xi32>
    %mul3A_834 = arith.constant 2 : i32
    %mul3A_835 = vector.broadcast %mul3A_834 : i32 to vector<64x4xi32>
    %mul3A_836 = arith.muli %mul3A_835, %select_n3A_833 : vector<64x4xi32>
    %add3A_837 = arith.addi %mul3A_811, %mul3A_836 : vector<64x4xi32>
    %jit3A_838 = arith.constant 2 : i32
    %eq3A_839 = arith.constant 0 : i32
    %eq3A_840 = arith.cmpi eq, %jit3A_838, %eq3A_839 : i32
    %jit3A_841 = arith.constant 1 : i32
    %select_n3A_842 = arith.select %eq3A_840, %jit3A_841, %jit3A_838 : i32
    %rem3A_843 = vector.broadcast %select_n3A_842 : i32 to vector<64x4xi32>
    %rem3A_844 = arith.remsi %select_n3A_731, %rem3A_843 : vector<64x4xi32>
    %ne3A_845 = arith.constant 0 : i32
    %ne3A_846 = vector.broadcast %ne3A_845 : i32 to vector<64x4xi32>
    %ne3A_847 = arith.cmpi ne, %rem3A_844, %ne3A_846 : vector<64x4xi32>
    %lt3A_848 = arith.constant 0 : i32
    %lt3A_849 = vector.broadcast %lt3A_848 : i32 to vector<64x4xi32>
    %lt3A_850 = arith.cmpi slt, %rem3A_844, %lt3A_849 : vector<64x4xi32>
    %lt3A_851 = arith.constant 0 : i32
    %lt3A_852 = arith.cmpi slt, %select_n3A_842, %lt3A_851 : i32
    %ne3A_853 = vector.broadcast %lt3A_852 : i1 to vector<64x4xi1>
    %ne3A_854 = vector.broadcast %ne3A_853 : vector<64x4xi1> to vector<64x4xi1>
    %ne3A_855 = arith.xori %lt3A_850, %ne3A_854 : vector<64x4xi1>
    %and3A_856 = arith.andi %ne3A_855, %ne3A_847 : vector<64x4xi1>
    %add3A_857 = vector.broadcast %select_n3A_842 : i32 to vector<64x4xi32>
    %add3A_858 = arith.addi %rem3A_844, %add3A_857 : vector<64x4xi32>
    %select_n3A_859 = arith.select %and3A_856, %add3A_858, %rem3A_844 : vector<64x4xi1>, vector<64x4xi32>
    %add3A_860 = arith.addi %add3A_837, %select_n3A_859 : vector<64x4xi32>
    %mul3A_861 = arith.constant 1024 : i32
    %mul3A_862 = arith.muli %arg0, %mul3A_861 : i32
    %add3A_863 = vector.broadcast %mul3A_862 : i32 to vector<64x4xi32>
    %add3A_864 = arith.addi %add3A_860, %add3A_863 : vector<64x4xi32>
    %broadcast_in_dim3A_865 = vector.shape_cast %reduce_min3A_678 : vector<64x4xi32> to vector<64x4x1xi32>
    %eq3A_866 = vector.broadcast %broadcast_in_dim3A_865 : vector<64x4x1xi32> to vector<64x4x64xi32>
    %eq3A_867 = arith.cmpi eq, %iota3A, %eq3A_866 : vector<64x4x64xi32>
    %jit3A_868 = arith.constant -1.000000e+30 : f32
    %broadcast_in_dim3A_869 = vector.broadcast %jit3A_868 : f32 to vector<64x4x64xf32>
    %select_n3A_870 = arith.select %eq3A_867, %broadcast_in_dim3A_869, %select_n3A_668 : vector<64x4x64xi1>, vector<64x4x64xf32>
    %reduce_max3A_871 = arith.constant dense<0xFF800000> : vector<64x4xf32>
    %reduce_max3A_872 = vector.multi_reduction <maximumf>, %select_n3A_870, %reduce_max3A_871 [2] : vector<64x4x64xf32> to vector<64x4xf32>
    %broadcast_in_dim3A_873 = vector.shape_cast %reduce_max3A_872 : vector<64x4xf32> to vector<64x4x1xf32>
    %eq3A_874 = vector.broadcast %broadcast_in_dim3A_873 : vector<64x4x1xf32> to vector<64x4x64xf32>
    %eq3A_875 = arith.cmpf oeq, %select_n3A_870, %eq3A_874 : vector<64x4x64xf32>
    %jit3A_876 = arith.constant 128 : i32
    %broadcast_in_dim3A_877 = vector.broadcast %jit3A_876 : i32 to vector<64x4x64xi32>
    %select_n3A_878 = arith.select %eq3A_875, %iota3A, %broadcast_in_dim3A_877 : vector<64x4x64xi1>, vector<64x4x64xi32>
    %reduce_min3A_879 = arith.constant dense<2147483647> : vector<64x4xi32>
    %reduce_min3A_880 = vector.multi_reduction <minsi>, %select_n3A_878, %reduce_min3A_879 [2] : vector<64x4x64xi32> to vector<64x4xi32>
    %jit3A_881 = arith.constant 4 : i32
    %div3A_882 = vector.broadcast %jit3A_881 : i32 to vector<64x4xi32>
    %div3A_883 = arith.divsi %reduce_min3A_880, %div3A_882 : vector<64x4xi32>
    %sign3A_884 = arith.constant 0 : i32
    %sign3A_885 = vector.broadcast %sign3A_884 : i32 to vector<64x4xi32>
    %sign3A_886 = arith.cmpi sgt, %reduce_min3A_880, %sign3A_885 : vector<64x4xi32>
    %sign3A_887 = arith.extui %sign3A_886 : vector<64x4xi1> to vector<64x4xi32>
    %sign3A_888 = arith.constant 0 : i32
    %sign3A_889 = vector.broadcast %sign3A_888 : i32 to vector<64x4xi32>
    %sign3A_890 = arith.cmpi slt, %reduce_min3A_880, %sign3A_889 : vector<64x4xi32>
    %sign3A_891 = arith.extui %sign3A_890 : vector<64x4xi1> to vector<64x4xi32>
    %sign3A_892 = arith.subi %sign3A_887, %sign3A_891 : vector<64x4xi32>
    %sign3A_893 = arith.constant 0 : i32
    %sign3A_894 = arith.cmpi sgt, %jit3A_881, %sign3A_893 : i32
    %sign3A_895 = arith.extui %sign3A_894 : i1 to i32
    %sign3A_896 = arith.constant 0 : i32
    %sign3A_897 = arith.cmpi slt, %jit3A_881, %sign3A_896 : i32
    %sign3A_898 = arith.extui %sign3A_897 : i1 to i32
    %sign3A_899 = arith.subi %sign3A_895, %sign3A_898 : i32
    %ne3A_900 = vector.broadcast %sign3A_899 : i32 to vector<64x4xi32>
    %ne3A_901 = arith.cmpi ne, %sign3A_892, %ne3A_900 : vector<64x4xi32>
    %rem3A_902 = vector.broadcast %jit3A_881 : i32 to vector<64x4xi32>
    %rem3A_903 = arith.remsi %reduce_min3A_880, %rem3A_902 : vector<64x4xi32>
    %ne3A_904 = arith.constant 0 : i32
    %ne3A_905 = vector.broadcast %ne3A_904 : i32 to vector<64x4xi32>
    %ne3A_906 = arith.cmpi ne, %rem3A_903, %ne3A_905 : vector<64x4xi32>
    %and3A_907 = arith.andi %ne3A_901, %ne3A_906 : vector<64x4xi1>
    %sub3A_908 = arith.constant 1 : i32
    %sub3A_909 = vector.broadcast %sub3A_908 : i32 to vector<64x4xi32>
    %sub3A_910 = arith.subi %div3A_883, %sub3A_909 : vector<64x4xi32>
    %select_n3A_911 = arith.select %and3A_907, %sub3A_910, %div3A_883 : vector<64x4xi1>, vector<64x4xi32>
    %jit3A_912 = arith.constant 4 : i32
    %eq3A_913 = arith.constant 0 : i32
    %eq3A_914 = arith.cmpi eq, %jit3A_912, %eq3A_913 : i32
    %jit3A_915 = arith.constant 1 : i32
    %select_n3A_916 = arith.select %eq3A_914, %jit3A_915, %jit3A_912 : i32
    %rem3A_917 = vector.broadcast %select_n3A_916 : i32 to vector<64x4xi32>
    %rem3A_918 = arith.remsi %reduce_min3A_880, %rem3A_917 : vector<64x4xi32>
    %ne3A_919 = arith.constant 0 : i32
    %ne3A_920 = vector.broadcast %ne3A_919 : i32 to vector<64x4xi32>
    %ne3A_921 = arith.cmpi ne, %rem3A_918, %ne3A_920 : vector<64x4xi32>
    %lt3A_922 = arith.constant 0 : i32
    %lt3A_923 = vector.broadcast %lt3A_922 : i32 to vector<64x4xi32>
    %lt3A_924 = arith.cmpi slt, %rem3A_918, %lt3A_923 : vector<64x4xi32>
    %lt3A_925 = arith.constant 0 : i32
    %lt3A_926 = arith.cmpi slt, %select_n3A_916, %lt3A_925 : i32
    %ne3A_927 = vector.broadcast %lt3A_926 : i1 to vector<64x4xi1>
    %ne3A_928 = vector.broadcast %ne3A_927 : vector<64x4xi1> to vector<64x4xi1>
    %ne3A_929 = arith.xori %lt3A_924, %ne3A_928 : vector<64x4xi1>
    %and3A_930 = arith.andi %ne3A_929, %ne3A_921 : vector<64x4xi1>
    %add3A_931 = vector.broadcast %select_n3A_916 : i32 to vector<64x4xi32>
    %add3A_932 = arith.addi %rem3A_918, %add3A_931 : vector<64x4xi32>
    %select_n3A_933 = arith.select %and3A_930, %add3A_932, %rem3A_918 : vector<64x4xi1>, vector<64x4xi32>
    %broadcast_in_dim3A_934 = vector.shape_cast %select_n3A_911 : vector<64x4xi32> to vector<64x4x1xi32>
    %eq3A_935 = vector.broadcast %broadcast_in_dim3A_934 : vector<64x4x1xi32> to vector<64x4x16xi32>
    %eq3A_936 = arith.cmpi eq, %eq3A_935, %iota3A_71 : vector<64x4x16xi32>
    %broadcast_in_dim3A_937 = vector.shape_cast %sub3A_70 : vector<64x16xi32> to vector<64x1x16xi32>
    %jit3A_938 = arith.constant 0 : i32
    %broadcast_in_dim3A_939 = vector.shape_cast %broadcast_in_dim3A_937 : vector<64x1x16xi32> to vector<64x1x16xi32>
    %broadcast_in_dim3A_940 = vector.broadcast %broadcast_in_dim3A_939 : vector<64x1x16xi32> to vector<64x4x16xi32>
    %broadcast_in_dim3A_941 = vector.broadcast %jit3A_938 : i32 to vector<64x4x16xi32>
    %select_n3A_942 = arith.select %eq3A_936, %broadcast_in_dim3A_940, %broadcast_in_dim3A_941 : vector<64x4x16xi1>, vector<64x4x16xi32>
    %reduce_sum3A_943 = arith.constant dense<0> : vector<64x4xi32>
    %reduce_sum3A_944 = vector.multi_reduction <add>, %select_n3A_942, %reduce_sum3A_943 [2] : vector<64x4x16xi32> to vector<64x4xi32>
    %jit3A_945 = arith.constant 16 : i32
    %div3A_946 = vector.broadcast %jit3A_945 : i32 to vector<64x4xi32>
    %div3A_947 = arith.divsi %reduce_sum3A_944, %div3A_946 : vector<64x4xi32>
    %sign3A_948 = arith.constant 0 : i32
    %sign3A_949 = vector.broadcast %sign3A_948 : i32 to vector<64x4xi32>
    %sign3A_950 = arith.cmpi sgt, %reduce_sum3A_944, %sign3A_949 : vector<64x4xi32>
    %sign3A_951 = arith.extui %sign3A_950 : vector<64x4xi1> to vector<64x4xi32>
    %sign3A_952 = arith.constant 0 : i32
    %sign3A_953 = vector.broadcast %sign3A_952 : i32 to vector<64x4xi32>
    %sign3A_954 = arith.cmpi slt, %reduce_sum3A_944, %sign3A_953 : vector<64x4xi32>
    %sign3A_955 = arith.extui %sign3A_954 : vector<64x4xi1> to vector<64x4xi32>
    %sign3A_956 = arith.subi %sign3A_951, %sign3A_955 : vector<64x4xi32>
    %sign3A_957 = arith.constant 0 : i32
    %sign3A_958 = arith.cmpi sgt, %jit3A_945, %sign3A_957 : i32
    %sign3A_959 = arith.extui %sign3A_958 : i1 to i32
    %sign3A_960 = arith.constant 0 : i32
    %sign3A_961 = arith.cmpi slt, %jit3A_945, %sign3A_960 : i32
    %sign3A_962 = arith.extui %sign3A_961 : i1 to i32
    %sign3A_963 = arith.subi %sign3A_959, %sign3A_962 : i32
    %ne3A_964 = vector.broadcast %sign3A_963 : i32 to vector<64x4xi32>
    %ne3A_965 = arith.cmpi ne, %sign3A_956, %ne3A_964 : vector<64x4xi32>
    %rem3A_966 = vector.broadcast %jit3A_945 : i32 to vector<64x4xi32>
    %rem3A_967 = arith.remsi %reduce_sum3A_944, %rem3A_966 : vector<64x4xi32>
    %ne3A_968 = arith.constant 0 : i32
    %ne3A_969 = vector.broadcast %ne3A_968 : i32 to vector<64x4xi32>
    %ne3A_970 = arith.cmpi ne, %rem3A_967, %ne3A_969 : vector<64x4xi32>
    %and3A_971 = arith.andi %ne3A_965, %ne3A_970 : vector<64x4xi1>
    %sub3A_972 = arith.constant 1 : i32
    %sub3A_973 = vector.broadcast %sub3A_972 : i32 to vector<64x4xi32>
    %sub3A_974 = arith.subi %div3A_947, %sub3A_973 : vector<64x4xi32>
    %select_n3A_975 = arith.select %and3A_971, %sub3A_974, %div3A_947 : vector<64x4xi1>, vector<64x4xi32>
    %mul3A_976 = arith.constant 2 : i32
    %mul3A_977 = vector.broadcast %mul3A_976 : i32 to vector<64x4xi32>
    %mul3A_978 = arith.muli %mul3A_977, %select_n3A_975 : vector<64x4xi32>
    %jit3A_979 = arith.constant 2 : i32
    %div3A_980 = vector.broadcast %jit3A_979 : i32 to vector<64x4xi32>
    %div3A_981 = arith.divsi %select_n3A_933, %div3A_980 : vector<64x4xi32>
    %sign3A_982 = arith.constant 0 : i32
    %sign3A_983 = vector.broadcast %sign3A_982 : i32 to vector<64x4xi32>
    %sign3A_984 = arith.cmpi sgt, %select_n3A_933, %sign3A_983 : vector<64x4xi32>
    %sign3A_985 = arith.extui %sign3A_984 : vector<64x4xi1> to vector<64x4xi32>
    %sign3A_986 = arith.constant 0 : i32
    %sign3A_987 = vector.broadcast %sign3A_986 : i32 to vector<64x4xi32>
    %sign3A_988 = arith.cmpi slt, %select_n3A_933, %sign3A_987 : vector<64x4xi32>
    %sign3A_989 = arith.extui %sign3A_988 : vector<64x4xi1> to vector<64x4xi32>
    %sign3A_990 = arith.subi %sign3A_985, %sign3A_989 : vector<64x4xi32>
    %sign3A_991 = arith.constant 0 : i32
    %sign3A_992 = arith.cmpi sgt, %jit3A_979, %sign3A_991 : i32
    %sign3A_993 = arith.extui %sign3A_992 : i1 to i32
    %sign3A_994 = arith.constant 0 : i32
    %sign3A_995 = arith.cmpi slt, %jit3A_979, %sign3A_994 : i32
    %sign3A_996 = arith.extui %sign3A_995 : i1 to i32
    %sign3A_997 = arith.subi %sign3A_993, %sign3A_996 : i32
    %ne3A_998 = vector.broadcast %sign3A_997 : i32 to vector<64x4xi32>
    %ne3A_999 = arith.cmpi ne, %sign3A_990, %ne3A_998 : vector<64x4xi32>
    %rem3A_1000 = vector.broadcast %jit3A_979 : i32 to vector<64x4xi32>
    %rem3A_1001 = arith.remsi %select_n3A_933, %rem3A_1000 : vector<64x4xi32>
    %ne3A_1002 = arith.constant 0 : i32
    %ne3A_1003 = vector.broadcast %ne3A_1002 : i32 to vector<64x4xi32>
    %ne3A_1004 = arith.cmpi ne, %rem3A_1001, %ne3A_1003 : vector<64x4xi32>
    %and3A_1005 = arith.andi %ne3A_999, %ne3A_1004 : vector<64x4xi1>
    %sub3A_1006 = arith.constant 1 : i32
    %sub3A_1007 = vector.broadcast %sub3A_1006 : i32 to vector<64x4xi32>
    %sub3A_1008 = arith.subi %div3A_981, %sub3A_1007 : vector<64x4xi32>
    %select_n3A_1009 = arith.select %and3A_1005, %sub3A_1008, %div3A_981 : vector<64x4xi1>, vector<64x4xi32>
    %add3A_1010 = arith.addi %mul3A_978, %select_n3A_1009 : vector<64x4xi32>
    %mul3A_1011 = arith.constant 32 : i32
    %mul3A_1012 = vector.broadcast %mul3A_1011 : i32 to vector<64x4xi32>
    %mul3A_1013 = arith.muli %add3A_1010, %mul3A_1012 : vector<64x4xi32>
    %jit3A_1014 = arith.constant 16 : i32
    %eq3A_1015 = arith.constant 0 : i32
    %eq3A_1016 = arith.cmpi eq, %jit3A_1014, %eq3A_1015 : i32
    %jit3A_1017 = arith.constant 1 : i32
    %select_n3A_1018 = arith.select %eq3A_1016, %jit3A_1017, %jit3A_1014 : i32
    %rem3A_1019 = vector.broadcast %select_n3A_1018 : i32 to vector<64x4xi32>
    %rem3A_1020 = arith.remsi %reduce_sum3A_944, %rem3A_1019 : vector<64x4xi32>
    %ne3A_1021 = arith.constant 0 : i32
    %ne3A_1022 = vector.broadcast %ne3A_1021 : i32 to vector<64x4xi32>
    %ne3A_1023 = arith.cmpi ne, %rem3A_1020, %ne3A_1022 : vector<64x4xi32>
    %lt3A_1024 = arith.constant 0 : i32
    %lt3A_1025 = vector.broadcast %lt3A_1024 : i32 to vector<64x4xi32>
    %lt3A_1026 = arith.cmpi slt, %rem3A_1020, %lt3A_1025 : vector<64x4xi32>
    %lt3A_1027 = arith.constant 0 : i32
    %lt3A_1028 = arith.cmpi slt, %select_n3A_1018, %lt3A_1027 : i32
    %ne3A_1029 = vector.broadcast %lt3A_1028 : i1 to vector<64x4xi1>
    %ne3A_1030 = vector.broadcast %ne3A_1029 : vector<64x4xi1> to vector<64x4xi1>
    %ne3A_1031 = arith.xori %lt3A_1026, %ne3A_1030 : vector<64x4xi1>
    %and3A_1032 = arith.andi %ne3A_1031, %ne3A_1023 : vector<64x4xi1>
    %add3A_1033 = vector.broadcast %select_n3A_1018 : i32 to vector<64x4xi32>
    %add3A_1034 = arith.addi %rem3A_1020, %add3A_1033 : vector<64x4xi32>
    %select_n3A_1035 = arith.select %and3A_1032, %add3A_1034, %rem3A_1020 : vector<64x4xi1>, vector<64x4xi32>
    %mul3A_1036 = arith.constant 2 : i32
    %mul3A_1037 = vector.broadcast %mul3A_1036 : i32 to vector<64x4xi32>
    %mul3A_1038 = arith.muli %mul3A_1037, %select_n3A_1035 : vector<64x4xi32>
    %add3A_1039 = arith.addi %mul3A_1013, %mul3A_1038 : vector<64x4xi32>
    %jit3A_1040 = arith.constant 2 : i32
    %eq3A_1041 = arith.constant 0 : i32
    %eq3A_1042 = arith.cmpi eq, %jit3A_1040, %eq3A_1041 : i32
    %jit3A_1043 = arith.constant 1 : i32
    %select_n3A_1044 = arith.select %eq3A_1042, %jit3A_1043, %jit3A_1040 : i32
    %rem3A_1045 = vector.broadcast %select_n3A_1044 : i32 to vector<64x4xi32>
    %rem3A_1046 = arith.remsi %select_n3A_933, %rem3A_1045 : vector<64x4xi32>
    %ne3A_1047 = arith.constant 0 : i32
    %ne3A_1048 = vector.broadcast %ne3A_1047 : i32 to vector<64x4xi32>
    %ne3A_1049 = arith.cmpi ne, %rem3A_1046, %ne3A_1048 : vector<64x4xi32>
    %lt3A_1050 = arith.constant 0 : i32
    %lt3A_1051 = vector.broadcast %lt3A_1050 : i32 to vector<64x4xi32>
    %lt3A_1052 = arith.cmpi slt, %rem3A_1046, %lt3A_1051 : vector<64x4xi32>
    %lt3A_1053 = arith.constant 0 : i32
    %lt3A_1054 = arith.cmpi slt, %select_n3A_1044, %lt3A_1053 : i32
    %ne3A_1055 = vector.broadcast %lt3A_1054 : i1 to vector<64x4xi1>
    %ne3A_1056 = vector.broadcast %ne3A_1055 : vector<64x4xi1> to vector<64x4xi1>
    %ne3A_1057 = arith.xori %lt3A_1052, %ne3A_1056 : vector<64x4xi1>
    %and3A_1058 = arith.andi %ne3A_1057, %ne3A_1049 : vector<64x4xi1>
    %add3A_1059 = vector.broadcast %select_n3A_1044 : i32 to vector<64x4xi32>
    %add3A_1060 = arith.addi %rem3A_1046, %add3A_1059 : vector<64x4xi32>
    %select_n3A_1061 = arith.select %and3A_1058, %add3A_1060, %rem3A_1046 : vector<64x4xi1>, vector<64x4xi32>
    %add3A_1062 = arith.addi %add3A_1039, %select_n3A_1061 : vector<64x4xi32>
    %mul3A_1063 = arith.constant 1024 : i32
    %mul3A_1064 = arith.muli %arg0, %mul3A_1063 : i32
    %add3A_1065 = vector.broadcast %mul3A_1064 : i32 to vector<64x4xi32>
    %add3A_1066 = arith.addi %add3A_1062, %add3A_1065 : vector<64x4xi32>
    %broadcast_in_dim3A_1067 = vector.shape_cast %reduce_min3A_880 : vector<64x4xi32> to vector<64x4x1xi32>
    %eq3A_1068 = vector.broadcast %broadcast_in_dim3A_1067 : vector<64x4x1xi32> to vector<64x4x64xi32>
    %eq3A_1069 = arith.cmpi eq, %iota3A, %eq3A_1068 : vector<64x4x64xi32>
    %jit3A_1070 = arith.constant -1.000000e+30 : f32
    %broadcast_in_dim3A_1071 = vector.broadcast %jit3A_1070 : f32 to vector<64x4x64xf32>
    %select_n3A_1072 = arith.select %eq3A_1069, %broadcast_in_dim3A_1071, %select_n3A_870 : vector<64x4x64xi1>, vector<64x4x64xf32>
    %reduce_max3A_1073 = arith.constant dense<0xFF800000> : vector<64x4xf32>
    %reduce_max3A_1074 = vector.multi_reduction <maximumf>, %select_n3A_1072, %reduce_max3A_1073 [2] : vector<64x4x64xf32> to vector<64x4xf32>
    %broadcast_in_dim3A_1075 = vector.shape_cast %reduce_max3A_1074 : vector<64x4xf32> to vector<64x4x1xf32>
    %eq3A_1076 = vector.broadcast %broadcast_in_dim3A_1075 : vector<64x4x1xf32> to vector<64x4x64xf32>
    %eq3A_1077 = arith.cmpf oeq, %select_n3A_1072, %eq3A_1076 : vector<64x4x64xf32>
    %jit3A_1078 = arith.constant 128 : i32
    %broadcast_in_dim3A_1079 = vector.broadcast %jit3A_1078 : i32 to vector<64x4x64xi32>
    %select_n3A_1080 = arith.select %eq3A_1077, %iota3A, %broadcast_in_dim3A_1079 : vector<64x4x64xi1>, vector<64x4x64xi32>
    %reduce_min3A_1081 = arith.constant dense<2147483647> : vector<64x4xi32>
    %reduce_min3A_1082 = vector.multi_reduction <minsi>, %select_n3A_1080, %reduce_min3A_1081 [2] : vector<64x4x64xi32> to vector<64x4xi32>
    %jit3A_1083 = arith.constant 4 : i32
    %div3A_1084 = vector.broadcast %jit3A_1083 : i32 to vector<64x4xi32>
    %div3A_1085 = arith.divsi %reduce_min3A_1082, %div3A_1084 : vector<64x4xi32>
    %sign3A_1086 = arith.constant 0 : i32
    %sign3A_1087 = vector.broadcast %sign3A_1086 : i32 to vector<64x4xi32>
    %sign3A_1088 = arith.cmpi sgt, %reduce_min3A_1082, %sign3A_1087 : vector<64x4xi32>
    %sign3A_1089 = arith.extui %sign3A_1088 : vector<64x4xi1> to vector<64x4xi32>
    %sign3A_1090 = arith.constant 0 : i32
    %sign3A_1091 = vector.broadcast %sign3A_1090 : i32 to vector<64x4xi32>
    %sign3A_1092 = arith.cmpi slt, %reduce_min3A_1082, %sign3A_1091 : vector<64x4xi32>
    %sign3A_1093 = arith.extui %sign3A_1092 : vector<64x4xi1> to vector<64x4xi32>
    %sign3A_1094 = arith.subi %sign3A_1089, %sign3A_1093 : vector<64x4xi32>
    %sign3A_1095 = arith.constant 0 : i32
    %sign3A_1096 = arith.cmpi sgt, %jit3A_1083, %sign3A_1095 : i32
    %sign3A_1097 = arith.extui %sign3A_1096 : i1 to i32
    %sign3A_1098 = arith.constant 0 : i32
    %sign3A_1099 = arith.cmpi slt, %jit3A_1083, %sign3A_1098 : i32
    %sign3A_1100 = arith.extui %sign3A_1099 : i1 to i32
    %sign3A_1101 = arith.subi %sign3A_1097, %sign3A_1100 : i32
    %ne3A_1102 = vector.broadcast %sign3A_1101 : i32 to vector<64x4xi32>
    %ne3A_1103 = arith.cmpi ne, %sign3A_1094, %ne3A_1102 : vector<64x4xi32>
    %rem3A_1104 = vector.broadcast %jit3A_1083 : i32 to vector<64x4xi32>
    %rem3A_1105 = arith.remsi %reduce_min3A_1082, %rem3A_1104 : vector<64x4xi32>
    %ne3A_1106 = arith.constant 0 : i32
    %ne3A_1107 = vector.broadcast %ne3A_1106 : i32 to vector<64x4xi32>
    %ne3A_1108 = arith.cmpi ne, %rem3A_1105, %ne3A_1107 : vector<64x4xi32>
    %and3A_1109 = arith.andi %ne3A_1103, %ne3A_1108 : vector<64x4xi1>
    %sub3A_1110 = arith.constant 1 : i32
    %sub3A_1111 = vector.broadcast %sub3A_1110 : i32 to vector<64x4xi32>
    %sub3A_1112 = arith.subi %div3A_1085, %sub3A_1111 : vector<64x4xi32>
    %select_n3A_1113 = arith.select %and3A_1109, %sub3A_1112, %div3A_1085 : vector<64x4xi1>, vector<64x4xi32>
    %jit3A_1114 = arith.constant 4 : i32
    %eq3A_1115 = arith.constant 0 : i32
    %eq3A_1116 = arith.cmpi eq, %jit3A_1114, %eq3A_1115 : i32
    %jit3A_1117 = arith.constant 1 : i32
    %select_n3A_1118 = arith.select %eq3A_1116, %jit3A_1117, %jit3A_1114 : i32
    %rem3A_1119 = vector.broadcast %select_n3A_1118 : i32 to vector<64x4xi32>
    %rem3A_1120 = arith.remsi %reduce_min3A_1082, %rem3A_1119 : vector<64x4xi32>
    %ne3A_1121 = arith.constant 0 : i32
    %ne3A_1122 = vector.broadcast %ne3A_1121 : i32 to vector<64x4xi32>
    %ne3A_1123 = arith.cmpi ne, %rem3A_1120, %ne3A_1122 : vector<64x4xi32>
    %lt3A_1124 = arith.constant 0 : i32
    %lt3A_1125 = vector.broadcast %lt3A_1124 : i32 to vector<64x4xi32>
    %lt3A_1126 = arith.cmpi slt, %rem3A_1120, %lt3A_1125 : vector<64x4xi32>
    %lt3A_1127 = arith.constant 0 : i32
    %lt3A_1128 = arith.cmpi slt, %select_n3A_1118, %lt3A_1127 : i32
    %ne3A_1129 = vector.broadcast %lt3A_1128 : i1 to vector<64x4xi1>
    %ne3A_1130 = vector.broadcast %ne3A_1129 : vector<64x4xi1> to vector<64x4xi1>
    %ne3A_1131 = arith.xori %lt3A_1126, %ne3A_1130 : vector<64x4xi1>
    %and3A_1132 = arith.andi %ne3A_1131, %ne3A_1123 : vector<64x4xi1>
    %add3A_1133 = vector.broadcast %select_n3A_1118 : i32 to vector<64x4xi32>
    %add3A_1134 = arith.addi %rem3A_1120, %add3A_1133 : vector<64x4xi32>
    %select_n3A_1135 = arith.select %and3A_1132, %add3A_1134, %rem3A_1120 : vector<64x4xi1>, vector<64x4xi32>
    %broadcast_in_dim3A_1136 = vector.shape_cast %select_n3A_1113 : vector<64x4xi32> to vector<64x4x1xi32>
    %eq3A_1137 = vector.broadcast %broadcast_in_dim3A_1136 : vector<64x4x1xi32> to vector<64x4x16xi32>
    %eq3A_1138 = arith.cmpi eq, %eq3A_1137, %iota3A_71 : vector<64x4x16xi32>
    %broadcast_in_dim3A_1139 = vector.shape_cast %sub3A_70 : vector<64x16xi32> to vector<64x1x16xi32>
    %jit3A_1140 = arith.constant 0 : i32
    %broadcast_in_dim3A_1141 = vector.shape_cast %broadcast_in_dim3A_1139 : vector<64x1x16xi32> to vector<64x1x16xi32>
    %broadcast_in_dim3A_1142 = vector.broadcast %broadcast_in_dim3A_1141 : vector<64x1x16xi32> to vector<64x4x16xi32>
    %broadcast_in_dim3A_1143 = vector.broadcast %jit3A_1140 : i32 to vector<64x4x16xi32>
    %select_n3A_1144 = arith.select %eq3A_1138, %broadcast_in_dim3A_1142, %broadcast_in_dim3A_1143 : vector<64x4x16xi1>, vector<64x4x16xi32>
    %reduce_sum3A_1145 = arith.constant dense<0> : vector<64x4xi32>
    %reduce_sum3A_1146 = vector.multi_reduction <add>, %select_n3A_1144, %reduce_sum3A_1145 [2] : vector<64x4x16xi32> to vector<64x4xi32>
    %jit3A_1147 = arith.constant 16 : i32
    %div3A_1148 = vector.broadcast %jit3A_1147 : i32 to vector<64x4xi32>
    %div3A_1149 = arith.divsi %reduce_sum3A_1146, %div3A_1148 : vector<64x4xi32>
    %sign3A_1150 = arith.constant 0 : i32
    %sign3A_1151 = vector.broadcast %sign3A_1150 : i32 to vector<64x4xi32>
    %sign3A_1152 = arith.cmpi sgt, %reduce_sum3A_1146, %sign3A_1151 : vector<64x4xi32>
    %sign3A_1153 = arith.extui %sign3A_1152 : vector<64x4xi1> to vector<64x4xi32>
    %sign3A_1154 = arith.constant 0 : i32
    %sign3A_1155 = vector.broadcast %sign3A_1154 : i32 to vector<64x4xi32>
    %sign3A_1156 = arith.cmpi slt, %reduce_sum3A_1146, %sign3A_1155 : vector<64x4xi32>
    %sign3A_1157 = arith.extui %sign3A_1156 : vector<64x4xi1> to vector<64x4xi32>
    %sign3A_1158 = arith.subi %sign3A_1153, %sign3A_1157 : vector<64x4xi32>
    %sign3A_1159 = arith.constant 0 : i32
    %sign3A_1160 = arith.cmpi sgt, %jit3A_1147, %sign3A_1159 : i32
    %sign3A_1161 = arith.extui %sign3A_1160 : i1 to i32
    %sign3A_1162 = arith.constant 0 : i32
    %sign3A_1163 = arith.cmpi slt, %jit3A_1147, %sign3A_1162 : i32
    %sign3A_1164 = arith.extui %sign3A_1163 : i1 to i32
    %sign3A_1165 = arith.subi %sign3A_1161, %sign3A_1164 : i32
    %ne3A_1166 = vector.broadcast %sign3A_1165 : i32 to vector<64x4xi32>
    %ne3A_1167 = arith.cmpi ne, %sign3A_1158, %ne3A_1166 : vector<64x4xi32>
    %rem3A_1168 = vector.broadcast %jit3A_1147 : i32 to vector<64x4xi32>
    %rem3A_1169 = arith.remsi %reduce_sum3A_1146, %rem3A_1168 : vector<64x4xi32>
    %ne3A_1170 = arith.constant 0 : i32
    %ne3A_1171 = vector.broadcast %ne3A_1170 : i32 to vector<64x4xi32>
    %ne3A_1172 = arith.cmpi ne, %rem3A_1169, %ne3A_1171 : vector<64x4xi32>
    %and3A_1173 = arith.andi %ne3A_1167, %ne3A_1172 : vector<64x4xi1>
    %sub3A_1174 = arith.constant 1 : i32
    %sub3A_1175 = vector.broadcast %sub3A_1174 : i32 to vector<64x4xi32>
    %sub3A_1176 = arith.subi %div3A_1149, %sub3A_1175 : vector<64x4xi32>
    %select_n3A_1177 = arith.select %and3A_1173, %sub3A_1176, %div3A_1149 : vector<64x4xi1>, vector<64x4xi32>
    %mul3A_1178 = arith.constant 2 : i32
    %mul3A_1179 = vector.broadcast %mul3A_1178 : i32 to vector<64x4xi32>
    %mul3A_1180 = arith.muli %mul3A_1179, %select_n3A_1177 : vector<64x4xi32>
    %jit3A_1181 = arith.constant 2 : i32
    %div3A_1182 = vector.broadcast %jit3A_1181 : i32 to vector<64x4xi32>
    %div3A_1183 = arith.divsi %select_n3A_1135, %div3A_1182 : vector<64x4xi32>
    %sign3A_1184 = arith.constant 0 : i32
    %sign3A_1185 = vector.broadcast %sign3A_1184 : i32 to vector<64x4xi32>
    %sign3A_1186 = arith.cmpi sgt, %select_n3A_1135, %sign3A_1185 : vector<64x4xi32>
    %sign3A_1187 = arith.extui %sign3A_1186 : vector<64x4xi1> to vector<64x4xi32>
    %sign3A_1188 = arith.constant 0 : i32
    %sign3A_1189 = vector.broadcast %sign3A_1188 : i32 to vector<64x4xi32>
    %sign3A_1190 = arith.cmpi slt, %select_n3A_1135, %sign3A_1189 : vector<64x4xi32>
    %sign3A_1191 = arith.extui %sign3A_1190 : vector<64x4xi1> to vector<64x4xi32>
    %sign3A_1192 = arith.subi %sign3A_1187, %sign3A_1191 : vector<64x4xi32>
    %sign3A_1193 = arith.constant 0 : i32
    %sign3A_1194 = arith.cmpi sgt, %jit3A_1181, %sign3A_1193 : i32
    %sign3A_1195 = arith.extui %sign3A_1194 : i1 to i32
    %sign3A_1196 = arith.constant 0 : i32
    %sign3A_1197 = arith.cmpi slt, %jit3A_1181, %sign3A_1196 : i32
    %sign3A_1198 = arith.extui %sign3A_1197 : i1 to i32
    %sign3A_1199 = arith.subi %sign3A_1195, %sign3A_1198 : i32
    %ne3A_1200 = vector.broadcast %sign3A_1199 : i32 to vector<64x4xi32>
    %ne3A_1201 = arith.cmpi ne, %sign3A_1192, %ne3A_1200 : vector<64x4xi32>
    %rem3A_1202 = vector.broadcast %jit3A_1181 : i32 to vector<64x4xi32>
    %rem3A_1203 = arith.remsi %select_n3A_1135, %rem3A_1202 : vector<64x4xi32>
    %ne3A_1204 = arith.constant 0 : i32
    %ne3A_1205 = vector.broadcast %ne3A_1204 : i32 to vector<64x4xi32>
    %ne3A_1206 = arith.cmpi ne, %rem3A_1203, %ne3A_1205 : vector<64x4xi32>
    %and3A_1207 = arith.andi %ne3A_1201, %ne3A_1206 : vector<64x4xi1>
    %sub3A_1208 = arith.constant 1 : i32
    %sub3A_1209 = vector.broadcast %sub3A_1208 : i32 to vector<64x4xi32>
    %sub3A_1210 = arith.subi %div3A_1183, %sub3A_1209 : vector<64x4xi32>
    %select_n3A_1211 = arith.select %and3A_1207, %sub3A_1210, %div3A_1183 : vector<64x4xi1>, vector<64x4xi32>
    %add3A_1212 = arith.addi %mul3A_1180, %select_n3A_1211 : vector<64x4xi32>
    %mul3A_1213 = arith.constant 32 : i32
    %mul3A_1214 = vector.broadcast %mul3A_1213 : i32 to vector<64x4xi32>
    %mul3A_1215 = arith.muli %add3A_1212, %mul3A_1214 : vector<64x4xi32>
    %jit3A_1216 = arith.constant 16 : i32
    %eq3A_1217 = arith.constant 0 : i32
    %eq3A_1218 = arith.cmpi eq, %jit3A_1216, %eq3A_1217 : i32
    %jit3A_1219 = arith.constant 1 : i32
    %select_n3A_1220 = arith.select %eq3A_1218, %jit3A_1219, %jit3A_1216 : i32
    %rem3A_1221 = vector.broadcast %select_n3A_1220 : i32 to vector<64x4xi32>
    %rem3A_1222 = arith.remsi %reduce_sum3A_1146, %rem3A_1221 : vector<64x4xi32>
    %ne3A_1223 = arith.constant 0 : i32
    %ne3A_1224 = vector.broadcast %ne3A_1223 : i32 to vector<64x4xi32>
    %ne3A_1225 = arith.cmpi ne, %rem3A_1222, %ne3A_1224 : vector<64x4xi32>
    %lt3A_1226 = arith.constant 0 : i32
    %lt3A_1227 = vector.broadcast %lt3A_1226 : i32 to vector<64x4xi32>
    %lt3A_1228 = arith.cmpi slt, %rem3A_1222, %lt3A_1227 : vector<64x4xi32>
    %lt3A_1229 = arith.constant 0 : i32
    %lt3A_1230 = arith.cmpi slt, %select_n3A_1220, %lt3A_1229 : i32
    %ne3A_1231 = vector.broadcast %lt3A_1230 : i1 to vector<64x4xi1>
    %ne3A_1232 = vector.broadcast %ne3A_1231 : vector<64x4xi1> to vector<64x4xi1>
    %ne3A_1233 = arith.xori %lt3A_1228, %ne3A_1232 : vector<64x4xi1>
    %and3A_1234 = arith.andi %ne3A_1233, %ne3A_1225 : vector<64x4xi1>
    %add3A_1235 = vector.broadcast %select_n3A_1220 : i32 to vector<64x4xi32>
    %add3A_1236 = arith.addi %rem3A_1222, %add3A_1235 : vector<64x4xi32>
    %select_n3A_1237 = arith.select %and3A_1234, %add3A_1236, %rem3A_1222 : vector<64x4xi1>, vector<64x4xi32>
    %mul3A_1238 = arith.constant 2 : i32
    %mul3A_1239 = vector.broadcast %mul3A_1238 : i32 to vector<64x4xi32>
    %mul3A_1240 = arith.muli %mul3A_1239, %select_n3A_1237 : vector<64x4xi32>
    %add3A_1241 = arith.addi %mul3A_1215, %mul3A_1240 : vector<64x4xi32>
    %jit3A_1242 = arith.constant 2 : i32
    %eq3A_1243 = arith.constant 0 : i32
    %eq3A_1244 = arith.cmpi eq, %jit3A_1242, %eq3A_1243 : i32
    %jit3A_1245 = arith.constant 1 : i32
    %select_n3A_1246 = arith.select %eq3A_1244, %jit3A_1245, %jit3A_1242 : i32
    %rem3A_1247 = vector.broadcast %select_n3A_1246 : i32 to vector<64x4xi32>
    %rem3A_1248 = arith.remsi %select_n3A_1135, %rem3A_1247 : vector<64x4xi32>
    %ne3A_1249 = arith.constant 0 : i32
    %ne3A_1250 = vector.broadcast %ne3A_1249 : i32 to vector<64x4xi32>
    %ne3A_1251 = arith.cmpi ne, %rem3A_1248, %ne3A_1250 : vector<64x4xi32>
    %lt3A_1252 = arith.constant 0 : i32
    %lt3A_1253 = vector.broadcast %lt3A_1252 : i32 to vector<64x4xi32>
    %lt3A_1254 = arith.cmpi slt, %rem3A_1248, %lt3A_1253 : vector<64x4xi32>
    %lt3A_1255 = arith.constant 0 : i32
    %lt3A_1256 = arith.cmpi slt, %select_n3A_1246, %lt3A_1255 : i32
    %ne3A_1257 = vector.broadcast %lt3A_1256 : i1 to vector<64x4xi1>
    %ne3A_1258 = vector.broadcast %ne3A_1257 : vector<64x4xi1> to vector<64x4xi1>
    %ne3A_1259 = arith.xori %lt3A_1254, %ne3A_1258 : vector<64x4xi1>
    %and3A_1260 = arith.andi %ne3A_1259, %ne3A_1251 : vector<64x4xi1>
    %add3A_1261 = vector.broadcast %select_n3A_1246 : i32 to vector<64x4xi32>
    %add3A_1262 = arith.addi %rem3A_1248, %add3A_1261 : vector<64x4xi32>
    %select_n3A_1263 = arith.select %and3A_1260, %add3A_1262, %rem3A_1248 : vector<64x4xi1>, vector<64x4xi32>
    %add3A_1264 = arith.addi %add3A_1241, %select_n3A_1263 : vector<64x4xi32>
    %mul3A_1265 = arith.constant 1024 : i32
    %mul3A_1266 = arith.muli %arg0, %mul3A_1265 : i32
    %add3A_1267 = vector.broadcast %mul3A_1266 : i32 to vector<64x4xi32>
    %add3A_1268 = arith.addi %add3A_1264, %add3A_1267 : vector<64x4xi32>
    %broadcast_in_dim3A_1269 = vector.shape_cast %reduce_min3A_1082 : vector<64x4xi32> to vector<64x4x1xi32>
    %eq3A_1270 = vector.broadcast %broadcast_in_dim3A_1269 : vector<64x4x1xi32> to vector<64x4x64xi32>
    %eq3A_1271 = arith.cmpi eq, %iota3A, %eq3A_1270 : vector<64x4x64xi32>
    %jit3A_1272 = arith.constant -1.000000e+30 : f32
    %broadcast_in_dim3A_1273 = vector.broadcast %jit3A_1272 : f32 to vector<64x4x64xf32>
    %select_n3A_1274 = arith.select %eq3A_1271, %broadcast_in_dim3A_1273, %select_n3A_1072 : vector<64x4x64xi1>, vector<64x4x64xf32>
    %reduce_max3A_1275 = arith.constant dense<0xFF800000> : vector<64x4xf32>
    %reduce_max3A_1276 = vector.multi_reduction <maximumf>, %select_n3A_1274, %reduce_max3A_1275 [2] : vector<64x4x64xf32> to vector<64x4xf32>
    %broadcast_in_dim3A_1277 = vector.shape_cast %reduce_max3A_1276 : vector<64x4xf32> to vector<64x4x1xf32>
    %eq3A_1278 = vector.broadcast %broadcast_in_dim3A_1277 : vector<64x4x1xf32> to vector<64x4x64xf32>
    %eq3A_1279 = arith.cmpf oeq, %select_n3A_1274, %eq3A_1278 : vector<64x4x64xf32>
    %jit3A_1280 = arith.constant 128 : i32
    %broadcast_in_dim3A_1281 = vector.broadcast %jit3A_1280 : i32 to vector<64x4x64xi32>
    %select_n3A_1282 = arith.select %eq3A_1279, %iota3A, %broadcast_in_dim3A_1281 : vector<64x4x64xi1>, vector<64x4x64xi32>
    %reduce_min3A_1283 = arith.constant dense<2147483647> : vector<64x4xi32>
    %reduce_min3A_1284 = vector.multi_reduction <minsi>, %select_n3A_1282, %reduce_min3A_1283 [2] : vector<64x4x64xi32> to vector<64x4xi32>
    %jit3A_1285 = arith.constant 4 : i32
    %div3A_1286 = vector.broadcast %jit3A_1285 : i32 to vector<64x4xi32>
    %div3A_1287 = arith.divsi %reduce_min3A_1284, %div3A_1286 : vector<64x4xi32>
    %sign3A_1288 = arith.constant 0 : i32
    %sign3A_1289 = vector.broadcast %sign3A_1288 : i32 to vector<64x4xi32>
    %sign3A_1290 = arith.cmpi sgt, %reduce_min3A_1284, %sign3A_1289 : vector<64x4xi32>
    %sign3A_1291 = arith.extui %sign3A_1290 : vector<64x4xi1> to vector<64x4xi32>
    %sign3A_1292 = arith.constant 0 : i32
    %sign3A_1293 = vector.broadcast %sign3A_1292 : i32 to vector<64x4xi32>
    %sign3A_1294 = arith.cmpi slt, %reduce_min3A_1284, %sign3A_1293 : vector<64x4xi32>
    %sign3A_1295 = arith.extui %sign3A_1294 : vector<64x4xi1> to vector<64x4xi32>
    %sign3A_1296 = arith.subi %sign3A_1291, %sign3A_1295 : vector<64x4xi32>
    %sign3A_1297 = arith.constant 0 : i32
    %sign3A_1298 = arith.cmpi sgt, %jit3A_1285, %sign3A_1297 : i32
    %sign3A_1299 = arith.extui %sign3A_1298 : i1 to i32
    %sign3A_1300 = arith.constant 0 : i32
    %sign3A_1301 = arith.cmpi slt, %jit3A_1285, %sign3A_1300 : i32
    %sign3A_1302 = arith.extui %sign3A_1301 : i1 to i32
    %sign3A_1303 = arith.subi %sign3A_1299, %sign3A_1302 : i32
    %ne3A_1304 = vector.broadcast %sign3A_1303 : i32 to vector<64x4xi32>
    %ne3A_1305 = arith.cmpi ne, %sign3A_1296, %ne3A_1304 : vector<64x4xi32>
    %rem3A_1306 = vector.broadcast %jit3A_1285 : i32 to vector<64x4xi32>
    %rem3A_1307 = arith.remsi %reduce_min3A_1284, %rem3A_1306 : vector<64x4xi32>
    %ne3A_1308 = arith.constant 0 : i32
    %ne3A_1309 = vector.broadcast %ne3A_1308 : i32 to vector<64x4xi32>
    %ne3A_1310 = arith.cmpi ne, %rem3A_1307, %ne3A_1309 : vector<64x4xi32>
    %and3A_1311 = arith.andi %ne3A_1305, %ne3A_1310 : vector<64x4xi1>
    %sub3A_1312 = arith.constant 1 : i32
    %sub3A_1313 = vector.broadcast %sub3A_1312 : i32 to vector<64x4xi32>
    %sub3A_1314 = arith.subi %div3A_1287, %sub3A_1313 : vector<64x4xi32>
    %select_n3A_1315 = arith.select %and3A_1311, %sub3A_1314, %div3A_1287 : vector<64x4xi1>, vector<64x4xi32>
    %jit3A_1316 = arith.constant 4 : i32
    %eq3A_1317 = arith.constant 0 : i32
    %eq3A_1318 = arith.cmpi eq, %jit3A_1316, %eq3A_1317 : i32
    %jit3A_1319 = arith.constant 1 : i32
    %select_n3A_1320 = arith.select %eq3A_1318, %jit3A_1319, %jit3A_1316 : i32
    %rem3A_1321 = vector.broadcast %select_n3A_1320 : i32 to vector<64x4xi32>
    %rem3A_1322 = arith.remsi %reduce_min3A_1284, %rem3A_1321 : vector<64x4xi32>
    %ne3A_1323 = arith.constant 0 : i32
    %ne3A_1324 = vector.broadcast %ne3A_1323 : i32 to vector<64x4xi32>
    %ne3A_1325 = arith.cmpi ne, %rem3A_1322, %ne3A_1324 : vector<64x4xi32>
    %lt3A_1326 = arith.constant 0 : i32
    %lt3A_1327 = vector.broadcast %lt3A_1326 : i32 to vector<64x4xi32>
    %lt3A_1328 = arith.cmpi slt, %rem3A_1322, %lt3A_1327 : vector<64x4xi32>
    %lt3A_1329 = arith.constant 0 : i32
    %lt3A_1330 = arith.cmpi slt, %select_n3A_1320, %lt3A_1329 : i32
    %ne3A_1331 = vector.broadcast %lt3A_1330 : i1 to vector<64x4xi1>
    %ne3A_1332 = vector.broadcast %ne3A_1331 : vector<64x4xi1> to vector<64x4xi1>
    %ne3A_1333 = arith.xori %lt3A_1328, %ne3A_1332 : vector<64x4xi1>
    %and3A_1334 = arith.andi %ne3A_1333, %ne3A_1325 : vector<64x4xi1>
    %add3A_1335 = vector.broadcast %select_n3A_1320 : i32 to vector<64x4xi32>
    %add3A_1336 = arith.addi %rem3A_1322, %add3A_1335 : vector<64x4xi32>
    %select_n3A_1337 = arith.select %and3A_1334, %add3A_1336, %rem3A_1322 : vector<64x4xi1>, vector<64x4xi32>
    %broadcast_in_dim3A_1338 = vector.shape_cast %select_n3A_1315 : vector<64x4xi32> to vector<64x4x1xi32>
    %eq3A_1339 = vector.broadcast %broadcast_in_dim3A_1338 : vector<64x4x1xi32> to vector<64x4x16xi32>
    %eq3A_1340 = arith.cmpi eq, %eq3A_1339, %iota3A_71 : vector<64x4x16xi32>
    %broadcast_in_dim3A_1341 = vector.shape_cast %sub3A_70 : vector<64x16xi32> to vector<64x1x16xi32>
    %jit3A_1342 = arith.constant 0 : i32
    %broadcast_in_dim3A_1343 = vector.shape_cast %broadcast_in_dim3A_1341 : vector<64x1x16xi32> to vector<64x1x16xi32>
    %broadcast_in_dim3A_1344 = vector.broadcast %broadcast_in_dim3A_1343 : vector<64x1x16xi32> to vector<64x4x16xi32>
    %broadcast_in_dim3A_1345 = vector.broadcast %jit3A_1342 : i32 to vector<64x4x16xi32>
    %select_n3A_1346 = arith.select %eq3A_1340, %broadcast_in_dim3A_1344, %broadcast_in_dim3A_1345 : vector<64x4x16xi1>, vector<64x4x16xi32>
    %reduce_sum3A_1347 = arith.constant dense<0> : vector<64x4xi32>
    %reduce_sum3A_1348 = vector.multi_reduction <add>, %select_n3A_1346, %reduce_sum3A_1347 [2] : vector<64x4x16xi32> to vector<64x4xi32>
    %jit3A_1349 = arith.constant 16 : i32
    %div3A_1350 = vector.broadcast %jit3A_1349 : i32 to vector<64x4xi32>
    %div3A_1351 = arith.divsi %reduce_sum3A_1348, %div3A_1350 : vector<64x4xi32>
    %sign3A_1352 = arith.constant 0 : i32
    %sign3A_1353 = vector.broadcast %sign3A_1352 : i32 to vector<64x4xi32>
    %sign3A_1354 = arith.cmpi sgt, %reduce_sum3A_1348, %sign3A_1353 : vector<64x4xi32>
    %sign3A_1355 = arith.extui %sign3A_1354 : vector<64x4xi1> to vector<64x4xi32>
    %sign3A_1356 = arith.constant 0 : i32
    %sign3A_1357 = vector.broadcast %sign3A_1356 : i32 to vector<64x4xi32>
    %sign3A_1358 = arith.cmpi slt, %reduce_sum3A_1348, %sign3A_1357 : vector<64x4xi32>
    %sign3A_1359 = arith.extui %sign3A_1358 : vector<64x4xi1> to vector<64x4xi32>
    %sign3A_1360 = arith.subi %sign3A_1355, %sign3A_1359 : vector<64x4xi32>
    %sign3A_1361 = arith.constant 0 : i32
    %sign3A_1362 = arith.cmpi sgt, %jit3A_1349, %sign3A_1361 : i32
    %sign3A_1363 = arith.extui %sign3A_1362 : i1 to i32
    %sign3A_1364 = arith.constant 0 : i32
    %sign3A_1365 = arith.cmpi slt, %jit3A_1349, %sign3A_1364 : i32
    %sign3A_1366 = arith.extui %sign3A_1365 : i1 to i32
    %sign3A_1367 = arith.subi %sign3A_1363, %sign3A_1366 : i32
    %ne3A_1368 = vector.broadcast %sign3A_1367 : i32 to vector<64x4xi32>
    %ne3A_1369 = arith.cmpi ne, %sign3A_1360, %ne3A_1368 : vector<64x4xi32>
    %rem3A_1370 = vector.broadcast %jit3A_1349 : i32 to vector<64x4xi32>
    %rem3A_1371 = arith.remsi %reduce_sum3A_1348, %rem3A_1370 : vector<64x4xi32>
    %ne3A_1372 = arith.constant 0 : i32
    %ne3A_1373 = vector.broadcast %ne3A_1372 : i32 to vector<64x4xi32>
    %ne3A_1374 = arith.cmpi ne, %rem3A_1371, %ne3A_1373 : vector<64x4xi32>
    %and3A_1375 = arith.andi %ne3A_1369, %ne3A_1374 : vector<64x4xi1>
    %sub3A_1376 = arith.constant 1 : i32
    %sub3A_1377 = vector.broadcast %sub3A_1376 : i32 to vector<64x4xi32>
    %sub3A_1378 = arith.subi %div3A_1351, %sub3A_1377 : vector<64x4xi32>
    %select_n3A_1379 = arith.select %and3A_1375, %sub3A_1378, %div3A_1351 : vector<64x4xi1>, vector<64x4xi32>
    %mul3A_1380 = arith.constant 2 : i32
    %mul3A_1381 = vector.broadcast %mul3A_1380 : i32 to vector<64x4xi32>
    %mul3A_1382 = arith.muli %mul3A_1381, %select_n3A_1379 : vector<64x4xi32>
    %jit3A_1383 = arith.constant 2 : i32
    %div3A_1384 = vector.broadcast %jit3A_1383 : i32 to vector<64x4xi32>
    %div3A_1385 = arith.divsi %select_n3A_1337, %div3A_1384 : vector<64x4xi32>
    %sign3A_1386 = arith.constant 0 : i32
    %sign3A_1387 = vector.broadcast %sign3A_1386 : i32 to vector<64x4xi32>
    %sign3A_1388 = arith.cmpi sgt, %select_n3A_1337, %sign3A_1387 : vector<64x4xi32>
    %sign3A_1389 = arith.extui %sign3A_1388 : vector<64x4xi1> to vector<64x4xi32>
    %sign3A_1390 = arith.constant 0 : i32
    %sign3A_1391 = vector.broadcast %sign3A_1390 : i32 to vector<64x4xi32>
    %sign3A_1392 = arith.cmpi slt, %select_n3A_1337, %sign3A_1391 : vector<64x4xi32>
    %sign3A_1393 = arith.extui %sign3A_1392 : vector<64x4xi1> to vector<64x4xi32>
    %sign3A_1394 = arith.subi %sign3A_1389, %sign3A_1393 : vector<64x4xi32>
    %sign3A_1395 = arith.constant 0 : i32
    %sign3A_1396 = arith.cmpi sgt, %jit3A_1383, %sign3A_1395 : i32
    %sign3A_1397 = arith.extui %sign3A_1396 : i1 to i32
    %sign3A_1398 = arith.constant 0 : i32
    %sign3A_1399 = arith.cmpi slt, %jit3A_1383, %sign3A_1398 : i32
    %sign3A_1400 = arith.extui %sign3A_1399 : i1 to i32
    %sign3A_1401 = arith.subi %sign3A_1397, %sign3A_1400 : i32
    %ne3A_1402 = vector.broadcast %sign3A_1401 : i32 to vector<64x4xi32>
    %ne3A_1403 = arith.cmpi ne, %sign3A_1394, %ne3A_1402 : vector<64x4xi32>
    %rem3A_1404 = vector.broadcast %jit3A_1383 : i32 to vector<64x4xi32>
    %rem3A_1405 = arith.remsi %select_n3A_1337, %rem3A_1404 : vector<64x4xi32>
    %ne3A_1406 = arith.constant 0 : i32
    %ne3A_1407 = vector.broadcast %ne3A_1406 : i32 to vector<64x4xi32>
    %ne3A_1408 = arith.cmpi ne, %rem3A_1405, %ne3A_1407 : vector<64x4xi32>
    %and3A_1409 = arith.andi %ne3A_1403, %ne3A_1408 : vector<64x4xi1>
    %sub3A_1410 = arith.constant 1 : i32
    %sub3A_1411 = vector.broadcast %sub3A_1410 : i32 to vector<64x4xi32>
    %sub3A_1412 = arith.subi %div3A_1385, %sub3A_1411 : vector<64x4xi32>
    %select_n3A_1413 = arith.select %and3A_1409, %sub3A_1412, %div3A_1385 : vector<64x4xi1>, vector<64x4xi32>
    %add3A_1414 = arith.addi %mul3A_1382, %select_n3A_1413 : vector<64x4xi32>
    %mul3A_1415 = arith.constant 32 : i32
    %mul3A_1416 = vector.broadcast %mul3A_1415 : i32 to vector<64x4xi32>
    %mul3A_1417 = arith.muli %add3A_1414, %mul3A_1416 : vector<64x4xi32>
    %jit3A_1418 = arith.constant 16 : i32
    %eq3A_1419 = arith.constant 0 : i32
    %eq3A_1420 = arith.cmpi eq, %jit3A_1418, %eq3A_1419 : i32
    %jit3A_1421 = arith.constant 1 : i32
    %select_n3A_1422 = arith.select %eq3A_1420, %jit3A_1421, %jit3A_1418 : i32
    %rem3A_1423 = vector.broadcast %select_n3A_1422 : i32 to vector<64x4xi32>
    %rem3A_1424 = arith.remsi %reduce_sum3A_1348, %rem3A_1423 : vector<64x4xi32>
    %ne3A_1425 = arith.constant 0 : i32
    %ne3A_1426 = vector.broadcast %ne3A_1425 : i32 to vector<64x4xi32>
    %ne3A_1427 = arith.cmpi ne, %rem3A_1424, %ne3A_1426 : vector<64x4xi32>
    %lt3A_1428 = arith.constant 0 : i32
    %lt3A_1429 = vector.broadcast %lt3A_1428 : i32 to vector<64x4xi32>
    %lt3A_1430 = arith.cmpi slt, %rem3A_1424, %lt3A_1429 : vector<64x4xi32>
    %lt3A_1431 = arith.constant 0 : i32
    %lt3A_1432 = arith.cmpi slt, %select_n3A_1422, %lt3A_1431 : i32
    %ne3A_1433 = vector.broadcast %lt3A_1432 : i1 to vector<64x4xi1>
    %ne3A_1434 = vector.broadcast %ne3A_1433 : vector<64x4xi1> to vector<64x4xi1>
    %ne3A_1435 = arith.xori %lt3A_1430, %ne3A_1434 : vector<64x4xi1>
    %and3A_1436 = arith.andi %ne3A_1435, %ne3A_1427 : vector<64x4xi1>
    %add3A_1437 = vector.broadcast %select_n3A_1422 : i32 to vector<64x4xi32>
    %add3A_1438 = arith.addi %rem3A_1424, %add3A_1437 : vector<64x4xi32>
    %select_n3A_1439 = arith.select %and3A_1436, %add3A_1438, %rem3A_1424 : vector<64x4xi1>, vector<64x4xi32>
    %mul3A_1440 = arith.constant 2 : i32
    %mul3A_1441 = vector.broadcast %mul3A_1440 : i32 to vector<64x4xi32>
    %mul3A_1442 = arith.muli %mul3A_1441, %select_n3A_1439 : vector<64x4xi32>
    %add3A_1443 = arith.addi %mul3A_1417, %mul3A_1442 : vector<64x4xi32>
    %jit3A_1444 = arith.constant 2 : i32
    %eq3A_1445 = arith.constant 0 : i32
    %eq3A_1446 = arith.cmpi eq, %jit3A_1444, %eq3A_1445 : i32
    %jit3A_1447 = arith.constant 1 : i32
    %select_n3A_1448 = arith.select %eq3A_1446, %jit3A_1447, %jit3A_1444 : i32
    %rem3A_1449 = vector.broadcast %select_n3A_1448 : i32 to vector<64x4xi32>
    %rem3A_1450 = arith.remsi %select_n3A_1337, %rem3A_1449 : vector<64x4xi32>
    %ne3A_1451 = arith.constant 0 : i32
    %ne3A_1452 = vector.broadcast %ne3A_1451 : i32 to vector<64x4xi32>
    %ne3A_1453 = arith.cmpi ne, %rem3A_1450, %ne3A_1452 : vector<64x4xi32>
    %lt3A_1454 = arith.constant 0 : i32
    %lt3A_1455 = vector.broadcast %lt3A_1454 : i32 to vector<64x4xi32>
    %lt3A_1456 = arith.cmpi slt, %rem3A_1450, %lt3A_1455 : vector<64x4xi32>
    %lt3A_1457 = arith.constant 0 : i32
    %lt3A_1458 = arith.cmpi slt, %select_n3A_1448, %lt3A_1457 : i32
    %ne3A_1459 = vector.broadcast %lt3A_1458 : i1 to vector<64x4xi1>
    %ne3A_1460 = vector.broadcast %ne3A_1459 : vector<64x4xi1> to vector<64x4xi1>
    %ne3A_1461 = arith.xori %lt3A_1456, %ne3A_1460 : vector<64x4xi1>
    %and3A_1462 = arith.andi %ne3A_1461, %ne3A_1453 : vector<64x4xi1>
    %add3A_1463 = vector.broadcast %select_n3A_1448 : i32 to vector<64x4xi32>
    %add3A_1464 = arith.addi %rem3A_1450, %add3A_1463 : vector<64x4xi32>
    %select_n3A_1465 = arith.select %and3A_1462, %add3A_1464, %rem3A_1450 : vector<64x4xi1>, vector<64x4xi32>
    %add3A_1466 = arith.addi %add3A_1443, %select_n3A_1465 : vector<64x4xi32>
    %mul3A_1467 = arith.constant 1024 : i32
    %mul3A_1468 = arith.muli %arg0, %mul3A_1467 : i32
    %add3A_1469 = vector.broadcast %mul3A_1468 : i32 to vector<64x4xi32>
    %add3A_1470 = arith.addi %add3A_1466, %add3A_1469 : vector<64x4xi32>
    %broadcast_in_dim3A_1471 = vector.shape_cast %reduce_min3A_1284 : vector<64x4xi32> to vector<64x4x1xi32>
    %eq3A_1472 = vector.broadcast %broadcast_in_dim3A_1471 : vector<64x4x1xi32> to vector<64x4x64xi32>
    %eq3A_1473 = arith.cmpi eq, %iota3A, %eq3A_1472 : vector<64x4x64xi32>
    %jit3A_1474 = arith.constant -1.000000e+30 : f32
    %broadcast_in_dim3A_1475 = vector.broadcast %jit3A_1474 : f32 to vector<64x4x64xf32>
    %select_n3A_1476 = arith.select %eq3A_1473, %broadcast_in_dim3A_1475, %select_n3A_1274 : vector<64x4x64xi1>, vector<64x4x64xf32>
    %reduce_max3A_1477 = arith.constant dense<0xFF800000> : vector<64x4xf32>
    %reduce_max3A_1478 = vector.multi_reduction <maximumf>, %select_n3A_1476, %reduce_max3A_1477 [2] : vector<64x4x64xf32> to vector<64x4xf32>
    %broadcast_in_dim3A_1479 = vector.shape_cast %reduce_max3A_1478 : vector<64x4xf32> to vector<64x4x1xf32>
    %eq3A_1480 = vector.broadcast %broadcast_in_dim3A_1479 : vector<64x4x1xf32> to vector<64x4x64xf32>
    %eq3A_1481 = arith.cmpf oeq, %select_n3A_1476, %eq3A_1480 : vector<64x4x64xf32>
    %jit3A_1482 = arith.constant 128 : i32
    %broadcast_in_dim3A_1483 = vector.broadcast %jit3A_1482 : i32 to vector<64x4x64xi32>
    %select_n3A_1484 = arith.select %eq3A_1481, %iota3A, %broadcast_in_dim3A_1483 : vector<64x4x64xi1>, vector<64x4x64xi32>
    %reduce_min3A_1485 = arith.constant dense<2147483647> : vector<64x4xi32>
    %reduce_min3A_1486 = vector.multi_reduction <minsi>, %select_n3A_1484, %reduce_min3A_1485 [2] : vector<64x4x64xi32> to vector<64x4xi32>
    %jit3A_1487 = arith.constant 4 : i32
    %div3A_1488 = vector.broadcast %jit3A_1487 : i32 to vector<64x4xi32>
    %div3A_1489 = arith.divsi %reduce_min3A_1486, %div3A_1488 : vector<64x4xi32>
    %sign3A_1490 = arith.constant 0 : i32
    %sign3A_1491 = vector.broadcast %sign3A_1490 : i32 to vector<64x4xi32>
    %sign3A_1492 = arith.cmpi sgt, %reduce_min3A_1486, %sign3A_1491 : vector<64x4xi32>
    %sign3A_1493 = arith.extui %sign3A_1492 : vector<64x4xi1> to vector<64x4xi32>
    %sign3A_1494 = arith.constant 0 : i32
    %sign3A_1495 = vector.broadcast %sign3A_1494 : i32 to vector<64x4xi32>
    %sign3A_1496 = arith.cmpi slt, %reduce_min3A_1486, %sign3A_1495 : vector<64x4xi32>
    %sign3A_1497 = arith.extui %sign3A_1496 : vector<64x4xi1> to vector<64x4xi32>
    %sign3A_1498 = arith.subi %sign3A_1493, %sign3A_1497 : vector<64x4xi32>
    %sign3A_1499 = arith.constant 0 : i32
    %sign3A_1500 = arith.cmpi sgt, %jit3A_1487, %sign3A_1499 : i32
    %sign3A_1501 = arith.extui %sign3A_1500 : i1 to i32
    %sign3A_1502 = arith.constant 0 : i32
    %sign3A_1503 = arith.cmpi slt, %jit3A_1487, %sign3A_1502 : i32
    %sign3A_1504 = arith.extui %sign3A_1503 : i1 to i32
    %sign3A_1505 = arith.subi %sign3A_1501, %sign3A_1504 : i32
    %ne3A_1506 = vector.broadcast %sign3A_1505 : i32 to vector<64x4xi32>
    %ne3A_1507 = arith.cmpi ne, %sign3A_1498, %ne3A_1506 : vector<64x4xi32>
    %rem3A_1508 = vector.broadcast %jit3A_1487 : i32 to vector<64x4xi32>
    %rem3A_1509 = arith.remsi %reduce_min3A_1486, %rem3A_1508 : vector<64x4xi32>
    %ne3A_1510 = arith.constant 0 : i32
    %ne3A_1511 = vector.broadcast %ne3A_1510 : i32 to vector<64x4xi32>
    %ne3A_1512 = arith.cmpi ne, %rem3A_1509, %ne3A_1511 : vector<64x4xi32>
    %and3A_1513 = arith.andi %ne3A_1507, %ne3A_1512 : vector<64x4xi1>
    %sub3A_1514 = arith.constant 1 : i32
    %sub3A_1515 = vector.broadcast %sub3A_1514 : i32 to vector<64x4xi32>
    %sub3A_1516 = arith.subi %div3A_1489, %sub3A_1515 : vector<64x4xi32>
    %select_n3A_1517 = arith.select %and3A_1513, %sub3A_1516, %div3A_1489 : vector<64x4xi1>, vector<64x4xi32>
    %jit3A_1518 = arith.constant 4 : i32
    %eq3A_1519 = arith.constant 0 : i32
    %eq3A_1520 = arith.cmpi eq, %jit3A_1518, %eq3A_1519 : i32
    %jit3A_1521 = arith.constant 1 : i32
    %select_n3A_1522 = arith.select %eq3A_1520, %jit3A_1521, %jit3A_1518 : i32
    %rem3A_1523 = vector.broadcast %select_n3A_1522 : i32 to vector<64x4xi32>
    %rem3A_1524 = arith.remsi %reduce_min3A_1486, %rem3A_1523 : vector<64x4xi32>
    %ne3A_1525 = arith.constant 0 : i32
    %ne3A_1526 = vector.broadcast %ne3A_1525 : i32 to vector<64x4xi32>
    %ne3A_1527 = arith.cmpi ne, %rem3A_1524, %ne3A_1526 : vector<64x4xi32>
    %lt3A_1528 = arith.constant 0 : i32
    %lt3A_1529 = vector.broadcast %lt3A_1528 : i32 to vector<64x4xi32>
    %lt3A_1530 = arith.cmpi slt, %rem3A_1524, %lt3A_1529 : vector<64x4xi32>
    %lt3A_1531 = arith.constant 0 : i32
    %lt3A_1532 = arith.cmpi slt, %select_n3A_1522, %lt3A_1531 : i32
    %ne3A_1533 = vector.broadcast %lt3A_1532 : i1 to vector<64x4xi1>
    %ne3A_1534 = vector.broadcast %ne3A_1533 : vector<64x4xi1> to vector<64x4xi1>
    %ne3A_1535 = arith.xori %lt3A_1530, %ne3A_1534 : vector<64x4xi1>
    %and3A_1536 = arith.andi %ne3A_1535, %ne3A_1527 : vector<64x4xi1>
    %add3A_1537 = vector.broadcast %select_n3A_1522 : i32 to vector<64x4xi32>
    %add3A_1538 = arith.addi %rem3A_1524, %add3A_1537 : vector<64x4xi32>
    %select_n3A_1539 = arith.select %and3A_1536, %add3A_1538, %rem3A_1524 : vector<64x4xi1>, vector<64x4xi32>
    %broadcast_in_dim3A_1540 = vector.shape_cast %select_n3A_1517 : vector<64x4xi32> to vector<64x4x1xi32>
    %eq3A_1541 = vector.broadcast %broadcast_in_dim3A_1540 : vector<64x4x1xi32> to vector<64x4x16xi32>
    %eq3A_1542 = arith.cmpi eq, %eq3A_1541, %iota3A_71 : vector<64x4x16xi32>
    %broadcast_in_dim3A_1543 = vector.shape_cast %sub3A_70 : vector<64x16xi32> to vector<64x1x16xi32>
    %jit3A_1544 = arith.constant 0 : i32
    %broadcast_in_dim3A_1545 = vector.shape_cast %broadcast_in_dim3A_1543 : vector<64x1x16xi32> to vector<64x1x16xi32>
    %broadcast_in_dim3A_1546 = vector.broadcast %broadcast_in_dim3A_1545 : vector<64x1x16xi32> to vector<64x4x16xi32>
    %broadcast_in_dim3A_1547 = vector.broadcast %jit3A_1544 : i32 to vector<64x4x16xi32>
    %select_n3A_1548 = arith.select %eq3A_1542, %broadcast_in_dim3A_1546, %broadcast_in_dim3A_1547 : vector<64x4x16xi1>, vector<64x4x16xi32>
    %reduce_sum3A_1549 = arith.constant dense<0> : vector<64x4xi32>
    %reduce_sum3A_1550 = vector.multi_reduction <add>, %select_n3A_1548, %reduce_sum3A_1549 [2] : vector<64x4x16xi32> to vector<64x4xi32>
    %jit3A_1551 = arith.constant 16 : i32
    %div3A_1552 = vector.broadcast %jit3A_1551 : i32 to vector<64x4xi32>
    %div3A_1553 = arith.divsi %reduce_sum3A_1550, %div3A_1552 : vector<64x4xi32>
    %sign3A_1554 = arith.constant 0 : i32
    %sign3A_1555 = vector.broadcast %sign3A_1554 : i32 to vector<64x4xi32>
    %sign3A_1556 = arith.cmpi sgt, %reduce_sum3A_1550, %sign3A_1555 : vector<64x4xi32>
    %sign3A_1557 = arith.extui %sign3A_1556 : vector<64x4xi1> to vector<64x4xi32>
    %sign3A_1558 = arith.constant 0 : i32
    %sign3A_1559 = vector.broadcast %sign3A_1558 : i32 to vector<64x4xi32>
    %sign3A_1560 = arith.cmpi slt, %reduce_sum3A_1550, %sign3A_1559 : vector<64x4xi32>
    %sign3A_1561 = arith.extui %sign3A_1560 : vector<64x4xi1> to vector<64x4xi32>
    %sign3A_1562 = arith.subi %sign3A_1557, %sign3A_1561 : vector<64x4xi32>
    %sign3A_1563 = arith.constant 0 : i32
    %sign3A_1564 = arith.cmpi sgt, %jit3A_1551, %sign3A_1563 : i32
    %sign3A_1565 = arith.extui %sign3A_1564 : i1 to i32
    %sign3A_1566 = arith.constant 0 : i32
    %sign3A_1567 = arith.cmpi slt, %jit3A_1551, %sign3A_1566 : i32
    %sign3A_1568 = arith.extui %sign3A_1567 : i1 to i32
    %sign3A_1569 = arith.subi %sign3A_1565, %sign3A_1568 : i32
    %ne3A_1570 = vector.broadcast %sign3A_1569 : i32 to vector<64x4xi32>
    %ne3A_1571 = arith.cmpi ne, %sign3A_1562, %ne3A_1570 : vector<64x4xi32>
    %rem3A_1572 = vector.broadcast %jit3A_1551 : i32 to vector<64x4xi32>
    %rem3A_1573 = arith.remsi %reduce_sum3A_1550, %rem3A_1572 : vector<64x4xi32>
    %ne3A_1574 = arith.constant 0 : i32
    %ne3A_1575 = vector.broadcast %ne3A_1574 : i32 to vector<64x4xi32>
    %ne3A_1576 = arith.cmpi ne, %rem3A_1573, %ne3A_1575 : vector<64x4xi32>
    %and3A_1577 = arith.andi %ne3A_1571, %ne3A_1576 : vector<64x4xi1>
    %sub3A_1578 = arith.constant 1 : i32
    %sub3A_1579 = vector.broadcast %sub3A_1578 : i32 to vector<64x4xi32>
    %sub3A_1580 = arith.subi %div3A_1553, %sub3A_1579 : vector<64x4xi32>
    %select_n3A_1581 = arith.select %and3A_1577, %sub3A_1580, %div3A_1553 : vector<64x4xi1>, vector<64x4xi32>
    %mul3A_1582 = arith.constant 2 : i32
    %mul3A_1583 = vector.broadcast %mul3A_1582 : i32 to vector<64x4xi32>
    %mul3A_1584 = arith.muli %mul3A_1583, %select_n3A_1581 : vector<64x4xi32>
    %jit3A_1585 = arith.constant 2 : i32
    %div3A_1586 = vector.broadcast %jit3A_1585 : i32 to vector<64x4xi32>
    %div3A_1587 = arith.divsi %select_n3A_1539, %div3A_1586 : vector<64x4xi32>
    %sign3A_1588 = arith.constant 0 : i32
    %sign3A_1589 = vector.broadcast %sign3A_1588 : i32 to vector<64x4xi32>
    %sign3A_1590 = arith.cmpi sgt, %select_n3A_1539, %sign3A_1589 : vector<64x4xi32>
    %sign3A_1591 = arith.extui %sign3A_1590 : vector<64x4xi1> to vector<64x4xi32>
    %sign3A_1592 = arith.constant 0 : i32
    %sign3A_1593 = vector.broadcast %sign3A_1592 : i32 to vector<64x4xi32>
    %sign3A_1594 = arith.cmpi slt, %select_n3A_1539, %sign3A_1593 : vector<64x4xi32>
    %sign3A_1595 = arith.extui %sign3A_1594 : vector<64x4xi1> to vector<64x4xi32>
    %sign3A_1596 = arith.subi %sign3A_1591, %sign3A_1595 : vector<64x4xi32>
    %sign3A_1597 = arith.constant 0 : i32
    %sign3A_1598 = arith.cmpi sgt, %jit3A_1585, %sign3A_1597 : i32
    %sign3A_1599 = arith.extui %sign3A_1598 : i1 to i32
    %sign3A_1600 = arith.constant 0 : i32
    %sign3A_1601 = arith.cmpi slt, %jit3A_1585, %sign3A_1600 : i32
    %sign3A_1602 = arith.extui %sign3A_1601 : i1 to i32
    %sign3A_1603 = arith.subi %sign3A_1599, %sign3A_1602 : i32
    %ne3A_1604 = vector.broadcast %sign3A_1603 : i32 to vector<64x4xi32>
    %ne3A_1605 = arith.cmpi ne, %sign3A_1596, %ne3A_1604 : vector<64x4xi32>
    %rem3A_1606 = vector.broadcast %jit3A_1585 : i32 to vector<64x4xi32>
    %rem3A_1607 = arith.remsi %select_n3A_1539, %rem3A_1606 : vector<64x4xi32>
    %ne3A_1608 = arith.constant 0 : i32
    %ne3A_1609 = vector.broadcast %ne3A_1608 : i32 to vector<64x4xi32>
    %ne3A_1610 = arith.cmpi ne, %rem3A_1607, %ne3A_1609 : vector<64x4xi32>
    %and3A_1611 = arith.andi %ne3A_1605, %ne3A_1610 : vector<64x4xi1>
    %sub3A_1612 = arith.constant 1 : i32
    %sub3A_1613 = vector.broadcast %sub3A_1612 : i32 to vector<64x4xi32>
    %sub3A_1614 = arith.subi %div3A_1587, %sub3A_1613 : vector<64x4xi32>
    %select_n3A_1615 = arith.select %and3A_1611, %sub3A_1614, %div3A_1587 : vector<64x4xi1>, vector<64x4xi32>
    %add3A_1616 = arith.addi %mul3A_1584, %select_n3A_1615 : vector<64x4xi32>
    %mul3A_1617 = arith.constant 32 : i32
    %mul3A_1618 = vector.broadcast %mul3A_1617 : i32 to vector<64x4xi32>
    %mul3A_1619 = arith.muli %add3A_1616, %mul3A_1618 : vector<64x4xi32>
    %jit3A_1620 = arith.constant 16 : i32
    %eq3A_1621 = arith.constant 0 : i32
    %eq3A_1622 = arith.cmpi eq, %jit3A_1620, %eq3A_1621 : i32
    %jit3A_1623 = arith.constant 1 : i32
    %select_n3A_1624 = arith.select %eq3A_1622, %jit3A_1623, %jit3A_1620 : i32
    %rem3A_1625 = vector.broadcast %select_n3A_1624 : i32 to vector<64x4xi32>
    %rem3A_1626 = arith.remsi %reduce_sum3A_1550, %rem3A_1625 : vector<64x4xi32>
    %ne3A_1627 = arith.constant 0 : i32
    %ne3A_1628 = vector.broadcast %ne3A_1627 : i32 to vector<64x4xi32>
    %ne3A_1629 = arith.cmpi ne, %rem3A_1626, %ne3A_1628 : vector<64x4xi32>
    %lt3A_1630 = arith.constant 0 : i32
    %lt3A_1631 = vector.broadcast %lt3A_1630 : i32 to vector<64x4xi32>
    %lt3A_1632 = arith.cmpi slt, %rem3A_1626, %lt3A_1631 : vector<64x4xi32>
    %lt3A_1633 = arith.constant 0 : i32
    %lt3A_1634 = arith.cmpi slt, %select_n3A_1624, %lt3A_1633 : i32
    %ne3A_1635 = vector.broadcast %lt3A_1634 : i1 to vector<64x4xi1>
    %ne3A_1636 = vector.broadcast %ne3A_1635 : vector<64x4xi1> to vector<64x4xi1>
    %ne3A_1637 = arith.xori %lt3A_1632, %ne3A_1636 : vector<64x4xi1>
    %and3A_1638 = arith.andi %ne3A_1637, %ne3A_1629 : vector<64x4xi1>
    %add3A_1639 = vector.broadcast %select_n3A_1624 : i32 to vector<64x4xi32>
    %add3A_1640 = arith.addi %rem3A_1626, %add3A_1639 : vector<64x4xi32>
    %select_n3A_1641 = arith.select %and3A_1638, %add3A_1640, %rem3A_1626 : vector<64x4xi1>, vector<64x4xi32>
    %mul3A_1642 = arith.constant 2 : i32
    %mul3A_1643 = vector.broadcast %mul3A_1642 : i32 to vector<64x4xi32>
    %mul3A_1644 = arith.muli %mul3A_1643, %select_n3A_1641 : vector<64x4xi32>
    %add3A_1645 = arith.addi %mul3A_1619, %mul3A_1644 : vector<64x4xi32>
    %jit3A_1646 = arith.constant 2 : i32
    %eq3A_1647 = arith.constant 0 : i32
    %eq3A_1648 = arith.cmpi eq, %jit3A_1646, %eq3A_1647 : i32
    %jit3A_1649 = arith.constant 1 : i32
    %select_n3A_1650 = arith.select %eq3A_1648, %jit3A_1649, %jit3A_1646 : i32
    %rem3A_1651 = vector.broadcast %select_n3A_1650 : i32 to vector<64x4xi32>
    %rem3A_1652 = arith.remsi %select_n3A_1539, %rem3A_1651 : vector<64x4xi32>
    %ne3A_1653 = arith.constant 0 : i32
    %ne3A_1654 = vector.broadcast %ne3A_1653 : i32 to vector<64x4xi32>
    %ne3A_1655 = arith.cmpi ne, %rem3A_1652, %ne3A_1654 : vector<64x4xi32>
    %lt3A_1656 = arith.constant 0 : i32
    %lt3A_1657 = vector.broadcast %lt3A_1656 : i32 to vector<64x4xi32>
    %lt3A_1658 = arith.cmpi slt, %rem3A_1652, %lt3A_1657 : vector<64x4xi32>
    %lt3A_1659 = arith.constant 0 : i32
    %lt3A_1660 = arith.cmpi slt, %select_n3A_1650, %lt3A_1659 : i32
    %ne3A_1661 = vector.broadcast %lt3A_1660 : i1 to vector<64x4xi1>
    %ne3A_1662 = vector.broadcast %ne3A_1661 : vector<64x4xi1> to vector<64x4xi1>
    %ne3A_1663 = arith.xori %lt3A_1658, %ne3A_1662 : vector<64x4xi1>
    %and3A_1664 = arith.andi %ne3A_1663, %ne3A_1655 : vector<64x4xi1>
    %add3A_1665 = vector.broadcast %select_n3A_1650 : i32 to vector<64x4xi32>
    %add3A_1666 = arith.addi %rem3A_1652, %add3A_1665 : vector<64x4xi32>
    %select_n3A_1667 = arith.select %and3A_1664, %add3A_1666, %rem3A_1652 : vector<64x4xi1>, vector<64x4xi32>
    %add3A_1668 = arith.addi %add3A_1645, %select_n3A_1667 : vector<64x4xi32>
    %mul3A_1669 = arith.constant 1024 : i32
    %mul3A_1670 = arith.muli %arg0, %mul3A_1669 : i32
    %add3A_1671 = vector.broadcast %mul3A_1670 : i32 to vector<64x4xi32>
    %add3A_1672 = arith.addi %add3A_1668, %add3A_1671 : vector<64x4xi32>
    %broadcast_in_dim3A_1673 = vector.shape_cast %reduce_min3A_1486 : vector<64x4xi32> to vector<64x4x1xi32>
    %eq3A_1674 = vector.broadcast %broadcast_in_dim3A_1673 : vector<64x4x1xi32> to vector<64x4x64xi32>
    %eq3A_1675 = arith.cmpi eq, %iota3A, %eq3A_1674 : vector<64x4x64xi32>
    %jit3A_1676 = arith.constant -1.000000e+30 : f32
    %broadcast_in_dim3A_1677 = vector.broadcast %jit3A_1676 : f32 to vector<64x4x64xf32>
    %select_n3A_1678 = arith.select %eq3A_1675, %broadcast_in_dim3A_1677, %select_n3A_1476 : vector<64x4x64xi1>, vector<64x4x64xf32>
    %reduce_max3A_1679 = arith.constant dense<0xFF800000> : vector<64x4xf32>
    %reduce_max3A_1680 = vector.multi_reduction <maximumf>, %select_n3A_1678, %reduce_max3A_1679 [2] : vector<64x4x64xf32> to vector<64x4xf32>
    %broadcast_in_dim3A_1681 = vector.shape_cast %reduce_max3A_1680 : vector<64x4xf32> to vector<64x4x1xf32>
    %eq3A_1682 = vector.broadcast %broadcast_in_dim3A_1681 : vector<64x4x1xf32> to vector<64x4x64xf32>
    %eq3A_1683 = arith.cmpf oeq, %select_n3A_1678, %eq3A_1682 : vector<64x4x64xf32>
    %jit3A_1684 = arith.constant 128 : i32
    %broadcast_in_dim3A_1685 = vector.broadcast %jit3A_1684 : i32 to vector<64x4x64xi32>
    %select_n3A_1686 = arith.select %eq3A_1683, %iota3A, %broadcast_in_dim3A_1685 : vector<64x4x64xi1>, vector<64x4x64xi32>
    %reduce_min3A_1687 = arith.constant dense<2147483647> : vector<64x4xi32>
    %reduce_min3A_1688 = vector.multi_reduction <minsi>, %select_n3A_1686, %reduce_min3A_1687 [2] : vector<64x4x64xi32> to vector<64x4xi32>
    %jit3A_1689 = arith.constant 4 : i32
    %div3A_1690 = vector.broadcast %jit3A_1689 : i32 to vector<64x4xi32>
    %div3A_1691 = arith.divsi %reduce_min3A_1688, %div3A_1690 : vector<64x4xi32>
    %sign3A_1692 = arith.constant 0 : i32
    %sign3A_1693 = vector.broadcast %sign3A_1692 : i32 to vector<64x4xi32>
    %sign3A_1694 = arith.cmpi sgt, %reduce_min3A_1688, %sign3A_1693 : vector<64x4xi32>
    %sign3A_1695 = arith.extui %sign3A_1694 : vector<64x4xi1> to vector<64x4xi32>
    %sign3A_1696 = arith.constant 0 : i32
    %sign3A_1697 = vector.broadcast %sign3A_1696 : i32 to vector<64x4xi32>
    %sign3A_1698 = arith.cmpi slt, %reduce_min3A_1688, %sign3A_1697 : vector<64x4xi32>
    %sign3A_1699 = arith.extui %sign3A_1698 : vector<64x4xi1> to vector<64x4xi32>
    %sign3A_1700 = arith.subi %sign3A_1695, %sign3A_1699 : vector<64x4xi32>
    %sign3A_1701 = arith.constant 0 : i32
    %sign3A_1702 = arith.cmpi sgt, %jit3A_1689, %sign3A_1701 : i32
    %sign3A_1703 = arith.extui %sign3A_1702 : i1 to i32
    %sign3A_1704 = arith.constant 0 : i32
    %sign3A_1705 = arith.cmpi slt, %jit3A_1689, %sign3A_1704 : i32
    %sign3A_1706 = arith.extui %sign3A_1705 : i1 to i32
    %sign3A_1707 = arith.subi %sign3A_1703, %sign3A_1706 : i32
    %ne3A_1708 = vector.broadcast %sign3A_1707 : i32 to vector<64x4xi32>
    %ne3A_1709 = arith.cmpi ne, %sign3A_1700, %ne3A_1708 : vector<64x4xi32>
    %rem3A_1710 = vector.broadcast %jit3A_1689 : i32 to vector<64x4xi32>
    %rem3A_1711 = arith.remsi %reduce_min3A_1688, %rem3A_1710 : vector<64x4xi32>
    %ne3A_1712 = arith.constant 0 : i32
    %ne3A_1713 = vector.broadcast %ne3A_1712 : i32 to vector<64x4xi32>
    %ne3A_1714 = arith.cmpi ne, %rem3A_1711, %ne3A_1713 : vector<64x4xi32>
    %and3A_1715 = arith.andi %ne3A_1709, %ne3A_1714 : vector<64x4xi1>
    %sub3A_1716 = arith.constant 1 : i32
    %sub3A_1717 = vector.broadcast %sub3A_1716 : i32 to vector<64x4xi32>
    %sub3A_1718 = arith.subi %div3A_1691, %sub3A_1717 : vector<64x4xi32>
    %select_n3A_1719 = arith.select %and3A_1715, %sub3A_1718, %div3A_1691 : vector<64x4xi1>, vector<64x4xi32>
    %jit3A_1720 = arith.constant 4 : i32
    %eq3A_1721 = arith.constant 0 : i32
    %eq3A_1722 = arith.cmpi eq, %jit3A_1720, %eq3A_1721 : i32
    %jit3A_1723 = arith.constant 1 : i32
    %select_n3A_1724 = arith.select %eq3A_1722, %jit3A_1723, %jit3A_1720 : i32
    %rem3A_1725 = vector.broadcast %select_n3A_1724 : i32 to vector<64x4xi32>
    %rem3A_1726 = arith.remsi %reduce_min3A_1688, %rem3A_1725 : vector<64x4xi32>
    %ne3A_1727 = arith.constant 0 : i32
    %ne3A_1728 = vector.broadcast %ne3A_1727 : i32 to vector<64x4xi32>
    %ne3A_1729 = arith.cmpi ne, %rem3A_1726, %ne3A_1728 : vector<64x4xi32>
    %lt3A_1730 = arith.constant 0 : i32
    %lt3A_1731 = vector.broadcast %lt3A_1730 : i32 to vector<64x4xi32>
    %lt3A_1732 = arith.cmpi slt, %rem3A_1726, %lt3A_1731 : vector<64x4xi32>
    %lt3A_1733 = arith.constant 0 : i32
    %lt3A_1734 = arith.cmpi slt, %select_n3A_1724, %lt3A_1733 : i32
    %ne3A_1735 = vector.broadcast %lt3A_1734 : i1 to vector<64x4xi1>
    %ne3A_1736 = vector.broadcast %ne3A_1735 : vector<64x4xi1> to vector<64x4xi1>
    %ne3A_1737 = arith.xori %lt3A_1732, %ne3A_1736 : vector<64x4xi1>
    %and3A_1738 = arith.andi %ne3A_1737, %ne3A_1729 : vector<64x4xi1>
    %add3A_1739 = vector.broadcast %select_n3A_1724 : i32 to vector<64x4xi32>
    %add3A_1740 = arith.addi %rem3A_1726, %add3A_1739 : vector<64x4xi32>
    %select_n3A_1741 = arith.select %and3A_1738, %add3A_1740, %rem3A_1726 : vector<64x4xi1>, vector<64x4xi32>
    %broadcast_in_dim3A_1742 = vector.shape_cast %select_n3A_1719 : vector<64x4xi32> to vector<64x4x1xi32>
    %eq3A_1743 = vector.broadcast %broadcast_in_dim3A_1742 : vector<64x4x1xi32> to vector<64x4x16xi32>
    %eq3A_1744 = arith.cmpi eq, %eq3A_1743, %iota3A_71 : vector<64x4x16xi32>
    %broadcast_in_dim3A_1745 = vector.shape_cast %sub3A_70 : vector<64x16xi32> to vector<64x1x16xi32>
    %jit3A_1746 = arith.constant 0 : i32
    %broadcast_in_dim3A_1747 = vector.shape_cast %broadcast_in_dim3A_1745 : vector<64x1x16xi32> to vector<64x1x16xi32>
    %broadcast_in_dim3A_1748 = vector.broadcast %broadcast_in_dim3A_1747 : vector<64x1x16xi32> to vector<64x4x16xi32>
    %broadcast_in_dim3A_1749 = vector.broadcast %jit3A_1746 : i32 to vector<64x4x16xi32>
    %select_n3A_1750 = arith.select %eq3A_1744, %broadcast_in_dim3A_1748, %broadcast_in_dim3A_1749 : vector<64x4x16xi1>, vector<64x4x16xi32>
    %reduce_sum3A_1751 = arith.constant dense<0> : vector<64x4xi32>
    %reduce_sum3A_1752 = vector.multi_reduction <add>, %select_n3A_1750, %reduce_sum3A_1751 [2] : vector<64x4x16xi32> to vector<64x4xi32>
    %jit3A_1753 = arith.constant 16 : i32
    %div3A_1754 = vector.broadcast %jit3A_1753 : i32 to vector<64x4xi32>
    %div3A_1755 = arith.divsi %reduce_sum3A_1752, %div3A_1754 : vector<64x4xi32>
    %sign3A_1756 = arith.constant 0 : i32
    %sign3A_1757 = vector.broadcast %sign3A_1756 : i32 to vector<64x4xi32>
    %sign3A_1758 = arith.cmpi sgt, %reduce_sum3A_1752, %sign3A_1757 : vector<64x4xi32>
    %sign3A_1759 = arith.extui %sign3A_1758 : vector<64x4xi1> to vector<64x4xi32>
    %sign3A_1760 = arith.constant 0 : i32
    %sign3A_1761 = vector.broadcast %sign3A_1760 : i32 to vector<64x4xi32>
    %sign3A_1762 = arith.cmpi slt, %reduce_sum3A_1752, %sign3A_1761 : vector<64x4xi32>
    %sign3A_1763 = arith.extui %sign3A_1762 : vector<64x4xi1> to vector<64x4xi32>
    %sign3A_1764 = arith.subi %sign3A_1759, %sign3A_1763 : vector<64x4xi32>
    %sign3A_1765 = arith.constant 0 : i32
    %sign3A_1766 = arith.cmpi sgt, %jit3A_1753, %sign3A_1765 : i32
    %sign3A_1767 = arith.extui %sign3A_1766 : i1 to i32
    %sign3A_1768 = arith.constant 0 : i32
    %sign3A_1769 = arith.cmpi slt, %jit3A_1753, %sign3A_1768 : i32
    %sign3A_1770 = arith.extui %sign3A_1769 : i1 to i32
    %sign3A_1771 = arith.subi %sign3A_1767, %sign3A_1770 : i32
    %ne3A_1772 = vector.broadcast %sign3A_1771 : i32 to vector<64x4xi32>
    %ne3A_1773 = arith.cmpi ne, %sign3A_1764, %ne3A_1772 : vector<64x4xi32>
    %rem3A_1774 = vector.broadcast %jit3A_1753 : i32 to vector<64x4xi32>
    %rem3A_1775 = arith.remsi %reduce_sum3A_1752, %rem3A_1774 : vector<64x4xi32>
    %ne3A_1776 = arith.constant 0 : i32
    %ne3A_1777 = vector.broadcast %ne3A_1776 : i32 to vector<64x4xi32>
    %ne3A_1778 = arith.cmpi ne, %rem3A_1775, %ne3A_1777 : vector<64x4xi32>
    %and3A_1779 = arith.andi %ne3A_1773, %ne3A_1778 : vector<64x4xi1>
    %sub3A_1780 = arith.constant 1 : i32
    %sub3A_1781 = vector.broadcast %sub3A_1780 : i32 to vector<64x4xi32>
    %sub3A_1782 = arith.subi %div3A_1755, %sub3A_1781 : vector<64x4xi32>
    %select_n3A_1783 = arith.select %and3A_1779, %sub3A_1782, %div3A_1755 : vector<64x4xi1>, vector<64x4xi32>
    %mul3A_1784 = arith.constant 2 : i32
    %mul3A_1785 = vector.broadcast %mul3A_1784 : i32 to vector<64x4xi32>
    %mul3A_1786 = arith.muli %mul3A_1785, %select_n3A_1783 : vector<64x4xi32>
    %jit3A_1787 = arith.constant 2 : i32
    %div3A_1788 = vector.broadcast %jit3A_1787 : i32 to vector<64x4xi32>
    %div3A_1789 = arith.divsi %select_n3A_1741, %div3A_1788 : vector<64x4xi32>
    %sign3A_1790 = arith.constant 0 : i32
    %sign3A_1791 = vector.broadcast %sign3A_1790 : i32 to vector<64x4xi32>
    %sign3A_1792 = arith.cmpi sgt, %select_n3A_1741, %sign3A_1791 : vector<64x4xi32>
    %sign3A_1793 = arith.extui %sign3A_1792 : vector<64x4xi1> to vector<64x4xi32>
    %sign3A_1794 = arith.constant 0 : i32
    %sign3A_1795 = vector.broadcast %sign3A_1794 : i32 to vector<64x4xi32>
    %sign3A_1796 = arith.cmpi slt, %select_n3A_1741, %sign3A_1795 : vector<64x4xi32>
    %sign3A_1797 = arith.extui %sign3A_1796 : vector<64x4xi1> to vector<64x4xi32>
    %sign3A_1798 = arith.subi %sign3A_1793, %sign3A_1797 : vector<64x4xi32>
    %sign3A_1799 = arith.constant 0 : i32
    %sign3A_1800 = arith.cmpi sgt, %jit3A_1787, %sign3A_1799 : i32
    %sign3A_1801 = arith.extui %sign3A_1800 : i1 to i32
    %sign3A_1802 = arith.constant 0 : i32
    %sign3A_1803 = arith.cmpi slt, %jit3A_1787, %sign3A_1802 : i32
    %sign3A_1804 = arith.extui %sign3A_1803 : i1 to i32
    %sign3A_1805 = arith.subi %sign3A_1801, %sign3A_1804 : i32
    %ne3A_1806 = vector.broadcast %sign3A_1805 : i32 to vector<64x4xi32>
    %ne3A_1807 = arith.cmpi ne, %sign3A_1798, %ne3A_1806 : vector<64x4xi32>
    %rem3A_1808 = vector.broadcast %jit3A_1787 : i32 to vector<64x4xi32>
    %rem3A_1809 = arith.remsi %select_n3A_1741, %rem3A_1808 : vector<64x4xi32>
    %ne3A_1810 = arith.constant 0 : i32
    %ne3A_1811 = vector.broadcast %ne3A_1810 : i32 to vector<64x4xi32>
    %ne3A_1812 = arith.cmpi ne, %rem3A_1809, %ne3A_1811 : vector<64x4xi32>
    %and3A_1813 = arith.andi %ne3A_1807, %ne3A_1812 : vector<64x4xi1>
    %sub3A_1814 = arith.constant 1 : i32
    %sub3A_1815 = vector.broadcast %sub3A_1814 : i32 to vector<64x4xi32>
    %sub3A_1816 = arith.subi %div3A_1789, %sub3A_1815 : vector<64x4xi32>
    %select_n3A_1817 = arith.select %and3A_1813, %sub3A_1816, %div3A_1789 : vector<64x4xi1>, vector<64x4xi32>
    %add3A_1818 = arith.addi %mul3A_1786, %select_n3A_1817 : vector<64x4xi32>
    %mul3A_1819 = arith.constant 32 : i32
    %mul3A_1820 = vector.broadcast %mul3A_1819 : i32 to vector<64x4xi32>
    %mul3A_1821 = arith.muli %add3A_1818, %mul3A_1820 : vector<64x4xi32>
    %jit3A_1822 = arith.constant 16 : i32
    %eq3A_1823 = arith.constant 0 : i32
    %eq3A_1824 = arith.cmpi eq, %jit3A_1822, %eq3A_1823 : i32
    %jit3A_1825 = arith.constant 1 : i32
    %select_n3A_1826 = arith.select %eq3A_1824, %jit3A_1825, %jit3A_1822 : i32
    %rem3A_1827 = vector.broadcast %select_n3A_1826 : i32 to vector<64x4xi32>
    %rem3A_1828 = arith.remsi %reduce_sum3A_1752, %rem3A_1827 : vector<64x4xi32>
    %ne3A_1829 = arith.constant 0 : i32
    %ne3A_1830 = vector.broadcast %ne3A_1829 : i32 to vector<64x4xi32>
    %ne3A_1831 = arith.cmpi ne, %rem3A_1828, %ne3A_1830 : vector<64x4xi32>
    %lt3A_1832 = arith.constant 0 : i32
    %lt3A_1833 = vector.broadcast %lt3A_1832 : i32 to vector<64x4xi32>
    %lt3A_1834 = arith.cmpi slt, %rem3A_1828, %lt3A_1833 : vector<64x4xi32>
    %lt3A_1835 = arith.constant 0 : i32
    %lt3A_1836 = arith.cmpi slt, %select_n3A_1826, %lt3A_1835 : i32
    %ne3A_1837 = vector.broadcast %lt3A_1836 : i1 to vector<64x4xi1>
    %ne3A_1838 = vector.broadcast %ne3A_1837 : vector<64x4xi1> to vector<64x4xi1>
    %ne3A_1839 = arith.xori %lt3A_1834, %ne3A_1838 : vector<64x4xi1>
    %and3A_1840 = arith.andi %ne3A_1839, %ne3A_1831 : vector<64x4xi1>
    %add3A_1841 = vector.broadcast %select_n3A_1826 : i32 to vector<64x4xi32>
    %add3A_1842 = arith.addi %rem3A_1828, %add3A_1841 : vector<64x4xi32>
    %select_n3A_1843 = arith.select %and3A_1840, %add3A_1842, %rem3A_1828 : vector<64x4xi1>, vector<64x4xi32>
    %mul3A_1844 = arith.constant 2 : i32
    %mul3A_1845 = vector.broadcast %mul3A_1844 : i32 to vector<64x4xi32>
    %mul3A_1846 = arith.muli %mul3A_1845, %select_n3A_1843 : vector<64x4xi32>
    %add3A_1847 = arith.addi %mul3A_1821, %mul3A_1846 : vector<64x4xi32>
    %jit3A_1848 = arith.constant 2 : i32
    %eq3A_1849 = arith.constant 0 : i32
    %eq3A_1850 = arith.cmpi eq, %jit3A_1848, %eq3A_1849 : i32
    %jit3A_1851 = arith.constant 1 : i32
    %select_n3A_1852 = arith.select %eq3A_1850, %jit3A_1851, %jit3A_1848 : i32
    %rem3A_1853 = vector.broadcast %select_n3A_1852 : i32 to vector<64x4xi32>
    %rem3A_1854 = arith.remsi %select_n3A_1741, %rem3A_1853 : vector<64x4xi32>
    %ne3A_1855 = arith.constant 0 : i32
    %ne3A_1856 = vector.broadcast %ne3A_1855 : i32 to vector<64x4xi32>
    %ne3A_1857 = arith.cmpi ne, %rem3A_1854, %ne3A_1856 : vector<64x4xi32>
    %lt3A_1858 = arith.constant 0 : i32
    %lt3A_1859 = vector.broadcast %lt3A_1858 : i32 to vector<64x4xi32>
    %lt3A_1860 = arith.cmpi slt, %rem3A_1854, %lt3A_1859 : vector<64x4xi32>
    %lt3A_1861 = arith.constant 0 : i32
    %lt3A_1862 = arith.cmpi slt, %select_n3A_1852, %lt3A_1861 : i32
    %ne3A_1863 = vector.broadcast %lt3A_1862 : i1 to vector<64x4xi1>
    %ne3A_1864 = vector.broadcast %ne3A_1863 : vector<64x4xi1> to vector<64x4xi1>
    %ne3A_1865 = arith.xori %lt3A_1860, %ne3A_1864 : vector<64x4xi1>
    %and3A_1866 = arith.andi %ne3A_1865, %ne3A_1857 : vector<64x4xi1>
    %add3A_1867 = vector.broadcast %select_n3A_1852 : i32 to vector<64x4xi32>
    %add3A_1868 = arith.addi %rem3A_1854, %add3A_1867 : vector<64x4xi32>
    %select_n3A_1869 = arith.select %and3A_1866, %add3A_1868, %rem3A_1854 : vector<64x4xi1>, vector<64x4xi32>
    %add3A_1870 = arith.addi %add3A_1847, %select_n3A_1869 : vector<64x4xi32>
    %mul3A_1871 = arith.constant 1024 : i32
    %mul3A_1872 = arith.muli %arg0, %mul3A_1871 : i32
    %add3A_1873 = vector.broadcast %mul3A_1872 : i32 to vector<64x4xi32>
    %add3A_1874 = arith.addi %add3A_1870, %add3A_1873 : vector<64x4xi32>
    %broadcast_in_dim3A_1875 = vector.shape_cast %reduce_min3A_1688 : vector<64x4xi32> to vector<64x4x1xi32>
    %eq3A_1876 = vector.broadcast %broadcast_in_dim3A_1875 : vector<64x4x1xi32> to vector<64x4x64xi32>
    %eq3A_1877 = arith.cmpi eq, %iota3A, %eq3A_1876 : vector<64x4x64xi32>
    %jit3A_1878 = arith.constant -1.000000e+30 : f32
    %broadcast_in_dim3A_1879 = vector.broadcast %jit3A_1878 : f32 to vector<64x4x64xf32>
    %select_n3A_1880 = arith.select %eq3A_1877, %broadcast_in_dim3A_1879, %select_n3A_1678 : vector<64x4x64xi1>, vector<64x4x64xf32>
    %reduce_max3A_1881 = arith.constant dense<0xFF800000> : vector<64x4xf32>
    %reduce_max3A_1882 = vector.multi_reduction <maximumf>, %select_n3A_1880, %reduce_max3A_1881 [2] : vector<64x4x64xf32> to vector<64x4xf32>
    %broadcast_in_dim3A_1883 = vector.shape_cast %reduce_max3A_1882 : vector<64x4xf32> to vector<64x4x1xf32>
    %eq3A_1884 = vector.broadcast %broadcast_in_dim3A_1883 : vector<64x4x1xf32> to vector<64x4x64xf32>
    %eq3A_1885 = arith.cmpf oeq, %select_n3A_1880, %eq3A_1884 : vector<64x4x64xf32>
    %jit3A_1886 = arith.constant 128 : i32
    %broadcast_in_dim3A_1887 = vector.broadcast %jit3A_1886 : i32 to vector<64x4x64xi32>
    %select_n3A_1888 = arith.select %eq3A_1885, %iota3A, %broadcast_in_dim3A_1887 : vector<64x4x64xi1>, vector<64x4x64xi32>
    %reduce_min3A_1889 = arith.constant dense<2147483647> : vector<64x4xi32>
    %reduce_min3A_1890 = vector.multi_reduction <minsi>, %select_n3A_1888, %reduce_min3A_1889 [2] : vector<64x4x64xi32> to vector<64x4xi32>
    %jit3A_1891 = arith.constant 4 : i32
    %div3A_1892 = vector.broadcast %jit3A_1891 : i32 to vector<64x4xi32>
    %div3A_1893 = arith.divsi %reduce_min3A_1890, %div3A_1892 : vector<64x4xi32>
    %sign3A_1894 = arith.constant 0 : i32
    %sign3A_1895 = vector.broadcast %sign3A_1894 : i32 to vector<64x4xi32>
    %sign3A_1896 = arith.cmpi sgt, %reduce_min3A_1890, %sign3A_1895 : vector<64x4xi32>
    %sign3A_1897 = arith.extui %sign3A_1896 : vector<64x4xi1> to vector<64x4xi32>
    %sign3A_1898 = arith.constant 0 : i32
    %sign3A_1899 = vector.broadcast %sign3A_1898 : i32 to vector<64x4xi32>
    %sign3A_1900 = arith.cmpi slt, %reduce_min3A_1890, %sign3A_1899 : vector<64x4xi32>
    %sign3A_1901 = arith.extui %sign3A_1900 : vector<64x4xi1> to vector<64x4xi32>
    %sign3A_1902 = arith.subi %sign3A_1897, %sign3A_1901 : vector<64x4xi32>
    %sign3A_1903 = arith.constant 0 : i32
    %sign3A_1904 = arith.cmpi sgt, %jit3A_1891, %sign3A_1903 : i32
    %sign3A_1905 = arith.extui %sign3A_1904 : i1 to i32
    %sign3A_1906 = arith.constant 0 : i32
    %sign3A_1907 = arith.cmpi slt, %jit3A_1891, %sign3A_1906 : i32
    %sign3A_1908 = arith.extui %sign3A_1907 : i1 to i32
    %sign3A_1909 = arith.subi %sign3A_1905, %sign3A_1908 : i32
    %ne3A_1910 = vector.broadcast %sign3A_1909 : i32 to vector<64x4xi32>
    %ne3A_1911 = arith.cmpi ne, %sign3A_1902, %ne3A_1910 : vector<64x4xi32>
    %rem3A_1912 = vector.broadcast %jit3A_1891 : i32 to vector<64x4xi32>
    %rem3A_1913 = arith.remsi %reduce_min3A_1890, %rem3A_1912 : vector<64x4xi32>
    %ne3A_1914 = arith.constant 0 : i32
    %ne3A_1915 = vector.broadcast %ne3A_1914 : i32 to vector<64x4xi32>
    %ne3A_1916 = arith.cmpi ne, %rem3A_1913, %ne3A_1915 : vector<64x4xi32>
    %and3A_1917 = arith.andi %ne3A_1911, %ne3A_1916 : vector<64x4xi1>
    %sub3A_1918 = arith.constant 1 : i32
    %sub3A_1919 = vector.broadcast %sub3A_1918 : i32 to vector<64x4xi32>
    %sub3A_1920 = arith.subi %div3A_1893, %sub3A_1919 : vector<64x4xi32>
    %select_n3A_1921 = arith.select %and3A_1917, %sub3A_1920, %div3A_1893 : vector<64x4xi1>, vector<64x4xi32>
    %jit3A_1922 = arith.constant 4 : i32
    %eq3A_1923 = arith.constant 0 : i32
    %eq3A_1924 = arith.cmpi eq, %jit3A_1922, %eq3A_1923 : i32
    %jit3A_1925 = arith.constant 1 : i32
    %select_n3A_1926 = arith.select %eq3A_1924, %jit3A_1925, %jit3A_1922 : i32
    %rem3A_1927 = vector.broadcast %select_n3A_1926 : i32 to vector<64x4xi32>
    %rem3A_1928 = arith.remsi %reduce_min3A_1890, %rem3A_1927 : vector<64x4xi32>
    %ne3A_1929 = arith.constant 0 : i32
    %ne3A_1930 = vector.broadcast %ne3A_1929 : i32 to vector<64x4xi32>
    %ne3A_1931 = arith.cmpi ne, %rem3A_1928, %ne3A_1930 : vector<64x4xi32>
    %lt3A_1932 = arith.constant 0 : i32
    %lt3A_1933 = vector.broadcast %lt3A_1932 : i32 to vector<64x4xi32>
    %lt3A_1934 = arith.cmpi slt, %rem3A_1928, %lt3A_1933 : vector<64x4xi32>
    %lt3A_1935 = arith.constant 0 : i32
    %lt3A_1936 = arith.cmpi slt, %select_n3A_1926, %lt3A_1935 : i32
    %ne3A_1937 = vector.broadcast %lt3A_1936 : i1 to vector<64x4xi1>
    %ne3A_1938 = vector.broadcast %ne3A_1937 : vector<64x4xi1> to vector<64x4xi1>
    %ne3A_1939 = arith.xori %lt3A_1934, %ne3A_1938 : vector<64x4xi1>
    %and3A_1940 = arith.andi %ne3A_1939, %ne3A_1931 : vector<64x4xi1>
    %add3A_1941 = vector.broadcast %select_n3A_1926 : i32 to vector<64x4xi32>
    %add3A_1942 = arith.addi %rem3A_1928, %add3A_1941 : vector<64x4xi32>
    %select_n3A_1943 = arith.select %and3A_1940, %add3A_1942, %rem3A_1928 : vector<64x4xi1>, vector<64x4xi32>
    %broadcast_in_dim3A_1944 = vector.shape_cast %select_n3A_1921 : vector<64x4xi32> to vector<64x4x1xi32>
    %eq3A_1945 = vector.broadcast %broadcast_in_dim3A_1944 : vector<64x4x1xi32> to vector<64x4x16xi32>
    %eq3A_1946 = arith.cmpi eq, %eq3A_1945, %iota3A_71 : vector<64x4x16xi32>
    %broadcast_in_dim3A_1947 = vector.shape_cast %sub3A_70 : vector<64x16xi32> to vector<64x1x16xi32>
    %jit3A_1948 = arith.constant 0 : i32
    %broadcast_in_dim3A_1949 = vector.shape_cast %broadcast_in_dim3A_1947 : vector<64x1x16xi32> to vector<64x1x16xi32>
    %broadcast_in_dim3A_1950 = vector.broadcast %broadcast_in_dim3A_1949 : vector<64x1x16xi32> to vector<64x4x16xi32>
    %broadcast_in_dim3A_1951 = vector.broadcast %jit3A_1948 : i32 to vector<64x4x16xi32>
    %select_n3A_1952 = arith.select %eq3A_1946, %broadcast_in_dim3A_1950, %broadcast_in_dim3A_1951 : vector<64x4x16xi1>, vector<64x4x16xi32>
    %reduce_sum3A_1953 = arith.constant dense<0> : vector<64x4xi32>
    %reduce_sum3A_1954 = vector.multi_reduction <add>, %select_n3A_1952, %reduce_sum3A_1953 [2] : vector<64x4x16xi32> to vector<64x4xi32>
    %jit3A_1955 = arith.constant 16 : i32
    %div3A_1956 = vector.broadcast %jit3A_1955 : i32 to vector<64x4xi32>
    %div3A_1957 = arith.divsi %reduce_sum3A_1954, %div3A_1956 : vector<64x4xi32>
    %sign3A_1958 = arith.constant 0 : i32
    %sign3A_1959 = vector.broadcast %sign3A_1958 : i32 to vector<64x4xi32>
    %sign3A_1960 = arith.cmpi sgt, %reduce_sum3A_1954, %sign3A_1959 : vector<64x4xi32>
    %sign3A_1961 = arith.extui %sign3A_1960 : vector<64x4xi1> to vector<64x4xi32>
    %sign3A_1962 = arith.constant 0 : i32
    %sign3A_1963 = vector.broadcast %sign3A_1962 : i32 to vector<64x4xi32>
    %sign3A_1964 = arith.cmpi slt, %reduce_sum3A_1954, %sign3A_1963 : vector<64x4xi32>
    %sign3A_1965 = arith.extui %sign3A_1964 : vector<64x4xi1> to vector<64x4xi32>
    %sign3A_1966 = arith.subi %sign3A_1961, %sign3A_1965 : vector<64x4xi32>
    %sign3A_1967 = arith.constant 0 : i32
    %sign3A_1968 = arith.cmpi sgt, %jit3A_1955, %sign3A_1967 : i32
    %sign3A_1969 = arith.extui %sign3A_1968 : i1 to i32
    %sign3A_1970 = arith.constant 0 : i32
    %sign3A_1971 = arith.cmpi slt, %jit3A_1955, %sign3A_1970 : i32
    %sign3A_1972 = arith.extui %sign3A_1971 : i1 to i32
    %sign3A_1973 = arith.subi %sign3A_1969, %sign3A_1972 : i32
    %ne3A_1974 = vector.broadcast %sign3A_1973 : i32 to vector<64x4xi32>
    %ne3A_1975 = arith.cmpi ne, %sign3A_1966, %ne3A_1974 : vector<64x4xi32>
    %rem3A_1976 = vector.broadcast %jit3A_1955 : i32 to vector<64x4xi32>
    %rem3A_1977 = arith.remsi %reduce_sum3A_1954, %rem3A_1976 : vector<64x4xi32>
    %ne3A_1978 = arith.constant 0 : i32
    %ne3A_1979 = vector.broadcast %ne3A_1978 : i32 to vector<64x4xi32>
    %ne3A_1980 = arith.cmpi ne, %rem3A_1977, %ne3A_1979 : vector<64x4xi32>
    %and3A_1981 = arith.andi %ne3A_1975, %ne3A_1980 : vector<64x4xi1>
    %sub3A_1982 = arith.constant 1 : i32
    %sub3A_1983 = vector.broadcast %sub3A_1982 : i32 to vector<64x4xi32>
    %sub3A_1984 = arith.subi %div3A_1957, %sub3A_1983 : vector<64x4xi32>
    %select_n3A_1985 = arith.select %and3A_1981, %sub3A_1984, %div3A_1957 : vector<64x4xi1>, vector<64x4xi32>
    %mul3A_1986 = arith.constant 2 : i32
    %mul3A_1987 = vector.broadcast %mul3A_1986 : i32 to vector<64x4xi32>
    %mul3A_1988 = arith.muli %mul3A_1987, %select_n3A_1985 : vector<64x4xi32>
    %jit3A_1989 = arith.constant 2 : i32
    %div3A_1990 = vector.broadcast %jit3A_1989 : i32 to vector<64x4xi32>
    %div3A_1991 = arith.divsi %select_n3A_1943, %div3A_1990 : vector<64x4xi32>
    %sign3A_1992 = arith.constant 0 : i32
    %sign3A_1993 = vector.broadcast %sign3A_1992 : i32 to vector<64x4xi32>
    %sign3A_1994 = arith.cmpi sgt, %select_n3A_1943, %sign3A_1993 : vector<64x4xi32>
    %sign3A_1995 = arith.extui %sign3A_1994 : vector<64x4xi1> to vector<64x4xi32>
    %sign3A_1996 = arith.constant 0 : i32
    %sign3A_1997 = vector.broadcast %sign3A_1996 : i32 to vector<64x4xi32>
    %sign3A_1998 = arith.cmpi slt, %select_n3A_1943, %sign3A_1997 : vector<64x4xi32>
    %sign3A_1999 = arith.extui %sign3A_1998 : vector<64x4xi1> to vector<64x4xi32>
    %sign3A_2000 = arith.subi %sign3A_1995, %sign3A_1999 : vector<64x4xi32>
    %sign3A_2001 = arith.constant 0 : i32
    %sign3A_2002 = arith.cmpi sgt, %jit3A_1989, %sign3A_2001 : i32
    %sign3A_2003 = arith.extui %sign3A_2002 : i1 to i32
    %sign3A_2004 = arith.constant 0 : i32
    %sign3A_2005 = arith.cmpi slt, %jit3A_1989, %sign3A_2004 : i32
    %sign3A_2006 = arith.extui %sign3A_2005 : i1 to i32
    %sign3A_2007 = arith.subi %sign3A_2003, %sign3A_2006 : i32
    %ne3A_2008 = vector.broadcast %sign3A_2007 : i32 to vector<64x4xi32>
    %ne3A_2009 = arith.cmpi ne, %sign3A_2000, %ne3A_2008 : vector<64x4xi32>
    %rem3A_2010 = vector.broadcast %jit3A_1989 : i32 to vector<64x4xi32>
    %rem3A_2011 = arith.remsi %select_n3A_1943, %rem3A_2010 : vector<64x4xi32>
    %ne3A_2012 = arith.constant 0 : i32
    %ne3A_2013 = vector.broadcast %ne3A_2012 : i32 to vector<64x4xi32>
    %ne3A_2014 = arith.cmpi ne, %rem3A_2011, %ne3A_2013 : vector<64x4xi32>
    %and3A_2015 = arith.andi %ne3A_2009, %ne3A_2014 : vector<64x4xi1>
    %sub3A_2016 = arith.constant 1 : i32
    %sub3A_2017 = vector.broadcast %sub3A_2016 : i32 to vector<64x4xi32>
    %sub3A_2018 = arith.subi %div3A_1991, %sub3A_2017 : vector<64x4xi32>
    %select_n3A_2019 = arith.select %and3A_2015, %sub3A_2018, %div3A_1991 : vector<64x4xi1>, vector<64x4xi32>
    %add3A_2020 = arith.addi %mul3A_1988, %select_n3A_2019 : vector<64x4xi32>
    %mul3A_2021 = arith.constant 32 : i32
    %mul3A_2022 = vector.broadcast %mul3A_2021 : i32 to vector<64x4xi32>
    %mul3A_2023 = arith.muli %add3A_2020, %mul3A_2022 : vector<64x4xi32>
    %jit3A_2024 = arith.constant 16 : i32
    %eq3A_2025 = arith.constant 0 : i32
    %eq3A_2026 = arith.cmpi eq, %jit3A_2024, %eq3A_2025 : i32
    %jit3A_2027 = arith.constant 1 : i32
    %select_n3A_2028 = arith.select %eq3A_2026, %jit3A_2027, %jit3A_2024 : i32
    %rem3A_2029 = vector.broadcast %select_n3A_2028 : i32 to vector<64x4xi32>
    %rem3A_2030 = arith.remsi %reduce_sum3A_1954, %rem3A_2029 : vector<64x4xi32>
    %ne3A_2031 = arith.constant 0 : i32
    %ne3A_2032 = vector.broadcast %ne3A_2031 : i32 to vector<64x4xi32>
    %ne3A_2033 = arith.cmpi ne, %rem3A_2030, %ne3A_2032 : vector<64x4xi32>
    %lt3A_2034 = arith.constant 0 : i32
    %lt3A_2035 = vector.broadcast %lt3A_2034 : i32 to vector<64x4xi32>
    %lt3A_2036 = arith.cmpi slt, %rem3A_2030, %lt3A_2035 : vector<64x4xi32>
    %lt3A_2037 = arith.constant 0 : i32
    %lt3A_2038 = arith.cmpi slt, %select_n3A_2028, %lt3A_2037 : i32
    %ne3A_2039 = vector.broadcast %lt3A_2038 : i1 to vector<64x4xi1>
    %ne3A_2040 = vector.broadcast %ne3A_2039 : vector<64x4xi1> to vector<64x4xi1>
    %ne3A_2041 = arith.xori %lt3A_2036, %ne3A_2040 : vector<64x4xi1>
    %and3A_2042 = arith.andi %ne3A_2041, %ne3A_2033 : vector<64x4xi1>
    %add3A_2043 = vector.broadcast %select_n3A_2028 : i32 to vector<64x4xi32>
    %add3A_2044 = arith.addi %rem3A_2030, %add3A_2043 : vector<64x4xi32>
    %select_n3A_2045 = arith.select %and3A_2042, %add3A_2044, %rem3A_2030 : vector<64x4xi1>, vector<64x4xi32>
    %mul3A_2046 = arith.constant 2 : i32
    %mul3A_2047 = vector.broadcast %mul3A_2046 : i32 to vector<64x4xi32>
    %mul3A_2048 = arith.muli %mul3A_2047, %select_n3A_2045 : vector<64x4xi32>
    %add3A_2049 = arith.addi %mul3A_2023, %mul3A_2048 : vector<64x4xi32>
    %jit3A_2050 = arith.constant 2 : i32
    %eq3A_2051 = arith.constant 0 : i32
    %eq3A_2052 = arith.cmpi eq, %jit3A_2050, %eq3A_2051 : i32
    %jit3A_2053 = arith.constant 1 : i32
    %select_n3A_2054 = arith.select %eq3A_2052, %jit3A_2053, %jit3A_2050 : i32
    %rem3A_2055 = vector.broadcast %select_n3A_2054 : i32 to vector<64x4xi32>
    %rem3A_2056 = arith.remsi %select_n3A_1943, %rem3A_2055 : vector<64x4xi32>
    %ne3A_2057 = arith.constant 0 : i32
    %ne3A_2058 = vector.broadcast %ne3A_2057 : i32 to vector<64x4xi32>
    %ne3A_2059 = arith.cmpi ne, %rem3A_2056, %ne3A_2058 : vector<64x4xi32>
    %lt3A_2060 = arith.constant 0 : i32
    %lt3A_2061 = vector.broadcast %lt3A_2060 : i32 to vector<64x4xi32>
    %lt3A_2062 = arith.cmpi slt, %rem3A_2056, %lt3A_2061 : vector<64x4xi32>
    %lt3A_2063 = arith.constant 0 : i32
    %lt3A_2064 = arith.cmpi slt, %select_n3A_2054, %lt3A_2063 : i32
    %ne3A_2065 = vector.broadcast %lt3A_2064 : i1 to vector<64x4xi1>
    %ne3A_2066 = vector.broadcast %ne3A_2065 : vector<64x4xi1> to vector<64x4xi1>
    %ne3A_2067 = arith.xori %lt3A_2062, %ne3A_2066 : vector<64x4xi1>
    %and3A_2068 = arith.andi %ne3A_2067, %ne3A_2059 : vector<64x4xi1>
    %add3A_2069 = vector.broadcast %select_n3A_2054 : i32 to vector<64x4xi32>
    %add3A_2070 = arith.addi %rem3A_2056, %add3A_2069 : vector<64x4xi32>
    %select_n3A_2071 = arith.select %and3A_2068, %add3A_2070, %rem3A_2056 : vector<64x4xi1>, vector<64x4xi32>
    %add3A_2072 = arith.addi %add3A_2049, %select_n3A_2071 : vector<64x4xi32>
    %mul3A_2073 = arith.constant 1024 : i32
    %mul3A_2074 = arith.muli %arg0, %mul3A_2073 : i32
    %add3A_2075 = vector.broadcast %mul3A_2074 : i32 to vector<64x4xi32>
    %add3A_2076 = arith.addi %add3A_2072, %add3A_2075 : vector<64x4xi32>
    %broadcast_in_dim3A_2077 = vector.shape_cast %reduce_min3A_1890 : vector<64x4xi32> to vector<64x4x1xi32>
    %eq3A_2078 = vector.broadcast %broadcast_in_dim3A_2077 : vector<64x4x1xi32> to vector<64x4x64xi32>
    %eq3A_2079 = arith.cmpi eq, %iota3A, %eq3A_2078 : vector<64x4x64xi32>
    %jit3A_2080 = arith.constant -1.000000e+30 : f32
    %broadcast_in_dim3A_2081 = vector.broadcast %jit3A_2080 : f32 to vector<64x4x64xf32>
    %select_n3A_2082 = arith.select %eq3A_2079, %broadcast_in_dim3A_2081, %select_n3A_1880 : vector<64x4x64xi1>, vector<64x4x64xf32>
    %reduce_max3A_2083 = arith.constant dense<0xFF800000> : vector<64x4xf32>
    %reduce_max3A_2084 = vector.multi_reduction <maximumf>, %select_n3A_2082, %reduce_max3A_2083 [2] : vector<64x4x64xf32> to vector<64x4xf32>
    %broadcast_in_dim3A_2085 = vector.shape_cast %reduce_max3A_2084 : vector<64x4xf32> to vector<64x4x1xf32>
    %eq3A_2086 = vector.broadcast %broadcast_in_dim3A_2085 : vector<64x4x1xf32> to vector<64x4x64xf32>
    %eq3A_2087 = arith.cmpf oeq, %select_n3A_2082, %eq3A_2086 : vector<64x4x64xf32>
    %jit3A_2088 = arith.constant 128 : i32
    %broadcast_in_dim3A_2089 = vector.broadcast %jit3A_2088 : i32 to vector<64x4x64xi32>
    %select_n3A_2090 = arith.select %eq3A_2087, %iota3A, %broadcast_in_dim3A_2089 : vector<64x4x64xi1>, vector<64x4x64xi32>
    %reduce_min3A_2091 = arith.constant dense<2147483647> : vector<64x4xi32>
    %reduce_min3A_2092 = vector.multi_reduction <minsi>, %select_n3A_2090, %reduce_min3A_2091 [2] : vector<64x4x64xi32> to vector<64x4xi32>
    %jit3A_2093 = arith.constant 4 : i32
    %div3A_2094 = vector.broadcast %jit3A_2093 : i32 to vector<64x4xi32>
    %div3A_2095 = arith.divsi %reduce_min3A_2092, %div3A_2094 : vector<64x4xi32>
    %sign3A_2096 = arith.constant 0 : i32
    %sign3A_2097 = vector.broadcast %sign3A_2096 : i32 to vector<64x4xi32>
    %sign3A_2098 = arith.cmpi sgt, %reduce_min3A_2092, %sign3A_2097 : vector<64x4xi32>
    %sign3A_2099 = arith.extui %sign3A_2098 : vector<64x4xi1> to vector<64x4xi32>
    %sign3A_2100 = arith.constant 0 : i32
    %sign3A_2101 = vector.broadcast %sign3A_2100 : i32 to vector<64x4xi32>
    %sign3A_2102 = arith.cmpi slt, %reduce_min3A_2092, %sign3A_2101 : vector<64x4xi32>
    %sign3A_2103 = arith.extui %sign3A_2102 : vector<64x4xi1> to vector<64x4xi32>
    %sign3A_2104 = arith.subi %sign3A_2099, %sign3A_2103 : vector<64x4xi32>
    %sign3A_2105 = arith.constant 0 : i32
    %sign3A_2106 = arith.cmpi sgt, %jit3A_2093, %sign3A_2105 : i32
    %sign3A_2107 = arith.extui %sign3A_2106 : i1 to i32
    %sign3A_2108 = arith.constant 0 : i32
    %sign3A_2109 = arith.cmpi slt, %jit3A_2093, %sign3A_2108 : i32
    %sign3A_2110 = arith.extui %sign3A_2109 : i1 to i32
    %sign3A_2111 = arith.subi %sign3A_2107, %sign3A_2110 : i32
    %ne3A_2112 = vector.broadcast %sign3A_2111 : i32 to vector<64x4xi32>
    %ne3A_2113 = arith.cmpi ne, %sign3A_2104, %ne3A_2112 : vector<64x4xi32>
    %rem3A_2114 = vector.broadcast %jit3A_2093 : i32 to vector<64x4xi32>
    %rem3A_2115 = arith.remsi %reduce_min3A_2092, %rem3A_2114 : vector<64x4xi32>
    %ne3A_2116 = arith.constant 0 : i32
    %ne3A_2117 = vector.broadcast %ne3A_2116 : i32 to vector<64x4xi32>
    %ne3A_2118 = arith.cmpi ne, %rem3A_2115, %ne3A_2117 : vector<64x4xi32>
    %and3A_2119 = arith.andi %ne3A_2113, %ne3A_2118 : vector<64x4xi1>
    %sub3A_2120 = arith.constant 1 : i32
    %sub3A_2121 = vector.broadcast %sub3A_2120 : i32 to vector<64x4xi32>
    %sub3A_2122 = arith.subi %div3A_2095, %sub3A_2121 : vector<64x4xi32>
    %select_n3A_2123 = arith.select %and3A_2119, %sub3A_2122, %div3A_2095 : vector<64x4xi1>, vector<64x4xi32>
    %jit3A_2124 = arith.constant 4 : i32
    %eq3A_2125 = arith.constant 0 : i32
    %eq3A_2126 = arith.cmpi eq, %jit3A_2124, %eq3A_2125 : i32
    %jit3A_2127 = arith.constant 1 : i32
    %select_n3A_2128 = arith.select %eq3A_2126, %jit3A_2127, %jit3A_2124 : i32
    %rem3A_2129 = vector.broadcast %select_n3A_2128 : i32 to vector<64x4xi32>
    %rem3A_2130 = arith.remsi %reduce_min3A_2092, %rem3A_2129 : vector<64x4xi32>
    %ne3A_2131 = arith.constant 0 : i32
    %ne3A_2132 = vector.broadcast %ne3A_2131 : i32 to vector<64x4xi32>
    %ne3A_2133 = arith.cmpi ne, %rem3A_2130, %ne3A_2132 : vector<64x4xi32>
    %lt3A_2134 = arith.constant 0 : i32
    %lt3A_2135 = vector.broadcast %lt3A_2134 : i32 to vector<64x4xi32>
    %lt3A_2136 = arith.cmpi slt, %rem3A_2130, %lt3A_2135 : vector<64x4xi32>
    %lt3A_2137 = arith.constant 0 : i32
    %lt3A_2138 = arith.cmpi slt, %select_n3A_2128, %lt3A_2137 : i32
    %ne3A_2139 = vector.broadcast %lt3A_2138 : i1 to vector<64x4xi1>
    %ne3A_2140 = vector.broadcast %ne3A_2139 : vector<64x4xi1> to vector<64x4xi1>
    %ne3A_2141 = arith.xori %lt3A_2136, %ne3A_2140 : vector<64x4xi1>
    %and3A_2142 = arith.andi %ne3A_2141, %ne3A_2133 : vector<64x4xi1>
    %add3A_2143 = vector.broadcast %select_n3A_2128 : i32 to vector<64x4xi32>
    %add3A_2144 = arith.addi %rem3A_2130, %add3A_2143 : vector<64x4xi32>
    %select_n3A_2145 = arith.select %and3A_2142, %add3A_2144, %rem3A_2130 : vector<64x4xi1>, vector<64x4xi32>
    %broadcast_in_dim3A_2146 = vector.shape_cast %select_n3A_2123 : vector<64x4xi32> to vector<64x4x1xi32>
    %eq3A_2147 = vector.broadcast %broadcast_in_dim3A_2146 : vector<64x4x1xi32> to vector<64x4x16xi32>
    %eq3A_2148 = arith.cmpi eq, %eq3A_2147, %iota3A_71 : vector<64x4x16xi32>
    %broadcast_in_dim3A_2149 = vector.shape_cast %sub3A_70 : vector<64x16xi32> to vector<64x1x16xi32>
    %jit3A_2150 = arith.constant 0 : i32
    %broadcast_in_dim3A_2151 = vector.shape_cast %broadcast_in_dim3A_2149 : vector<64x1x16xi32> to vector<64x1x16xi32>
    %broadcast_in_dim3A_2152 = vector.broadcast %broadcast_in_dim3A_2151 : vector<64x1x16xi32> to vector<64x4x16xi32>
    %broadcast_in_dim3A_2153 = vector.broadcast %jit3A_2150 : i32 to vector<64x4x16xi32>
    %select_n3A_2154 = arith.select %eq3A_2148, %broadcast_in_dim3A_2152, %broadcast_in_dim3A_2153 : vector<64x4x16xi1>, vector<64x4x16xi32>
    %reduce_sum3A_2155 = arith.constant dense<0> : vector<64x4xi32>
    %reduce_sum3A_2156 = vector.multi_reduction <add>, %select_n3A_2154, %reduce_sum3A_2155 [2] : vector<64x4x16xi32> to vector<64x4xi32>
    %jit3A_2157 = arith.constant 16 : i32
    %div3A_2158 = vector.broadcast %jit3A_2157 : i32 to vector<64x4xi32>
    %div3A_2159 = arith.divsi %reduce_sum3A_2156, %div3A_2158 : vector<64x4xi32>
    %sign3A_2160 = arith.constant 0 : i32
    %sign3A_2161 = vector.broadcast %sign3A_2160 : i32 to vector<64x4xi32>
    %sign3A_2162 = arith.cmpi sgt, %reduce_sum3A_2156, %sign3A_2161 : vector<64x4xi32>
    %sign3A_2163 = arith.extui %sign3A_2162 : vector<64x4xi1> to vector<64x4xi32>
    %sign3A_2164 = arith.constant 0 : i32
    %sign3A_2165 = vector.broadcast %sign3A_2164 : i32 to vector<64x4xi32>
    %sign3A_2166 = arith.cmpi slt, %reduce_sum3A_2156, %sign3A_2165 : vector<64x4xi32>
    %sign3A_2167 = arith.extui %sign3A_2166 : vector<64x4xi1> to vector<64x4xi32>
    %sign3A_2168 = arith.subi %sign3A_2163, %sign3A_2167 : vector<64x4xi32>
    %sign3A_2169 = arith.constant 0 : i32
    %sign3A_2170 = arith.cmpi sgt, %jit3A_2157, %sign3A_2169 : i32
    %sign3A_2171 = arith.extui %sign3A_2170 : i1 to i32
    %sign3A_2172 = arith.constant 0 : i32
    %sign3A_2173 = arith.cmpi slt, %jit3A_2157, %sign3A_2172 : i32
    %sign3A_2174 = arith.extui %sign3A_2173 : i1 to i32
    %sign3A_2175 = arith.subi %sign3A_2171, %sign3A_2174 : i32
    %ne3A_2176 = vector.broadcast %sign3A_2175 : i32 to vector<64x4xi32>
    %ne3A_2177 = arith.cmpi ne, %sign3A_2168, %ne3A_2176 : vector<64x4xi32>
    %rem3A_2178 = vector.broadcast %jit3A_2157 : i32 to vector<64x4xi32>
    %rem3A_2179 = arith.remsi %reduce_sum3A_2156, %rem3A_2178 : vector<64x4xi32>
    %ne3A_2180 = arith.constant 0 : i32
    %ne3A_2181 = vector.broadcast %ne3A_2180 : i32 to vector<64x4xi32>
    %ne3A_2182 = arith.cmpi ne, %rem3A_2179, %ne3A_2181 : vector<64x4xi32>
    %and3A_2183 = arith.andi %ne3A_2177, %ne3A_2182 : vector<64x4xi1>
    %sub3A_2184 = arith.constant 1 : i32
    %sub3A_2185 = vector.broadcast %sub3A_2184 : i32 to vector<64x4xi32>
    %sub3A_2186 = arith.subi %div3A_2159, %sub3A_2185 : vector<64x4xi32>
    %select_n3A_2187 = arith.select %and3A_2183, %sub3A_2186, %div3A_2159 : vector<64x4xi1>, vector<64x4xi32>
    %mul3A_2188 = arith.constant 2 : i32
    %mul3A_2189 = vector.broadcast %mul3A_2188 : i32 to vector<64x4xi32>
    %mul3A_2190 = arith.muli %mul3A_2189, %select_n3A_2187 : vector<64x4xi32>
    %jit3A_2191 = arith.constant 2 : i32
    %div3A_2192 = vector.broadcast %jit3A_2191 : i32 to vector<64x4xi32>
    %div3A_2193 = arith.divsi %select_n3A_2145, %div3A_2192 : vector<64x4xi32>
    %sign3A_2194 = arith.constant 0 : i32
    %sign3A_2195 = vector.broadcast %sign3A_2194 : i32 to vector<64x4xi32>
    %sign3A_2196 = arith.cmpi sgt, %select_n3A_2145, %sign3A_2195 : vector<64x4xi32>
    %sign3A_2197 = arith.extui %sign3A_2196 : vector<64x4xi1> to vector<64x4xi32>
    %sign3A_2198 = arith.constant 0 : i32
    %sign3A_2199 = vector.broadcast %sign3A_2198 : i32 to vector<64x4xi32>
    %sign3A_2200 = arith.cmpi slt, %select_n3A_2145, %sign3A_2199 : vector<64x4xi32>
    %sign3A_2201 = arith.extui %sign3A_2200 : vector<64x4xi1> to vector<64x4xi32>
    %sign3A_2202 = arith.subi %sign3A_2197, %sign3A_2201 : vector<64x4xi32>
    %sign3A_2203 = arith.constant 0 : i32
    %sign3A_2204 = arith.cmpi sgt, %jit3A_2191, %sign3A_2203 : i32
    %sign3A_2205 = arith.extui %sign3A_2204 : i1 to i32
    %sign3A_2206 = arith.constant 0 : i32
    %sign3A_2207 = arith.cmpi slt, %jit3A_2191, %sign3A_2206 : i32
    %sign3A_2208 = arith.extui %sign3A_2207 : i1 to i32
    %sign3A_2209 = arith.subi %sign3A_2205, %sign3A_2208 : i32
    %ne3A_2210 = vector.broadcast %sign3A_2209 : i32 to vector<64x4xi32>
    %ne3A_2211 = arith.cmpi ne, %sign3A_2202, %ne3A_2210 : vector<64x4xi32>
    %rem3A_2212 = vector.broadcast %jit3A_2191 : i32 to vector<64x4xi32>
    %rem3A_2213 = arith.remsi %select_n3A_2145, %rem3A_2212 : vector<64x4xi32>
    %ne3A_2214 = arith.constant 0 : i32
    %ne3A_2215 = vector.broadcast %ne3A_2214 : i32 to vector<64x4xi32>
    %ne3A_2216 = arith.cmpi ne, %rem3A_2213, %ne3A_2215 : vector<64x4xi32>
    %and3A_2217 = arith.andi %ne3A_2211, %ne3A_2216 : vector<64x4xi1>
    %sub3A_2218 = arith.constant 1 : i32
    %sub3A_2219 = vector.broadcast %sub3A_2218 : i32 to vector<64x4xi32>
    %sub3A_2220 = arith.subi %div3A_2193, %sub3A_2219 : vector<64x4xi32>
    %select_n3A_2221 = arith.select %and3A_2217, %sub3A_2220, %div3A_2193 : vector<64x4xi1>, vector<64x4xi32>
    %add3A_2222 = arith.addi %mul3A_2190, %select_n3A_2221 : vector<64x4xi32>
    %mul3A_2223 = arith.constant 32 : i32
    %mul3A_2224 = vector.broadcast %mul3A_2223 : i32 to vector<64x4xi32>
    %mul3A_2225 = arith.muli %add3A_2222, %mul3A_2224 : vector<64x4xi32>
    %jit3A_2226 = arith.constant 16 : i32
    %eq3A_2227 = arith.constant 0 : i32
    %eq3A_2228 = arith.cmpi eq, %jit3A_2226, %eq3A_2227 : i32
    %jit3A_2229 = arith.constant 1 : i32
    %select_n3A_2230 = arith.select %eq3A_2228, %jit3A_2229, %jit3A_2226 : i32
    %rem3A_2231 = vector.broadcast %select_n3A_2230 : i32 to vector<64x4xi32>
    %rem3A_2232 = arith.remsi %reduce_sum3A_2156, %rem3A_2231 : vector<64x4xi32>
    %ne3A_2233 = arith.constant 0 : i32
    %ne3A_2234 = vector.broadcast %ne3A_2233 : i32 to vector<64x4xi32>
    %ne3A_2235 = arith.cmpi ne, %rem3A_2232, %ne3A_2234 : vector<64x4xi32>
    %lt3A_2236 = arith.constant 0 : i32
    %lt3A_2237 = vector.broadcast %lt3A_2236 : i32 to vector<64x4xi32>
    %lt3A_2238 = arith.cmpi slt, %rem3A_2232, %lt3A_2237 : vector<64x4xi32>
    %lt3A_2239 = arith.constant 0 : i32
    %lt3A_2240 = arith.cmpi slt, %select_n3A_2230, %lt3A_2239 : i32
    %ne3A_2241 = vector.broadcast %lt3A_2240 : i1 to vector<64x4xi1>
    %ne3A_2242 = vector.broadcast %ne3A_2241 : vector<64x4xi1> to vector<64x4xi1>
    %ne3A_2243 = arith.xori %lt3A_2238, %ne3A_2242 : vector<64x4xi1>
    %and3A_2244 = arith.andi %ne3A_2243, %ne3A_2235 : vector<64x4xi1>
    %add3A_2245 = vector.broadcast %select_n3A_2230 : i32 to vector<64x4xi32>
    %add3A_2246 = arith.addi %rem3A_2232, %add3A_2245 : vector<64x4xi32>
    %select_n3A_2247 = arith.select %and3A_2244, %add3A_2246, %rem3A_2232 : vector<64x4xi1>, vector<64x4xi32>
    %mul3A_2248 = arith.constant 2 : i32
    %mul3A_2249 = vector.broadcast %mul3A_2248 : i32 to vector<64x4xi32>
    %mul3A_2250 = arith.muli %mul3A_2249, %select_n3A_2247 : vector<64x4xi32>
    %add3A_2251 = arith.addi %mul3A_2225, %mul3A_2250 : vector<64x4xi32>
    %jit3A_2252 = arith.constant 2 : i32
    %eq3A_2253 = arith.constant 0 : i32
    %eq3A_2254 = arith.cmpi eq, %jit3A_2252, %eq3A_2253 : i32
    %jit3A_2255 = arith.constant 1 : i32
    %select_n3A_2256 = arith.select %eq3A_2254, %jit3A_2255, %jit3A_2252 : i32
    %rem3A_2257 = vector.broadcast %select_n3A_2256 : i32 to vector<64x4xi32>
    %rem3A_2258 = arith.remsi %select_n3A_2145, %rem3A_2257 : vector<64x4xi32>
    %ne3A_2259 = arith.constant 0 : i32
    %ne3A_2260 = vector.broadcast %ne3A_2259 : i32 to vector<64x4xi32>
    %ne3A_2261 = arith.cmpi ne, %rem3A_2258, %ne3A_2260 : vector<64x4xi32>
    %lt3A_2262 = arith.constant 0 : i32
    %lt3A_2263 = vector.broadcast %lt3A_2262 : i32 to vector<64x4xi32>
    %lt3A_2264 = arith.cmpi slt, %rem3A_2258, %lt3A_2263 : vector<64x4xi32>
    %lt3A_2265 = arith.constant 0 : i32
    %lt3A_2266 = arith.cmpi slt, %select_n3A_2256, %lt3A_2265 : i32
    %ne3A_2267 = vector.broadcast %lt3A_2266 : i1 to vector<64x4xi1>
    %ne3A_2268 = vector.broadcast %ne3A_2267 : vector<64x4xi1> to vector<64x4xi1>
    %ne3A_2269 = arith.xori %lt3A_2264, %ne3A_2268 : vector<64x4xi1>
    %and3A_2270 = arith.andi %ne3A_2269, %ne3A_2261 : vector<64x4xi1>
    %add3A_2271 = vector.broadcast %select_n3A_2256 : i32 to vector<64x4xi32>
    %add3A_2272 = arith.addi %rem3A_2258, %add3A_2271 : vector<64x4xi32>
    %select_n3A_2273 = arith.select %and3A_2270, %add3A_2272, %rem3A_2258 : vector<64x4xi1>, vector<64x4xi32>
    %add3A_2274 = arith.addi %add3A_2251, %select_n3A_2273 : vector<64x4xi32>
    %mul3A_2275 = arith.constant 1024 : i32
    %mul3A_2276 = arith.muli %arg0, %mul3A_2275 : i32
    %add3A_2277 = vector.broadcast %mul3A_2276 : i32 to vector<64x4xi32>
    %add3A_2278 = arith.addi %add3A_2274, %add3A_2277 : vector<64x4xi32>
    %broadcast_in_dim3A_2279 = vector.shape_cast %reduce_min3A_2092 : vector<64x4xi32> to vector<64x4x1xi32>
    %eq3A_2280 = vector.broadcast %broadcast_in_dim3A_2279 : vector<64x4x1xi32> to vector<64x4x64xi32>
    %eq3A_2281 = arith.cmpi eq, %iota3A, %eq3A_2280 : vector<64x4x64xi32>
    %jit3A_2282 = arith.constant -1.000000e+30 : f32
    %broadcast_in_dim3A_2283 = vector.broadcast %jit3A_2282 : f32 to vector<64x4x64xf32>
    %select_n3A_2284 = arith.select %eq3A_2281, %broadcast_in_dim3A_2283, %select_n3A_2082 : vector<64x4x64xi1>, vector<64x4x64xf32>
    %reduce_max3A_2285 = arith.constant dense<0xFF800000> : vector<64x4xf32>
    %reduce_max3A_2286 = vector.multi_reduction <maximumf>, %select_n3A_2284, %reduce_max3A_2285 [2] : vector<64x4x64xf32> to vector<64x4xf32>
    %broadcast_in_dim3A_2287 = vector.shape_cast %reduce_max3A_2286 : vector<64x4xf32> to vector<64x4x1xf32>
    %eq3A_2288 = vector.broadcast %broadcast_in_dim3A_2287 : vector<64x4x1xf32> to vector<64x4x64xf32>
    %eq3A_2289 = arith.cmpf oeq, %select_n3A_2284, %eq3A_2288 : vector<64x4x64xf32>
    %jit3A_2290 = arith.constant 128 : i32
    %broadcast_in_dim3A_2291 = vector.broadcast %jit3A_2290 : i32 to vector<64x4x64xi32>
    %select_n3A_2292 = arith.select %eq3A_2289, %iota3A, %broadcast_in_dim3A_2291 : vector<64x4x64xi1>, vector<64x4x64xi32>
    %reduce_min3A_2293 = arith.constant dense<2147483647> : vector<64x4xi32>
    %reduce_min3A_2294 = vector.multi_reduction <minsi>, %select_n3A_2292, %reduce_min3A_2293 [2] : vector<64x4x64xi32> to vector<64x4xi32>
    %jit3A_2295 = arith.constant 4 : i32
    %div3A_2296 = vector.broadcast %jit3A_2295 : i32 to vector<64x4xi32>
    %div3A_2297 = arith.divsi %reduce_min3A_2294, %div3A_2296 : vector<64x4xi32>
    %sign3A_2298 = arith.constant 0 : i32
    %sign3A_2299 = vector.broadcast %sign3A_2298 : i32 to vector<64x4xi32>
    %sign3A_2300 = arith.cmpi sgt, %reduce_min3A_2294, %sign3A_2299 : vector<64x4xi32>
    %sign3A_2301 = arith.extui %sign3A_2300 : vector<64x4xi1> to vector<64x4xi32>
    %sign3A_2302 = arith.constant 0 : i32
    %sign3A_2303 = vector.broadcast %sign3A_2302 : i32 to vector<64x4xi32>
    %sign3A_2304 = arith.cmpi slt, %reduce_min3A_2294, %sign3A_2303 : vector<64x4xi32>
    %sign3A_2305 = arith.extui %sign3A_2304 : vector<64x4xi1> to vector<64x4xi32>
    %sign3A_2306 = arith.subi %sign3A_2301, %sign3A_2305 : vector<64x4xi32>
    %sign3A_2307 = arith.constant 0 : i32
    %sign3A_2308 = arith.cmpi sgt, %jit3A_2295, %sign3A_2307 : i32
    %sign3A_2309 = arith.extui %sign3A_2308 : i1 to i32
    %sign3A_2310 = arith.constant 0 : i32
    %sign3A_2311 = arith.cmpi slt, %jit3A_2295, %sign3A_2310 : i32
    %sign3A_2312 = arith.extui %sign3A_2311 : i1 to i32
    %sign3A_2313 = arith.subi %sign3A_2309, %sign3A_2312 : i32
    %ne3A_2314 = vector.broadcast %sign3A_2313 : i32 to vector<64x4xi32>
    %ne3A_2315 = arith.cmpi ne, %sign3A_2306, %ne3A_2314 : vector<64x4xi32>
    %rem3A_2316 = vector.broadcast %jit3A_2295 : i32 to vector<64x4xi32>
    %rem3A_2317 = arith.remsi %reduce_min3A_2294, %rem3A_2316 : vector<64x4xi32>
    %ne3A_2318 = arith.constant 0 : i32
    %ne3A_2319 = vector.broadcast %ne3A_2318 : i32 to vector<64x4xi32>
    %ne3A_2320 = arith.cmpi ne, %rem3A_2317, %ne3A_2319 : vector<64x4xi32>
    %and3A_2321 = arith.andi %ne3A_2315, %ne3A_2320 : vector<64x4xi1>
    %sub3A_2322 = arith.constant 1 : i32
    %sub3A_2323 = vector.broadcast %sub3A_2322 : i32 to vector<64x4xi32>
    %sub3A_2324 = arith.subi %div3A_2297, %sub3A_2323 : vector<64x4xi32>
    %select_n3A_2325 = arith.select %and3A_2321, %sub3A_2324, %div3A_2297 : vector<64x4xi1>, vector<64x4xi32>
    %jit3A_2326 = arith.constant 4 : i32
    %eq3A_2327 = arith.constant 0 : i32
    %eq3A_2328 = arith.cmpi eq, %jit3A_2326, %eq3A_2327 : i32
    %jit3A_2329 = arith.constant 1 : i32
    %select_n3A_2330 = arith.select %eq3A_2328, %jit3A_2329, %jit3A_2326 : i32
    %rem3A_2331 = vector.broadcast %select_n3A_2330 : i32 to vector<64x4xi32>
    %rem3A_2332 = arith.remsi %reduce_min3A_2294, %rem3A_2331 : vector<64x4xi32>
    %ne3A_2333 = arith.constant 0 : i32
    %ne3A_2334 = vector.broadcast %ne3A_2333 : i32 to vector<64x4xi32>
    %ne3A_2335 = arith.cmpi ne, %rem3A_2332, %ne3A_2334 : vector<64x4xi32>
    %lt3A_2336 = arith.constant 0 : i32
    %lt3A_2337 = vector.broadcast %lt3A_2336 : i32 to vector<64x4xi32>
    %lt3A_2338 = arith.cmpi slt, %rem3A_2332, %lt3A_2337 : vector<64x4xi32>
    %lt3A_2339 = arith.constant 0 : i32
    %lt3A_2340 = arith.cmpi slt, %select_n3A_2330, %lt3A_2339 : i32
    %ne3A_2341 = vector.broadcast %lt3A_2340 : i1 to vector<64x4xi1>
    %ne3A_2342 = vector.broadcast %ne3A_2341 : vector<64x4xi1> to vector<64x4xi1>
    %ne3A_2343 = arith.xori %lt3A_2338, %ne3A_2342 : vector<64x4xi1>
    %and3A_2344 = arith.andi %ne3A_2343, %ne3A_2335 : vector<64x4xi1>
    %add3A_2345 = vector.broadcast %select_n3A_2330 : i32 to vector<64x4xi32>
    %add3A_2346 = arith.addi %rem3A_2332, %add3A_2345 : vector<64x4xi32>
    %select_n3A_2347 = arith.select %and3A_2344, %add3A_2346, %rem3A_2332 : vector<64x4xi1>, vector<64x4xi32>
    %broadcast_in_dim3A_2348 = vector.shape_cast %select_n3A_2325 : vector<64x4xi32> to vector<64x4x1xi32>
    %eq3A_2349 = vector.broadcast %broadcast_in_dim3A_2348 : vector<64x4x1xi32> to vector<64x4x16xi32>
    %eq3A_2350 = arith.cmpi eq, %eq3A_2349, %iota3A_71 : vector<64x4x16xi32>
    %broadcast_in_dim3A_2351 = vector.shape_cast %sub3A_70 : vector<64x16xi32> to vector<64x1x16xi32>
    %jit3A_2352 = arith.constant 0 : i32
    %broadcast_in_dim3A_2353 = vector.shape_cast %broadcast_in_dim3A_2351 : vector<64x1x16xi32> to vector<64x1x16xi32>
    %broadcast_in_dim3A_2354 = vector.broadcast %broadcast_in_dim3A_2353 : vector<64x1x16xi32> to vector<64x4x16xi32>
    %broadcast_in_dim3A_2355 = vector.broadcast %jit3A_2352 : i32 to vector<64x4x16xi32>
    %select_n3A_2356 = arith.select %eq3A_2350, %broadcast_in_dim3A_2354, %broadcast_in_dim3A_2355 : vector<64x4x16xi1>, vector<64x4x16xi32>
    %reduce_sum3A_2357 = arith.constant dense<0> : vector<64x4xi32>
    %reduce_sum3A_2358 = vector.multi_reduction <add>, %select_n3A_2356, %reduce_sum3A_2357 [2] : vector<64x4x16xi32> to vector<64x4xi32>
    %jit3A_2359 = arith.constant 16 : i32
    %div3A_2360 = vector.broadcast %jit3A_2359 : i32 to vector<64x4xi32>
    %div3A_2361 = arith.divsi %reduce_sum3A_2358, %div3A_2360 : vector<64x4xi32>
    %sign3A_2362 = arith.constant 0 : i32
    %sign3A_2363 = vector.broadcast %sign3A_2362 : i32 to vector<64x4xi32>
    %sign3A_2364 = arith.cmpi sgt, %reduce_sum3A_2358, %sign3A_2363 : vector<64x4xi32>
    %sign3A_2365 = arith.extui %sign3A_2364 : vector<64x4xi1> to vector<64x4xi32>
    %sign3A_2366 = arith.constant 0 : i32
    %sign3A_2367 = vector.broadcast %sign3A_2366 : i32 to vector<64x4xi32>
    %sign3A_2368 = arith.cmpi slt, %reduce_sum3A_2358, %sign3A_2367 : vector<64x4xi32>
    %sign3A_2369 = arith.extui %sign3A_2368 : vector<64x4xi1> to vector<64x4xi32>
    %sign3A_2370 = arith.subi %sign3A_2365, %sign3A_2369 : vector<64x4xi32>
    %sign3A_2371 = arith.constant 0 : i32
    %sign3A_2372 = arith.cmpi sgt, %jit3A_2359, %sign3A_2371 : i32
    %sign3A_2373 = arith.extui %sign3A_2372 : i1 to i32
    %sign3A_2374 = arith.constant 0 : i32
    %sign3A_2375 = arith.cmpi slt, %jit3A_2359, %sign3A_2374 : i32
    %sign3A_2376 = arith.extui %sign3A_2375 : i1 to i32
    %sign3A_2377 = arith.subi %sign3A_2373, %sign3A_2376 : i32
    %ne3A_2378 = vector.broadcast %sign3A_2377 : i32 to vector<64x4xi32>
    %ne3A_2379 = arith.cmpi ne, %sign3A_2370, %ne3A_2378 : vector<64x4xi32>
    %rem3A_2380 = vector.broadcast %jit3A_2359 : i32 to vector<64x4xi32>
    %rem3A_2381 = arith.remsi %reduce_sum3A_2358, %rem3A_2380 : vector<64x4xi32>
    %ne3A_2382 = arith.constant 0 : i32
    %ne3A_2383 = vector.broadcast %ne3A_2382 : i32 to vector<64x4xi32>
    %ne3A_2384 = arith.cmpi ne, %rem3A_2381, %ne3A_2383 : vector<64x4xi32>
    %and3A_2385 = arith.andi %ne3A_2379, %ne3A_2384 : vector<64x4xi1>
    %sub3A_2386 = arith.constant 1 : i32
    %sub3A_2387 = vector.broadcast %sub3A_2386 : i32 to vector<64x4xi32>
    %sub3A_2388 = arith.subi %div3A_2361, %sub3A_2387 : vector<64x4xi32>
    %select_n3A_2389 = arith.select %and3A_2385, %sub3A_2388, %div3A_2361 : vector<64x4xi1>, vector<64x4xi32>
    %mul3A_2390 = arith.constant 2 : i32
    %mul3A_2391 = vector.broadcast %mul3A_2390 : i32 to vector<64x4xi32>
    %mul3A_2392 = arith.muli %mul3A_2391, %select_n3A_2389 : vector<64x4xi32>
    %jit3A_2393 = arith.constant 2 : i32
    %div3A_2394 = vector.broadcast %jit3A_2393 : i32 to vector<64x4xi32>
    %div3A_2395 = arith.divsi %select_n3A_2347, %div3A_2394 : vector<64x4xi32>
    %sign3A_2396 = arith.constant 0 : i32
    %sign3A_2397 = vector.broadcast %sign3A_2396 : i32 to vector<64x4xi32>
    %sign3A_2398 = arith.cmpi sgt, %select_n3A_2347, %sign3A_2397 : vector<64x4xi32>
    %sign3A_2399 = arith.extui %sign3A_2398 : vector<64x4xi1> to vector<64x4xi32>
    %sign3A_2400 = arith.constant 0 : i32
    %sign3A_2401 = vector.broadcast %sign3A_2400 : i32 to vector<64x4xi32>
    %sign3A_2402 = arith.cmpi slt, %select_n3A_2347, %sign3A_2401 : vector<64x4xi32>
    %sign3A_2403 = arith.extui %sign3A_2402 : vector<64x4xi1> to vector<64x4xi32>
    %sign3A_2404 = arith.subi %sign3A_2399, %sign3A_2403 : vector<64x4xi32>
    %sign3A_2405 = arith.constant 0 : i32
    %sign3A_2406 = arith.cmpi sgt, %jit3A_2393, %sign3A_2405 : i32
    %sign3A_2407 = arith.extui %sign3A_2406 : i1 to i32
    %sign3A_2408 = arith.constant 0 : i32
    %sign3A_2409 = arith.cmpi slt, %jit3A_2393, %sign3A_2408 : i32
    %sign3A_2410 = arith.extui %sign3A_2409 : i1 to i32
    %sign3A_2411 = arith.subi %sign3A_2407, %sign3A_2410 : i32
    %ne3A_2412 = vector.broadcast %sign3A_2411 : i32 to vector<64x4xi32>
    %ne3A_2413 = arith.cmpi ne, %sign3A_2404, %ne3A_2412 : vector<64x4xi32>
    %rem3A_2414 = vector.broadcast %jit3A_2393 : i32 to vector<64x4xi32>
    %rem3A_2415 = arith.remsi %select_n3A_2347, %rem3A_2414 : vector<64x4xi32>
    %ne3A_2416 = arith.constant 0 : i32
    %ne3A_2417 = vector.broadcast %ne3A_2416 : i32 to vector<64x4xi32>
    %ne3A_2418 = arith.cmpi ne, %rem3A_2415, %ne3A_2417 : vector<64x4xi32>
    %and3A_2419 = arith.andi %ne3A_2413, %ne3A_2418 : vector<64x4xi1>
    %sub3A_2420 = arith.constant 1 : i32
    %sub3A_2421 = vector.broadcast %sub3A_2420 : i32 to vector<64x4xi32>
    %sub3A_2422 = arith.subi %div3A_2395, %sub3A_2421 : vector<64x4xi32>
    %select_n3A_2423 = arith.select %and3A_2419, %sub3A_2422, %div3A_2395 : vector<64x4xi1>, vector<64x4xi32>
    %add3A_2424 = arith.addi %mul3A_2392, %select_n3A_2423 : vector<64x4xi32>
    %mul3A_2425 = arith.constant 32 : i32
    %mul3A_2426 = vector.broadcast %mul3A_2425 : i32 to vector<64x4xi32>
    %mul3A_2427 = arith.muli %add3A_2424, %mul3A_2426 : vector<64x4xi32>
    %jit3A_2428 = arith.constant 16 : i32
    %eq3A_2429 = arith.constant 0 : i32
    %eq3A_2430 = arith.cmpi eq, %jit3A_2428, %eq3A_2429 : i32
    %jit3A_2431 = arith.constant 1 : i32
    %select_n3A_2432 = arith.select %eq3A_2430, %jit3A_2431, %jit3A_2428 : i32
    %rem3A_2433 = vector.broadcast %select_n3A_2432 : i32 to vector<64x4xi32>
    %rem3A_2434 = arith.remsi %reduce_sum3A_2358, %rem3A_2433 : vector<64x4xi32>
    %ne3A_2435 = arith.constant 0 : i32
    %ne3A_2436 = vector.broadcast %ne3A_2435 : i32 to vector<64x4xi32>
    %ne3A_2437 = arith.cmpi ne, %rem3A_2434, %ne3A_2436 : vector<64x4xi32>
    %lt3A_2438 = arith.constant 0 : i32
    %lt3A_2439 = vector.broadcast %lt3A_2438 : i32 to vector<64x4xi32>
    %lt3A_2440 = arith.cmpi slt, %rem3A_2434, %lt3A_2439 : vector<64x4xi32>
    %lt3A_2441 = arith.constant 0 : i32
    %lt3A_2442 = arith.cmpi slt, %select_n3A_2432, %lt3A_2441 : i32
    %ne3A_2443 = vector.broadcast %lt3A_2442 : i1 to vector<64x4xi1>
    %ne3A_2444 = vector.broadcast %ne3A_2443 : vector<64x4xi1> to vector<64x4xi1>
    %ne3A_2445 = arith.xori %lt3A_2440, %ne3A_2444 : vector<64x4xi1>
    %and3A_2446 = arith.andi %ne3A_2445, %ne3A_2437 : vector<64x4xi1>
    %add3A_2447 = vector.broadcast %select_n3A_2432 : i32 to vector<64x4xi32>
    %add3A_2448 = arith.addi %rem3A_2434, %add3A_2447 : vector<64x4xi32>
    %select_n3A_2449 = arith.select %and3A_2446, %add3A_2448, %rem3A_2434 : vector<64x4xi1>, vector<64x4xi32>
    %mul3A_2450 = arith.constant 2 : i32
    %mul3A_2451 = vector.broadcast %mul3A_2450 : i32 to vector<64x4xi32>
    %mul3A_2452 = arith.muli %mul3A_2451, %select_n3A_2449 : vector<64x4xi32>
    %add3A_2453 = arith.addi %mul3A_2427, %mul3A_2452 : vector<64x4xi32>
    %jit3A_2454 = arith.constant 2 : i32
    %eq3A_2455 = arith.constant 0 : i32
    %eq3A_2456 = arith.cmpi eq, %jit3A_2454, %eq3A_2455 : i32
    %jit3A_2457 = arith.constant 1 : i32
    %select_n3A_2458 = arith.select %eq3A_2456, %jit3A_2457, %jit3A_2454 : i32
    %rem3A_2459 = vector.broadcast %select_n3A_2458 : i32 to vector<64x4xi32>
    %rem3A_2460 = arith.remsi %select_n3A_2347, %rem3A_2459 : vector<64x4xi32>
    %ne3A_2461 = arith.constant 0 : i32
    %ne3A_2462 = vector.broadcast %ne3A_2461 : i32 to vector<64x4xi32>
    %ne3A_2463 = arith.cmpi ne, %rem3A_2460, %ne3A_2462 : vector<64x4xi32>
    %lt3A_2464 = arith.constant 0 : i32
    %lt3A_2465 = vector.broadcast %lt3A_2464 : i32 to vector<64x4xi32>
    %lt3A_2466 = arith.cmpi slt, %rem3A_2460, %lt3A_2465 : vector<64x4xi32>
    %lt3A_2467 = arith.constant 0 : i32
    %lt3A_2468 = arith.cmpi slt, %select_n3A_2458, %lt3A_2467 : i32
    %ne3A_2469 = vector.broadcast %lt3A_2468 : i1 to vector<64x4xi1>
    %ne3A_2470 = vector.broadcast %ne3A_2469 : vector<64x4xi1> to vector<64x4xi1>
    %ne3A_2471 = arith.xori %lt3A_2466, %ne3A_2470 : vector<64x4xi1>
    %and3A_2472 = arith.andi %ne3A_2471, %ne3A_2463 : vector<64x4xi1>
    %add3A_2473 = vector.broadcast %select_n3A_2458 : i32 to vector<64x4xi32>
    %add3A_2474 = arith.addi %rem3A_2460, %add3A_2473 : vector<64x4xi32>
    %select_n3A_2475 = arith.select %and3A_2472, %add3A_2474, %rem3A_2460 : vector<64x4xi1>, vector<64x4xi32>
    %add3A_2476 = arith.addi %add3A_2453, %select_n3A_2475 : vector<64x4xi32>
    %mul3A_2477 = arith.constant 1024 : i32
    %mul3A_2478 = arith.muli %arg0, %mul3A_2477 : i32
    %add3A_2479 = vector.broadcast %mul3A_2478 : i32 to vector<64x4xi32>
    %add3A_2480 = arith.addi %add3A_2476, %add3A_2479 : vector<64x4xi32>
    %broadcast_in_dim3A_2481 = vector.shape_cast %reduce_min3A_2294 : vector<64x4xi32> to vector<64x4x1xi32>
    %eq3A_2482 = vector.broadcast %broadcast_in_dim3A_2481 : vector<64x4x1xi32> to vector<64x4x64xi32>
    %eq3A_2483 = arith.cmpi eq, %iota3A, %eq3A_2482 : vector<64x4x64xi32>
    %jit3A_2484 = arith.constant -1.000000e+30 : f32
    %broadcast_in_dim3A_2485 = vector.broadcast %jit3A_2484 : f32 to vector<64x4x64xf32>
    %select_n3A_2486 = arith.select %eq3A_2483, %broadcast_in_dim3A_2485, %select_n3A_2284 : vector<64x4x64xi1>, vector<64x4x64xf32>
    %reduce_max3A_2487 = arith.constant dense<0xFF800000> : vector<64x4xf32>
    %reduce_max3A_2488 = vector.multi_reduction <maximumf>, %select_n3A_2486, %reduce_max3A_2487 [2] : vector<64x4x64xf32> to vector<64x4xf32>
    %broadcast_in_dim3A_2489 = vector.shape_cast %reduce_max3A_2488 : vector<64x4xf32> to vector<64x4x1xf32>
    %eq3A_2490 = vector.broadcast %broadcast_in_dim3A_2489 : vector<64x4x1xf32> to vector<64x4x64xf32>
    %eq3A_2491 = arith.cmpf oeq, %select_n3A_2486, %eq3A_2490 : vector<64x4x64xf32>
    %jit3A_2492 = arith.constant 128 : i32
    %broadcast_in_dim3A_2493 = vector.broadcast %jit3A_2492 : i32 to vector<64x4x64xi32>
    %select_n3A_2494 = arith.select %eq3A_2491, %iota3A, %broadcast_in_dim3A_2493 : vector<64x4x64xi1>, vector<64x4x64xi32>
    %reduce_min3A_2495 = arith.constant dense<2147483647> : vector<64x4xi32>
    %reduce_min3A_2496 = vector.multi_reduction <minsi>, %select_n3A_2494, %reduce_min3A_2495 [2] : vector<64x4x64xi32> to vector<64x4xi32>
    %jit3A_2497 = arith.constant 4 : i32
    %div3A_2498 = vector.broadcast %jit3A_2497 : i32 to vector<64x4xi32>
    %div3A_2499 = arith.divsi %reduce_min3A_2496, %div3A_2498 : vector<64x4xi32>
    %sign3A_2500 = arith.constant 0 : i32
    %sign3A_2501 = vector.broadcast %sign3A_2500 : i32 to vector<64x4xi32>
    %sign3A_2502 = arith.cmpi sgt, %reduce_min3A_2496, %sign3A_2501 : vector<64x4xi32>
    %sign3A_2503 = arith.extui %sign3A_2502 : vector<64x4xi1> to vector<64x4xi32>
    %sign3A_2504 = arith.constant 0 : i32
    %sign3A_2505 = vector.broadcast %sign3A_2504 : i32 to vector<64x4xi32>
    %sign3A_2506 = arith.cmpi slt, %reduce_min3A_2496, %sign3A_2505 : vector<64x4xi32>
    %sign3A_2507 = arith.extui %sign3A_2506 : vector<64x4xi1> to vector<64x4xi32>
    %sign3A_2508 = arith.subi %sign3A_2503, %sign3A_2507 : vector<64x4xi32>
    %sign3A_2509 = arith.constant 0 : i32
    %sign3A_2510 = arith.cmpi sgt, %jit3A_2497, %sign3A_2509 : i32
    %sign3A_2511 = arith.extui %sign3A_2510 : i1 to i32
    %sign3A_2512 = arith.constant 0 : i32
    %sign3A_2513 = arith.cmpi slt, %jit3A_2497, %sign3A_2512 : i32
    %sign3A_2514 = arith.extui %sign3A_2513 : i1 to i32
    %sign3A_2515 = arith.subi %sign3A_2511, %sign3A_2514 : i32
    %ne3A_2516 = vector.broadcast %sign3A_2515 : i32 to vector<64x4xi32>
    %ne3A_2517 = arith.cmpi ne, %sign3A_2508, %ne3A_2516 : vector<64x4xi32>
    %rem3A_2518 = vector.broadcast %jit3A_2497 : i32 to vector<64x4xi32>
    %rem3A_2519 = arith.remsi %reduce_min3A_2496, %rem3A_2518 : vector<64x4xi32>
    %ne3A_2520 = arith.constant 0 : i32
    %ne3A_2521 = vector.broadcast %ne3A_2520 : i32 to vector<64x4xi32>
    %ne3A_2522 = arith.cmpi ne, %rem3A_2519, %ne3A_2521 : vector<64x4xi32>
    %and3A_2523 = arith.andi %ne3A_2517, %ne3A_2522 : vector<64x4xi1>
    %sub3A_2524 = arith.constant 1 : i32
    %sub3A_2525 = vector.broadcast %sub3A_2524 : i32 to vector<64x4xi32>
    %sub3A_2526 = arith.subi %div3A_2499, %sub3A_2525 : vector<64x4xi32>
    %select_n3A_2527 = arith.select %and3A_2523, %sub3A_2526, %div3A_2499 : vector<64x4xi1>, vector<64x4xi32>
    %jit3A_2528 = arith.constant 4 : i32
    %eq3A_2529 = arith.constant 0 : i32
    %eq3A_2530 = arith.cmpi eq, %jit3A_2528, %eq3A_2529 : i32
    %jit3A_2531 = arith.constant 1 : i32
    %select_n3A_2532 = arith.select %eq3A_2530, %jit3A_2531, %jit3A_2528 : i32
    %rem3A_2533 = vector.broadcast %select_n3A_2532 : i32 to vector<64x4xi32>
    %rem3A_2534 = arith.remsi %reduce_min3A_2496, %rem3A_2533 : vector<64x4xi32>
    %ne3A_2535 = arith.constant 0 : i32
    %ne3A_2536 = vector.broadcast %ne3A_2535 : i32 to vector<64x4xi32>
    %ne3A_2537 = arith.cmpi ne, %rem3A_2534, %ne3A_2536 : vector<64x4xi32>
    %lt3A_2538 = arith.constant 0 : i32
    %lt3A_2539 = vector.broadcast %lt3A_2538 : i32 to vector<64x4xi32>
    %lt3A_2540 = arith.cmpi slt, %rem3A_2534, %lt3A_2539 : vector<64x4xi32>
    %lt3A_2541 = arith.constant 0 : i32
    %lt3A_2542 = arith.cmpi slt, %select_n3A_2532, %lt3A_2541 : i32
    %ne3A_2543 = vector.broadcast %lt3A_2542 : i1 to vector<64x4xi1>
    %ne3A_2544 = vector.broadcast %ne3A_2543 : vector<64x4xi1> to vector<64x4xi1>
    %ne3A_2545 = arith.xori %lt3A_2540, %ne3A_2544 : vector<64x4xi1>
    %and3A_2546 = arith.andi %ne3A_2545, %ne3A_2537 : vector<64x4xi1>
    %add3A_2547 = vector.broadcast %select_n3A_2532 : i32 to vector<64x4xi32>
    %add3A_2548 = arith.addi %rem3A_2534, %add3A_2547 : vector<64x4xi32>
    %select_n3A_2549 = arith.select %and3A_2546, %add3A_2548, %rem3A_2534 : vector<64x4xi1>, vector<64x4xi32>
    %broadcast_in_dim3A_2550 = vector.shape_cast %select_n3A_2527 : vector<64x4xi32> to vector<64x4x1xi32>
    %eq3A_2551 = vector.broadcast %broadcast_in_dim3A_2550 : vector<64x4x1xi32> to vector<64x4x16xi32>
    %eq3A_2552 = arith.cmpi eq, %eq3A_2551, %iota3A_71 : vector<64x4x16xi32>
    %broadcast_in_dim3A_2553 = vector.shape_cast %sub3A_70 : vector<64x16xi32> to vector<64x1x16xi32>
    %jit3A_2554 = arith.constant 0 : i32
    %broadcast_in_dim3A_2555 = vector.shape_cast %broadcast_in_dim3A_2553 : vector<64x1x16xi32> to vector<64x1x16xi32>
    %broadcast_in_dim3A_2556 = vector.broadcast %broadcast_in_dim3A_2555 : vector<64x1x16xi32> to vector<64x4x16xi32>
    %broadcast_in_dim3A_2557 = vector.broadcast %jit3A_2554 : i32 to vector<64x4x16xi32>
    %select_n3A_2558 = arith.select %eq3A_2552, %broadcast_in_dim3A_2556, %broadcast_in_dim3A_2557 : vector<64x4x16xi1>, vector<64x4x16xi32>
    %reduce_sum3A_2559 = arith.constant dense<0> : vector<64x4xi32>
    %reduce_sum3A_2560 = vector.multi_reduction <add>, %select_n3A_2558, %reduce_sum3A_2559 [2] : vector<64x4x16xi32> to vector<64x4xi32>
    %jit3A_2561 = arith.constant 16 : i32
    %div3A_2562 = vector.broadcast %jit3A_2561 : i32 to vector<64x4xi32>
    %div3A_2563 = arith.divsi %reduce_sum3A_2560, %div3A_2562 : vector<64x4xi32>
    %sign3A_2564 = arith.constant 0 : i32
    %sign3A_2565 = vector.broadcast %sign3A_2564 : i32 to vector<64x4xi32>
    %sign3A_2566 = arith.cmpi sgt, %reduce_sum3A_2560, %sign3A_2565 : vector<64x4xi32>
    %sign3A_2567 = arith.extui %sign3A_2566 : vector<64x4xi1> to vector<64x4xi32>
    %sign3A_2568 = arith.constant 0 : i32
    %sign3A_2569 = vector.broadcast %sign3A_2568 : i32 to vector<64x4xi32>
    %sign3A_2570 = arith.cmpi slt, %reduce_sum3A_2560, %sign3A_2569 : vector<64x4xi32>
    %sign3A_2571 = arith.extui %sign3A_2570 : vector<64x4xi1> to vector<64x4xi32>
    %sign3A_2572 = arith.subi %sign3A_2567, %sign3A_2571 : vector<64x4xi32>
    %sign3A_2573 = arith.constant 0 : i32
    %sign3A_2574 = arith.cmpi sgt, %jit3A_2561, %sign3A_2573 : i32
    %sign3A_2575 = arith.extui %sign3A_2574 : i1 to i32
    %sign3A_2576 = arith.constant 0 : i32
    %sign3A_2577 = arith.cmpi slt, %jit3A_2561, %sign3A_2576 : i32
    %sign3A_2578 = arith.extui %sign3A_2577 : i1 to i32
    %sign3A_2579 = arith.subi %sign3A_2575, %sign3A_2578 : i32
    %ne3A_2580 = vector.broadcast %sign3A_2579 : i32 to vector<64x4xi32>
    %ne3A_2581 = arith.cmpi ne, %sign3A_2572, %ne3A_2580 : vector<64x4xi32>
    %rem3A_2582 = vector.broadcast %jit3A_2561 : i32 to vector<64x4xi32>
    %rem3A_2583 = arith.remsi %reduce_sum3A_2560, %rem3A_2582 : vector<64x4xi32>
    %ne3A_2584 = arith.constant 0 : i32
    %ne3A_2585 = vector.broadcast %ne3A_2584 : i32 to vector<64x4xi32>
    %ne3A_2586 = arith.cmpi ne, %rem3A_2583, %ne3A_2585 : vector<64x4xi32>
    %and3A_2587 = arith.andi %ne3A_2581, %ne3A_2586 : vector<64x4xi1>
    %sub3A_2588 = arith.constant 1 : i32
    %sub3A_2589 = vector.broadcast %sub3A_2588 : i32 to vector<64x4xi32>
    %sub3A_2590 = arith.subi %div3A_2563, %sub3A_2589 : vector<64x4xi32>
    %select_n3A_2591 = arith.select %and3A_2587, %sub3A_2590, %div3A_2563 : vector<64x4xi1>, vector<64x4xi32>
    %mul3A_2592 = arith.constant 2 : i32
    %mul3A_2593 = vector.broadcast %mul3A_2592 : i32 to vector<64x4xi32>
    %mul3A_2594 = arith.muli %mul3A_2593, %select_n3A_2591 : vector<64x4xi32>
    %jit3A_2595 = arith.constant 2 : i32
    %div3A_2596 = vector.broadcast %jit3A_2595 : i32 to vector<64x4xi32>
    %div3A_2597 = arith.divsi %select_n3A_2549, %div3A_2596 : vector<64x4xi32>
    %sign3A_2598 = arith.constant 0 : i32
    %sign3A_2599 = vector.broadcast %sign3A_2598 : i32 to vector<64x4xi32>
    %sign3A_2600 = arith.cmpi sgt, %select_n3A_2549, %sign3A_2599 : vector<64x4xi32>
    %sign3A_2601 = arith.extui %sign3A_2600 : vector<64x4xi1> to vector<64x4xi32>
    %sign3A_2602 = arith.constant 0 : i32
    %sign3A_2603 = vector.broadcast %sign3A_2602 : i32 to vector<64x4xi32>
    %sign3A_2604 = arith.cmpi slt, %select_n3A_2549, %sign3A_2603 : vector<64x4xi32>
    %sign3A_2605 = arith.extui %sign3A_2604 : vector<64x4xi1> to vector<64x4xi32>
    %sign3A_2606 = arith.subi %sign3A_2601, %sign3A_2605 : vector<64x4xi32>
    %sign3A_2607 = arith.constant 0 : i32
    %sign3A_2608 = arith.cmpi sgt, %jit3A_2595, %sign3A_2607 : i32
    %sign3A_2609 = arith.extui %sign3A_2608 : i1 to i32
    %sign3A_2610 = arith.constant 0 : i32
    %sign3A_2611 = arith.cmpi slt, %jit3A_2595, %sign3A_2610 : i32
    %sign3A_2612 = arith.extui %sign3A_2611 : i1 to i32
    %sign3A_2613 = arith.subi %sign3A_2609, %sign3A_2612 : i32
    %ne3A_2614 = vector.broadcast %sign3A_2613 : i32 to vector<64x4xi32>
    %ne3A_2615 = arith.cmpi ne, %sign3A_2606, %ne3A_2614 : vector<64x4xi32>
    %rem3A_2616 = vector.broadcast %jit3A_2595 : i32 to vector<64x4xi32>
    %rem3A_2617 = arith.remsi %select_n3A_2549, %rem3A_2616 : vector<64x4xi32>
    %ne3A_2618 = arith.constant 0 : i32
    %ne3A_2619 = vector.broadcast %ne3A_2618 : i32 to vector<64x4xi32>
    %ne3A_2620 = arith.cmpi ne, %rem3A_2617, %ne3A_2619 : vector<64x4xi32>
    %and3A_2621 = arith.andi %ne3A_2615, %ne3A_2620 : vector<64x4xi1>
    %sub3A_2622 = arith.constant 1 : i32
    %sub3A_2623 = vector.broadcast %sub3A_2622 : i32 to vector<64x4xi32>
    %sub3A_2624 = arith.subi %div3A_2597, %sub3A_2623 : vector<64x4xi32>
    %select_n3A_2625 = arith.select %and3A_2621, %sub3A_2624, %div3A_2597 : vector<64x4xi1>, vector<64x4xi32>
    %add3A_2626 = arith.addi %mul3A_2594, %select_n3A_2625 : vector<64x4xi32>
    %mul3A_2627 = arith.constant 32 : i32
    %mul3A_2628 = vector.broadcast %mul3A_2627 : i32 to vector<64x4xi32>
    %mul3A_2629 = arith.muli %add3A_2626, %mul3A_2628 : vector<64x4xi32>
    %jit3A_2630 = arith.constant 16 : i32
    %eq3A_2631 = arith.constant 0 : i32
    %eq3A_2632 = arith.cmpi eq, %jit3A_2630, %eq3A_2631 : i32
    %jit3A_2633 = arith.constant 1 : i32
    %select_n3A_2634 = arith.select %eq3A_2632, %jit3A_2633, %jit3A_2630 : i32
    %rem3A_2635 = vector.broadcast %select_n3A_2634 : i32 to vector<64x4xi32>
    %rem3A_2636 = arith.remsi %reduce_sum3A_2560, %rem3A_2635 : vector<64x4xi32>
    %ne3A_2637 = arith.constant 0 : i32
    %ne3A_2638 = vector.broadcast %ne3A_2637 : i32 to vector<64x4xi32>
    %ne3A_2639 = arith.cmpi ne, %rem3A_2636, %ne3A_2638 : vector<64x4xi32>
    %lt3A_2640 = arith.constant 0 : i32
    %lt3A_2641 = vector.broadcast %lt3A_2640 : i32 to vector<64x4xi32>
    %lt3A_2642 = arith.cmpi slt, %rem3A_2636, %lt3A_2641 : vector<64x4xi32>
    %lt3A_2643 = arith.constant 0 : i32
    %lt3A_2644 = arith.cmpi slt, %select_n3A_2634, %lt3A_2643 : i32
    %ne3A_2645 = vector.broadcast %lt3A_2644 : i1 to vector<64x4xi1>
    %ne3A_2646 = vector.broadcast %ne3A_2645 : vector<64x4xi1> to vector<64x4xi1>
    %ne3A_2647 = arith.xori %lt3A_2642, %ne3A_2646 : vector<64x4xi1>
    %and3A_2648 = arith.andi %ne3A_2647, %ne3A_2639 : vector<64x4xi1>
    %add3A_2649 = vector.broadcast %select_n3A_2634 : i32 to vector<64x4xi32>
    %add3A_2650 = arith.addi %rem3A_2636, %add3A_2649 : vector<64x4xi32>
    %select_n3A_2651 = arith.select %and3A_2648, %add3A_2650, %rem3A_2636 : vector<64x4xi1>, vector<64x4xi32>
    %mul3A_2652 = arith.constant 2 : i32
    %mul3A_2653 = vector.broadcast %mul3A_2652 : i32 to vector<64x4xi32>
    %mul3A_2654 = arith.muli %mul3A_2653, %select_n3A_2651 : vector<64x4xi32>
    %add3A_2655 = arith.addi %mul3A_2629, %mul3A_2654 : vector<64x4xi32>
    %jit3A_2656 = arith.constant 2 : i32
    %eq3A_2657 = arith.constant 0 : i32
    %eq3A_2658 = arith.cmpi eq, %jit3A_2656, %eq3A_2657 : i32
    %jit3A_2659 = arith.constant 1 : i32
    %select_n3A_2660 = arith.select %eq3A_2658, %jit3A_2659, %jit3A_2656 : i32
    %rem3A_2661 = vector.broadcast %select_n3A_2660 : i32 to vector<64x4xi32>
    %rem3A_2662 = arith.remsi %select_n3A_2549, %rem3A_2661 : vector<64x4xi32>
    %ne3A_2663 = arith.constant 0 : i32
    %ne3A_2664 = vector.broadcast %ne3A_2663 : i32 to vector<64x4xi32>
    %ne3A_2665 = arith.cmpi ne, %rem3A_2662, %ne3A_2664 : vector<64x4xi32>
    %lt3A_2666 = arith.constant 0 : i32
    %lt3A_2667 = vector.broadcast %lt3A_2666 : i32 to vector<64x4xi32>
    %lt3A_2668 = arith.cmpi slt, %rem3A_2662, %lt3A_2667 : vector<64x4xi32>
    %lt3A_2669 = arith.constant 0 : i32
    %lt3A_2670 = arith.cmpi slt, %select_n3A_2660, %lt3A_2669 : i32
    %ne3A_2671 = vector.broadcast %lt3A_2670 : i1 to vector<64x4xi1>
    %ne3A_2672 = vector.broadcast %ne3A_2671 : vector<64x4xi1> to vector<64x4xi1>
    %ne3A_2673 = arith.xori %lt3A_2668, %ne3A_2672 : vector<64x4xi1>
    %and3A_2674 = arith.andi %ne3A_2673, %ne3A_2665 : vector<64x4xi1>
    %add3A_2675 = vector.broadcast %select_n3A_2660 : i32 to vector<64x4xi32>
    %add3A_2676 = arith.addi %rem3A_2662, %add3A_2675 : vector<64x4xi32>
    %select_n3A_2677 = arith.select %and3A_2674, %add3A_2676, %rem3A_2662 : vector<64x4xi1>, vector<64x4xi32>
    %add3A_2678 = arith.addi %add3A_2655, %select_n3A_2677 : vector<64x4xi32>
    %mul3A_2679 = arith.constant 1024 : i32
    %mul3A_2680 = arith.muli %arg0, %mul3A_2679 : i32
    %add3A_2681 = vector.broadcast %mul3A_2680 : i32 to vector<64x4xi32>
    %add3A_2682 = arith.addi %add3A_2678, %add3A_2681 : vector<64x4xi32>
    %broadcast_in_dim3A_2683 = vector.shape_cast %reduce_min3A_2496 : vector<64x4xi32> to vector<64x4x1xi32>
    %eq3A_2684 = vector.broadcast %broadcast_in_dim3A_2683 : vector<64x4x1xi32> to vector<64x4x64xi32>
    %eq3A_2685 = arith.cmpi eq, %iota3A, %eq3A_2684 : vector<64x4x64xi32>
    %jit3A_2686 = arith.constant -1.000000e+30 : f32
    %broadcast_in_dim3A_2687 = vector.broadcast %jit3A_2686 : f32 to vector<64x4x64xf32>
    %select_n3A_2688 = arith.select %eq3A_2685, %broadcast_in_dim3A_2687, %select_n3A_2486 : vector<64x4x64xi1>, vector<64x4x64xf32>
    %reduce_max3A_2689 = arith.constant dense<0xFF800000> : vector<64x4xf32>
    %reduce_max3A_2690 = vector.multi_reduction <maximumf>, %select_n3A_2688, %reduce_max3A_2689 [2] : vector<64x4x64xf32> to vector<64x4xf32>
    %broadcast_in_dim3A_2691 = vector.shape_cast %reduce_max3A_2690 : vector<64x4xf32> to vector<64x4x1xf32>
    %eq3A_2692 = vector.broadcast %broadcast_in_dim3A_2691 : vector<64x4x1xf32> to vector<64x4x64xf32>
    %eq3A_2693 = arith.cmpf oeq, %select_n3A_2688, %eq3A_2692 : vector<64x4x64xf32>
    %jit3A_2694 = arith.constant 128 : i32
    %broadcast_in_dim3A_2695 = vector.broadcast %jit3A_2694 : i32 to vector<64x4x64xi32>
    %select_n3A_2696 = arith.select %eq3A_2693, %iota3A, %broadcast_in_dim3A_2695 : vector<64x4x64xi1>, vector<64x4x64xi32>
    %reduce_min3A_2697 = arith.constant dense<2147483647> : vector<64x4xi32>
    %reduce_min3A_2698 = vector.multi_reduction <minsi>, %select_n3A_2696, %reduce_min3A_2697 [2] : vector<64x4x64xi32> to vector<64x4xi32>
    %jit3A_2699 = arith.constant 4 : i32
    %div3A_2700 = vector.broadcast %jit3A_2699 : i32 to vector<64x4xi32>
    %div3A_2701 = arith.divsi %reduce_min3A_2698, %div3A_2700 : vector<64x4xi32>
    %sign3A_2702 = arith.constant 0 : i32
    %sign3A_2703 = vector.broadcast %sign3A_2702 : i32 to vector<64x4xi32>
    %sign3A_2704 = arith.cmpi sgt, %reduce_min3A_2698, %sign3A_2703 : vector<64x4xi32>
    %sign3A_2705 = arith.extui %sign3A_2704 : vector<64x4xi1> to vector<64x4xi32>
    %sign3A_2706 = arith.constant 0 : i32
    %sign3A_2707 = vector.broadcast %sign3A_2706 : i32 to vector<64x4xi32>
    %sign3A_2708 = arith.cmpi slt, %reduce_min3A_2698, %sign3A_2707 : vector<64x4xi32>
    %sign3A_2709 = arith.extui %sign3A_2708 : vector<64x4xi1> to vector<64x4xi32>
    %sign3A_2710 = arith.subi %sign3A_2705, %sign3A_2709 : vector<64x4xi32>
    %sign3A_2711 = arith.constant 0 : i32
    %sign3A_2712 = arith.cmpi sgt, %jit3A_2699, %sign3A_2711 : i32
    %sign3A_2713 = arith.extui %sign3A_2712 : i1 to i32
    %sign3A_2714 = arith.constant 0 : i32
    %sign3A_2715 = arith.cmpi slt, %jit3A_2699, %sign3A_2714 : i32
    %sign3A_2716 = arith.extui %sign3A_2715 : i1 to i32
    %sign3A_2717 = arith.subi %sign3A_2713, %sign3A_2716 : i32
    %ne3A_2718 = vector.broadcast %sign3A_2717 : i32 to vector<64x4xi32>
    %ne3A_2719 = arith.cmpi ne, %sign3A_2710, %ne3A_2718 : vector<64x4xi32>
    %rem3A_2720 = vector.broadcast %jit3A_2699 : i32 to vector<64x4xi32>
    %rem3A_2721 = arith.remsi %reduce_min3A_2698, %rem3A_2720 : vector<64x4xi32>
    %ne3A_2722 = arith.constant 0 : i32
    %ne3A_2723 = vector.broadcast %ne3A_2722 : i32 to vector<64x4xi32>
    %ne3A_2724 = arith.cmpi ne, %rem3A_2721, %ne3A_2723 : vector<64x4xi32>
    %and3A_2725 = arith.andi %ne3A_2719, %ne3A_2724 : vector<64x4xi1>
    %sub3A_2726 = arith.constant 1 : i32
    %sub3A_2727 = vector.broadcast %sub3A_2726 : i32 to vector<64x4xi32>
    %sub3A_2728 = arith.subi %div3A_2701, %sub3A_2727 : vector<64x4xi32>
    %select_n3A_2729 = arith.select %and3A_2725, %sub3A_2728, %div3A_2701 : vector<64x4xi1>, vector<64x4xi32>
    %jit3A_2730 = arith.constant 4 : i32
    %eq3A_2731 = arith.constant 0 : i32
    %eq3A_2732 = arith.cmpi eq, %jit3A_2730, %eq3A_2731 : i32
    %jit3A_2733 = arith.constant 1 : i32
    %select_n3A_2734 = arith.select %eq3A_2732, %jit3A_2733, %jit3A_2730 : i32
    %rem3A_2735 = vector.broadcast %select_n3A_2734 : i32 to vector<64x4xi32>
    %rem3A_2736 = arith.remsi %reduce_min3A_2698, %rem3A_2735 : vector<64x4xi32>
    %ne3A_2737 = arith.constant 0 : i32
    %ne3A_2738 = vector.broadcast %ne3A_2737 : i32 to vector<64x4xi32>
    %ne3A_2739 = arith.cmpi ne, %rem3A_2736, %ne3A_2738 : vector<64x4xi32>
    %lt3A_2740 = arith.constant 0 : i32
    %lt3A_2741 = vector.broadcast %lt3A_2740 : i32 to vector<64x4xi32>
    %lt3A_2742 = arith.cmpi slt, %rem3A_2736, %lt3A_2741 : vector<64x4xi32>
    %lt3A_2743 = arith.constant 0 : i32
    %lt3A_2744 = arith.cmpi slt, %select_n3A_2734, %lt3A_2743 : i32
    %ne3A_2745 = vector.broadcast %lt3A_2744 : i1 to vector<64x4xi1>
    %ne3A_2746 = vector.broadcast %ne3A_2745 : vector<64x4xi1> to vector<64x4xi1>
    %ne3A_2747 = arith.xori %lt3A_2742, %ne3A_2746 : vector<64x4xi1>
    %and3A_2748 = arith.andi %ne3A_2747, %ne3A_2739 : vector<64x4xi1>
    %add3A_2749 = vector.broadcast %select_n3A_2734 : i32 to vector<64x4xi32>
    %add3A_2750 = arith.addi %rem3A_2736, %add3A_2749 : vector<64x4xi32>
    %select_n3A_2751 = arith.select %and3A_2748, %add3A_2750, %rem3A_2736 : vector<64x4xi1>, vector<64x4xi32>
    %broadcast_in_dim3A_2752 = vector.shape_cast %select_n3A_2729 : vector<64x4xi32> to vector<64x4x1xi32>
    %eq3A_2753 = vector.broadcast %broadcast_in_dim3A_2752 : vector<64x4x1xi32> to vector<64x4x16xi32>
    %eq3A_2754 = arith.cmpi eq, %eq3A_2753, %iota3A_71 : vector<64x4x16xi32>
    %broadcast_in_dim3A_2755 = vector.shape_cast %sub3A_70 : vector<64x16xi32> to vector<64x1x16xi32>
    %jit3A_2756 = arith.constant 0 : i32
    %broadcast_in_dim3A_2757 = vector.shape_cast %broadcast_in_dim3A_2755 : vector<64x1x16xi32> to vector<64x1x16xi32>
    %broadcast_in_dim3A_2758 = vector.broadcast %broadcast_in_dim3A_2757 : vector<64x1x16xi32> to vector<64x4x16xi32>
    %broadcast_in_dim3A_2759 = vector.broadcast %jit3A_2756 : i32 to vector<64x4x16xi32>
    %select_n3A_2760 = arith.select %eq3A_2754, %broadcast_in_dim3A_2758, %broadcast_in_dim3A_2759 : vector<64x4x16xi1>, vector<64x4x16xi32>
    %reduce_sum3A_2761 = arith.constant dense<0> : vector<64x4xi32>
    %reduce_sum3A_2762 = vector.multi_reduction <add>, %select_n3A_2760, %reduce_sum3A_2761 [2] : vector<64x4x16xi32> to vector<64x4xi32>
    %jit3A_2763 = arith.constant 16 : i32
    %div3A_2764 = vector.broadcast %jit3A_2763 : i32 to vector<64x4xi32>
    %div3A_2765 = arith.divsi %reduce_sum3A_2762, %div3A_2764 : vector<64x4xi32>
    %sign3A_2766 = arith.constant 0 : i32
    %sign3A_2767 = vector.broadcast %sign3A_2766 : i32 to vector<64x4xi32>
    %sign3A_2768 = arith.cmpi sgt, %reduce_sum3A_2762, %sign3A_2767 : vector<64x4xi32>
    %sign3A_2769 = arith.extui %sign3A_2768 : vector<64x4xi1> to vector<64x4xi32>
    %sign3A_2770 = arith.constant 0 : i32
    %sign3A_2771 = vector.broadcast %sign3A_2770 : i32 to vector<64x4xi32>
    %sign3A_2772 = arith.cmpi slt, %reduce_sum3A_2762, %sign3A_2771 : vector<64x4xi32>
    %sign3A_2773 = arith.extui %sign3A_2772 : vector<64x4xi1> to vector<64x4xi32>
    %sign3A_2774 = arith.subi %sign3A_2769, %sign3A_2773 : vector<64x4xi32>
    %sign3A_2775 = arith.constant 0 : i32
    %sign3A_2776 = arith.cmpi sgt, %jit3A_2763, %sign3A_2775 : i32
    %sign3A_2777 = arith.extui %sign3A_2776 : i1 to i32
    %sign3A_2778 = arith.constant 0 : i32
    %sign3A_2779 = arith.cmpi slt, %jit3A_2763, %sign3A_2778 : i32
    %sign3A_2780 = arith.extui %sign3A_2779 : i1 to i32
    %sign3A_2781 = arith.subi %sign3A_2777, %sign3A_2780 : i32
    %ne3A_2782 = vector.broadcast %sign3A_2781 : i32 to vector<64x4xi32>
    %ne3A_2783 = arith.cmpi ne, %sign3A_2774, %ne3A_2782 : vector<64x4xi32>
    %rem3A_2784 = vector.broadcast %jit3A_2763 : i32 to vector<64x4xi32>
    %rem3A_2785 = arith.remsi %reduce_sum3A_2762, %rem3A_2784 : vector<64x4xi32>
    %ne3A_2786 = arith.constant 0 : i32
    %ne3A_2787 = vector.broadcast %ne3A_2786 : i32 to vector<64x4xi32>
    %ne3A_2788 = arith.cmpi ne, %rem3A_2785, %ne3A_2787 : vector<64x4xi32>
    %and3A_2789 = arith.andi %ne3A_2783, %ne3A_2788 : vector<64x4xi1>
    %sub3A_2790 = arith.constant 1 : i32
    %sub3A_2791 = vector.broadcast %sub3A_2790 : i32 to vector<64x4xi32>
    %sub3A_2792 = arith.subi %div3A_2765, %sub3A_2791 : vector<64x4xi32>
    %select_n3A_2793 = arith.select %and3A_2789, %sub3A_2792, %div3A_2765 : vector<64x4xi1>, vector<64x4xi32>
    %mul3A_2794 = arith.constant 2 : i32
    %mul3A_2795 = vector.broadcast %mul3A_2794 : i32 to vector<64x4xi32>
    %mul3A_2796 = arith.muli %mul3A_2795, %select_n3A_2793 : vector<64x4xi32>
    %jit3A_2797 = arith.constant 2 : i32
    %div3A_2798 = vector.broadcast %jit3A_2797 : i32 to vector<64x4xi32>
    %div3A_2799 = arith.divsi %select_n3A_2751, %div3A_2798 : vector<64x4xi32>
    %sign3A_2800 = arith.constant 0 : i32
    %sign3A_2801 = vector.broadcast %sign3A_2800 : i32 to vector<64x4xi32>
    %sign3A_2802 = arith.cmpi sgt, %select_n3A_2751, %sign3A_2801 : vector<64x4xi32>
    %sign3A_2803 = arith.extui %sign3A_2802 : vector<64x4xi1> to vector<64x4xi32>
    %sign3A_2804 = arith.constant 0 : i32
    %sign3A_2805 = vector.broadcast %sign3A_2804 : i32 to vector<64x4xi32>
    %sign3A_2806 = arith.cmpi slt, %select_n3A_2751, %sign3A_2805 : vector<64x4xi32>
    %sign3A_2807 = arith.extui %sign3A_2806 : vector<64x4xi1> to vector<64x4xi32>
    %sign3A_2808 = arith.subi %sign3A_2803, %sign3A_2807 : vector<64x4xi32>
    %sign3A_2809 = arith.constant 0 : i32
    %sign3A_2810 = arith.cmpi sgt, %jit3A_2797, %sign3A_2809 : i32
    %sign3A_2811 = arith.extui %sign3A_2810 : i1 to i32
    %sign3A_2812 = arith.constant 0 : i32
    %sign3A_2813 = arith.cmpi slt, %jit3A_2797, %sign3A_2812 : i32
    %sign3A_2814 = arith.extui %sign3A_2813 : i1 to i32
    %sign3A_2815 = arith.subi %sign3A_2811, %sign3A_2814 : i32
    %ne3A_2816 = vector.broadcast %sign3A_2815 : i32 to vector<64x4xi32>
    %ne3A_2817 = arith.cmpi ne, %sign3A_2808, %ne3A_2816 : vector<64x4xi32>
    %rem3A_2818 = vector.broadcast %jit3A_2797 : i32 to vector<64x4xi32>
    %rem3A_2819 = arith.remsi %select_n3A_2751, %rem3A_2818 : vector<64x4xi32>
    %ne3A_2820 = arith.constant 0 : i32
    %ne3A_2821 = vector.broadcast %ne3A_2820 : i32 to vector<64x4xi32>
    %ne3A_2822 = arith.cmpi ne, %rem3A_2819, %ne3A_2821 : vector<64x4xi32>
    %and3A_2823 = arith.andi %ne3A_2817, %ne3A_2822 : vector<64x4xi1>
    %sub3A_2824 = arith.constant 1 : i32
    %sub3A_2825 = vector.broadcast %sub3A_2824 : i32 to vector<64x4xi32>
    %sub3A_2826 = arith.subi %div3A_2799, %sub3A_2825 : vector<64x4xi32>
    %select_n3A_2827 = arith.select %and3A_2823, %sub3A_2826, %div3A_2799 : vector<64x4xi1>, vector<64x4xi32>
    %add3A_2828 = arith.addi %mul3A_2796, %select_n3A_2827 : vector<64x4xi32>
    %mul3A_2829 = arith.constant 32 : i32
    %mul3A_2830 = vector.broadcast %mul3A_2829 : i32 to vector<64x4xi32>
    %mul3A_2831 = arith.muli %add3A_2828, %mul3A_2830 : vector<64x4xi32>
    %jit3A_2832 = arith.constant 16 : i32
    %eq3A_2833 = arith.constant 0 : i32
    %eq3A_2834 = arith.cmpi eq, %jit3A_2832, %eq3A_2833 : i32
    %jit3A_2835 = arith.constant 1 : i32
    %select_n3A_2836 = arith.select %eq3A_2834, %jit3A_2835, %jit3A_2832 : i32
    %rem3A_2837 = vector.broadcast %select_n3A_2836 : i32 to vector<64x4xi32>
    %rem3A_2838 = arith.remsi %reduce_sum3A_2762, %rem3A_2837 : vector<64x4xi32>
    %ne3A_2839 = arith.constant 0 : i32
    %ne3A_2840 = vector.broadcast %ne3A_2839 : i32 to vector<64x4xi32>
    %ne3A_2841 = arith.cmpi ne, %rem3A_2838, %ne3A_2840 : vector<64x4xi32>
    %lt3A_2842 = arith.constant 0 : i32
    %lt3A_2843 = vector.broadcast %lt3A_2842 : i32 to vector<64x4xi32>
    %lt3A_2844 = arith.cmpi slt, %rem3A_2838, %lt3A_2843 : vector<64x4xi32>
    %lt3A_2845 = arith.constant 0 : i32
    %lt3A_2846 = arith.cmpi slt, %select_n3A_2836, %lt3A_2845 : i32
    %ne3A_2847 = vector.broadcast %lt3A_2846 : i1 to vector<64x4xi1>
    %ne3A_2848 = vector.broadcast %ne3A_2847 : vector<64x4xi1> to vector<64x4xi1>
    %ne3A_2849 = arith.xori %lt3A_2844, %ne3A_2848 : vector<64x4xi1>
    %and3A_2850 = arith.andi %ne3A_2849, %ne3A_2841 : vector<64x4xi1>
    %add3A_2851 = vector.broadcast %select_n3A_2836 : i32 to vector<64x4xi32>
    %add3A_2852 = arith.addi %rem3A_2838, %add3A_2851 : vector<64x4xi32>
    %select_n3A_2853 = arith.select %and3A_2850, %add3A_2852, %rem3A_2838 : vector<64x4xi1>, vector<64x4xi32>
    %mul3A_2854 = arith.constant 2 : i32
    %mul3A_2855 = vector.broadcast %mul3A_2854 : i32 to vector<64x4xi32>
    %mul3A_2856 = arith.muli %mul3A_2855, %select_n3A_2853 : vector<64x4xi32>
    %add3A_2857 = arith.addi %mul3A_2831, %mul3A_2856 : vector<64x4xi32>
    %jit3A_2858 = arith.constant 2 : i32
    %eq3A_2859 = arith.constant 0 : i32
    %eq3A_2860 = arith.cmpi eq, %jit3A_2858, %eq3A_2859 : i32
    %jit3A_2861 = arith.constant 1 : i32
    %select_n3A_2862 = arith.select %eq3A_2860, %jit3A_2861, %jit3A_2858 : i32
    %rem3A_2863 = vector.broadcast %select_n3A_2862 : i32 to vector<64x4xi32>
    %rem3A_2864 = arith.remsi %select_n3A_2751, %rem3A_2863 : vector<64x4xi32>
    %ne3A_2865 = arith.constant 0 : i32
    %ne3A_2866 = vector.broadcast %ne3A_2865 : i32 to vector<64x4xi32>
    %ne3A_2867 = arith.cmpi ne, %rem3A_2864, %ne3A_2866 : vector<64x4xi32>
    %lt3A_2868 = arith.constant 0 : i32
    %lt3A_2869 = vector.broadcast %lt3A_2868 : i32 to vector<64x4xi32>
    %lt3A_2870 = arith.cmpi slt, %rem3A_2864, %lt3A_2869 : vector<64x4xi32>
    %lt3A_2871 = arith.constant 0 : i32
    %lt3A_2872 = arith.cmpi slt, %select_n3A_2862, %lt3A_2871 : i32
    %ne3A_2873 = vector.broadcast %lt3A_2872 : i1 to vector<64x4xi1>
    %ne3A_2874 = vector.broadcast %ne3A_2873 : vector<64x4xi1> to vector<64x4xi1>
    %ne3A_2875 = arith.xori %lt3A_2870, %ne3A_2874 : vector<64x4xi1>
    %and3A_2876 = arith.andi %ne3A_2875, %ne3A_2867 : vector<64x4xi1>
    %add3A_2877 = vector.broadcast %select_n3A_2862 : i32 to vector<64x4xi32>
    %add3A_2878 = arith.addi %rem3A_2864, %add3A_2877 : vector<64x4xi32>
    %select_n3A_2879 = arith.select %and3A_2876, %add3A_2878, %rem3A_2864 : vector<64x4xi1>, vector<64x4xi32>
    %add3A_2880 = arith.addi %add3A_2857, %select_n3A_2879 : vector<64x4xi32>
    %mul3A_2881 = arith.constant 1024 : i32
    %mul3A_2882 = arith.muli %arg0, %mul3A_2881 : i32
    %add3A_2883 = vector.broadcast %mul3A_2882 : i32 to vector<64x4xi32>
    %add3A_2884 = arith.addi %add3A_2880, %add3A_2883 : vector<64x4xi32>
    %broadcast_in_dim3A_2885 = vector.shape_cast %reduce_min3A_2698 : vector<64x4xi32> to vector<64x4x1xi32>
    %eq3A_2886 = vector.broadcast %broadcast_in_dim3A_2885 : vector<64x4x1xi32> to vector<64x4x64xi32>
    %eq3A_2887 = arith.cmpi eq, %iota3A, %eq3A_2886 : vector<64x4x64xi32>
    %jit3A_2888 = arith.constant -1.000000e+30 : f32
    %broadcast_in_dim3A_2889 = vector.broadcast %jit3A_2888 : f32 to vector<64x4x64xf32>
    %select_n3A_2890 = arith.select %eq3A_2887, %broadcast_in_dim3A_2889, %select_n3A_2688 : vector<64x4x64xi1>, vector<64x4x64xf32>
    %reduce_max3A_2891 = arith.constant dense<0xFF800000> : vector<64x4xf32>
    %reduce_max3A_2892 = vector.multi_reduction <maximumf>, %select_n3A_2890, %reduce_max3A_2891 [2] : vector<64x4x64xf32> to vector<64x4xf32>
    %broadcast_in_dim3A_2893 = vector.shape_cast %reduce_max3A_2892 : vector<64x4xf32> to vector<64x4x1xf32>
    %eq3A_2894 = vector.broadcast %broadcast_in_dim3A_2893 : vector<64x4x1xf32> to vector<64x4x64xf32>
    %eq3A_2895 = arith.cmpf oeq, %select_n3A_2890, %eq3A_2894 : vector<64x4x64xf32>
    %jit3A_2896 = arith.constant 128 : i32
    %broadcast_in_dim3A_2897 = vector.broadcast %jit3A_2896 : i32 to vector<64x4x64xi32>
    %select_n3A_2898 = arith.select %eq3A_2895, %iota3A, %broadcast_in_dim3A_2897 : vector<64x4x64xi1>, vector<64x4x64xi32>
    %reduce_min3A_2899 = arith.constant dense<2147483647> : vector<64x4xi32>
    %reduce_min3A_2900 = vector.multi_reduction <minsi>, %select_n3A_2898, %reduce_min3A_2899 [2] : vector<64x4x64xi32> to vector<64x4xi32>
    %jit3A_2901 = arith.constant 4 : i32
    %div3A_2902 = vector.broadcast %jit3A_2901 : i32 to vector<64x4xi32>
    %div3A_2903 = arith.divsi %reduce_min3A_2900, %div3A_2902 : vector<64x4xi32>
    %sign3A_2904 = arith.constant 0 : i32
    %sign3A_2905 = vector.broadcast %sign3A_2904 : i32 to vector<64x4xi32>
    %sign3A_2906 = arith.cmpi sgt, %reduce_min3A_2900, %sign3A_2905 : vector<64x4xi32>
    %sign3A_2907 = arith.extui %sign3A_2906 : vector<64x4xi1> to vector<64x4xi32>
    %sign3A_2908 = arith.constant 0 : i32
    %sign3A_2909 = vector.broadcast %sign3A_2908 : i32 to vector<64x4xi32>
    %sign3A_2910 = arith.cmpi slt, %reduce_min3A_2900, %sign3A_2909 : vector<64x4xi32>
    %sign3A_2911 = arith.extui %sign3A_2910 : vector<64x4xi1> to vector<64x4xi32>
    %sign3A_2912 = arith.subi %sign3A_2907, %sign3A_2911 : vector<64x4xi32>
    %sign3A_2913 = arith.constant 0 : i32
    %sign3A_2914 = arith.cmpi sgt, %jit3A_2901, %sign3A_2913 : i32
    %sign3A_2915 = arith.extui %sign3A_2914 : i1 to i32
    %sign3A_2916 = arith.constant 0 : i32
    %sign3A_2917 = arith.cmpi slt, %jit3A_2901, %sign3A_2916 : i32
    %sign3A_2918 = arith.extui %sign3A_2917 : i1 to i32
    %sign3A_2919 = arith.subi %sign3A_2915, %sign3A_2918 : i32
    %ne3A_2920 = vector.broadcast %sign3A_2919 : i32 to vector<64x4xi32>
    %ne3A_2921 = arith.cmpi ne, %sign3A_2912, %ne3A_2920 : vector<64x4xi32>
    %rem3A_2922 = vector.broadcast %jit3A_2901 : i32 to vector<64x4xi32>
    %rem3A_2923 = arith.remsi %reduce_min3A_2900, %rem3A_2922 : vector<64x4xi32>
    %ne3A_2924 = arith.constant 0 : i32
    %ne3A_2925 = vector.broadcast %ne3A_2924 : i32 to vector<64x4xi32>
    %ne3A_2926 = arith.cmpi ne, %rem3A_2923, %ne3A_2925 : vector<64x4xi32>
    %and3A_2927 = arith.andi %ne3A_2921, %ne3A_2926 : vector<64x4xi1>
    %sub3A_2928 = arith.constant 1 : i32
    %sub3A_2929 = vector.broadcast %sub3A_2928 : i32 to vector<64x4xi32>
    %sub3A_2930 = arith.subi %div3A_2903, %sub3A_2929 : vector<64x4xi32>
    %select_n3A_2931 = arith.select %and3A_2927, %sub3A_2930, %div3A_2903 : vector<64x4xi1>, vector<64x4xi32>
    %jit3A_2932 = arith.constant 4 : i32
    %eq3A_2933 = arith.constant 0 : i32
    %eq3A_2934 = arith.cmpi eq, %jit3A_2932, %eq3A_2933 : i32
    %jit3A_2935 = arith.constant 1 : i32
    %select_n3A_2936 = arith.select %eq3A_2934, %jit3A_2935, %jit3A_2932 : i32
    %rem3A_2937 = vector.broadcast %select_n3A_2936 : i32 to vector<64x4xi32>
    %rem3A_2938 = arith.remsi %reduce_min3A_2900, %rem3A_2937 : vector<64x4xi32>
    %ne3A_2939 = arith.constant 0 : i32
    %ne3A_2940 = vector.broadcast %ne3A_2939 : i32 to vector<64x4xi32>
    %ne3A_2941 = arith.cmpi ne, %rem3A_2938, %ne3A_2940 : vector<64x4xi32>
    %lt3A_2942 = arith.constant 0 : i32
    %lt3A_2943 = vector.broadcast %lt3A_2942 : i32 to vector<64x4xi32>
    %lt3A_2944 = arith.cmpi slt, %rem3A_2938, %lt3A_2943 : vector<64x4xi32>
    %lt3A_2945 = arith.constant 0 : i32
    %lt3A_2946 = arith.cmpi slt, %select_n3A_2936, %lt3A_2945 : i32
    %ne3A_2947 = vector.broadcast %lt3A_2946 : i1 to vector<64x4xi1>
    %ne3A_2948 = vector.broadcast %ne3A_2947 : vector<64x4xi1> to vector<64x4xi1>
    %ne3A_2949 = arith.xori %lt3A_2944, %ne3A_2948 : vector<64x4xi1>
    %and3A_2950 = arith.andi %ne3A_2949, %ne3A_2941 : vector<64x4xi1>
    %add3A_2951 = vector.broadcast %select_n3A_2936 : i32 to vector<64x4xi32>
    %add3A_2952 = arith.addi %rem3A_2938, %add3A_2951 : vector<64x4xi32>
    %select_n3A_2953 = arith.select %and3A_2950, %add3A_2952, %rem3A_2938 : vector<64x4xi1>, vector<64x4xi32>
    %broadcast_in_dim3A_2954 = vector.shape_cast %select_n3A_2931 : vector<64x4xi32> to vector<64x4x1xi32>
    %eq3A_2955 = vector.broadcast %broadcast_in_dim3A_2954 : vector<64x4x1xi32> to vector<64x4x16xi32>
    %eq3A_2956 = arith.cmpi eq, %eq3A_2955, %iota3A_71 : vector<64x4x16xi32>
    %broadcast_in_dim3A_2957 = vector.shape_cast %sub3A_70 : vector<64x16xi32> to vector<64x1x16xi32>
    %jit3A_2958 = arith.constant 0 : i32
    %broadcast_in_dim3A_2959 = vector.shape_cast %broadcast_in_dim3A_2957 : vector<64x1x16xi32> to vector<64x1x16xi32>
    %broadcast_in_dim3A_2960 = vector.broadcast %broadcast_in_dim3A_2959 : vector<64x1x16xi32> to vector<64x4x16xi32>
    %broadcast_in_dim3A_2961 = vector.broadcast %jit3A_2958 : i32 to vector<64x4x16xi32>
    %select_n3A_2962 = arith.select %eq3A_2956, %broadcast_in_dim3A_2960, %broadcast_in_dim3A_2961 : vector<64x4x16xi1>, vector<64x4x16xi32>
    %reduce_sum3A_2963 = arith.constant dense<0> : vector<64x4xi32>
    %reduce_sum3A_2964 = vector.multi_reduction <add>, %select_n3A_2962, %reduce_sum3A_2963 [2] : vector<64x4x16xi32> to vector<64x4xi32>
    %jit3A_2965 = arith.constant 16 : i32
    %div3A_2966 = vector.broadcast %jit3A_2965 : i32 to vector<64x4xi32>
    %div3A_2967 = arith.divsi %reduce_sum3A_2964, %div3A_2966 : vector<64x4xi32>
    %sign3A_2968 = arith.constant 0 : i32
    %sign3A_2969 = vector.broadcast %sign3A_2968 : i32 to vector<64x4xi32>
    %sign3A_2970 = arith.cmpi sgt, %reduce_sum3A_2964, %sign3A_2969 : vector<64x4xi32>
    %sign3A_2971 = arith.extui %sign3A_2970 : vector<64x4xi1> to vector<64x4xi32>
    %sign3A_2972 = arith.constant 0 : i32
    %sign3A_2973 = vector.broadcast %sign3A_2972 : i32 to vector<64x4xi32>
    %sign3A_2974 = arith.cmpi slt, %reduce_sum3A_2964, %sign3A_2973 : vector<64x4xi32>
    %sign3A_2975 = arith.extui %sign3A_2974 : vector<64x4xi1> to vector<64x4xi32>
    %sign3A_2976 = arith.subi %sign3A_2971, %sign3A_2975 : vector<64x4xi32>
    %sign3A_2977 = arith.constant 0 : i32
    %sign3A_2978 = arith.cmpi sgt, %jit3A_2965, %sign3A_2977 : i32
    %sign3A_2979 = arith.extui %sign3A_2978 : i1 to i32
    %sign3A_2980 = arith.constant 0 : i32
    %sign3A_2981 = arith.cmpi slt, %jit3A_2965, %sign3A_2980 : i32
    %sign3A_2982 = arith.extui %sign3A_2981 : i1 to i32
    %sign3A_2983 = arith.subi %sign3A_2979, %sign3A_2982 : i32
    %ne3A_2984 = vector.broadcast %sign3A_2983 : i32 to vector<64x4xi32>
    %ne3A_2985 = arith.cmpi ne, %sign3A_2976, %ne3A_2984 : vector<64x4xi32>
    %rem3A_2986 = vector.broadcast %jit3A_2965 : i32 to vector<64x4xi32>
    %rem3A_2987 = arith.remsi %reduce_sum3A_2964, %rem3A_2986 : vector<64x4xi32>
    %ne3A_2988 = arith.constant 0 : i32
    %ne3A_2989 = vector.broadcast %ne3A_2988 : i32 to vector<64x4xi32>
    %ne3A_2990 = arith.cmpi ne, %rem3A_2987, %ne3A_2989 : vector<64x4xi32>
    %and3A_2991 = arith.andi %ne3A_2985, %ne3A_2990 : vector<64x4xi1>
    %sub3A_2992 = arith.constant 1 : i32
    %sub3A_2993 = vector.broadcast %sub3A_2992 : i32 to vector<64x4xi32>
    %sub3A_2994 = arith.subi %div3A_2967, %sub3A_2993 : vector<64x4xi32>
    %select_n3A_2995 = arith.select %and3A_2991, %sub3A_2994, %div3A_2967 : vector<64x4xi1>, vector<64x4xi32>
    %mul3A_2996 = arith.constant 2 : i32
    %mul3A_2997 = vector.broadcast %mul3A_2996 : i32 to vector<64x4xi32>
    %mul3A_2998 = arith.muli %mul3A_2997, %select_n3A_2995 : vector<64x4xi32>
    %jit3A_2999 = arith.constant 2 : i32
    %div3A_3000 = vector.broadcast %jit3A_2999 : i32 to vector<64x4xi32>
    %div3A_3001 = arith.divsi %select_n3A_2953, %div3A_3000 : vector<64x4xi32>
    %sign3A_3002 = arith.constant 0 : i32
    %sign3A_3003 = vector.broadcast %sign3A_3002 : i32 to vector<64x4xi32>
    %sign3A_3004 = arith.cmpi sgt, %select_n3A_2953, %sign3A_3003 : vector<64x4xi32>
    %sign3A_3005 = arith.extui %sign3A_3004 : vector<64x4xi1> to vector<64x4xi32>
    %sign3A_3006 = arith.constant 0 : i32
    %sign3A_3007 = vector.broadcast %sign3A_3006 : i32 to vector<64x4xi32>
    %sign3A_3008 = arith.cmpi slt, %select_n3A_2953, %sign3A_3007 : vector<64x4xi32>
    %sign3A_3009 = arith.extui %sign3A_3008 : vector<64x4xi1> to vector<64x4xi32>
    %sign3A_3010 = arith.subi %sign3A_3005, %sign3A_3009 : vector<64x4xi32>
    %sign3A_3011 = arith.constant 0 : i32
    %sign3A_3012 = arith.cmpi sgt, %jit3A_2999, %sign3A_3011 : i32
    %sign3A_3013 = arith.extui %sign3A_3012 : i1 to i32
    %sign3A_3014 = arith.constant 0 : i32
    %sign3A_3015 = arith.cmpi slt, %jit3A_2999, %sign3A_3014 : i32
    %sign3A_3016 = arith.extui %sign3A_3015 : i1 to i32
    %sign3A_3017 = arith.subi %sign3A_3013, %sign3A_3016 : i32
    %ne3A_3018 = vector.broadcast %sign3A_3017 : i32 to vector<64x4xi32>
    %ne3A_3019 = arith.cmpi ne, %sign3A_3010, %ne3A_3018 : vector<64x4xi32>
    %rem3A_3020 = vector.broadcast %jit3A_2999 : i32 to vector<64x4xi32>
    %rem3A_3021 = arith.remsi %select_n3A_2953, %rem3A_3020 : vector<64x4xi32>
    %ne3A_3022 = arith.constant 0 : i32
    %ne3A_3023 = vector.broadcast %ne3A_3022 : i32 to vector<64x4xi32>
    %ne3A_3024 = arith.cmpi ne, %rem3A_3021, %ne3A_3023 : vector<64x4xi32>
    %and3A_3025 = arith.andi %ne3A_3019, %ne3A_3024 : vector<64x4xi1>
    %sub3A_3026 = arith.constant 1 : i32
    %sub3A_3027 = vector.broadcast %sub3A_3026 : i32 to vector<64x4xi32>
    %sub3A_3028 = arith.subi %div3A_3001, %sub3A_3027 : vector<64x4xi32>
    %select_n3A_3029 = arith.select %and3A_3025, %sub3A_3028, %div3A_3001 : vector<64x4xi1>, vector<64x4xi32>
    %add3A_3030 = arith.addi %mul3A_2998, %select_n3A_3029 : vector<64x4xi32>
    %mul3A_3031 = arith.constant 32 : i32
    %mul3A_3032 = vector.broadcast %mul3A_3031 : i32 to vector<64x4xi32>
    %mul3A_3033 = arith.muli %add3A_3030, %mul3A_3032 : vector<64x4xi32>
    %jit3A_3034 = arith.constant 16 : i32
    %eq3A_3035 = arith.constant 0 : i32
    %eq3A_3036 = arith.cmpi eq, %jit3A_3034, %eq3A_3035 : i32
    %jit3A_3037 = arith.constant 1 : i32
    %select_n3A_3038 = arith.select %eq3A_3036, %jit3A_3037, %jit3A_3034 : i32
    %rem3A_3039 = vector.broadcast %select_n3A_3038 : i32 to vector<64x4xi32>
    %rem3A_3040 = arith.remsi %reduce_sum3A_2964, %rem3A_3039 : vector<64x4xi32>
    %ne3A_3041 = arith.constant 0 : i32
    %ne3A_3042 = vector.broadcast %ne3A_3041 : i32 to vector<64x4xi32>
    %ne3A_3043 = arith.cmpi ne, %rem3A_3040, %ne3A_3042 : vector<64x4xi32>
    %lt3A_3044 = arith.constant 0 : i32
    %lt3A_3045 = vector.broadcast %lt3A_3044 : i32 to vector<64x4xi32>
    %lt3A_3046 = arith.cmpi slt, %rem3A_3040, %lt3A_3045 : vector<64x4xi32>
    %lt3A_3047 = arith.constant 0 : i32
    %lt3A_3048 = arith.cmpi slt, %select_n3A_3038, %lt3A_3047 : i32
    %ne3A_3049 = vector.broadcast %lt3A_3048 : i1 to vector<64x4xi1>
    %ne3A_3050 = vector.broadcast %ne3A_3049 : vector<64x4xi1> to vector<64x4xi1>
    %ne3A_3051 = arith.xori %lt3A_3046, %ne3A_3050 : vector<64x4xi1>
    %and3A_3052 = arith.andi %ne3A_3051, %ne3A_3043 : vector<64x4xi1>
    %add3A_3053 = vector.broadcast %select_n3A_3038 : i32 to vector<64x4xi32>
    %add3A_3054 = arith.addi %rem3A_3040, %add3A_3053 : vector<64x4xi32>
    %select_n3A_3055 = arith.select %and3A_3052, %add3A_3054, %rem3A_3040 : vector<64x4xi1>, vector<64x4xi32>
    %mul3A_3056 = arith.constant 2 : i32
    %mul3A_3057 = vector.broadcast %mul3A_3056 : i32 to vector<64x4xi32>
    %mul3A_3058 = arith.muli %mul3A_3057, %select_n3A_3055 : vector<64x4xi32>
    %add3A_3059 = arith.addi %mul3A_3033, %mul3A_3058 : vector<64x4xi32>
    %jit3A_3060 = arith.constant 2 : i32
    %eq3A_3061 = arith.constant 0 : i32
    %eq3A_3062 = arith.cmpi eq, %jit3A_3060, %eq3A_3061 : i32
    %jit3A_3063 = arith.constant 1 : i32
    %select_n3A_3064 = arith.select %eq3A_3062, %jit3A_3063, %jit3A_3060 : i32
    %rem3A_3065 = vector.broadcast %select_n3A_3064 : i32 to vector<64x4xi32>
    %rem3A_3066 = arith.remsi %select_n3A_2953, %rem3A_3065 : vector<64x4xi32>
    %ne3A_3067 = arith.constant 0 : i32
    %ne3A_3068 = vector.broadcast %ne3A_3067 : i32 to vector<64x4xi32>
    %ne3A_3069 = arith.cmpi ne, %rem3A_3066, %ne3A_3068 : vector<64x4xi32>
    %lt3A_3070 = arith.constant 0 : i32
    %lt3A_3071 = vector.broadcast %lt3A_3070 : i32 to vector<64x4xi32>
    %lt3A_3072 = arith.cmpi slt, %rem3A_3066, %lt3A_3071 : vector<64x4xi32>
    %lt3A_3073 = arith.constant 0 : i32
    %lt3A_3074 = arith.cmpi slt, %select_n3A_3064, %lt3A_3073 : i32
    %ne3A_3075 = vector.broadcast %lt3A_3074 : i1 to vector<64x4xi1>
    %ne3A_3076 = vector.broadcast %ne3A_3075 : vector<64x4xi1> to vector<64x4xi1>
    %ne3A_3077 = arith.xori %lt3A_3072, %ne3A_3076 : vector<64x4xi1>
    %and3A_3078 = arith.andi %ne3A_3077, %ne3A_3069 : vector<64x4xi1>
    %add3A_3079 = vector.broadcast %select_n3A_3064 : i32 to vector<64x4xi32>
    %add3A_3080 = arith.addi %rem3A_3066, %add3A_3079 : vector<64x4xi32>
    %select_n3A_3081 = arith.select %and3A_3078, %add3A_3080, %rem3A_3066 : vector<64x4xi1>, vector<64x4xi32>
    %add3A_3082 = arith.addi %add3A_3059, %select_n3A_3081 : vector<64x4xi32>
    %mul3A_3083 = arith.constant 1024 : i32
    %mul3A_3084 = arith.muli %arg0, %mul3A_3083 : i32
    %add3A_3085 = vector.broadcast %mul3A_3084 : i32 to vector<64x4xi32>
    %add3A_3086 = arith.addi %add3A_3082, %add3A_3085 : vector<64x4xi32>
    %broadcast_in_dim3A_3087 = vector.shape_cast %reduce_min3A_2900 : vector<64x4xi32> to vector<64x4x1xi32>
    %eq3A_3088 = vector.broadcast %broadcast_in_dim3A_3087 : vector<64x4x1xi32> to vector<64x4x64xi32>
    %eq3A_3089 = arith.cmpi eq, %iota3A, %eq3A_3088 : vector<64x4x64xi32>
    %jit3A_3090 = arith.constant -1.000000e+30 : f32
    %broadcast_in_dim3A_3091 = vector.broadcast %jit3A_3090 : f32 to vector<64x4x64xf32>
    %select_n3A_3092 = arith.select %eq3A_3089, %broadcast_in_dim3A_3091, %select_n3A_2890 : vector<64x4x64xi1>, vector<64x4x64xf32>
    %reduce_max3A_3093 = arith.constant dense<0xFF800000> : vector<64x4xf32>
    %reduce_max3A_3094 = vector.multi_reduction <maximumf>, %select_n3A_3092, %reduce_max3A_3093 [2] : vector<64x4x64xf32> to vector<64x4xf32>
    %broadcast_in_dim3A_3095 = vector.shape_cast %reduce_max3A_3094 : vector<64x4xf32> to vector<64x4x1xf32>
    %eq3A_3096 = vector.broadcast %broadcast_in_dim3A_3095 : vector<64x4x1xf32> to vector<64x4x64xf32>
    %eq3A_3097 = arith.cmpf oeq, %select_n3A_3092, %eq3A_3096 : vector<64x4x64xf32>
    %jit3A_3098 = arith.constant 128 : i32
    %broadcast_in_dim3A_3099 = vector.broadcast %jit3A_3098 : i32 to vector<64x4x64xi32>
    %select_n3A_3100 = arith.select %eq3A_3097, %iota3A, %broadcast_in_dim3A_3099 : vector<64x4x64xi1>, vector<64x4x64xi32>
    %reduce_min3A_3101 = arith.constant dense<2147483647> : vector<64x4xi32>
    %reduce_min3A_3102 = vector.multi_reduction <minsi>, %select_n3A_3100, %reduce_min3A_3101 [2] : vector<64x4x64xi32> to vector<64x4xi32>
    %jit3A_3103 = arith.constant 4 : i32
    %div3A_3104 = vector.broadcast %jit3A_3103 : i32 to vector<64x4xi32>
    %div3A_3105 = arith.divsi %reduce_min3A_3102, %div3A_3104 : vector<64x4xi32>
    %sign3A_3106 = arith.constant 0 : i32
    %sign3A_3107 = vector.broadcast %sign3A_3106 : i32 to vector<64x4xi32>
    %sign3A_3108 = arith.cmpi sgt, %reduce_min3A_3102, %sign3A_3107 : vector<64x4xi32>
    %sign3A_3109 = arith.extui %sign3A_3108 : vector<64x4xi1> to vector<64x4xi32>
    %sign3A_3110 = arith.constant 0 : i32
    %sign3A_3111 = vector.broadcast %sign3A_3110 : i32 to vector<64x4xi32>
    %sign3A_3112 = arith.cmpi slt, %reduce_min3A_3102, %sign3A_3111 : vector<64x4xi32>
    %sign3A_3113 = arith.extui %sign3A_3112 : vector<64x4xi1> to vector<64x4xi32>
    %sign3A_3114 = arith.subi %sign3A_3109, %sign3A_3113 : vector<64x4xi32>
    %sign3A_3115 = arith.constant 0 : i32
    %sign3A_3116 = arith.cmpi sgt, %jit3A_3103, %sign3A_3115 : i32
    %sign3A_3117 = arith.extui %sign3A_3116 : i1 to i32
    %sign3A_3118 = arith.constant 0 : i32
    %sign3A_3119 = arith.cmpi slt, %jit3A_3103, %sign3A_3118 : i32
    %sign3A_3120 = arith.extui %sign3A_3119 : i1 to i32
    %sign3A_3121 = arith.subi %sign3A_3117, %sign3A_3120 : i32
    %ne3A_3122 = vector.broadcast %sign3A_3121 : i32 to vector<64x4xi32>
    %ne3A_3123 = arith.cmpi ne, %sign3A_3114, %ne3A_3122 : vector<64x4xi32>
    %rem3A_3124 = vector.broadcast %jit3A_3103 : i32 to vector<64x4xi32>
    %rem3A_3125 = arith.remsi %reduce_min3A_3102, %rem3A_3124 : vector<64x4xi32>
    %ne3A_3126 = arith.constant 0 : i32
    %ne3A_3127 = vector.broadcast %ne3A_3126 : i32 to vector<64x4xi32>
    %ne3A_3128 = arith.cmpi ne, %rem3A_3125, %ne3A_3127 : vector<64x4xi32>
    %and3A_3129 = arith.andi %ne3A_3123, %ne3A_3128 : vector<64x4xi1>
    %sub3A_3130 = arith.constant 1 : i32
    %sub3A_3131 = vector.broadcast %sub3A_3130 : i32 to vector<64x4xi32>
    %sub3A_3132 = arith.subi %div3A_3105, %sub3A_3131 : vector<64x4xi32>
    %select_n3A_3133 = arith.select %and3A_3129, %sub3A_3132, %div3A_3105 : vector<64x4xi1>, vector<64x4xi32>
    %jit3A_3134 = arith.constant 4 : i32
    %eq3A_3135 = arith.constant 0 : i32
    %eq3A_3136 = arith.cmpi eq, %jit3A_3134, %eq3A_3135 : i32
    %jit3A_3137 = arith.constant 1 : i32
    %select_n3A_3138 = arith.select %eq3A_3136, %jit3A_3137, %jit3A_3134 : i32
    %rem3A_3139 = vector.broadcast %select_n3A_3138 : i32 to vector<64x4xi32>
    %rem3A_3140 = arith.remsi %reduce_min3A_3102, %rem3A_3139 : vector<64x4xi32>
    %ne3A_3141 = arith.constant 0 : i32
    %ne3A_3142 = vector.broadcast %ne3A_3141 : i32 to vector<64x4xi32>
    %ne3A_3143 = arith.cmpi ne, %rem3A_3140, %ne3A_3142 : vector<64x4xi32>
    %lt3A_3144 = arith.constant 0 : i32
    %lt3A_3145 = vector.broadcast %lt3A_3144 : i32 to vector<64x4xi32>
    %lt3A_3146 = arith.cmpi slt, %rem3A_3140, %lt3A_3145 : vector<64x4xi32>
    %lt3A_3147 = arith.constant 0 : i32
    %lt3A_3148 = arith.cmpi slt, %select_n3A_3138, %lt3A_3147 : i32
    %ne3A_3149 = vector.broadcast %lt3A_3148 : i1 to vector<64x4xi1>
    %ne3A_3150 = vector.broadcast %ne3A_3149 : vector<64x4xi1> to vector<64x4xi1>
    %ne3A_3151 = arith.xori %lt3A_3146, %ne3A_3150 : vector<64x4xi1>
    %and3A_3152 = arith.andi %ne3A_3151, %ne3A_3143 : vector<64x4xi1>
    %add3A_3153 = vector.broadcast %select_n3A_3138 : i32 to vector<64x4xi32>
    %add3A_3154 = arith.addi %rem3A_3140, %add3A_3153 : vector<64x4xi32>
    %select_n3A_3155 = arith.select %and3A_3152, %add3A_3154, %rem3A_3140 : vector<64x4xi1>, vector<64x4xi32>
    %broadcast_in_dim3A_3156 = vector.shape_cast %select_n3A_3133 : vector<64x4xi32> to vector<64x4x1xi32>
    %eq3A_3157 = vector.broadcast %broadcast_in_dim3A_3156 : vector<64x4x1xi32> to vector<64x4x16xi32>
    %eq3A_3158 = arith.cmpi eq, %eq3A_3157, %iota3A_71 : vector<64x4x16xi32>
    %broadcast_in_dim3A_3159 = vector.shape_cast %sub3A_70 : vector<64x16xi32> to vector<64x1x16xi32>
    %jit3A_3160 = arith.constant 0 : i32
    %broadcast_in_dim3A_3161 = vector.shape_cast %broadcast_in_dim3A_3159 : vector<64x1x16xi32> to vector<64x1x16xi32>
    %broadcast_in_dim3A_3162 = vector.broadcast %broadcast_in_dim3A_3161 : vector<64x1x16xi32> to vector<64x4x16xi32>
    %broadcast_in_dim3A_3163 = vector.broadcast %jit3A_3160 : i32 to vector<64x4x16xi32>
    %select_n3A_3164 = arith.select %eq3A_3158, %broadcast_in_dim3A_3162, %broadcast_in_dim3A_3163 : vector<64x4x16xi1>, vector<64x4x16xi32>
    %reduce_sum3A_3165 = arith.constant dense<0> : vector<64x4xi32>
    %reduce_sum3A_3166 = vector.multi_reduction <add>, %select_n3A_3164, %reduce_sum3A_3165 [2] : vector<64x4x16xi32> to vector<64x4xi32>
    %jit3A_3167 = arith.constant 16 : i32
    %div3A_3168 = vector.broadcast %jit3A_3167 : i32 to vector<64x4xi32>
    %div3A_3169 = arith.divsi %reduce_sum3A_3166, %div3A_3168 : vector<64x4xi32>
    %sign3A_3170 = arith.constant 0 : i32
    %sign3A_3171 = vector.broadcast %sign3A_3170 : i32 to vector<64x4xi32>
    %sign3A_3172 = arith.cmpi sgt, %reduce_sum3A_3166, %sign3A_3171 : vector<64x4xi32>
    %sign3A_3173 = arith.extui %sign3A_3172 : vector<64x4xi1> to vector<64x4xi32>
    %sign3A_3174 = arith.constant 0 : i32
    %sign3A_3175 = vector.broadcast %sign3A_3174 : i32 to vector<64x4xi32>
    %sign3A_3176 = arith.cmpi slt, %reduce_sum3A_3166, %sign3A_3175 : vector<64x4xi32>
    %sign3A_3177 = arith.extui %sign3A_3176 : vector<64x4xi1> to vector<64x4xi32>
    %sign3A_3178 = arith.subi %sign3A_3173, %sign3A_3177 : vector<64x4xi32>
    %sign3A_3179 = arith.constant 0 : i32
    %sign3A_3180 = arith.cmpi sgt, %jit3A_3167, %sign3A_3179 : i32
    %sign3A_3181 = arith.extui %sign3A_3180 : i1 to i32
    %sign3A_3182 = arith.constant 0 : i32
    %sign3A_3183 = arith.cmpi slt, %jit3A_3167, %sign3A_3182 : i32
    %sign3A_3184 = arith.extui %sign3A_3183 : i1 to i32
    %sign3A_3185 = arith.subi %sign3A_3181, %sign3A_3184 : i32
    %ne3A_3186 = vector.broadcast %sign3A_3185 : i32 to vector<64x4xi32>
    %ne3A_3187 = arith.cmpi ne, %sign3A_3178, %ne3A_3186 : vector<64x4xi32>
    %rem3A_3188 = vector.broadcast %jit3A_3167 : i32 to vector<64x4xi32>
    %rem3A_3189 = arith.remsi %reduce_sum3A_3166, %rem3A_3188 : vector<64x4xi32>
    %ne3A_3190 = arith.constant 0 : i32
    %ne3A_3191 = vector.broadcast %ne3A_3190 : i32 to vector<64x4xi32>
    %ne3A_3192 = arith.cmpi ne, %rem3A_3189, %ne3A_3191 : vector<64x4xi32>
    %and3A_3193 = arith.andi %ne3A_3187, %ne3A_3192 : vector<64x4xi1>
    %sub3A_3194 = arith.constant 1 : i32
    %sub3A_3195 = vector.broadcast %sub3A_3194 : i32 to vector<64x4xi32>
    %sub3A_3196 = arith.subi %div3A_3169, %sub3A_3195 : vector<64x4xi32>
    %select_n3A_3197 = arith.select %and3A_3193, %sub3A_3196, %div3A_3169 : vector<64x4xi1>, vector<64x4xi32>
    %mul3A_3198 = arith.constant 2 : i32
    %mul3A_3199 = vector.broadcast %mul3A_3198 : i32 to vector<64x4xi32>
    %mul3A_3200 = arith.muli %mul3A_3199, %select_n3A_3197 : vector<64x4xi32>
    %jit3A_3201 = arith.constant 2 : i32
    %div3A_3202 = vector.broadcast %jit3A_3201 : i32 to vector<64x4xi32>
    %div3A_3203 = arith.divsi %select_n3A_3155, %div3A_3202 : vector<64x4xi32>
    %sign3A_3204 = arith.constant 0 : i32
    %sign3A_3205 = vector.broadcast %sign3A_3204 : i32 to vector<64x4xi32>
    %sign3A_3206 = arith.cmpi sgt, %select_n3A_3155, %sign3A_3205 : vector<64x4xi32>
    %sign3A_3207 = arith.extui %sign3A_3206 : vector<64x4xi1> to vector<64x4xi32>
    %sign3A_3208 = arith.constant 0 : i32
    %sign3A_3209 = vector.broadcast %sign3A_3208 : i32 to vector<64x4xi32>
    %sign3A_3210 = arith.cmpi slt, %select_n3A_3155, %sign3A_3209 : vector<64x4xi32>
    %sign3A_3211 = arith.extui %sign3A_3210 : vector<64x4xi1> to vector<64x4xi32>
    %sign3A_3212 = arith.subi %sign3A_3207, %sign3A_3211 : vector<64x4xi32>
    %sign3A_3213 = arith.constant 0 : i32
    %sign3A_3214 = arith.cmpi sgt, %jit3A_3201, %sign3A_3213 : i32
    %sign3A_3215 = arith.extui %sign3A_3214 : i1 to i32
    %sign3A_3216 = arith.constant 0 : i32
    %sign3A_3217 = arith.cmpi slt, %jit3A_3201, %sign3A_3216 : i32
    %sign3A_3218 = arith.extui %sign3A_3217 : i1 to i32
    %sign3A_3219 = arith.subi %sign3A_3215, %sign3A_3218 : i32
    %ne3A_3220 = vector.broadcast %sign3A_3219 : i32 to vector<64x4xi32>
    %ne3A_3221 = arith.cmpi ne, %sign3A_3212, %ne3A_3220 : vector<64x4xi32>
    %rem3A_3222 = vector.broadcast %jit3A_3201 : i32 to vector<64x4xi32>
    %rem3A_3223 = arith.remsi %select_n3A_3155, %rem3A_3222 : vector<64x4xi32>
    %ne3A_3224 = arith.constant 0 : i32
    %ne3A_3225 = vector.broadcast %ne3A_3224 : i32 to vector<64x4xi32>
    %ne3A_3226 = arith.cmpi ne, %rem3A_3223, %ne3A_3225 : vector<64x4xi32>
    %and3A_3227 = arith.andi %ne3A_3221, %ne3A_3226 : vector<64x4xi1>
    %sub3A_3228 = arith.constant 1 : i32
    %sub3A_3229 = vector.broadcast %sub3A_3228 : i32 to vector<64x4xi32>
    %sub3A_3230 = arith.subi %div3A_3203, %sub3A_3229 : vector<64x4xi32>
    %select_n3A_3231 = arith.select %and3A_3227, %sub3A_3230, %div3A_3203 : vector<64x4xi1>, vector<64x4xi32>
    %add3A_3232 = arith.addi %mul3A_3200, %select_n3A_3231 : vector<64x4xi32>
    %mul3A_3233 = arith.constant 32 : i32
    %mul3A_3234 = vector.broadcast %mul3A_3233 : i32 to vector<64x4xi32>
    %mul3A_3235 = arith.muli %add3A_3232, %mul3A_3234 : vector<64x4xi32>
    %jit3A_3236 = arith.constant 16 : i32
    %eq3A_3237 = arith.constant 0 : i32
    %eq3A_3238 = arith.cmpi eq, %jit3A_3236, %eq3A_3237 : i32
    %jit3A_3239 = arith.constant 1 : i32
    %select_n3A_3240 = arith.select %eq3A_3238, %jit3A_3239, %jit3A_3236 : i32
    %rem3A_3241 = vector.broadcast %select_n3A_3240 : i32 to vector<64x4xi32>
    %rem3A_3242 = arith.remsi %reduce_sum3A_3166, %rem3A_3241 : vector<64x4xi32>
    %ne3A_3243 = arith.constant 0 : i32
    %ne3A_3244 = vector.broadcast %ne3A_3243 : i32 to vector<64x4xi32>
    %ne3A_3245 = arith.cmpi ne, %rem3A_3242, %ne3A_3244 : vector<64x4xi32>
    %lt3A_3246 = arith.constant 0 : i32
    %lt3A_3247 = vector.broadcast %lt3A_3246 : i32 to vector<64x4xi32>
    %lt3A_3248 = arith.cmpi slt, %rem3A_3242, %lt3A_3247 : vector<64x4xi32>
    %lt3A_3249 = arith.constant 0 : i32
    %lt3A_3250 = arith.cmpi slt, %select_n3A_3240, %lt3A_3249 : i32
    %ne3A_3251 = vector.broadcast %lt3A_3250 : i1 to vector<64x4xi1>
    %ne3A_3252 = vector.broadcast %ne3A_3251 : vector<64x4xi1> to vector<64x4xi1>
    %ne3A_3253 = arith.xori %lt3A_3248, %ne3A_3252 : vector<64x4xi1>
    %and3A_3254 = arith.andi %ne3A_3253, %ne3A_3245 : vector<64x4xi1>
    %add3A_3255 = vector.broadcast %select_n3A_3240 : i32 to vector<64x4xi32>
    %add3A_3256 = arith.addi %rem3A_3242, %add3A_3255 : vector<64x4xi32>
    %select_n3A_3257 = arith.select %and3A_3254, %add3A_3256, %rem3A_3242 : vector<64x4xi1>, vector<64x4xi32>
    %mul3A_3258 = arith.constant 2 : i32
    %mul3A_3259 = vector.broadcast %mul3A_3258 : i32 to vector<64x4xi32>
    %mul3A_3260 = arith.muli %mul3A_3259, %select_n3A_3257 : vector<64x4xi32>
    %add3A_3261 = arith.addi %mul3A_3235, %mul3A_3260 : vector<64x4xi32>
    %jit3A_3262 = arith.constant 2 : i32
    %eq3A_3263 = arith.constant 0 : i32
    %eq3A_3264 = arith.cmpi eq, %jit3A_3262, %eq3A_3263 : i32
    %jit3A_3265 = arith.constant 1 : i32
    %select_n3A_3266 = arith.select %eq3A_3264, %jit3A_3265, %jit3A_3262 : i32
    %rem3A_3267 = vector.broadcast %select_n3A_3266 : i32 to vector<64x4xi32>
    %rem3A_3268 = arith.remsi %select_n3A_3155, %rem3A_3267 : vector<64x4xi32>
    %ne3A_3269 = arith.constant 0 : i32
    %ne3A_3270 = vector.broadcast %ne3A_3269 : i32 to vector<64x4xi32>
    %ne3A_3271 = arith.cmpi ne, %rem3A_3268, %ne3A_3270 : vector<64x4xi32>
    %lt3A_3272 = arith.constant 0 : i32
    %lt3A_3273 = vector.broadcast %lt3A_3272 : i32 to vector<64x4xi32>
    %lt3A_3274 = arith.cmpi slt, %rem3A_3268, %lt3A_3273 : vector<64x4xi32>
    %lt3A_3275 = arith.constant 0 : i32
    %lt3A_3276 = arith.cmpi slt, %select_n3A_3266, %lt3A_3275 : i32
    %ne3A_3277 = vector.broadcast %lt3A_3276 : i1 to vector<64x4xi1>
    %ne3A_3278 = vector.broadcast %ne3A_3277 : vector<64x4xi1> to vector<64x4xi1>
    %ne3A_3279 = arith.xori %lt3A_3274, %ne3A_3278 : vector<64x4xi1>
    %and3A_3280 = arith.andi %ne3A_3279, %ne3A_3271 : vector<64x4xi1>
    %add3A_3281 = vector.broadcast %select_n3A_3266 : i32 to vector<64x4xi32>
    %add3A_3282 = arith.addi %rem3A_3268, %add3A_3281 : vector<64x4xi32>
    %select_n3A_3283 = arith.select %and3A_3280, %add3A_3282, %rem3A_3268 : vector<64x4xi1>, vector<64x4xi32>
    %add3A_3284 = arith.addi %add3A_3261, %select_n3A_3283 : vector<64x4xi32>
    %mul3A_3285 = arith.constant 1024 : i32
    %mul3A_3286 = arith.muli %arg0, %mul3A_3285 : i32
    %add3A_3287 = vector.broadcast %mul3A_3286 : i32 to vector<64x4xi32>
    %add3A_3288 = arith.addi %add3A_3284, %add3A_3287 : vector<64x4xi32>
    %stack3A = vector.shape_cast %add3A_258 : vector<64x4xi32> to vector<64x4x1xi32>
    %stack3A_3289 = vector.shape_cast %add3A_460 : vector<64x4xi32> to vector<64x4x1xi32>
    %stack3A_3290 = vector.shape_cast %add3A_662 : vector<64x4xi32> to vector<64x4x1xi32>
    %stack3A_3291 = vector.shape_cast %add3A_864 : vector<64x4xi32> to vector<64x4x1xi32>
    %stack3A_3292 = vector.shape_cast %add3A_1066 : vector<64x4xi32> to vector<64x4x1xi32>
    %stack3A_3293 = vector.shape_cast %add3A_1268 : vector<64x4xi32> to vector<64x4x1xi32>
    %stack3A_3294 = vector.shape_cast %add3A_1470 : vector<64x4xi32> to vector<64x4x1xi32>
    %stack3A_3295 = vector.shape_cast %add3A_1672 : vector<64x4xi32> to vector<64x4x1xi32>
    %stack3A_3296 = vector.shape_cast %add3A_1874 : vector<64x4xi32> to vector<64x4x1xi32>
    %stack3A_3297 = vector.shape_cast %add3A_2076 : vector<64x4xi32> to vector<64x4x1xi32>
    %stack3A_3298 = vector.shape_cast %add3A_2278 : vector<64x4xi32> to vector<64x4x1xi32>
    %stack3A_3299 = vector.shape_cast %add3A_2480 : vector<64x4xi32> to vector<64x4x1xi32>
    %stack3A_3300 = vector.shape_cast %add3A_2682 : vector<64x4xi32> to vector<64x4x1xi32>
    %stack3A_3301 = vector.shape_cast %add3A_2884 : vector<64x4xi32> to vector<64x4x1xi32>
    %stack3A_3302 = vector.shape_cast %add3A_3086 : vector<64x4xi32> to vector<64x4x1xi32>
    %stack3A_3303 = vector.shape_cast %add3A_3288 : vector<64x4xi32> to vector<64x4x1xi32>
    %stack3A_3304 = tpu.concatenate %stack3A, %stack3A_3289, %stack3A_3290, %stack3A_3291, %stack3A_3292, %stack3A_3293, %stack3A_3294, %stack3A_3295, %stack3A_3296, %stack3A_3297, %stack3A_3298, %stack3A_3299, %stack3A_3300, %stack3A_3301, %stack3A_3302, %stack3A_3303 in 2 : vector<64x4x1xi32>, vector<64x4x1xi32>, vector<64x4x1xi32>, vector<64x4x1xi32>, vector<64x4x1xi32>, vector<64x4x1xi32>, vector<64x4x1xi32>, vector<64x4x1xi32>, vector<64x4x1xi32>, vector<64x4x1xi32>, vector<64x4x1xi32>, vector<64x4x1xi32>, vector<64x4x1xi32>, vector<64x4x1xi32>, vector<64x4x1xi32>, vector<64x4x1xi32> -> vector<64x4x16xi32>
    %swap3A_3305 = arith.constant 0 : index
    %swap3A_3306 = arith.constant 0 : index
    %swap3A_3307 = arith.constant 0 : index
    %swap3A_3308 = arith.constant 0 : index
    %swap3A_3309 = vector.load %arg8[%swap3A_3305, %swap3A_3306, %swap3A_3307, %swap3A_3308] : memref<1x64x4x16xi32, #tpu.memory_space<vmem>>, vector<1x64x4x16xi32>
    %swap3A_3310 = vector.shape_cast %swap3A_3309 : vector<1x64x4x16xi32> to vector<64x4x16xi32>
    %swap3A_3311 = vector.shape_cast %stack3A_3304 : vector<64x4x16xi32> to vector<1x64x4x16xi32>
    tpu.vector_store %arg8[%swap3A_3305, %swap3A_3306, %swap3A_3307, %swap3A_3308], %swap3A_3311 {strides = array<i32>} : memref<1x64x4x16xi32, #tpu.memory_space<vmem>>, vector<1x64x4x16xi32>,
    return
  }
  func.func @transform_0(%arg0: i32, %arg1: i32) -> (i32, i32, i32, i32) {
    %c0_i32 = arith.constant 0 : i32
    %c0_i32_0 = arith.constant 0 : i32
    %c0_i32_1 = arith.constant 0 : i32
    return %arg0, %arg1, %c0_i32, %c0_i32_0 : i32, i32, i32, i32
  }
  func.func @transform_1(%arg0: i32, %arg1: i32) -> (i32, i32, i32, i32) {
    %c0_i32 = arith.constant 0 : i32
    %c0_i32_0 = arith.constant 0 : i32
    %c0_i32_1 = arith.constant 0 : i32
    return %arg0, %arg1, %c0_i32, %c0_i32_0 : i32, i32, i32, i32
  }
  func.func @transform_2(%arg0: i32, %arg1: i32) -> (i32, i32, i32) {
    %c0_i32 = arith.constant 0 : i32
    %c0_i32_0 = arith.constant 0 : i32
    return %arg0, %arg1, %c0_i32 : i32, i32, i32
  }
  func.func @transform_3(%arg0: i32, %arg1: i32) -> (i32, i32, i32) {
    %c0_i32 = arith.constant 0 : i32
    %c0_i32_0 = arith.constant 0 : i32
    return %arg0, %arg1, %c0_i32 : i32, i32, i32
  }
  func.func @transform_4(%arg0: i32, %arg1: i32) -> i32 {
    %c0_i32 = arith.constant 0 : i32
    %c0_i32_0 = arith.constant 0 : i32
    return %c0_i32 : i32
  }
  func.func @transform_5(%arg0: i32, %arg1: i32) -> (i32, i32, i32, i32) {
    %c0_i32 = arith.constant 0 : i32
    %c0_i32_0 = arith.constant 0 : i32
    %c0_i32_1 = arith.constant 0 : i32
    return %arg0, %arg1, %c0_i32, %c0_i32_0 : i32, i32, i32, i32
  }
  func.func @transform_6(%arg0: i32, %arg1: i32) -> (i32, i32, i32, i32) {
    %c0_i32 = arith.constant 0 : i32
    %c0_i32_0 = arith.constant 0 : i32
    %c0_i32_1 = arith.constant 0 : i32
    return %arg0, %arg1, %c0_i32, %c0_i32_0 : i32, i32, i32, i32
  }
}

module attributes {stable_mosaic.version = 14 : i64} {
  func.func @_fine0_body(%arg0: i32, %arg1: i32, %arg2: memref<1x128x4x16xf32, #tpu.memory_space<vmem>>, %arg3: memref<1x128x16x128xf32, #tpu.memory_space<vmem>>, %arg4: memref<1x128x16xf32, #tpu.memory_space<vmem>>, %arg5: memref<3xf32, #tpu.memory_space<smem>>, %arg6: memref<1x128x4x16xf32, #tpu.memory_space<vmem>>) attributes {dimension_semantics = [#tpu.dimension_semantics<arbitrary>, #tpu.dimension_semantics<arbitrary>], iteration_bounds = array<i64: 16, 8>, scalar_prefetch = 0 : i64, scratch_operands = 0 : i64, tpu.core_type = #tpu.core_type<tc>, window_params = [{transform_indices = @transform_0, window_bounds = array<i64: 1, 128, 4, 16>}, {transform_indices = @transform_1, window_bounds = array<i64: 1, 128, 16, 128>}, {transform_indices = @transform_2, window_bounds = array<i64: 1, 128, 16>}, {transform_indices = @transform_3, window_bounds = array<i64: 3>}, {transform_indices = @transform_4, window_bounds = array<i64: 1, 128, 4, 16>}]} {
    %get3A = arith.constant 0 : index
    %get3A_0 = arith.constant 0 : index
    %get3A_1 = arith.constant 0 : index
    %get3A_2 = arith.constant 0 : index
    %get3A_3 = vector.load %arg2[%get3A, %get3A_0, %get3A_1, %get3A_2] : memref<1x128x4x16xf32, #tpu.memory_space<vmem>>, vector<1x128x4x16xf32>
    %get3A_4 = vector.shape_cast %get3A_3 : vector<1x128x4x16xf32> to vector<128x4x16xf32>
    %get3A_5 = arith.constant 0 : index
    %get3A_6 = arith.constant 0 : index
    %get3A_7 = arith.constant 0 : index
    %get3A_8 = arith.constant 0 : index
    %get3A_9 = vector.load %arg3[%get3A_5, %get3A_6, %get3A_7, %get3A_8] : memref<1x128x16x128xf32, #tpu.memory_space<vmem>>, vector<1x128x16x128xf32>
    %get3A_10 = vector.shape_cast %get3A_9 : vector<1x128x16x128xf32> to vector<128x16x128xf32>
    %slice3A = vector.extract_strided_slice %get3A_10 {offsets = [0, 0, 0], sizes = [128, 16, 64], strides = [1, 1, 1]} : vector<128x16x128xf32> to vector<128x16x64xf32>
    %reshape3A = vector.shape_cast %slice3A : vector<128x16x64xf32> to vector<128x16x4x16xf32>
    %reshape3A_11 = vector.shape_cast %reshape3A : vector<128x16x4x16xf32> to vector<128x64x16xf32>
    %slice3A_12 = vector.extract_strided_slice %get3A_10 {offsets = [0, 0, 64], sizes = [128, 16, 64], strides = [1, 1, 1]} : vector<128x16x128xf32> to vector<128x16x64xf32>
    %reshape3A_13 = vector.shape_cast %slice3A_12 : vector<128x16x64xf32> to vector<128x16x4x16xf32>
    %reshape3A_14 = vector.shape_cast %reshape3A_13 : vector<128x16x4x16xf32> to vector<128x64x16xf32>
    %convert_element_type3A = arith.truncf %get3A_4 : vector<128x4x16xf32> to vector<128x4x16xbf16>
    %convert_element_type3A_15 = arith.truncf %reshape3A_11 : vector<128x64x16xf32> to vector<128x64x16xbf16>
    %dot_general3A = arith.constant dense<0.000000e+00> : vector<128x4x64xf32>
    %dot_general3A_16 = tpu.matmul %convert_element_type3A, %convert_element_type3A_15, %dot_general3A {dimension_numbers = #tpu.dot_dimension_numbers<[2], [2], [1], [1], [0, 0, 0, 1, 1, 1], [0], [0]>, transpose_lhs_hint = false} : vector<128x4x16xbf16>, vector<128x64x16xbf16>, vector<128x4x64xf32> -> vector<128x4x64xf32>
    %mul3A = arith.constant 2.500000e-01 : f32
    %mul3A_17 = vector.broadcast %mul3A : f32 to vector<128x4x64xf32>
    %mul3A_18 = arith.mulf %dot_general3A_16, %mul3A_17 : vector<128x4x64xf32>
    %reduce_max3A = arith.constant dense<0xFF800000> : vector<128x4xf32>
    %reduce_max3A_19 = vector.multi_reduction <maximumf>, %mul3A_18, %reduce_max3A [2] : vector<128x4x64xf32> to vector<128x4xf32>
    %broadcast_in_dim3A = vector.shape_cast %reduce_max3A_19 : vector<128x4xf32> to vector<128x4x1xf32>
    %sub3A = vector.broadcast %broadcast_in_dim3A : vector<128x4x1xf32> to vector<128x4x64xf32>
    %sub3A_20 = arith.subf %mul3A_18, %sub3A : vector<128x4x64xf32>
    %exp3A = math.exp %sub3A_20 : vector<128x4x64xf32>
    %reduce_sum3A = arith.constant dense<0.000000e+00> : vector<128x4xf32>
    %reduce_sum3A_21 = vector.multi_reduction <add>, %exp3A, %reduce_sum3A [2] : vector<128x4x64xf32> to vector<128x4xf32>
    %broadcast_in_dim3A_22 = vector.shape_cast %reduce_sum3A_21 : vector<128x4xf32> to vector<128x4x1xf32>
    %div3A = vector.broadcast %broadcast_in_dim3A_22 : vector<128x4x1xf32> to vector<128x4x64xf32>
    %div3A_23 = arith.divf %exp3A, %div3A : vector<128x4x64xf32>
    %convert_element_type3A_24 = arith.truncf %div3A_23 : vector<128x4x64xf32> to vector<128x4x64xbf16>
    %convert_element_type3A_25 = arith.truncf %reshape3A_14 : vector<128x64x16xf32> to vector<128x64x16xbf16>
    %dot_general3A_26 = arith.constant dense<0.000000e+00> : vector<128x4x16xf32>
    %dot_general3A_27 = tpu.matmul %convert_element_type3A_24, %convert_element_type3A_25, %dot_general3A_26 {dimension_numbers = #tpu.dot_dimension_numbers<[2], [1], [1], [2], [0, 0, 0, 1, 1, 2], [0], [0]>, transpose_lhs_hint = false} : vector<128x4x64xbf16>, vector<128x64x16xbf16>, vector<128x4x16xf32> -> vector<128x4x16xf32>
    %get3A_28 = arith.constant 0 : index
    %get3A_29 = memref.load %arg5[%get3A_28] : memref<3xf32, #tpu.memory_space<smem>>
    %get3A_30 = arith.constant 1 : index
    %get3A_31 = memref.load %arg5[%get3A_30] : memref<3xf32, #tpu.memory_space<smem>>
    %get3A_32 = arith.constant 2 : index
    %get3A_33 = memref.load %arg5[%get3A_32] : memref<3xf32, #tpu.memory_space<smem>>
    %max3A = arith.maximumf %get3A_29, %get3A_31 : f32
    %max3A_34 = arith.maximumf %max3A, %get3A_33 : f32
    %sub3A_35 = arith.subf %get3A_29, %max3A_34 : f32
    %exp3A_36 = math.exp %sub3A_35 : f32
    %sub3A_37 = arith.subf %get3A_31, %max3A_34 : f32
    %exp3A_38 = math.exp %sub3A_37 : f32
    %sub3A_39 = arith.subf %get3A_33, %max3A_34 : f32
    %exp3A_40 = math.exp %sub3A_39 : f32
    %add3A = arith.addf %exp3A_36, %exp3A_38 : f32
    %add3A_41 = arith.addf %add3A, %exp3A_40 : f32
    %div3A_42 = arith.divf %exp3A_40, %add3A_41 : f32
    %get3A_43 = arith.constant 0 : index
    %get3A_44 = arith.constant 0 : index
    %get3A_45 = arith.constant 0 : index
    %get3A_46 = vector.load %arg4[%get3A_43, %get3A_44, %get3A_45] : memref<1x128x16xf32, #tpu.memory_space<vmem>>, vector<1x128x16xf32>
    %get3A_47 = vector.shape_cast %get3A_46 : vector<1x128x16xf32> to vector<128x16xf32>
    %broadcast_in_dim3A_48 = vector.shape_cast %get3A_47 : vector<128x16xf32> to vector<128x1x16xf32>
    %mul3A_49 = vector.broadcast %div3A_42 : f32 to vector<128x4x16xf32>
    %mul3A_50 = arith.mulf %dot_general3A_27, %mul3A_49 : vector<128x4x16xf32>
    %add3A_51 = vector.broadcast %broadcast_in_dim3A_48 : vector<128x1x16xf32> to vector<128x4x16xf32>
    %add3A_52 = arith.addf %add3A_51, %mul3A_50 : vector<128x4x16xf32>
    %swap3A = arith.constant 0 : index
    %swap3A_53 = arith.constant 0 : index
    %swap3A_54 = arith.constant 0 : index
    %swap3A_55 = arith.constant 0 : index
    %swap3A_56 = vector.load %arg6[%swap3A, %swap3A_53, %swap3A_54, %swap3A_55] : memref<1x128x4x16xf32, #tpu.memory_space<vmem>>, vector<1x128x4x16xf32>
    %swap3A_57 = vector.shape_cast %swap3A_56 : vector<1x128x4x16xf32> to vector<128x4x16xf32>
    %swap3A_58 = vector.shape_cast %add3A_52 : vector<128x4x16xf32> to vector<1x128x4x16xf32>
    tpu.vector_store %arg6[%swap3A, %swap3A_53, %swap3A_54, %swap3A_55], %swap3A_58 {strides = array<i32>} : memref<1x128x4x16xf32, #tpu.memory_space<vmem>>, vector<1x128x4x16xf32>,
    return
  }
  func.func @transform_0(%arg0: i32, %arg1: i32) -> (i32, i32, i32, i32) {
    %c0_i32 = arith.constant 0 : i32
    %c0_i32_0 = arith.constant 0 : i32
    %c0_i32_1 = arith.constant 0 : i32
    return %arg0, %arg1, %c0_i32, %c0_i32_0 : i32, i32, i32, i32
  }
  func.func @transform_1(%arg0: i32, %arg1: i32) -> (i32, i32, i32, i32) {
    %c0_i32 = arith.constant 0 : i32
    %c0_i32_0 = arith.constant 0 : i32
    %c0_i32_1 = arith.constant 0 : i32
    return %arg0, %arg1, %c0_i32, %c0_i32_0 : i32, i32, i32, i32
  }
  func.func @transform_2(%arg0: i32, %arg1: i32) -> (i32, i32, i32) {
    %c0_i32 = arith.constant 0 : i32
    %c0_i32_0 = arith.constant 0 : i32
    return %arg0, %arg1, %c0_i32 : i32, i32, i32
  }
  func.func @transform_3(%arg0: i32, %arg1: i32) -> i32 {
    %c0_i32 = arith.constant 0 : i32
    %c0_i32_0 = arith.constant 0 : i32
    return %c0_i32 : i32
  }
  func.func @transform_4(%arg0: i32, %arg1: i32) -> (i32, i32, i32, i32) {
    %c0_i32 = arith.constant 0 : i32
    %c0_i32_0 = arith.constant 0 : i32
    %c0_i32_1 = arith.constant 0 : i32
    return %arg0, %arg1, %c0_i32, %c0_i32_0 : i32, i32, i32, i32
  }
}

</mosaic_0001>

<sc_bundles>
// kernel: kernel.10.cloned.1.call-start
scs
__scs_entry_jumppad:
0x0: {  	(pc) =	sbr.rel $0x88, $3  }
0x1: {  	(tag) =	ssettag $0x0;
	lr =	simm.s32 $0x1  }
0x2: {  	[smem:$0x3F97] =	sst lr;
	_ =	strace $0xD0000000  }
0x3: {  	_ = 	snop  }
0x4: {  	_ = 	snop  }
0x5: {  	_ = 	snop  }
0x6: {  	_ = 	snop  }
0x7: {  	_ = 	snop  }
__scs_overlays_trampoline_lowered:
0x8: {  	[smem:$0x3FA6] =	sst s0  }
0x9: {  	[smem:$0x3FA7] =	sst s1  }
0xa: {  	[smem:$0x3FA8] =	sst s2  }
0xb: {  	[smem:$0x3FA9] =	sst s3  }
0xc: {  	[smem:$0x3FAA] =	sst s4  }
0xd: {  	[smem:$0x3FAB] =	sst s5  }
0xe: {  	[smem:$0x3FAC] =	sst s6  }
0xf: {  	[smem:$0x3FAD] =	sst s7  }
0x10: {  	[smem:$0x3FAE] =	sst s8  }
0x11: {  	[smem:$0x3FAF] =	sst s9;
	s0 =	simm.s32 @!p0 $0x0  }
0x12: {  	s1 =	sld [smem:$0x3F95];
	s0 =	simm.s32 @p0 $0x1  }
0x13: {  	[smem:$0x3FB0] =	sst s0;
	s0 =	simm.s32 @!p1 $0x0  }
0x14: {  	s2 =	sld [smem:$0x3F94];
	s0 =	simm.s32 @p1 $0x1  }
0x15: {  	[smem:$0x3FB1] =	sst s0;
	s0 =	simm.s32 @!p2 $0x0  }
0x16: {  	s3 =	sld [smem:$0x3FDB];
	s0 =	simm.s32 @p2 $0x1  }
0x17: {  	s4 =	simm.s32 $0x1BF5;
	[smem:$0x3FB3] =	sst s0  }
0x18: {  	s0 =	sld [smem:$0x3F96];
	_ =	swait.ge [sflag:s4], $0x0  }
0x19: {  	s7 =	sld [smem:$0x3F97]  }
0x1a: {  	s8 =	sadd.s32 $0xFFFFE003, lr  }
0x1b: {  	s9 =	sadd.s32 $0xFFFFFEF7, lr;
	s5 =	simm.s32 $0xFFFFFFFF;
	p2 =	slt.u32 s8, $0xFFFFF086  }
0x1c: {  	p1 =	slt.u32 s9, $0xF7A;
	s5 =	simm.s32 @!p2 $0x0  }
0x1d: {  	s5 =	simm.s32 @p1 $0x1;
	p0 =	seq.s32 s7, s2  }
0x1e: {  	s7 =	smul.u32 @!p0 $0xF7A, s2;
	p2 =	seq.s32 @!p0 s5, $0x0  }
0x1f: {  	s9 =	smul.u32 $0xF7A, s1;
	s8 =	simm.s32 @!p0 $0x1BF5;
	p2 =	por !p2, p0  }
0x20: {  	[sflag:s8] =	ssyncset.s32 @!p0 $0xFFFFF086;
	s6 =	sadd.s32 @!p0 s3, s7;
	s7 =	simm.s32 @!p0 $0x108  }
0x21: {  	s3 =	sadd.s32 s3, s9;
	s6 =	sadd.s32 @!p0 $0x88, s6;
	s7 =	simm.s32 @p2 $0x1082  }
0x22: {  	[simem:s7], [sflag:s8] =	dma.local @!p0 [hbm:s6], $0xF7A  }
0x23: {  	s9 =	sor.u32 $0xD0000000, s2;
	s6 =	simm.s32 $0x108;
	_ =	swait.ge @!p0 [sflag:s8], $0x0  }
0x24: {  	s3 =	sadd.s32 $0x88, s3;
	s6 =	simm.s32 @!p1 $0x1082;
	[sflag:s4] =	ssyncset.s32 $0xFFFFF086  }
0x25: {  	[simem:s6], [sflag:s4] =	dma.local [hbm:s3], $0xF7A  }
0x26: {  	[smem:$0x3F97] =	sst s1;
	(tag) =	ssettag s2;
	_ =	strace s9  }
0x27: {  	s1 =	sld [smem:$0x3FA7]  }
0x28: {  	s2 =	sld [smem:$0x3FA8]  }
0x29: {  	s4 =	sld [smem:$0x3FAA]  }
0x2a: {  	p0 =	seq.s32 s5, $0x0;
	s5 =	sld [smem:$0x3FAB]  }
0x2b: {  	s6 =	sld [smem:$0x3FAC]  }
0x2c: {  	s7 =	sld [smem:$0x3FAD]  }
0x2d: {  	s3 =	simm.s32 $0x108;
	s8 =	sld [smem:$0x3FAE]  }
0x2e: {  	s3 =	simm.s32 @!p0 $0x1082;
	s9 =	sld [smem:$0x3FAF]  }
0x2f: {  	lr =	sadd.s32 s0, s3;
	s0 =	sld [smem:$0x3FA6]  }
0x30: {  	s3 =	sld [smem:$0x3FA9]  }
0x31: {  	[smem:$0x3FB2] =	sst s10  }
0x32: {  	s10 =	sld [smem:$0x3FB0];
	_ =	sdelay $0x3  }
0x33: {  	p0 =	seq.s32 s10, $0x1;
	s10 =	sld [smem:$0x3FB2];
	_ =	sdelay $0x3  }
0x34: {  	[smem:$0x3FB2] =	sst s10  }
0x35: {  	s10 =	sld [smem:$0x3FB1];
	_ =	sdelay $0x3  }
0x36: {  	p1 =	seq.s32 s10, $0x1;
	s10 =	sld [smem:$0x3FB2];
	_ =	sdelay $0x3  }
0x37: {  	[smem:$0x3FB2] =	sst s10  }
0x38: {  	s10 =	sld [smem:$0x3FB3]  }
0x39: {  	_ = 	snop;
	(pc) =	sbr.ind lr, $3  }
0x3a: {  	_ = 	snop  }
0x3b: {  	_ = 	snop  }
0x3c: {  	p2 =	seq.s32 s10, $0x1;
	s10 =	sld [smem:$0x3FB2]  }
0x3d: {  	_ =	shalt  }
0x3e: {  	_ =	shalt  }
0x3f: {  	_ =	shalt  }
0x40: {  	_ =	shalt  }
0x41: {  	_ =	shalt  }
0x42: {  	_ =	shalt  }
0x43: {  	_ =	shalt  }
0x44: {  	_ =	shalt  }
0x45: {  	_ =	shalt  }
0x46: {  	_ =	shalt  }
0x47: {  	_ =	shalt  }
0x48: {  	_ =	shalt  }
0x49: {  	_ =	shalt  }
0x4a: {  	_ =	shalt  }
0x4b: {  	_ =	shalt  }
0x4c: {  	_ =	shalt  }
0x4d: {  	_ =	shalt  }
0x4e: {  	_ =	shalt  }
0x4f: {  	_ =	shalt  }
0x50: {  	_ =	shalt  }
0x51: {  	_ =	shalt  }
0x52: {  	_ =	shalt  }
0x53: {  	_ =	shalt  }
0x54: {  	_ =	shalt  }
0x55: {  	_ =	shalt  }
0x56: {  	_ =	shalt  }
0x57: {  	_ =	shalt  }
0x58: {  	_ =	shalt  }
0x59: {  	_ =	shalt  }
0x5a: {  	_ =	shalt  }
0x5b: {  	_ =	shalt  }
0x5c: {  	_ =	shalt  }
0x5d: {  	_ =	shalt  }
0x5e: {  	_ =	shalt  }
0x5f: {  	_ =	shalt  }
0x60: {  	_ =	shalt  }
0x61: {  	_ =	shalt  }
0x62: {  	_ =	shalt  }
0x63: {  	_ =	shalt  }
0x64: {  	_ =	shalt  }
0x65: {  	_ =	shalt  }
0x66: {  	_ =	shalt  }
0x67: {  	_ =	shalt  }
0x68: {  	_ =	shalt  }
0x69: {  	_ =	shalt  }
0x6a: {  	_ =	shalt  }
0x6b: {  	_ =	shalt  }
0x6c: {  	_ =	shalt  }
0x6d: {  	_ =	shalt  }
0x6e: {  	_ =	shalt  }
0x6f: {  	_ =	shalt  }
0x70: {  	_ =	shalt  }
0x71: {  	_ =	shalt  }
0x72: {  	_ =	shalt  }
0x73: {  	_ =	shalt  }
0x74: {  	_ =	shalt  }
0x75: {  	_ =	shalt  }
0x76: {  	_ =	shalt  }
0x77: {  	_ =	shalt  }
0x78: {  	_ =	shalt  }
0x79: {  	_ =	shalt  }
0x7a: {  	_ =	shalt  }
0x7b: {  	_ =	shalt  }
0x7c: {  	_ =	shalt  }
0x7d: {  	_ =	shalt  }
0x7e: {  	_ =	shalt  }
0x7f: {  	_ =	shalt  }
0x80: {  	_ =	shalt  }
0x81: {  	_ =	shalt  }
0x82: {  	_ =	shalt  }
0x83: {  	_ =	shalt  }
0x84: {  	_ =	shalt  }
0x85: {  	_ =	shalt  }
0x86: {  	_ =	shalt  }
0x87: {  	_ =	shalt  }
.Lfunc_end0:
.L_simem_size_0:
called_computation.1_lowered:
.L_overlay_start_0:
0x88: {  	s2 =	sld [smem:$0x3FD9]  }
0x89: {  	s3 =	sld [smem:$0x3FFE];
	_ =	sdelay $0x1  }
0x8a: {  	s1 =	srdreg.scid  }
0x8b: {  	s0 =	sand.u32 $0x1, s1  }
0x8c: {  	s17 =	sshll.u32 s0, $0xA;
	s2 =	sadd.s32 s3, s2  }
0x8d: {  	s2 =	sadd.s32 s2, s17  }
0x8e: {  	[smem:$0x3FBE] =	sst s2  }
0x8f: {  	_ = 	snop  }
0x90: {  	s2 =	sld [smem:$0x3FD0];
	(tm) =	ssettm $0x1  }
0x91: {  	s18 =	sld [smem:$0x3FFB];
	_ =	sdelay $0x3  }
0x92: {  	_ =	strace s18  }
0x93: {  	s3 =	sld [smem:$0x3FFC];
	_ =	sdelay $0x3  }
0x94: {  	_ =	strace s3  }
0x95: {  	s3 =	sld [smem:$0x3FFD];
	_ =	sdelay $0x3  }
0x96: {  	_ =	strace s3  }
0x97: {  	_ =	strace $0x8FFFFFFF  }
0x98: {  	s19 =	sld [smem:$0x3FDB];
	_ =	sdelay $0x1  }
0x99: {  	s4 =	simm.s32 $_scs_section_size  }
0x9a: {  	s5 =	simm.s32 $_size__tile_overlayer_lowered;
	s6 =	simm.s32 $_tile_overlayer_lowered  }
0x9b: {  	s22 =	simm.s32 $0x1BFF;
	s21 =	sshll.u32 s6, $0x1;
	s3 =	sadd.s32 s4, s19  }
0x9c: {  	s7 =	simm.s32 $0x0;
	s20 =	sshll.u32 s5, $0x1;
	s5 =	sadd.s32 s21, s3  }
0x9d: {  	[timem:s7], [sflag:s22] =	dma.local [hbm:s5], s20  }
0x9e: {  	_ =	swait.ge [sflag:s22], s20  }
0x9f: {  	s4 =	ssub.s32 $0x0, s20;
	[sflag:s22] =	ssyncset.done $0x0  }
0xa0: {  	[sflag:s22] =	ssyncadd.s32 s4;
	_ =	sdelay $0x1  }
0xa1: {  	s23 =	simm.s32 $0x1B8B  }
0xa2: {  	_ =	swait.ge [sflag:s23], $0x1  }
0xa3: {  	[sflag:s23] =	ssyncset.done $0x0  }
0xa4: {  	s25 =	simm.s32 $0x1B8E;
	s24 =	sld [smem:$0x3FFE];
	[sflag:s23] =	ssyncadd.s32 $0xFFFFFFFF  }
0xa5: {  	s26 =	simm.s32 $execute0_lowered;
	[smem:$0x3FD2] =	sst s25  }
0xa6: {  	s5 =	sshll.u32 s26, $0x1;
	_ =	strace $0x80000049;
	[dreg:$0x1] =	wrdreg $0xFFFFFFFF  }
0xa7: {  	s28 =	simm.s32 $_size_execute0_lowered;
	s3 =	sadd.s32 s3, s5;
	[dreg:$0x0] =	wrdreg $0x0  }
0xa8: {  	s5 =	sshll.u32 s28, $0x1;
	[dreg:$0x2] =	wrdreg s3  }
0xa9: {  	[dreg:$0x3] =	wrdreg s5  }
0xaa: {  	[dreg:$0x4] =	wrdreg $0xC0  }
0xab: {  	_ =	task [dreg:s7], $0x5FFFF  }
0xac: {  	[dreg:$0x1] =	wrdreg $0xFFFFFFFF  }
0xad: {  	[dreg:$0x0] =	wrdreg $0x60  }
0xae: {  	[dreg:$0x2] =	wrdreg s24  }
0xaf: {  	[dreg:$0x3] =	wrdreg s2  }
0xb0: {  	[dreg:$0x4] =	wrdreg $0x9  }
0xb1: {  	_ =	task.clear_ibuf [dreg:s7], $0x5FFFF;
	_ =	strace $0x90000049  }
0xb2: {  	s29 =	simm.s32 $0x9;
	_ =	strace $0x8000004B  }
0xb3: {  	_ =	swait.ge [sflag:s29], $0x1  }
0xb4: {  	[sflag:s29] =	ssyncadd.s32 $0xFFFFFFFF  }
0xb5: {  	_ =	strace $0x9000004B  }
0xb6: {  	_ =	sfence  }
0xb7: {  	s30 =	sld [smem:$0x0];
	_ =	sdelay $0x2  }
0xb8: {  	s31 =	sshll.u32 s1, $0xD;
	s1 =	sshrl.u32 s1, $0x2  }
0xb9: {  	s3 =	sand.u32 $0x4000, s31;
	s1 =	sadd.s32 s1, s30  }
0xba: {  	s0 =	sor.u32 s3, s0;
	s1 =	sshll.u32 s1, $0x11  }
0xbb: {  	s0 =	sor.u32 s1, s0  }
0xbc: {  	s0 =	sadd.s32 $0x8F2B, s0  }
0xbd: {  	[sflag:s0] =	ssyncadd.remote.s32 $0x1  }
0xbe: {  	_ =	sfence.sel $0xFFFF  }
0xbf: {  	[dreg:$0x0] =	wrdreg $0xFFFFFFFF;
	(pc) =	sbr.abs _section_cstart, $3  }
0xc0: {  	[dreg:$0x1] =	wrdreg $0xFFFFFFFF  }
0xc1: {  	_ =	task.clear_ibuf [dreg:s7], $0x2FFFF;
	_ =	strace $0x9FFFFFFF  }
0xc2: {  	(tm) =	ssettm $0x7FFFFFFF  }
0xc3: {  	_ =	shalt  }
tec
execute0_lowered:
.L_overlay_start_1:
0x0: {  	(tag) =	ssettag $0x1  }
0x1: {  	s4 =	rddreg [dreg:$0x0]  }
0x2: {  	s6 =	rddreg [dreg:$0x1]  }
0x3: {  	s0 =	rddreg [dreg:$0x2];
	s2 =	simm.s32 $0x0;
	s1 =	stileid.u32  }
0x4: {  	s3 =	srdreg.scid;
	[smem:$0x7FF] =	sst s2  }
0x5: {  	s5 =	sshll.u32 s1, $0x12;
	s7 =	sand.u32 $0x1, s3;
	s3 =	sadd.s32 $0x154800, s4  }
0x6: {  	s9 =	sshll.u32 s1, $0xE;
	_ =	strace $0x8000004A;
	s5 =	sadd.s32 s5, s4  }
0x7: {  	s29 =	ssub.s32 $0x2, s7;
	s10 =	sshll.u32 s7, $0xD;
	s7 =	sshll.u32 s7, $0x11  }
0x8: {  	s8 =	sshrl.u32 s29, $0x1;
	s30 =	sor.u32 s10, s9;
	s5 =	sadd.s32 s7, s5  }
0x9: {  	s7 =	simm.s32 $0x2;
	s9 =	simm.s32 $0x1;
	s10 =	simm.s32 $0x0  }
0xa: {  	s4 =	ssub.s32 s29, s8;
	s31 =	sshrl.u32 s30, $0x3;
	s5 =	sadd.s32 $0x194800, s5  }
0xb: {  	s8 =	simm.s32 $0x80;
	s4 =	smax.u32 s4, $0x1;
	s6 =	sadd.s32 s31, s6  }
.LBB2_1:
0xc: {  	s11 =	sadd.s32 $0x0, s6  }
0xd: {  	[tilespmem:s2], [sflag:$0x2] =	stream.linear.gather [hbm4b:s11+s2], $0x80, $0x38;
	[tilespmem:$0x4080] =	vst v63  }
0xe: {  	_ =	swait.ge [sflag:s7], $0x80  }
0xf: {  	[sflag:s7] =	ssyncset.done $0x0  }
0x10: {  	[sflag:s7] =	ssyncadd.s32 $0xFFFFFF80  }
0x11: {  	[tilespmem:s8], [sflag:$0x1] =	stream.indirect.gather [hbm4b:s3+s8], $0x80, s2, s8, $0xb8;
	[tilespmem:$0x4080] =	vst v63  }
0x12: {  	_ =	swait.ge [sflag:s9], $0x4000  }
0x13: {  	[sflag:s9] =	ssyncset.done $0x0  }
0x14: {  	[sflag:s9] =	ssyncadd.s32 $0xFFFFC000  }
0x15: {  	[hbm4b:s5+s2] =	stream.linear.scatter [tilespmem:s8], [sflag:$0x2], $0x4000, $0x38;
	[tilespmem:$0x4080] =	vst v63  }
0x16: {  	s12 =	simm.s32 $0x10;
	_ =	swait.ge [sflag:s7], $0x4000  }
0x17: {  	s13 =	simm.s32 $0x20;
	s11 =	sadd.s32 $0x800, s5;
	[sflag:s7] =	ssyncset.done $0x0  }
.LBB2_2:
0x18: {  	s14 =	sadd.s32 s12, s6  }
0x19: {  	[sflag:s7] =	ssyncadd.s32 $0xFFFFC000;
	s12 =	smov.u32 s13;
	s15 =	sadd.s32 $0x10, s13  }
0x1a: {  	[tilespmem:s2], [sflag:$0x2] =	stream.linear.gather [hbm4b:s14+s2], $0x80, $0x38;
	[tilespmem:$0x4080] =	vst v63  }
0x1b: {  	p0 =	sne.s32 s13, $0x3F0;
	_ =	swait.ge [sflag:s7], $0x80  }
0x1c: {  	[sflag:s7] =	ssyncset.done $0x0  }
0x1d: {  	[sflag:s7] =	ssyncadd.s32 $0xFFFFFF80  }
0x1e: {  	[tilespmem:s8], [sflag:$0x1] =	stream.indirect.gather [hbm4b:s3+s8], $0x80, s2, s8, $0xb8;
	[tilespmem:$0x4080] =	vst v63  }
0x1f: {  	_ =	swait.ge [sflag:s9], $0x4000  }
.Ltmp0:
0x20: {  	[sflag:s9] =	ssyncset.done $0x0;
	(pc) =	sbr.rel @p0 .LBB2_2-.Ltmp0, $4  }
0x21: {  	[sflag:s9] =	ssyncadd.s32 $0xFFFFC000  }
0x22: {  	[hbm4b:s11+s2] =	stream.linear.scatter [tilespmem:s8], [sflag:$0x2], $0x4000, $0x38;
	[tilespmem:$0x4080] =	vst v63  }
0x23: {  	_ =	swait.ge [sflag:s7], $0x4000  }
0x24: {  	s13 =	smov.u32 s15;
	s11 =	sadd.s32 $0x800, s11;
	[sflag:s7] =	ssyncset.done $0x0  }
0x25: {  	s12 =	sadd.s32 s12, s6;
	[sflag:s7] =	ssyncadd.s32 $0xFFFFC000  }
0x26: {  	[tilespmem:s2], [sflag:$0x2] =	stream.linear.gather [hbm4b:s12+s2], $0x80, $0x38;
	[tilespmem:$0x4080] =	vst v63  }
0x27: {  	_ =	swait.ge [sflag:s7], $0x80  }
0x28: {  	[sflag:s7] =	ssyncset.done $0x0  }
0x29: {  	[sflag:s7] =	ssyncadd.s32 $0xFFFFFF80  }
0x2a: {  	[tilespmem:s8], [sflag:$0x1] =	stream.indirect.gather [hbm4b:s3+s8], $0x80, s2, s8, $0xb8;
	[tilespmem:$0x4080] =	vst v63  }
0x2b: {  	s10 =	sadd.s32 $0x1, s10;
	_ =	swait.ge [sflag:s9], $0x4000  }
0x2c: {  	p0 =	sne.s32 s10, s4;
	[sflag:s9] =	ssyncset.done $0x0  }
.Ltmp1:
0x2d: {  	[sflag:s9] =	ssyncadd.s32 $0xFFFFC000;
	(pc) =	sbr.rel @p0 .LBB2_1-.Ltmp1, $4  }
0x2e: {  	[hbm4b:s11+s2] =	stream.linear.scatter [tilespmem:s8], [sflag:$0x2], $0x4000, $0x38;
	[tilespmem:$0x4080] =	vst v63  }
0x2f: {  	_ =	swait.ge [sflag:s7], $0x4000  }
0x30: {  	[sflag:s7] =	ssyncset.done $0x0  }
0x31: {  	[sflag:s7] =	ssyncadd.s32 $0xFFFFC000  }
0x32: {  	_ =	sfence.sel $0x180000  }
0x33: {  	[bflag:$0x0] =	sbarrier.arrive $0xFFFF  }
0x34: {  	p0 =	sne.s32 s1, $0x0;
	_ =	strace $0x9000004A  }
0x35: {  	s0 =	sadd.s32 @!p0 $0x100000, s0;
	[bflag:$0x2] =	sbarrier.arrive $0xFFFF  }
0x36: {  	[sflag:s0] =	ssyncadd.tile.s32 @!p0 $0x1;
	_ =	shalt  }
.Lfunc_end2:
_tile_overlayer_lowered:
.L_overlay_start_2:
0x37: {  	(tag) =	ssettag $0x2  }
0x38: {  	s0 =	rddreg [dreg:$0x0];
	s2 =	stileid.u32  }
0x39: {  	s1 =	rddreg [dreg:$0x1];
	p0 =	sne.s32 s2, $0x0  }
0x3a: {  	s3 =	rddreg [dreg:$0x2];
	[bflag:$0x3] =	sbarrier.arrive $0xFFFF;
	s2 =	simm.s32 @!p0 $0x1C02  }
0x3b: {  	[timem:s3], [sflag:s2] =	dma.local @!p0 [hbm:s0], s1  }
0x3c: {  	s0 =	simm.s32 @!p0 $0x2  }
0x3d: {  	_ =	swait.ge @!p0 [sflag:s0], s1  }
0x3e: {  	s1 =	ssub.s32 @!p0 $0x0, s1;
	[sflag:s0] =	ssyncset.done @!p0 $0x0  }
0x3f: {  	[sflag:s0] =	ssyncadd.s32 @!p0 s1  }
0x40: {  	[bflag:$0x3] =	sbarrier.arrive $0xFFFF  }
0x41: {  	_ =	shalt  }

// kernel: kernel.7.cloned.1.call-start
scs
__scs_entry_jumppad:
0x0: {  	(pc) =	sbr.rel $0x88, $3  }
0x1: {  	(tag) =	ssettag $0x0;
	lr =	simm.s32 $0x1  }
0x2: {  	[smem:$0x3F97] =	sst lr;
	_ =	strace $0xD0000000  }
0x3: {  	_ = 	snop  }
0x4: {  	_ = 	snop  }
0x5: {  	_ = 	snop  }
0x6: {  	_ = 	snop  }
0x7: {  	_ = 	snop  }
__scs_overlays_trampoline_lowered:
0x8: {  	[smem:$0x3FA6] =	sst s0  }
0x9: {  	[smem:$0x3FA7] =	sst s1  }
0xa: {  	[smem:$0x3FA8] =	sst s2  }
0xb: {  	[smem:$0x3FA9] =	sst s3  }
0xc: {  	[smem:$0x3FAA] =	sst s4  }
0xd: {  	[smem:$0x3FAB] =	sst s5  }
0xe: {  	[smem:$0x3FAC] =	sst s6  }
0xf: {  	[smem:$0x3FAD] =	sst s7  }
0x10: {  	[smem:$0x3FAE] =	sst s8  }
0x11: {  	[smem:$0x3FAF] =	sst s9;
	s0 =	simm.s32 @!p0 $0x0  }
0x12: {  	s1 =	sld [smem:$0x3F95];
	s0 =	simm.s32 @p0 $0x1  }
0x13: {  	[smem:$0x3FB0] =	sst s0;
	s0 =	simm.s32 @!p1 $0x0  }
0x14: {  	s2 =	sld [smem:$0x3F94];
	s0 =	simm.s32 @p1 $0x1  }
0x15: {  	[smem:$0x3FB1] =	sst s0;
	s0 =	simm.s32 @!p2 $0x0  }
0x16: {  	s3 =	sld [smem:$0x3FDB];
	s0 =	simm.s32 @p2 $0x1  }
0x17: {  	s4 =	simm.s32 $0x1BF5;
	[smem:$0x3FB3] =	sst s0  }
0x18: {  	s0 =	sld [smem:$0x3F96];
	_ =	swait.ge [sflag:s4], $0x0  }
0x19: {  	s7 =	sld [smem:$0x3F97]  }
0x1a: {  	s8 =	sadd.s32 $0xFFFFE003, lr  }
0x1b: {  	s9 =	sadd.s32 $0xFFFFFEF7, lr;
	s5 =	simm.s32 $0xFFFFFFFF;
	p2 =	slt.u32 s8, $0xFFFFF086  }
0x1c: {  	p1 =	slt.u32 s9, $0xF7A;
	s5 =	simm.s32 @!p2 $0x0  }
0x1d: {  	s5 =	simm.s32 @p1 $0x1;
	p0 =	seq.s32 s7, s2  }
0x1e: {  	s7 =	smul.u32 @!p0 $0xF7A, s2;
	p2 =	seq.s32 @!p0 s5, $0x0  }
0x1f: {  	s9 =	smul.u32 $0xF7A, s1;
	s8 =	simm.s32 @!p0 $0x1BF5;
	p2 =	por !p2, p0  }
0x20: {  	[sflag:s8] =	ssyncset.s32 @!p0 $0xFFFFF086;
	s6 =	sadd.s32 @!p0 s3, s7;
	s7 =	simm.s32 @!p0 $0x108  }
0x21: {  	s3 =	sadd.s32 s3, s9;
	s6 =	sadd.s32 @!p0 $0x88, s6;
	s7 =	simm.s32 @p2 $0x1082  }
0x22: {  	[simem:s7], [sflag:s8] =	dma.local @!p0 [hbm:s6], $0xF7A  }
0x23: {  	s9 =	sor.u32 $0xD0000000, s2;
	s6 =	simm.s32 $0x108;
	_ =	swait.ge @!p0 [sflag:s8], $0x0  }
0x24: {  	s3 =	sadd.s32 $0x88, s3;
	s6 =	simm.s32 @!p1 $0x1082;
	[sflag:s4] =	ssyncset.s32 $0xFFFFF086  }
0x25: {  	[simem:s6], [sflag:s4] =	dma.local [hbm:s3], $0xF7A  }
0x26: {  	[smem:$0x3F97] =	sst s1;
	(tag) =	ssettag s2;
	_ =	strace s9  }
0x27: {  	s1 =	sld [smem:$0x3FA7]  }
0x28: {  	s2 =	sld [smem:$0x3FA8]  }
0x29: {  	s4 =	sld [smem:$0x3FAA]  }
0x2a: {  	p0 =	seq.s32 s5, $0x0;
	s5 =	sld [smem:$0x3FAB]  }
0x2b: {  	s6 =	sld [smem:$0x3FAC]  }
0x2c: {  	s7 =	sld [smem:$0x3FAD]  }
0x2d: {  	s3 =	simm.s32 $0x108;
	s8 =	sld [smem:$0x3FAE]  }
0x2e: {  	s3 =	simm.s32 @!p0 $0x1082;
	s9 =	sld [smem:$0x3FAF]  }
0x2f: {  	lr =	sadd.s32 s0, s3;
	s0 =	sld [smem:$0x3FA6]  }
0x30: {  	s3 =	sld [smem:$0x3FA9]  }
0x31: {  	[smem:$0x3FB2] =	sst s10  }
0x32: {  	s10 =	sld [smem:$0x3FB0];
	_ =	sdelay $0x3  }
0x33: {  	p0 =	seq.s32 s10, $0x1;
	s10 =	sld [smem:$0x3FB2];
	_ =	sdelay $0x3  }
0x34: {  	[smem:$0x3FB2] =	sst s10  }
0x35: {  	s10 =	sld [smem:$0x3FB1];
	_ =	sdelay $0x3  }
0x36: {  	p1 =	seq.s32 s10, $0x1;
	s10 =	sld [smem:$0x3FB2];
	_ =	sdelay $0x3  }
0x37: {  	[smem:$0x3FB2] =	sst s10  }
0x38: {  	s10 =	sld [smem:$0x3FB3]  }
0x39: {  	_ = 	snop;
	(pc) =	sbr.ind lr, $3  }
0x3a: {  	_ = 	snop  }
0x3b: {  	_ = 	snop  }
0x3c: {  	p2 =	seq.s32 s10, $0x1;
	s10 =	sld [smem:$0x3FB2]  }
0x3d: {  	_ =	shalt  }
0x3e: {  	_ =	shalt  }
0x3f: {  	_ =	shalt  }
0x40: {  	_ =	shalt  }
0x41: {  	_ =	shalt  }
0x42: {  	_ =	shalt  }
0x43: {  	_ =	shalt  }
0x44: {  	_ =	shalt  }
0x45: {  	_ =	shalt  }
0x46: {  	_ =	shalt  }
0x47: {  	_ =	shalt  }
0x48: {  	_ =	shalt  }
0x49: {  	_ =	shalt  }
0x4a: {  	_ =	shalt  }
0x4b: {  	_ =	shalt  }
0x4c: {  	_ =	shalt  }
0x4d: {  	_ =	shalt  }
0x4e: {  	_ =	shalt  }
0x4f: {  	_ =	shalt  }
0x50: {  	_ =	shalt  }
0x51: {  	_ =	shalt  }
0x52: {  	_ =	shalt  }
0x53: {  	_ =	shalt  }
0x54: {  	_ =	shalt  }
0x55: {  	_ =	shalt  }
0x56: {  	_ =	shalt  }
0x57: {  	_ =	shalt  }
0x58: {  	_ =	shalt  }
0x59: {  	_ =	shalt  }
0x5a: {  	_ =	shalt  }
0x5b: {  	_ =	shalt  }
0x5c: {  	_ =	shalt  }
0x5d: {  	_ =	shalt  }
0x5e: {  	_ =	shalt  }
0x5f: {  	_ =	shalt  }
0x60: {  	_ =	shalt  }
0x61: {  	_ =	shalt  }
0x62: {  	_ =	shalt  }
0x63: {  	_ =	shalt  }
0x64: {  	_ =	shalt  }
0x65: {  	_ =	shalt  }
0x66: {  	_ =	shalt  }
0x67: {  	_ =	shalt  }
0x68: {  	_ =	shalt  }
0x69: {  	_ =	shalt  }
0x6a: {  	_ =	shalt  }
0x6b: {  	_ =	shalt  }
0x6c: {  	_ =	shalt  }
0x6d: {  	_ =	shalt  }
0x6e: {  	_ =	shalt  }
0x6f: {  	_ =	shalt  }
0x70: {  	_ =	shalt  }
0x71: {  	_ =	shalt  }
0x72: {  	_ =	shalt  }
0x73: {  	_ =	shalt  }
0x74: {  	_ =	shalt  }
0x75: {  	_ =	shalt  }
0x76: {  	_ =	shalt  }
0x77: {  	_ =	shalt  }
0x78: {  	_ =	shalt  }
0x79: {  	_ =	shalt  }
0x7a: {  	_ =	shalt  }
0x7b: {  	_ =	shalt  }
0x7c: {  	_ =	shalt  }
0x7d: {  	_ =	shalt  }
0x7e: {  	_ =	shalt  }
0x7f: {  	_ =	shalt  }
0x80: {  	_ =	shalt  }
0x81: {  	_ =	shalt  }
0x82: {  	_ =	shalt  }
0x83: {  	_ =	shalt  }
0x84: {  	_ =	shalt  }
0x85: {  	_ =	shalt  }
0x86: {  	_ =	shalt  }
0x87: {  	_ =	shalt  }
.Lfunc_end0:
.L_simem_size_0:
called_computation_lowered:
.L_overlay_start_0:
0x88: {  	s2 =	sld [smem:$0x3FD9]  }
0x89: {  	s3 =	sld [smem:$0x3FFE];
	_ =	sdelay $0x1  }
0x8a: {  	s1 =	srdreg.scid  }
0x8b: {  	s0 =	sand.u32 $0x1, s1  }
0x8c: {  	s16 =	sshll.u32 s0, $0xA;
	s2 =	sadd.s32 s3, s2  }
0x8d: {  	s2 =	sadd.s32 s2, s16  }
0x8e: {  	[smem:$0x3FBE] =	sst s2  }
0x8f: {  	_ = 	snop  }
0x90: {  	(tm) =	ssettm $0x1  }
0x91: {  	s17 =	sld [smem:$0x3FFB];
	_ =	sdelay $0x3  }
0x92: {  	_ =	strace s17  }
0x93: {  	s2 =	sld [smem:$0x3FFC];
	_ =	sdelay $0x3  }
0x94: {  	_ =	strace s2  }
0x95: {  	s2 =	sld [smem:$0x3FFD];
	_ =	sdelay $0x3  }
0x96: {  	_ =	strace s2  }
0x97: {  	_ =	strace $0x8FFFFFFF  }
0x98: {  	s18 =	sld [smem:$0x3FDB];
	_ =	sdelay $0x1  }
0x99: {  	s19 =	simm.s32 $_scs_section_size  }
0x9a: {  	s4 =	simm.s32 $_size__tile_overlayer_lowered;
	s5 =	simm.s32 $_tile_overlayer_lowered  }
0x9b: {  	s22 =	simm.s32 $0x1BFF;
	s21 =	sshll.u32 s5, $0x1;
	s2 =	sadd.s32 s19, s18  }
0x9c: {  	s6 =	simm.s32 $0x0;
	s20 =	sshll.u32 s4, $0x1;
	s4 =	sadd.s32 s21, s2  }
0x9d: {  	[timem:s6], [sflag:s22] =	dma.local [hbm:s4], s20  }
0x9e: {  	_ =	swait.ge [sflag:s22], s20  }
0x9f: {  	s3 =	ssub.s32 $0x0, s20;
	[sflag:s22] =	ssyncset.done $0x0  }
0xa0: {  	[sflag:s22] =	ssyncadd.s32 s3;
	_ =	sdelay $0x1  }
0xa1: {  	s23 =	simm.s32 $0x1B8B  }
0xa2: {  	_ =	swait.ge [sflag:s23], $0x1  }
0xa3: {  	[sflag:s23] =	ssyncset.done $0x0  }
0xa4: {  	s25 =	simm.s32 $0x1B8E;
	s24 =	sld [smem:$0x3FFE];
	[sflag:s23] =	ssyncadd.s32 $0xFFFFFFFF  }
0xa5: {  	s26 =	simm.s32 $execute0_lowered;
	[smem:$0x3FD2] =	sst s25  }
0xa6: {  	s4 =	sshll.u32 s26, $0x1;
	_ =	strace $0x80000046;
	[dreg:$0x1] =	wrdreg $0xFFFFFFFF  }
0xa7: {  	s28 =	simm.s32 $_size_execute0_lowered;
	s2 =	sadd.s32 s2, s4;
	[dreg:$0x0] =	wrdreg $0x0  }
0xa8: {  	s4 =	sshll.u32 s28, $0x1;
	[dreg:$0x2] =	wrdreg s2  }
0xa9: {  	[dreg:$0x3] =	wrdreg s4  }
0xaa: {  	[dreg:$0x4] =	wrdreg $0xC0  }
0xab: {  	_ =	task [dreg:s6], $0x5FFFF  }
0xac: {  	[dreg:$0x1] =	wrdreg $0xFFFFFFFF  }
0xad: {  	[dreg:$0x0] =	wrdreg $0x60  }
0xae: {  	[dreg:$0x2] =	wrdreg s24  }
0xaf: {  	[dreg:$0x3] =	wrdreg $0x9  }
0xb0: {  	_ =	task.clear_ibuf [dreg:s6], $0x4FFFF;
	_ =	strace $0x90000046  }
0xb1: {  	s29 =	simm.s32 $0x9;
	_ =	strace $0x80000048  }
0xb2: {  	_ =	swait.ge [sflag:s29], $0x1  }
0xb3: {  	[sflag:s29] =	ssyncadd.s32 $0xFFFFFFFF  }
0xb4: {  	_ =	strace $0x90000048  }
0xb5: {  	_ =	sfence  }
0xb6: {  	s30 =	sld [smem:$0x0];
	_ =	sdelay $0x2  }
0xb7: {  	s31 =	sshll.u32 s1, $0xD;
	s1 =	sshrl.u32 s1, $0x2  }
0xb8: {  	s3 =	sand.u32 $0x4000, s31;
	s1 =	sadd.s32 s1, s30  }
0xb9: {  	s0 =	sor.u32 s3, s0;
	s1 =	sshll.u32 s1, $0x11  }
0xba: {  	s0 =	sor.u32 s1, s0  }
0xbb: {  	s0 =	sadd.s32 $0x8F2B, s0  }
0xbc: {  	[sflag:s0] =	ssyncadd.remote.s32 $0x1  }
0xbd: {  	_ =	sfence.sel $0xFFFF  }
0xbe: {  	[dreg:$0x0] =	wrdreg $0xFFFFFFFF;
	(pc) =	sbr.abs _section_cstart, $3  }
0xbf: {  	[dreg:$0x1] =	wrdreg $0xFFFFFFFF  }
0xc0: {  	_ =	task.clear_ibuf [dreg:s6], $0x2FFFF;
	_ =	strace $0x9FFFFFFF  }
0xc1: {  	(tm) =	ssettm $0x7FFFFFFF  }
tec
execute0_lowered:
.L_overlay_start_1:
0x0: {  	(tag) =	ssettag $0x1  }
0x1: {  	s4 =	rddreg [dreg:$0x0]  }
0x2: {  	s0 =	rddreg [dreg:$0x1];
	s2 =	simm.s32 $0x0;
	s3 =	srdreg.scid  }
0x3: {  	s1 =	stileid.u32;
	s10 =	simm.s32 $0x0;
	[smem:$0x7FF] =	sst s2  }
0x4: {  	s5 =	sand.u32 $0x1, s3;
	s6 =	sshll.u32 s1, $0xC;
	s3 =	sadd.s32 $0x4800, s4  }
0x5: {  	s8 =	sshll.u32 s1, $0x10;
	_ =	strace $0x80000047;
	s7 =	sshll.u32 s5, $0xB  }
0x6: {  	s31 =	ssub.s32 $0x2, s5;
	s8 =	sadd.s32 s8, s4;
	s5 =	sshll.u32 s5, $0xF  }
0x7: {  	s6 =	sor.u32 s7, s6;
	s9 =	sshrl.u32 s31, $0x1;
	s5 =	sadd.s32 s5, s8  }
0x8: {  	s8 =	simm.s32 $0x80;
	s6 =	sshrl.u32 s6, $0x3;
	s7 =	ssub.s32 s31, s9  }
0x9: {  	s5 =	sadd.s32 $0x14800, s5;
	s9 =	simm.s32 $0x1;
	s6 =	sadd.s32 s6, s4  }
0xa: {  	s4 =	smax.u32 s7, $0x1;
	s7 =	simm.s32 $0x2;
	s6 =	sadd.s32 $0x2800, s6  }
.LBB2_1:
0xb: {  	s11 =	sadd.s32 $0x0, s6  }
0xc: {  	[tilespmem:s2], [sflag:$0x2] =	stream.linear.gather [hbm4b:s11+s2], $0x80, $0x38;
	[tilespmem:$0x4080] =	vst v63  }
0xd: {  	_ =	swait.ge [sflag:s7], $0x80  }
0xe: {  	[sflag:s7] =	ssyncset.done $0x0  }
0xf: {  	[sflag:s7] =	ssyncadd.s32 $0xFFFFFF80  }
0x10: {  	[tilespmem:s8], [sflag:$0x1] =	stream.indirect.gather [hbm4b:s3+s8], $0x80, s2, s8, $0xb8;
	[tilespmem:$0x4080] =	vst v63  }
0x11: {  	_ =	swait.ge [sflag:s9], $0x4000  }
0x12: {  	[sflag:s9] =	ssyncset.done $0x0  }
0x13: {  	[sflag:s9] =	ssyncadd.s32 $0xFFFFC000  }
0x14: {  	[hbm4b:s5+s2] =	stream.linear.scatter [tilespmem:s8], [sflag:$0x2], $0x4000, $0x38;
	[tilespmem:$0x4080] =	vst v63  }
0x15: {  	s12 =	simm.s32 $0x10;
	_ =	swait.ge [sflag:s7], $0x4000  }
0x16: {  	s13 =	simm.s32 $0x20;
	s11 =	sadd.s32 $0x800, s5;
	[sflag:s7] =	ssyncset.done $0x0  }
.LBB2_2:
0x17: {  	s14 =	sadd.s32 s12, s6  }
0x18: {  	[sflag:s7] =	ssyncadd.s32 $0xFFFFC000;
	s12 =	smov.u32 s13;
	s15 =	sadd.s32 $0x10, s13  }
0x19: {  	[tilespmem:s2], [sflag:$0x2] =	stream.linear.gather [hbm4b:s14+s2], $0x80, $0x38;
	[tilespmem:$0x4080] =	vst v63  }
0x1a: {  	p0 =	sne.s32 s13, $0xF0;
	_ =	swait.ge [sflag:s7], $0x80  }
0x1b: {  	[sflag:s7] =	ssyncset.done $0x0  }
0x1c: {  	[sflag:s7] =	ssyncadd.s32 $0xFFFFFF80  }
0x1d: {  	[tilespmem:s8], [sflag:$0x1] =	stream.indirect.gather [hbm4b:s3+s8], $0x80, s2, s8, $0xb8;
	[tilespmem:$0x4080] =	vst v63  }
0x1e: {  	_ =	swait.ge [sflag:s9], $0x4000  }
.Ltmp0:
0x1f: {  	[sflag:s9] =	ssyncset.done $0x0;
	(pc) =	sbr.rel @p0 .LBB2_2-.Ltmp0, $4  }
0x20: {  	[sflag:s9] =	ssyncadd.s32 $0xFFFFC000  }
0x21: {  	[hbm4b:s11+s2] =	stream.linear.scatter [tilespmem:s8], [sflag:$0x2], $0x4000, $0x38;
	[tilespmem:$0x4080] =	vst v63  }
0x22: {  	_ =	swait.ge [sflag:s7], $0x4000  }
0x23: {  	s13 =	smov.u32 s15;
	s11 =	sadd.s32 $0x800, s11;
	[sflag:s7] =	ssyncset.done $0x0  }
0x24: {  	s12 =	sadd.s32 s12, s6;
	[sflag:s7] =	ssyncadd.s32 $0xFFFFC000  }
0x25: {  	[tilespmem:s2], [sflag:$0x2] =	stream.linear.gather [hbm4b:s12+s2], $0x80, $0x38;
	[tilespmem:$0x4080] =	vst v63  }
0x26: {  	_ =	swait.ge [sflag:s7], $0x80  }
0x27: {  	[sflag:s7] =	ssyncset.done $0x0  }
0x28: {  	[sflag:s7] =	ssyncadd.s32 $0xFFFFFF80  }
0x29: {  	[tilespmem:s8], [sflag:$0x1] =	stream.indirect.gather [hbm4b:s3+s8], $0x80, s2, s8, $0xb8;
	[tilespmem:$0x4080] =	vst v63  }
0x2a: {  	s10 =	sadd.s32 $0x1, s10;
	_ =	swait.ge [sflag:s9], $0x4000  }
0x2b: {  	p0 =	sne.s32 s10, s4;
	[sflag:s9] =	ssyncset.done $0x0  }
.Ltmp1:
0x2c: {  	[sflag:s9] =	ssyncadd.s32 $0xFFFFC000;
	(pc) =	sbr.rel @p0 .LBB2_1-.Ltmp1, $4  }
0x2d: {  	[hbm4b:s11+s2] =	stream.linear.scatter [tilespmem:s8], [sflag:$0x2], $0x4000, $0x38;
	[tilespmem:$0x4080] =	vst v63  }
0x2e: {  	_ =	swait.ge [sflag:s7], $0x4000  }
0x2f: {  	[sflag:s7] =	ssyncset.done $0x0  }
0x30: {  	[sflag:s7] =	ssyncadd.s32 $0xFFFFC000  }
0x31: {  	_ =	sfence.sel $0x180000  }
0x32: {  	[bflag:$0x0] =	sbarrier.arrive $0xFFFF  }
0x33: {  	p0 =	sne.s32 s1, $0x0;
	_ =	strace $0x90000047  }
0x34: {  	s0 =	sadd.s32 @!p0 $0x100000, s0;
	[bflag:$0x2] =	sbarrier.arrive $0xFFFF  }
0x35: {  	[sflag:s0] =	ssyncadd.tile.s32 @!p0 $0x1;
	_ =	shalt  }
.Lfunc_end2:
_tile_overlayer_lowered:
.L_overlay_start_2:
0x36: {  	(tag) =	ssettag $0x2  }
0x37: {  	s0 =	rddreg [dreg:$0x0];
	s2 =	stileid.u32  }
0x38: {  	s1 =	rddreg [dreg:$0x1];
	p0 =	sne.s32 s2, $0x0  }
0x39: {  	s3 =	rddreg [dreg:$0x2];
	[bflag:$0x3] =	sbarrier.arrive $0xFFFF;
	s2 =	simm.s32 @!p0 $0x1C02  }
0x3a: {  	[timem:s3], [sflag:s2] =	dma.local @!p0 [hbm:s0], s1  }
0x3b: {  	s0 =	simm.s32 @!p0 $0x2  }
0x3c: {  	_ =	swait.ge @!p0 [sflag:s0], s1  }
0x3d: {  	s1 =	ssub.s32 @!p0 $0x0, s1;
	[sflag:s0] =	ssyncset.done @!p0 $0x0  }
0x3e: {  	[sflag:s0] =	ssyncadd.s32 @!p0 s1  }
0x3f: {  	[bflag:$0x3] =	sbarrier.arrive $0xFFFF  }
0x40: {  	_ =	shalt  }

</sc_bundles>
